<compile_context>
chip_gen: v7x
topology: tpu7x:2x2x1
jax: 0.10.2.dev20260603
libtpu: 0.0.44.dev20260713+nightly
codegen_flags: <defaults>
</compile_context>

<pallas_src>
import functools

import jax
import jax.numpy as jnp
from jax import lax
from jax.experimental import pallas as pl
from jax.experimental.pallas import tpu as pltpu
from jax.experimental.pallas import tpu_sc as plsc

_NTIPS = 128
_BS = 16
_SEQLEN = 2048
_NCHUNK = 4
_CHUNK = _SEQLEN // _NCHUNK
_LANES = 16
_NGROUP = _CHUNK // _LANES
_NC = 2
_NS = 16


def _pack_body(l_ref, out_ref):
    acc = l_ref[:, 0, :]
    for c in range(1, 5):
        acc = acc | (l_ref[:, c, :] << c)
    out_ref[0] = acc


def _pack_masks(L):
    return pl.pallas_call(
        _pack_body,
        grid=(_NCHUNK,),
        in_specs=[pl.BlockSpec((_NTIPS, 5, _CHUNK), lambda c: (0, 0, c))],
        out_specs=pl.BlockSpec((1, _NTIPS, _CHUNK), lambda c: (c, 0, 0)),
        out_shape=jax.ShapeDtypeStruct((_NCHUNK, _NTIPS, _CHUNK), jnp.int32),
    )(L)


def _fitch_body(masks_hbm, seq_hbm, counts_hbm, out_hbm,
                masks_v, seq_v, counts_v, acc_v):
    cid = lax.axis_index("c")
    sid = lax.axis_index("s")
    wid = sid * _NC + cid
    bg = wid // _NCHUNK
    cc = wid % _NCHUNK

    pltpu.sync_copy(masks_hbm.at[cc], masks_v)
    pltpu.sync_copy(seq_hbm, seq_v)
    pltpu.sync_copy(counts_hbm.at[pl.ds(cc * _CHUNK, _CHUNK)], counts_v)

    lane = lax.iota(jnp.int32, _LANES)
    ones = jnp.ones((_LANES,), jnp.int32)
    zeros = jnp.zeros((_LANES,), jnp.int32)

    for bb in range(2):
        b = bg * 2 + bb
        base = b * _NTIPS
        wacc = zeros
        for g in range(_NGROUP):
            col = lane + g * _LANES
            leaf0 = plsc.load_gather(seq_v, [jnp.full((_LANES,), base, jnp.int32)])
            cur0 = plsc.load_gather(masks_v, [leaf0, col])

            def step(k, carry):
                cur, score = carry
                kk = jnp.full((_LANES,), base + k, jnp.int32)
                leaf = plsc.load_gather(seq_v, [kk])
                m = plsc.load_gather(masks_v, [leaf, col])
                t = cur & m
                empty = t == 0
                nxt = jnp.where(empty, cur | m, t)
                return nxt, score + jnp.where(empty, ones, zeros)

            cur, score = lax.fori_loop(1, _NTIPS, step, (cur0, zeros))
            wacc = wacc + score * counts_v[pl.ds(g * _LANES, _LANES)]
        acc_v[...] = wacc
        pltpu.sync_copy(acc_v, out_hbm.at[b, cc])


_fitch = functools.partial(
    pl.kernel,
    out_type=jax.ShapeDtypeStruct((_BS, _NCHUNK, _LANES), jnp.int32),
    mesh=plsc.VectorSubcoreMesh(core_axis_name="c", subcore_axis_name="s"),
    compiler_params=pltpu.CompilerParams(needs_layout_passes=False),
    scratch_types=[
        pltpu.VMEM((_NTIPS, _CHUNK), jnp.int32),
        pltpu.VMEM((_BS * _NTIPS,), jnp.int32),
        pltpu.VMEM((_CHUNK,), jnp.int32),
        pltpu.VMEM((_LANES,), jnp.int32),
    ],
)(_fitch_body)


def kernel(L, site_counts, child_parent_pairs):
    masks = _pack_masks(L.astype(jnp.int32))
    seq = jnp.concatenate(
        [child_parent_pairs[0:1, :, 0], child_parent_pairs[:, :, 1]], axis=0)
    seq = seq.T.reshape(-1).astype(jnp.int32)
    partial = _fitch(masks, seq, site_counts.astype(jnp.int32))
    return jnp.sum(partial, axis=(1, 2))

# --- scband reference (transcript-rebuilt; emitter-appended) ---
"""Pipeline reference for scband-parsimony-70935679861196 (READ-ONLY COPY).

The authoritative reference and input builder live on the scoring server;
editing this copy changes nothing except your own understanding.
"""

import jax, jax.numpy as jnp
import numpy as np

NTIPS = 128
BS = 16
SEQLEN = 2048


def _build_pairs(ntips, bs, rng):
    # Caterpillar-style rooted trees with per-batch random leaf permutations.
    # Leaves are node ids [0, ntips), internal nodes are [ntips, 2*ntips-1).
    pairs = np.zeros((ntips - 1, bs, 3), dtype=np.int32)
    for b in range(bs):
        leaves = rng.permutation(ntips)
        pairs[0, b] = [leaves[0], leaves[1], ntips]
        for i in range(1, ntips - 1):
            pairs[i, b] = [ntips + i - 1, leaves[i + 1], ntips + i]
    return pairs


def setup_inputs():
    rng = np.random.default_rng(0)
    nucs = rng.integers(0, 5, size=(NTIPS, SEQLEN))
    L = np.zeros((NTIPS, 5, SEQLEN), dtype=np.int32)
    L[np.arange(NTIPS)[:, None], nucs, np.arange(SEQLEN)[None, :]] = 1
    site_counts = rng.integers(1, 100, size=(SEQLEN,)).astype(np.int32)
    pairs = _build_pairs(NTIPS, BS, rng)
    return {
        "L": jnp.asarray(L),
        "site_counts": jnp.asarray(site_counts),
        "child_parent_pairs": jnp.asarray(pairs),
    }


def reference(L, site_counts, child_parent_pairs):
    # Faithful JAX translation of Parsimony._score (batched Fitch algorithm).
    ntips, five, seqlen = L.shape
    n_steps, bs, _ = child_parent_pairs.shape
    state = jnp.concatenate(
        [L, jnp.zeros((ntips - 1, five, seqlen), dtype=L.dtype)], axis=0
    )
    state = jnp.repeat(state[None], bs, axis=0)  # [bs, 2*ntips-1, 5, seqlen]
    score = jnp.zeros((bs, seqlen), dtype=jnp.int32)
    batch_idx = jnp.arange(bs)
    for i in range(n_steps):
        pair = child_parent_pairs[i]  # [bs, 3]
        child = pair[:, :2]
        parent = pair[:, 2]
        idx = jnp.broadcast_to(child[:, :, None, None], (bs, 2, five, seqlen))
        child_state = jnp.take_along_axis(state, idx, axis=1)  # gather [bs,2,5,S]
        intersection = jnp.prod(child_state, axis=1)
        union = (jnp.sum(child_state, axis=1) > 0).astype(state.dtype)
        intersection_empty = jnp.sum(intersection, axis=1, keepdims=True) < 1
        next_state = jnp.where(intersection_empty, union, intersection)
        state = state.at[batch_idx, parent].set(next_state)  # scatter-overwrite
        score = score + intersection_empty[:, 0, :].astype(jnp.int32)
    return jnp.sum(score * site_counts[None, :], axis=-1)

if __name__ == "__main__":
    import jax
    _d = setup_inputs()
    print(jax.jit(kernel)(*tuple(_d.values())))

</pallas_src>

<mosaic_0001>
#map = affine_map<(d0, d1) -> (0, 0, 0)>
#map1 = affine_map<(d0, d1) -> (0)>
module attributes {stable_mosaic.version = 14 : i64} {
  func.func @_fitch_body(%arg0: i32, %arg1: i32, %arg2: memref<4x128x512xi32, #tpu.memory_space<hbm>>, %arg3: memref<2048xi32, #tpu.memory_space<hbm>>, %arg4: memref<2048xi32, #tpu.memory_space<hbm>>, %arg5: memref<16x4x16xi32, #tpu.memory_space<hbm>>, %arg6: memref<128x512xi32, #tpu.memory_space<vmem>>, %arg7: memref<2048xi32, #tpu.memory_space<vmem>>, %arg8: memref<512xi32, #tpu.memory_space<vmem>>, %arg9: memref<16xi32, #tpu.memory_space<vmem>>) attributes {dimension_semantics = [#tpu.dimension_semantics<core_parallel>, #tpu.dimension_semantics<subcore_parallel>], iteration_bounds = array<i64: 2, 16>, scalar_prefetch = 0 : i64, scratch_operands = 4 : i64, tpu.core_type = #tpu.core_type<sc_vector_subcore>, window_params = [{transform_indices = #map}, {transform_indices = #map1}, {transform_indices = #map1}, {transform_indices = #map}]} {
    %mul3A = arith.constant 2 : i32
    %mul3A_0 = arith.muli %arg1, %mul3A : i32
    %add3A = arith.addi %mul3A_0, %arg0 : i32
    %jit3A = arith.constant 4 : i32
    %div3A = arith.divsi %add3A, %jit3A : i32
    %sign3A = arith.constant 0 : i32
    %sign3A_1 = arith.cmpi sgt, %add3A, %sign3A : i32
    %sign3A_2 = arith.extui %sign3A_1 : i1 to i32
    %sign3A_3 = arith.constant 0 : i32
    %sign3A_4 = arith.cmpi slt, %add3A, %sign3A_3 : i32
    %sign3A_5 = arith.extui %sign3A_4 : i1 to i32
    %sign3A_6 = arith.subi %sign3A_2, %sign3A_5 : i32
    %sign3A_7 = arith.constant 0 : i32
    %sign3A_8 = arith.cmpi sgt, %jit3A, %sign3A_7 : i32
    %sign3A_9 = arith.extui %sign3A_8 : i1 to i32
    %sign3A_10 = arith.constant 0 : i32
    %sign3A_11 = arith.cmpi slt, %jit3A, %sign3A_10 : i32
    %sign3A_12 = arith.extui %sign3A_11 : i1 to i32
    %sign3A_13 = arith.subi %sign3A_9, %sign3A_12 : i32
    %ne3A = arith.cmpi ne, %sign3A_6, %sign3A_13 : i32
    %rem3A = arith.remsi %add3A, %jit3A : i32
    %ne3A_14 = arith.constant 0 : i32
    %ne3A_15 = arith.cmpi ne, %rem3A, %ne3A_14 : i32
    %and3A = arith.andi %ne3A, %ne3A_15 : i1
    %sub3A = arith.constant 1 : i32
    %sub3A_16 = arith.subi %div3A, %sub3A : i32
    %select_n3A = arith.select %and3A, %sub3A_16, %div3A : i32
    %jit3A_17 = arith.constant 4 : i32
    %eq3A = arith.constant 0 : i32
    %eq3A_18 = arith.cmpi eq, %jit3A_17, %eq3A : i32
    %jit3A_19 = arith.constant 1 : i32
    %select_n3A_20 = arith.select %eq3A_18, %jit3A_19, %jit3A_17 : i32
    %rem3A_21 = arith.remsi %add3A, %select_n3A_20 : i32
    %ne3A_22 = arith.constant 0 : i32
    %ne3A_23 = arith.cmpi ne, %rem3A_21, %ne3A_22 : i32
    %lt3A = arith.constant 0 : i32
    %lt3A_24 = arith.cmpi slt, %rem3A_21, %lt3A : i32
    %lt3A_25 = arith.constant 0 : i32
    %lt3A_26 = arith.cmpi slt, %select_n3A_20, %lt3A_25 : i32
    %ne3A_27 = arith.xori %lt3A_24, %lt3A_26 : i1
    %and3A_28 = arith.andi %ne3A_27, %ne3A_23 : i1
    %add3A_29 = arith.addi %rem3A_21, %select_n3A_20 : i32
    %select_n3A_30 = arith.select %and3A_28, %add3A_29, %rem3A_21 : i32
    "tpu.region"() ({
      %run_scoped3A = tpu.sem_alloc : memref<!tpu.dma_semaphore, #tpu.memory_space<semaphore_mem>>
      %dma_start3A = arith.constant 0 : i32
      %dma_start3A_1072 = arith.constant 0 : i32
      %dma_start3A_1073 = tpu.memref_slice %arg2[%select_n3A_30, %dma_start3A, %dma_start3A_1072] : memref<4x128x512xi32, #tpu.memory_space<hbm>> -> memref<1x128x512xi32, #tpu.memory_space<hbm>>
      %dma_start3A_1074 = tpu.memref_squeeze %dma_start3A_1073 : memref<1x128x512xi32, #tpu.memory_space<hbm>> -> memref<128x512xi32, #tpu.memory_space<hbm>>
      %dma_start3A_1075 = arith.constant 0 : i32
      %dma_start3A_1076 = arith.constant 0 : i32
      %dma_start3A_1077 = tpu.memref_slice %arg2[%select_n3A_30, %dma_start3A_1075, %dma_start3A_1076] : memref<4x128x512xi32, #tpu.memory_space<hbm>> -> memref<1x128x512xi32, #tpu.memory_space<hbm>>
      %dma_start3A_1078 = tpu.memref_squeeze %dma_start3A_1077 : memref<1x128x512xi32, #tpu.memory_space<hbm>> -> memref<128x512xi32, #tpu.memory_space<hbm>>
      tpu.enqueue_dma source(%dma_start3A_1078 : memref<128x512xi32, #tpu.memory_space<hbm>>) target(%arg6 : memref<128x512xi32, #tpu.memory_space<vmem>>) target_semaphore(%run_scoped3A : memref<!tpu.dma_semaphore, #tpu.memory_space<semaphore_mem>>)
      %dma_wait3A = arith.constant 0 : i32
      %dma_wait3A_1079 = arith.constant 0 : i32
      %dma_wait3A_1080 = tpu.memref_slice %arg2[%select_n3A_30, %dma_wait3A, %dma_wait3A_1079] : memref<4x128x512xi32, #tpu.memory_space<hbm>> -> memref<1x128x512xi32, #tpu.memory_space<hbm>>
      %dma_wait3A_1081 = tpu.memref_squeeze %dma_wait3A_1080 : memref<1x128x512xi32, #tpu.memory_space<hbm>> -> memref<128x512xi32, #tpu.memory_space<hbm>>
      %dma_wait3A_1082 = arith.constant 0 : i32
      %dma_wait3A_1083 = arith.constant 0 : i32
      %dma_wait3A_1084 = tpu.memref_slice %arg2[%select_n3A_30, %dma_wait3A_1082, %dma_wait3A_1083] : memref<4x128x512xi32, #tpu.memory_space<hbm>> -> memref<1x128x512xi32, #tpu.memory_space<hbm>>
      %dma_wait3A_1085 = tpu.memref_squeeze %dma_wait3A_1084 : memref<1x128x512xi32, #tpu.memory_space<hbm>> -> memref<128x512xi32, #tpu.memory_space<hbm>>
      tpu.wait_dma2 semaphore(%run_scoped3A : memref<!tpu.dma_semaphore, #tpu.memory_space<semaphore_mem>>) src(%dma_wait3A_1085 : memref<128x512xi32, #tpu.memory_space<hbm>>) dst(%arg6 : memref<128x512xi32, #tpu.memory_space<vmem>>)
      tpu.yield
    }) : () -> ()
    "tpu.region"() ({
      %run_scoped3A = tpu.sem_alloc : memref<!tpu.dma_semaphore, #tpu.memory_space<semaphore_mem>>
      tpu.enqueue_dma source(%arg3 : memref<2048xi32, #tpu.memory_space<hbm>>) target(%arg7 : memref<2048xi32, #tpu.memory_space<vmem>>) target_semaphore(%run_scoped3A : memref<!tpu.dma_semaphore, #tpu.memory_space<semaphore_mem>>)
      tpu.wait_dma2 semaphore(%run_scoped3A : memref<!tpu.dma_semaphore, #tpu.memory_space<semaphore_mem>>) src(%arg3 : memref<2048xi32, #tpu.memory_space<hbm>>) dst(%arg7 : memref<2048xi32, #tpu.memory_space<vmem>>)
      tpu.yield
    }) : () -> ()
    %mul3A_31 = arith.constant 512 : i32
    %mul3A_32 = arith.muli %select_n3A_30, %mul3A_31 : i32
    "tpu.region"() ({
      %run_scoped3A = tpu.sem_alloc : memref<!tpu.dma_semaphore, #tpu.memory_space<semaphore_mem>>
      %dma_start3A = tpu.memref_slice %arg4[%mul3A_32] : memref<2048xi32, #tpu.memory_space<hbm>> -> memref<512xi32, #tpu.memory_space<hbm>>
      %dma_start3A_1072 = tpu.memref_slice %arg4[%mul3A_32] : memref<2048xi32, #tpu.memory_space<hbm>> -> memref<512xi32, #tpu.memory_space<hbm>>
      tpu.enqueue_dma source(%dma_start3A_1072 : memref<512xi32, #tpu.memory_space<hbm>>) target(%arg8 : memref<512xi32, #tpu.memory_space<vmem>>) target_semaphore(%run_scoped3A : memref<!tpu.dma_semaphore, #tpu.memory_space<semaphore_mem>>)
      %dma_wait3A = tpu.memref_slice %arg4[%mul3A_32] : memref<2048xi32, #tpu.memory_space<hbm>> -> memref<512xi32, #tpu.memory_space<hbm>>
      %dma_wait3A_1073 = tpu.memref_slice %arg4[%mul3A_32] : memref<2048xi32, #tpu.memory_space<hbm>> -> memref<512xi32, #tpu.memory_space<hbm>>
      tpu.wait_dma2 semaphore(%run_scoped3A : memref<!tpu.dma_semaphore, #tpu.memory_space<semaphore_mem>>) src(%dma_wait3A_1073 : memref<512xi32, #tpu.memory_space<hbm>>) dst(%arg8 : memref<512xi32, #tpu.memory_space<vmem>>)
      tpu.yield
    }) : () -> ()
    %iota3A = tpu.iota {dimensions = array<i32: 0>} : vector<16xi32>
    %broadcast_in_dim3A = arith.constant 1 : i32
    %broadcast_in_dim3A_33 = vector.broadcast %broadcast_in_dim3A : i32 to vector<16xi32>
    %broadcast_in_dim3A_34 = arith.constant 0 : i32
    %broadcast_in_dim3A_35 = vector.broadcast %broadcast_in_dim3A_34 : i32 to vector<16xi32>
    %mul3A_36 = arith.constant 2 : i32
    %mul3A_37 = arith.muli %select_n3A, %mul3A_36 : i32
    %add3A_38 = arith.constant 0 : i32
    %add3A_39 = arith.addi %mul3A_37, %add3A_38 : i32
    %mul3A_40 = arith.constant 128 : i32
    %mul3A_41 = arith.muli %add3A_39, %mul3A_40 : i32
    %add3A_42 = arith.constant 0 : i32
    %add3A_43 = vector.broadcast %add3A_42 : i32 to vector<16xi32>
    %add3A_44 = arith.addi %iota3A, %add3A_43 : vector<16xi32>
    %broadcast_in_dim3A_45 = vector.broadcast %mul3A_41 : i32 to vector<16xi32>
    %gather3A = tpu.vector_load_idx %arg7[%broadcast_in_dim3A_45] : memref<2048xi32, #tpu.memory_space<vmem>>[vector<16xi32>], vector<16xi32>,
    %gather3A_46 = tpu.vector_load_idx %arg6[%gather3A, %add3A_44] : memref<128x512xi32, #tpu.memory_space<vmem>>[vector<16xi32>, vector<16xi32>], vector<16xi32>,
    %scan3A = arith.constant 1 : i32
    %scan3A_47 = arith.constant 127 : i32
    %scan3A_48 = arith.addi %scan3A, %scan3A_47 : i32
    %scan3A_49 = arith.constant 1 : i32
    %scan3A_50:2 = scf.for %scan3A_1072 = %scan3A to %scan3A_48 step %scan3A_49 iter_args(%scan3A_1073 = %gather3A_46, %scan3A_1074 = %broadcast_in_dim3A_35) -> (vector<16xi32>, vector<16xi32>)  : i32 {
      %add3A_1075 = arith.addi %mul3A_41, %scan3A_1072 : i32
      %broadcast_in_dim3A_1076 = vector.broadcast %add3A_1075 : i32 to vector<16xi32>
      %gather3A_1077 = tpu.vector_load_idx %arg7[%broadcast_in_dim3A_1076] : memref<2048xi32, #tpu.memory_space<vmem>>[vector<16xi32>], vector<16xi32>,
      %gather3A_1078 = tpu.vector_load_idx %arg6[%gather3A_1077, %add3A_44] : memref<128x512xi32, #tpu.memory_space<vmem>>[vector<16xi32>, vector<16xi32>], vector<16xi32>,
      %and3A_1079 = arith.andi %scan3A_1073, %gather3A_1078 : vector<16xi32>
      %eq3A_1080 = arith.constant 0 : i32
      %eq3A_1081 = vector.broadcast %eq3A_1080 : i32 to vector<16xi32>
      %eq3A_1082 = arith.cmpi eq, %and3A_1079, %eq3A_1081 : vector<16xi32>
      %or3A = arith.ori %scan3A_1073, %gather3A_1078 : vector<16xi32>
      %select_n3A_1083 = arith.select %eq3A_1082, %or3A, %and3A_1079 : vector<16xi1>, vector<16xi32>
      %select_n3A_1084 = arith.select %eq3A_1082, %broadcast_in_dim3A_33, %broadcast_in_dim3A_35 : vector<16xi1>, vector<16xi32>
      %add3A_1085 = arith.addi %scan3A_1074, %select_n3A_1084 : vector<16xi32>
      scf.yield %select_n3A_1083, %add3A_1085 : vector<16xi32>, vector<16xi32>
    }
    %scan3A_51 = arith.constant 127 : i32
    %get3A = arith.constant 0 : index
    %get3A_52 = tpu.vector_load %arg8[%get3A] {strides = array<i32>} : memref<512xi32, #tpu.memory_space<vmem>>, vector<16xi32>,
    %mul3A_53 = arith.muli %scan3A_50#1, %get3A_52 : vector<16xi32>
    %add3A_54 = arith.addi %broadcast_in_dim3A_35, %mul3A_53 : vector<16xi32>
    %add3A_55 = arith.constant 16 : i32
    %add3A_56 = vector.broadcast %add3A_55 : i32 to vector<16xi32>
    %add3A_57 = arith.addi %iota3A, %add3A_56 : vector<16xi32>
    %broadcast_in_dim3A_58 = vector.broadcast %mul3A_41 : i32 to vector<16xi32>
    %gather3A_59 = tpu.vector_load_idx %arg7[%broadcast_in_dim3A_58] : memref<2048xi32, #tpu.memory_space<vmem>>[vector<16xi32>], vector<16xi32>,
    %gather3A_60 = tpu.vector_load_idx %arg6[%gather3A_59, %add3A_57] : memref<128x512xi32, #tpu.memory_space<vmem>>[vector<16xi32>, vector<16xi32>], vector<16xi32>,
    %scan3A_61 = arith.constant 1 : i32
    %scan3A_62 = arith.constant 127 : i32
    %scan3A_63 = arith.addi %scan3A_61, %scan3A_62 : i32
    %scan3A_64 = arith.constant 1 : i32
    %scan3A_65:2 = scf.for %scan3A_1072 = %scan3A_61 to %scan3A_63 step %scan3A_64 iter_args(%scan3A_1073 = %gather3A_60, %scan3A_1074 = %broadcast_in_dim3A_35) -> (vector<16xi32>, vector<16xi32>)  : i32 {
      %add3A_1075 = arith.addi %mul3A_41, %scan3A_1072 : i32
      %broadcast_in_dim3A_1076 = vector.broadcast %add3A_1075 : i32 to vector<16xi32>
      %gather3A_1077 = tpu.vector_load_idx %arg7[%broadcast_in_dim3A_1076] : memref<2048xi32, #tpu.memory_space<vmem>>[vector<16xi32>], vector<16xi32>,
      %gather3A_1078 = tpu.vector_load_idx %arg6[%gather3A_1077, %add3A_57] : memref<128x512xi32, #tpu.memory_space<vmem>>[vector<16xi32>, vector<16xi32>], vector<16xi32>,
      %and3A_1079 = arith.andi %scan3A_1073, %gather3A_1078 : vector<16xi32>
      %eq3A_1080 = arith.constant 0 : i32
      %eq3A_1081 = vector.broadcast %eq3A_1080 : i32 to vector<16xi32>
      %eq3A_1082 = arith.cmpi eq, %and3A_1079, %eq3A_1081 : vector<16xi32>
      %or3A = arith.ori %scan3A_1073, %gather3A_1078 : vector<16xi32>
      %select_n3A_1083 = arith.select %eq3A_1082, %or3A, %and3A_1079 : vector<16xi1>, vector<16xi32>
      %select_n3A_1084 = arith.select %eq3A_1082, %broadcast_in_dim3A_33, %broadcast_in_dim3A_35 : vector<16xi1>, vector<16xi32>
      %add3A_1085 = arith.addi %scan3A_1074, %select_n3A_1084 : vector<16xi32>
      scf.yield %select_n3A_1083, %add3A_1085 : vector<16xi32>, vector<16xi32>
    }
    %scan3A_66 = arith.constant 127 : i32
    %get3A_67 = arith.constant 16 : index
    %get3A_68 = tpu.vector_load %arg8[%get3A_67] {strides = array<i32>} : memref<512xi32, #tpu.memory_space<vmem>>, vector<16xi32>,
    %mul3A_69 = arith.muli %scan3A_65#1, %get3A_68 : vector<16xi32>
    %add3A_70 = arith.addi %add3A_54, %mul3A_69 : vector<16xi32>
    %add3A_71 = arith.constant 32 : i32
    %add3A_72 = vector.broadcast %add3A_71 : i32 to vector<16xi32>
    %add3A_73 = arith.addi %iota3A, %add3A_72 : vector<16xi32>
    %broadcast_in_dim3A_74 = vector.broadcast %mul3A_41 : i32 to vector<16xi32>
    %gather3A_75 = tpu.vector_load_idx %arg7[%broadcast_in_dim3A_74] : memref<2048xi32, #tpu.memory_space<vmem>>[vector<16xi32>], vector<16xi32>,
    %gather3A_76 = tpu.vector_load_idx %arg6[%gather3A_75, %add3A_73] : memref<128x512xi32, #tpu.memory_space<vmem>>[vector<16xi32>, vector<16xi32>], vector<16xi32>,
    %scan3A_77 = arith.constant 1 : i32
    %scan3A_78 = arith.constant 127 : i32
    %scan3A_79 = arith.addi %scan3A_77, %scan3A_78 : i32
    %scan3A_80 = arith.constant 1 : i32
    %scan3A_81:2 = scf.for %scan3A_1072 = %scan3A_77 to %scan3A_79 step %scan3A_80 iter_args(%scan3A_1073 = %gather3A_76, %scan3A_1074 = %broadcast_in_dim3A_35) -> (vector<16xi32>, vector<16xi32>)  : i32 {
      %add3A_1075 = arith.addi %mul3A_41, %scan3A_1072 : i32
      %broadcast_in_dim3A_1076 = vector.broadcast %add3A_1075 : i32 to vector<16xi32>
      %gather3A_1077 = tpu.vector_load_idx %arg7[%broadcast_in_dim3A_1076] : memref<2048xi32, #tpu.memory_space<vmem>>[vector<16xi32>], vector<16xi32>,
      %gather3A_1078 = tpu.vector_load_idx %arg6[%gather3A_1077, %add3A_73] : memref<128x512xi32, #tpu.memory_space<vmem>>[vector<16xi32>, vector<16xi32>], vector<16xi32>,
      %and3A_1079 = arith.andi %scan3A_1073, %gather3A_1078 : vector<16xi32>
      %eq3A_1080 = arith.constant 0 : i32
      %eq3A_1081 = vector.broadcast %eq3A_1080 : i32 to vector<16xi32>
      %eq3A_1082 = arith.cmpi eq, %and3A_1079, %eq3A_1081 : vector<16xi32>
      %or3A = arith.ori %scan3A_1073, %gather3A_1078 : vector<16xi32>
      %select_n3A_1083 = arith.select %eq3A_1082, %or3A, %and3A_1079 : vector<16xi1>, vector<16xi32>
      %select_n3A_1084 = arith.select %eq3A_1082, %broadcast_in_dim3A_33, %broadcast_in_dim3A_35 : vector<16xi1>, vector<16xi32>
      %add3A_1085 = arith.addi %scan3A_1074, %select_n3A_1084 : vector<16xi32>
      scf.yield %select_n3A_1083, %add3A_1085 : vector<16xi32>, vector<16xi32>
    }
    %scan3A_82 = arith.constant 127 : i32
    %get3A_83 = arith.constant 32 : index
    %get3A_84 = tpu.vector_load %arg8[%get3A_83] {strides = array<i32>} : memref<512xi32, #tpu.memory_space<vmem>>, vector<16xi32>,
    %mul3A_85 = arith.muli %scan3A_81#1, %get3A_84 : vector<16xi32>
    %add3A_86 = arith.addi %add3A_70, %mul3A_85 : vector<16xi32>
    %add3A_87 = arith.constant 48 : i32
    %add3A_88 = vector.broadcast %add3A_87 : i32 to vector<16xi32>
    %add3A_89 = arith.addi %iota3A, %add3A_88 : vector<16xi32>
    %broadcast_in_dim3A_90 = vector.broadcast %mul3A_41 : i32 to vector<16xi32>
    %gather3A_91 = tpu.vector_load_idx %arg7[%broadcast_in_dim3A_90] : memref<2048xi32, #tpu.memory_space<vmem>>[vector<16xi32>], vector<16xi32>,
    %gather3A_92 = tpu.vector_load_idx %arg6[%gather3A_91, %add3A_89] : memref<128x512xi32, #tpu.memory_space<vmem>>[vector<16xi32>, vector<16xi32>], vector<16xi32>,
    %scan3A_93 = arith.constant 1 : i32
    %scan3A_94 = arith.constant 127 : i32
    %scan3A_95 = arith.addi %scan3A_93, %scan3A_94 : i32
    %scan3A_96 = arith.constant 1 : i32
    %scan3A_97:2 = scf.for %scan3A_1072 = %scan3A_93 to %scan3A_95 step %scan3A_96 iter_args(%scan3A_1073 = %gather3A_92, %scan3A_1074 = %broadcast_in_dim3A_35) -> (vector<16xi32>, vector<16xi32>)  : i32 {
      %add3A_1075 = arith.addi %mul3A_41, %scan3A_1072 : i32
      %broadcast_in_dim3A_1076 = vector.broadcast %add3A_1075 : i32 to vector<16xi32>
      %gather3A_1077 = tpu.vector_load_idx %arg7[%broadcast_in_dim3A_1076] : memref<2048xi32, #tpu.memory_space<vmem>>[vector<16xi32>], vector<16xi32>,
      %gather3A_1078 = tpu.vector_load_idx %arg6[%gather3A_1077, %add3A_89] : memref<128x512xi32, #tpu.memory_space<vmem>>[vector<16xi32>, vector<16xi32>], vector<16xi32>,
      %and3A_1079 = arith.andi %scan3A_1073, %gather3A_1078 : vector<16xi32>
      %eq3A_1080 = arith.constant 0 : i32
      %eq3A_1081 = vector.broadcast %eq3A_1080 : i32 to vector<16xi32>
      %eq3A_1082 = arith.cmpi eq, %and3A_1079, %eq3A_1081 : vector<16xi32>
      %or3A = arith.ori %scan3A_1073, %gather3A_1078 : vector<16xi32>
      %select_n3A_1083 = arith.select %eq3A_1082, %or3A, %and3A_1079 : vector<16xi1>, vector<16xi32>
      %select_n3A_1084 = arith.select %eq3A_1082, %broadcast_in_dim3A_33, %broadcast_in_dim3A_35 : vector<16xi1>, vector<16xi32>
      %add3A_1085 = arith.addi %scan3A_1074, %select_n3A_1084 : vector<16xi32>
      scf.yield %select_n3A_1083, %add3A_1085 : vector<16xi32>, vector<16xi32>
    }
    %scan3A_98 = arith.constant 127 : i32
    %get3A_99 = arith.constant 48 : index
    %get3A_100 = tpu.vector_load %arg8[%get3A_99] {strides = array<i32>} : memref<512xi32, #tpu.memory_space<vmem>>, vector<16xi32>,
    %mul3A_101 = arith.muli %scan3A_97#1, %get3A_100 : vector<16xi32>
    %add3A_102 = arith.addi %add3A_86, %mul3A_101 : vector<16xi32>
    %add3A_103 = arith.constant 64 : i32
    %add3A_104 = vector.broadcast %add3A_103 : i32 to vector<16xi32>
    %add3A_105 = arith.addi %iota3A, %add3A_104 : vector<16xi32>
    %broadcast_in_dim3A_106 = vector.broadcast %mul3A_41 : i32 to vector<16xi32>
    %gather3A_107 = tpu.vector_load_idx %arg7[%broadcast_in_dim3A_106] : memref<2048xi32, #tpu.memory_space<vmem>>[vector<16xi32>], vector<16xi32>,
    %gather3A_108 = tpu.vector_load_idx %arg6[%gather3A_107, %add3A_105] : memref<128x512xi32, #tpu.memory_space<vmem>>[vector<16xi32>, vector<16xi32>], vector<16xi32>,
    %scan3A_109 = arith.constant 1 : i32
    %scan3A_110 = arith.constant 127 : i32
    %scan3A_111 = arith.addi %scan3A_109, %scan3A_110 : i32
    %scan3A_112 = arith.constant 1 : i32
    %scan3A_113:2 = scf.for %scan3A_1072 = %scan3A_109 to %scan3A_111 step %scan3A_112 iter_args(%scan3A_1073 = %gather3A_108, %scan3A_1074 = %broadcast_in_dim3A_35) -> (vector<16xi32>, vector<16xi32>)  : i32 {
      %add3A_1075 = arith.addi %mul3A_41, %scan3A_1072 : i32
      %broadcast_in_dim3A_1076 = vector.broadcast %add3A_1075 : i32 to vector<16xi32>
      %gather3A_1077 = tpu.vector_load_idx %arg7[%broadcast_in_dim3A_1076] : memref<2048xi32, #tpu.memory_space<vmem>>[vector<16xi32>], vector<16xi32>,
      %gather3A_1078 = tpu.vector_load_idx %arg6[%gather3A_1077, %add3A_105] : memref<128x512xi32, #tpu.memory_space<vmem>>[vector<16xi32>, vector<16xi32>], vector<16xi32>,
      %and3A_1079 = arith.andi %scan3A_1073, %gather3A_1078 : vector<16xi32>
      %eq3A_1080 = arith.constant 0 : i32
      %eq3A_1081 = vector.broadcast %eq3A_1080 : i32 to vector<16xi32>
      %eq3A_1082 = arith.cmpi eq, %and3A_1079, %eq3A_1081 : vector<16xi32>
      %or3A = arith.ori %scan3A_1073, %gather3A_1078 : vector<16xi32>
      %select_n3A_1083 = arith.select %eq3A_1082, %or3A, %and3A_1079 : vector<16xi1>, vector<16xi32>
      %select_n3A_1084 = arith.select %eq3A_1082, %broadcast_in_dim3A_33, %broadcast_in_dim3A_35 : vector<16xi1>, vector<16xi32>
      %add3A_1085 = arith.addi %scan3A_1074, %select_n3A_1084 : vector<16xi32>
      scf.yield %select_n3A_1083, %add3A_1085 : vector<16xi32>, vector<16xi32>
    }
    %scan3A_114 = arith.constant 127 : i32
    %get3A_115 = arith.constant 64 : index
    %get3A_116 = tpu.vector_load %arg8[%get3A_115] {strides = array<i32>} : memref<512xi32, #tpu.memory_space<vmem>>, vector<16xi32>,
    %mul3A_117 = arith.muli %scan3A_113#1, %get3A_116 : vector<16xi32>
    %add3A_118 = arith.addi %add3A_102, %mul3A_117 : vector<16xi32>
    %add3A_119 = arith.constant 80 : i32
    %add3A_120 = vector.broadcast %add3A_119 : i32 to vector<16xi32>
    %add3A_121 = arith.addi %iota3A, %add3A_120 : vector<16xi32>
    %broadcast_in_dim3A_122 = vector.broadcast %mul3A_41 : i32 to vector<16xi32>
    %gather3A_123 = tpu.vector_load_idx %arg7[%broadcast_in_dim3A_122] : memref<2048xi32, #tpu.memory_space<vmem>>[vector<16xi32>], vector<16xi32>,
    %gather3A_124 = tpu.vector_load_idx %arg6[%gather3A_123, %add3A_121] : memref<128x512xi32, #tpu.memory_space<vmem>>[vector<16xi32>, vector<16xi32>], vector<16xi32>,
    %scan3A_125 = arith.constant 1 : i32
    %scan3A_126 = arith.constant 127 : i32
    %scan3A_127 = arith.addi %scan3A_125, %scan3A_126 : i32
    %scan3A_128 = arith.constant 1 : i32
    %scan3A_129:2 = scf.for %scan3A_1072 = %scan3A_125 to %scan3A_127 step %scan3A_128 iter_args(%scan3A_1073 = %gather3A_124, %scan3A_1074 = %broadcast_in_dim3A_35) -> (vector<16xi32>, vector<16xi32>)  : i32 {
      %add3A_1075 = arith.addi %mul3A_41, %scan3A_1072 : i32
      %broadcast_in_dim3A_1076 = vector.broadcast %add3A_1075 : i32 to vector<16xi32>
      %gather3A_1077 = tpu.vector_load_idx %arg7[%broadcast_in_dim3A_1076] : memref<2048xi32, #tpu.memory_space<vmem>>[vector<16xi32>], vector<16xi32>,
      %gather3A_1078 = tpu.vector_load_idx %arg6[%gather3A_1077, %add3A_121] : memref<128x512xi32, #tpu.memory_space<vmem>>[vector<16xi32>, vector<16xi32>], vector<16xi32>,
      %and3A_1079 = arith.andi %scan3A_1073, %gather3A_1078 : vector<16xi32>
      %eq3A_1080 = arith.constant 0 : i32
      %eq3A_1081 = vector.broadcast %eq3A_1080 : i32 to vector<16xi32>
      %eq3A_1082 = arith.cmpi eq, %and3A_1079, %eq3A_1081 : vector<16xi32>
      %or3A = arith.ori %scan3A_1073, %gather3A_1078 : vector<16xi32>
      %select_n3A_1083 = arith.select %eq3A_1082, %or3A, %and3A_1079 : vector<16xi1>, vector<16xi32>
      %select_n3A_1084 = arith.select %eq3A_1082, %broadcast_in_dim3A_33, %broadcast_in_dim3A_35 : vector<16xi1>, vector<16xi32>
      %add3A_1085 = arith.addi %scan3A_1074, %select_n3A_1084 : vector<16xi32>
      scf.yield %select_n3A_1083, %add3A_1085 : vector<16xi32>, vector<16xi32>
    }
    %scan3A_130 = arith.constant 127 : i32
    %get3A_131 = arith.constant 80 : index
    %get3A_132 = tpu.vector_load %arg8[%get3A_131] {strides = array<i32>} : memref<512xi32, #tpu.memory_space<vmem>>, vector<16xi32>,
    %mul3A_133 = arith.muli %scan3A_129#1, %get3A_132 : vector<16xi32>
    %add3A_134 = arith.addi %add3A_118, %mul3A_133 : vector<16xi32>
    %add3A_135 = arith.constant 96 : i32
    %add3A_136 = vector.broadcast %add3A_135 : i32 to vector<16xi32>
    %add3A_137 = arith.addi %iota3A, %add3A_136 : vector<16xi32>
    %broadcast_in_dim3A_138 = vector.broadcast %mul3A_41 : i32 to vector<16xi32>
    %gather3A_139 = tpu.vector_load_idx %arg7[%broadcast_in_dim3A_138] : memref<2048xi32, #tpu.memory_space<vmem>>[vector<16xi32>], vector<16xi32>,
    %gather3A_140 = tpu.vector_load_idx %arg6[%gather3A_139, %add3A_137] : memref<128x512xi32, #tpu.memory_space<vmem>>[vector<16xi32>, vector<16xi32>], vector<16xi32>,
    %scan3A_141 = arith.constant 1 : i32
    %scan3A_142 = arith.constant 127 : i32
    %scan3A_143 = arith.addi %scan3A_141, %scan3A_142 : i32
    %scan3A_144 = arith.constant 1 : i32
    %scan3A_145:2 = scf.for %scan3A_1072 = %scan3A_141 to %scan3A_143 step %scan3A_144 iter_args(%scan3A_1073 = %gather3A_140, %scan3A_1074 = %broadcast_in_dim3A_35) -> (vector<16xi32>, vector<16xi32>)  : i32 {
      %add3A_1075 = arith.addi %mul3A_41, %scan3A_1072 : i32
      %broadcast_in_dim3A_1076 = vector.broadcast %add3A_1075 : i32 to vector<16xi32>
      %gather3A_1077 = tpu.vector_load_idx %arg7[%broadcast_in_dim3A_1076] : memref<2048xi32, #tpu.memory_space<vmem>>[vector<16xi32>], vector<16xi32>,
      %gather3A_1078 = tpu.vector_load_idx %arg6[%gather3A_1077, %add3A_137] : memref<128x512xi32, #tpu.memory_space<vmem>>[vector<16xi32>, vector<16xi32>], vector<16xi32>,
      %and3A_1079 = arith.andi %scan3A_1073, %gather3A_1078 : vector<16xi32>
      %eq3A_1080 = arith.constant 0 : i32
      %eq3A_1081 = vector.broadcast %eq3A_1080 : i32 to vector<16xi32>
      %eq3A_1082 = arith.cmpi eq, %and3A_1079, %eq3A_1081 : vector<16xi32>
      %or3A = arith.ori %scan3A_1073, %gather3A_1078 : vector<16xi32>
      %select_n3A_1083 = arith.select %eq3A_1082, %or3A, %and3A_1079 : vector<16xi1>, vector<16xi32>
      %select_n3A_1084 = arith.select %eq3A_1082, %broadcast_in_dim3A_33, %broadcast_in_dim3A_35 : vector<16xi1>, vector<16xi32>
      %add3A_1085 = arith.addi %scan3A_1074, %select_n3A_1084 : vector<16xi32>
      scf.yield %select_n3A_1083, %add3A_1085 : vector<16xi32>, vector<16xi32>
    }
    %scan3A_146 = arith.constant 127 : i32
    %get3A_147 = arith.constant 96 : index
    %get3A_148 = tpu.vector_load %arg8[%get3A_147] {strides = array<i32>} : memref<512xi32, #tpu.memory_space<vmem>>, vector<16xi32>,
    %mul3A_149 = arith.muli %scan3A_145#1, %get3A_148 : vector<16xi32>
    %add3A_150 = arith.addi %add3A_134, %mul3A_149 : vector<16xi32>
    %add3A_151 = arith.constant 112 : i32
    %add3A_152 = vector.broadcast %add3A_151 : i32 to vector<16xi32>
    %add3A_153 = arith.addi %iota3A, %add3A_152 : vector<16xi32>
    %broadcast_in_dim3A_154 = vector.broadcast %mul3A_41 : i32 to vector<16xi32>
    %gather3A_155 = tpu.vector_load_idx %arg7[%broadcast_in_dim3A_154] : memref<2048xi32, #tpu.memory_space<vmem>>[vector<16xi32>], vector<16xi32>,
    %gather3A_156 = tpu.vector_load_idx %arg6[%gather3A_155, %add3A_153] : memref<128x512xi32, #tpu.memory_space<vmem>>[vector<16xi32>, vector<16xi32>], vector<16xi32>,
    %scan3A_157 = arith.constant 1 : i32
    %scan3A_158 = arith.constant 127 : i32
    %scan3A_159 = arith.addi %scan3A_157, %scan3A_158 : i32
    %scan3A_160 = arith.constant 1 : i32
    %scan3A_161:2 = scf.for %scan3A_1072 = %scan3A_157 to %scan3A_159 step %scan3A_160 iter_args(%scan3A_1073 = %gather3A_156, %scan3A_1074 = %broadcast_in_dim3A_35) -> (vector<16xi32>, vector<16xi32>)  : i32 {
      %add3A_1075 = arith.addi %mul3A_41, %scan3A_1072 : i32
      %broadcast_in_dim3A_1076 = vector.broadcast %add3A_1075 : i32 to vector<16xi32>
      %gather3A_1077 = tpu.vector_load_idx %arg7[%broadcast_in_dim3A_1076] : memref<2048xi32, #tpu.memory_space<vmem>>[vector<16xi32>], vector<16xi32>,
      %gather3A_1078 = tpu.vector_load_idx %arg6[%gather3A_1077, %add3A_153] : memref<128x512xi32, #tpu.memory_space<vmem>>[vector<16xi32>, vector<16xi32>], vector<16xi32>,
      %and3A_1079 = arith.andi %scan3A_1073, %gather3A_1078 : vector<16xi32>
      %eq3A_1080 = arith.constant 0 : i32
      %eq3A_1081 = vector.broadcast %eq3A_1080 : i32 to vector<16xi32>
      %eq3A_1082 = arith.cmpi eq, %and3A_1079, %eq3A_1081 : vector<16xi32>
      %or3A = arith.ori %scan3A_1073, %gather3A_1078 : vector<16xi32>
      %select_n3A_1083 = arith.select %eq3A_1082, %or3A, %and3A_1079 : vector<16xi1>, vector<16xi32>
      %select_n3A_1084 = arith.select %eq3A_1082, %broadcast_in_dim3A_33, %broadcast_in_dim3A_35 : vector<16xi1>, vector<16xi32>
      %add3A_1085 = arith.addi %scan3A_1074, %select_n3A_1084 : vector<16xi32>
      scf.yield %select_n3A_1083, %add3A_1085 : vector<16xi32>, vector<16xi32>
    }
    %scan3A_162 = arith.constant 127 : i32
    %get3A_163 = arith.constant 112 : index
    %get3A_164 = tpu.vector_load %arg8[%get3A_163] {strides = array<i32>} : memref<512xi32, #tpu.memory_space<vmem>>, vector<16xi32>,
    %mul3A_165 = arith.muli %scan3A_161#1, %get3A_164 : vector<16xi32>
    %add3A_166 = arith.addi %add3A_150, %mul3A_165 : vector<16xi32>
    %add3A_167 = arith.constant 128 : i32
    %add3A_168 = vector.broadcast %add3A_167 : i32 to vector<16xi32>
    %add3A_169 = arith.addi %iota3A, %add3A_168 : vector<16xi32>
    %broadcast_in_dim3A_170 = vector.broadcast %mul3A_41 : i32 to vector<16xi32>
    %gather3A_171 = tpu.vector_load_idx %arg7[%broadcast_in_dim3A_170] : memref<2048xi32, #tpu.memory_space<vmem>>[vector<16xi32>], vector<16xi32>,
    %gather3A_172 = tpu.vector_load_idx %arg6[%gather3A_171, %add3A_169] : memref<128x512xi32, #tpu.memory_space<vmem>>[vector<16xi32>, vector<16xi32>], vector<16xi32>,
    %scan3A_173 = arith.constant 1 : i32
    %scan3A_174 = arith.constant 127 : i32
    %scan3A_175 = arith.addi %scan3A_173, %scan3A_174 : i32
    %scan3A_176 = arith.constant 1 : i32
    %scan3A_177:2 = scf.for %scan3A_1072 = %scan3A_173 to %scan3A_175 step %scan3A_176 iter_args(%scan3A_1073 = %gather3A_172, %scan3A_1074 = %broadcast_in_dim3A_35) -> (vector<16xi32>, vector<16xi32>)  : i32 {
      %add3A_1075 = arith.addi %mul3A_41, %scan3A_1072 : i32
      %broadcast_in_dim3A_1076 = vector.broadcast %add3A_1075 : i32 to vector<16xi32>
      %gather3A_1077 = tpu.vector_load_idx %arg7[%broadcast_in_dim3A_1076] : memref<2048xi32, #tpu.memory_space<vmem>>[vector<16xi32>], vector<16xi32>,
      %gather3A_1078 = tpu.vector_load_idx %arg6[%gather3A_1077, %add3A_169] : memref<128x512xi32, #tpu.memory_space<vmem>>[vector<16xi32>, vector<16xi32>], vector<16xi32>,
      %and3A_1079 = arith.andi %scan3A_1073, %gather3A_1078 : vector<16xi32>
      %eq3A_1080 = arith.constant 0 : i32
      %eq3A_1081 = vector.broadcast %eq3A_1080 : i32 to vector<16xi32>
      %eq3A_1082 = arith.cmpi eq, %and3A_1079, %eq3A_1081 : vector<16xi32>
      %or3A = arith.ori %scan3A_1073, %gather3A_1078 : vector<16xi32>
      %select_n3A_1083 = arith.select %eq3A_1082, %or3A, %and3A_1079 : vector<16xi1>, vector<16xi32>
      %select_n3A_1084 = arith.select %eq3A_1082, %broadcast_in_dim3A_33, %broadcast_in_dim3A_35 : vector<16xi1>, vector<16xi32>
      %add3A_1085 = arith.addi %scan3A_1074, %select_n3A_1084 : vector<16xi32>
      scf.yield %select_n3A_1083, %add3A_1085 : vector<16xi32>, vector<16xi32>
    }
    %scan3A_178 = arith.constant 127 : i32
    %get3A_179 = arith.constant 128 : index
    %get3A_180 = tpu.vector_load %arg8[%get3A_179] {strides = array<i32>} : memref<512xi32, #tpu.memory_space<vmem>>, vector<16xi32>,
    %mul3A_181 = arith.muli %scan3A_177#1, %get3A_180 : vector<16xi32>
    %add3A_182 = arith.addi %add3A_166, %mul3A_181 : vector<16xi32>
    %add3A_183 = arith.constant 144 : i32
    %add3A_184 = vector.broadcast %add3A_183 : i32 to vector<16xi32>
    %add3A_185 = arith.addi %iota3A, %add3A_184 : vector<16xi32>
    %broadcast_in_dim3A_186 = vector.broadcast %mul3A_41 : i32 to vector<16xi32>
    %gather3A_187 = tpu.vector_load_idx %arg7[%broadcast_in_dim3A_186] : memref<2048xi32, #tpu.memory_space<vmem>>[vector<16xi32>], vector<16xi32>,
    %gather3A_188 = tpu.vector_load_idx %arg6[%gather3A_187, %add3A_185] : memref<128x512xi32, #tpu.memory_space<vmem>>[vector<16xi32>, vector<16xi32>], vector<16xi32>,
    %scan3A_189 = arith.constant 1 : i32
    %scan3A_190 = arith.constant 127 : i32
    %scan3A_191 = arith.addi %scan3A_189, %scan3A_190 : i32
    %scan3A_192 = arith.constant 1 : i32
    %scan3A_193:2 = scf.for %scan3A_1072 = %scan3A_189 to %scan3A_191 step %scan3A_192 iter_args(%scan3A_1073 = %gather3A_188, %scan3A_1074 = %broadcast_in_dim3A_35) -> (vector<16xi32>, vector<16xi32>)  : i32 {
      %add3A_1075 = arith.addi %mul3A_41, %scan3A_1072 : i32
      %broadcast_in_dim3A_1076 = vector.broadcast %add3A_1075 : i32 to vector<16xi32>
      %gather3A_1077 = tpu.vector_load_idx %arg7[%broadcast_in_dim3A_1076] : memref<2048xi32, #tpu.memory_space<vmem>>[vector<16xi32>], vector<16xi32>,
      %gather3A_1078 = tpu.vector_load_idx %arg6[%gather3A_1077, %add3A_185] : memref<128x512xi32, #tpu.memory_space<vmem>>[vector<16xi32>, vector<16xi32>], vector<16xi32>,
      %and3A_1079 = arith.andi %scan3A_1073, %gather3A_1078 : vector<16xi32>
      %eq3A_1080 = arith.constant 0 : i32
      %eq3A_1081 = vector.broadcast %eq3A_1080 : i32 to vector<16xi32>
      %eq3A_1082 = arith.cmpi eq, %and3A_1079, %eq3A_1081 : vector<16xi32>
      %or3A = arith.ori %scan3A_1073, %gather3A_1078 : vector<16xi32>
      %select_n3A_1083 = arith.select %eq3A_1082, %or3A, %and3A_1079 : vector<16xi1>, vector<16xi32>
      %select_n3A_1084 = arith.select %eq3A_1082, %broadcast_in_dim3A_33, %broadcast_in_dim3A_35 : vector<16xi1>, vector<16xi32>
      %add3A_1085 = arith.addi %scan3A_1074, %select_n3A_1084 : vector<16xi32>
      scf.yield %select_n3A_1083, %add3A_1085 : vector<16xi32>, vector<16xi32>
    }
    %scan3A_194 = arith.constant 127 : i32
    %get3A_195 = arith.constant 144 : index
    %get3A_196 = tpu.vector_load %arg8[%get3A_195] {strides = array<i32>} : memref<512xi32, #tpu.memory_space<vmem>>, vector<16xi32>,
    %mul3A_197 = arith.muli %scan3A_193#1, %get3A_196 : vector<16xi32>
    %add3A_198 = arith.addi %add3A_182, %mul3A_197 : vector<16xi32>
    %add3A_199 = arith.constant 160 : i32
    %add3A_200 = vector.broadcast %add3A_199 : i32 to vector<16xi32>
    %add3A_201 = arith.addi %iota3A, %add3A_200 : vector<16xi32>
    %broadcast_in_dim3A_202 = vector.broadcast %mul3A_41 : i32 to vector<16xi32>
    %gather3A_203 = tpu.vector_load_idx %arg7[%broadcast_in_dim3A_202] : memref<2048xi32, #tpu.memory_space<vmem>>[vector<16xi32>], vector<16xi32>,
    %gather3A_204 = tpu.vector_load_idx %arg6[%gather3A_203, %add3A_201] : memref<128x512xi32, #tpu.memory_space<vmem>>[vector<16xi32>, vector<16xi32>], vector<16xi32>,
    %scan3A_205 = arith.constant 1 : i32
    %scan3A_206 = arith.constant 127 : i32
    %scan3A_207 = arith.addi %scan3A_205, %scan3A_206 : i32
    %scan3A_208 = arith.constant 1 : i32
    %scan3A_209:2 = scf.for %scan3A_1072 = %scan3A_205 to %scan3A_207 step %scan3A_208 iter_args(%scan3A_1073 = %gather3A_204, %scan3A_1074 = %broadcast_in_dim3A_35) -> (vector<16xi32>, vector<16xi32>)  : i32 {
      %add3A_1075 = arith.addi %mul3A_41, %scan3A_1072 : i32
      %broadcast_in_dim3A_1076 = vector.broadcast %add3A_1075 : i32 to vector<16xi32>
      %gather3A_1077 = tpu.vector_load_idx %arg7[%broadcast_in_dim3A_1076] : memref<2048xi32, #tpu.memory_space<vmem>>[vector<16xi32>], vector<16xi32>,
      %gather3A_1078 = tpu.vector_load_idx %arg6[%gather3A_1077, %add3A_201] : memref<128x512xi32, #tpu.memory_space<vmem>>[vector<16xi32>, vector<16xi32>], vector<16xi32>,
      %and3A_1079 = arith.andi %scan3A_1073, %gather3A_1078 : vector<16xi32>
      %eq3A_1080 = arith.constant 0 : i32
      %eq3A_1081 = vector.broadcast %eq3A_1080 : i32 to vector<16xi32>
      %eq3A_1082 = arith.cmpi eq, %and3A_1079, %eq3A_1081 : vector<16xi32>
      %or3A = arith.ori %scan3A_1073, %gather3A_1078 : vector<16xi32>
      %select_n3A_1083 = arith.select %eq3A_1082, %or3A, %and3A_1079 : vector<16xi1>, vector<16xi32>
      %select_n3A_1084 = arith.select %eq3A_1082, %broadcast_in_dim3A_33, %broadcast_in_dim3A_35 : vector<16xi1>, vector<16xi32>
      %add3A_1085 = arith.addi %scan3A_1074, %select_n3A_1084 : vector<16xi32>
      scf.yield %select_n3A_1083, %add3A_1085 : vector<16xi32>, vector<16xi32>
    }
    %scan3A_210 = arith.constant 127 : i32
    %get3A_211 = arith.constant 160 : index
    %get3A_212 = tpu.vector_load %arg8[%get3A_211] {strides = array<i32>} : memref<512xi32, #tpu.memory_space<vmem>>, vector<16xi32>,
    %mul3A_213 = arith.muli %scan3A_209#1, %get3A_212 : vector<16xi32>
    %add3A_214 = arith.addi %add3A_198, %mul3A_213 : vector<16xi32>
    %add3A_215 = arith.constant 176 : i32
    %add3A_216 = vector.broadcast %add3A_215 : i32 to vector<16xi32>
    %add3A_217 = arith.addi %iota3A, %add3A_216 : vector<16xi32>
    %broadcast_in_dim3A_218 = vector.broadcast %mul3A_41 : i32 to vector<16xi32>
    %gather3A_219 = tpu.vector_load_idx %arg7[%broadcast_in_dim3A_218] : memref<2048xi32, #tpu.memory_space<vmem>>[vector<16xi32>], vector<16xi32>,
    %gather3A_220 = tpu.vector_load_idx %arg6[%gather3A_219, %add3A_217] : memref<128x512xi32, #tpu.memory_space<vmem>>[vector<16xi32>, vector<16xi32>], vector<16xi32>,
    %scan3A_221 = arith.constant 1 : i32
    %scan3A_222 = arith.constant 127 : i32
    %scan3A_223 = arith.addi %scan3A_221, %scan3A_222 : i32
    %scan3A_224 = arith.constant 1 : i32
    %scan3A_225:2 = scf.for %scan3A_1072 = %scan3A_221 to %scan3A_223 step %scan3A_224 iter_args(%scan3A_1073 = %gather3A_220, %scan3A_1074 = %broadcast_in_dim3A_35) -> (vector<16xi32>, vector<16xi32>)  : i32 {
      %add3A_1075 = arith.addi %mul3A_41, %scan3A_1072 : i32
      %broadcast_in_dim3A_1076 = vector.broadcast %add3A_1075 : i32 to vector<16xi32>
      %gather3A_1077 = tpu.vector_load_idx %arg7[%broadcast_in_dim3A_1076] : memref<2048xi32, #tpu.memory_space<vmem>>[vector<16xi32>], vector<16xi32>,
      %gather3A_1078 = tpu.vector_load_idx %arg6[%gather3A_1077, %add3A_217] : memref<128x512xi32, #tpu.memory_space<vmem>>[vector<16xi32>, vector<16xi32>], vector<16xi32>,
      %and3A_1079 = arith.andi %scan3A_1073, %gather3A_1078 : vector<16xi32>
      %eq3A_1080 = arith.constant 0 : i32
      %eq3A_1081 = vector.broadcast %eq3A_1080 : i32 to vector<16xi32>
      %eq3A_1082 = arith.cmpi eq, %and3A_1079, %eq3A_1081 : vector<16xi32>
      %or3A = arith.ori %scan3A_1073, %gather3A_1078 : vector<16xi32>
      %select_n3A_1083 = arith.select %eq3A_1082, %or3A, %and3A_1079 : vector<16xi1>, vector<16xi32>
      %select_n3A_1084 = arith.select %eq3A_1082, %broadcast_in_dim3A_33, %broadcast_in_dim3A_35 : vector<16xi1>, vector<16xi32>
      %add3A_1085 = arith.addi %scan3A_1074, %select_n3A_1084 : vector<16xi32>
      scf.yield %select_n3A_1083, %add3A_1085 : vector<16xi32>, vector<16xi32>
    }
    %scan3A_226 = arith.constant 127 : i32
    %get3A_227 = arith.constant 176 : index
    %get3A_228 = tpu.vector_load %arg8[%get3A_227] {strides = array<i32>} : memref<512xi32, #tpu.memory_space<vmem>>, vector<16xi32>,
    %mul3A_229 = arith.muli %scan3A_225#1, %get3A_228 : vector<16xi32>
    %add3A_230 = arith.addi %add3A_214, %mul3A_229 : vector<16xi32>
    %add3A_231 = arith.constant 192 : i32
    %add3A_232 = vector.broadcast %add3A_231 : i32 to vector<16xi32>
    %add3A_233 = arith.addi %iota3A, %add3A_232 : vector<16xi32>
    %broadcast_in_dim3A_234 = vector.broadcast %mul3A_41 : i32 to vector<16xi32>
    %gather3A_235 = tpu.vector_load_idx %arg7[%broadcast_in_dim3A_234] : memref<2048xi32, #tpu.memory_space<vmem>>[vector<16xi32>], vector<16xi32>,
    %gather3A_236 = tpu.vector_load_idx %arg6[%gather3A_235, %add3A_233] : memref<128x512xi32, #tpu.memory_space<vmem>>[vector<16xi32>, vector<16xi32>], vector<16xi32>,
    %scan3A_237 = arith.constant 1 : i32
    %scan3A_238 = arith.constant 127 : i32
    %scan3A_239 = arith.addi %scan3A_237, %scan3A_238 : i32
    %scan3A_240 = arith.constant 1 : i32
    %scan3A_241:2 = scf.for %scan3A_1072 = %scan3A_237 to %scan3A_239 step %scan3A_240 iter_args(%scan3A_1073 = %gather3A_236, %scan3A_1074 = %broadcast_in_dim3A_35) -> (vector<16xi32>, vector<16xi32>)  : i32 {
      %add3A_1075 = arith.addi %mul3A_41, %scan3A_1072 : i32
      %broadcast_in_dim3A_1076 = vector.broadcast %add3A_1075 : i32 to vector<16xi32>
      %gather3A_1077 = tpu.vector_load_idx %arg7[%broadcast_in_dim3A_1076] : memref<2048xi32, #tpu.memory_space<vmem>>[vector<16xi32>], vector<16xi32>,
      %gather3A_1078 = tpu.vector_load_idx %arg6[%gather3A_1077, %add3A_233] : memref<128x512xi32, #tpu.memory_space<vmem>>[vector<16xi32>, vector<16xi32>], vector<16xi32>,
      %and3A_1079 = arith.andi %scan3A_1073, %gather3A_1078 : vector<16xi32>
      %eq3A_1080 = arith.constant 0 : i32
      %eq3A_1081 = vector.broadcast %eq3A_1080 : i32 to vector<16xi32>
      %eq3A_1082 = arith.cmpi eq, %and3A_1079, %eq3A_1081 : vector<16xi32>
      %or3A = arith.ori %scan3A_1073, %gather3A_1078 : vector<16xi32>
      %select_n3A_1083 = arith.select %eq3A_1082, %or3A, %and3A_1079 : vector<16xi1>, vector<16xi32>
      %select_n3A_1084 = arith.select %eq3A_1082, %broadcast_in_dim3A_33, %broadcast_in_dim3A_35 : vector<16xi1>, vector<16xi32>
      %add3A_1085 = arith.addi %scan3A_1074, %select_n3A_1084 : vector<16xi32>
      scf.yield %select_n3A_1083, %add3A_1085 : vector<16xi32>, vector<16xi32>
    }
    %scan3A_242 = arith.constant 127 : i32
    %get3A_243 = arith.constant 192 : index
    %get3A_244 = tpu.vector_load %arg8[%get3A_243] {strides = array<i32>} : memref<512xi32, #tpu.memory_space<vmem>>, vector<16xi32>,
    %mul3A_245 = arith.muli %scan3A_241#1, %get3A_244 : vector<16xi32>
    %add3A_246 = arith.addi %add3A_230, %mul3A_245 : vector<16xi32>
    %add3A_247 = arith.constant 208 : i32
    %add3A_248 = vector.broadcast %add3A_247 : i32 to vector<16xi32>
    %add3A_249 = arith.addi %iota3A, %add3A_248 : vector<16xi32>
    %broadcast_in_dim3A_250 = vector.broadcast %mul3A_41 : i32 to vector<16xi32>
    %gather3A_251 = tpu.vector_load_idx %arg7[%broadcast_in_dim3A_250] : memref<2048xi32, #tpu.memory_space<vmem>>[vector<16xi32>], vector<16xi32>,
    %gather3A_252 = tpu.vector_load_idx %arg6[%gather3A_251, %add3A_249] : memref<128x512xi32, #tpu.memory_space<vmem>>[vector<16xi32>, vector<16xi32>], vector<16xi32>,
    %scan3A_253 = arith.constant 1 : i32
    %scan3A_254 = arith.constant 127 : i32
    %scan3A_255 = arith.addi %scan3A_253, %scan3A_254 : i32
    %scan3A_256 = arith.constant 1 : i32
    %scan3A_257:2 = scf.for %scan3A_1072 = %scan3A_253 to %scan3A_255 step %scan3A_256 iter_args(%scan3A_1073 = %gather3A_252, %scan3A_1074 = %broadcast_in_dim3A_35) -> (vector<16xi32>, vector<16xi32>)  : i32 {
      %add3A_1075 = arith.addi %mul3A_41, %scan3A_1072 : i32
      %broadcast_in_dim3A_1076 = vector.broadcast %add3A_1075 : i32 to vector<16xi32>
      %gather3A_1077 = tpu.vector_load_idx %arg7[%broadcast_in_dim3A_1076] : memref<2048xi32, #tpu.memory_space<vmem>>[vector<16xi32>], vector<16xi32>,
      %gather3A_1078 = tpu.vector_load_idx %arg6[%gather3A_1077, %add3A_249] : memref<128x512xi32, #tpu.memory_space<vmem>>[vector<16xi32>, vector<16xi32>], vector<16xi32>,
      %and3A_1079 = arith.andi %scan3A_1073, %gather3A_1078 : vector<16xi32>
      %eq3A_1080 = arith.constant 0 : i32
      %eq3A_1081 = vector.broadcast %eq3A_1080 : i32 to vector<16xi32>
      %eq3A_1082 = arith.cmpi eq, %and3A_1079, %eq3A_1081 : vector<16xi32>
      %or3A = arith.ori %scan3A_1073, %gather3A_1078 : vector<16xi32>
      %select_n3A_1083 = arith.select %eq3A_1082, %or3A, %and3A_1079 : vector<16xi1>, vector<16xi32>
      %select_n3A_1084 = arith.select %eq3A_1082, %broadcast_in_dim3A_33, %broadcast_in_dim3A_35 : vector<16xi1>, vector<16xi32>
      %add3A_1085 = arith.addi %scan3A_1074, %select_n3A_1084 : vector<16xi32>
      scf.yield %select_n3A_1083, %add3A_1085 : vector<16xi32>, vector<16xi32>
    }
    %scan3A_258 = arith.constant 127 : i32
    %get3A_259 = arith.constant 208 : index
    %get3A_260 = tpu.vector_load %arg8[%get3A_259] {strides = array<i32>} : memref<512xi32, #tpu.memory_space<vmem>>, vector<16xi32>,
    %mul3A_261 = arith.muli %scan3A_257#1, %get3A_260 : vector<16xi32>
    %add3A_262 = arith.addi %add3A_246, %mul3A_261 : vector<16xi32>
    %add3A_263 = arith.constant 224 : i32
    %add3A_264 = vector.broadcast %add3A_263 : i32 to vector<16xi32>
    %add3A_265 = arith.addi %iota3A, %add3A_264 : vector<16xi32>
    %broadcast_in_dim3A_266 = vector.broadcast %mul3A_41 : i32 to vector<16xi32>
    %gather3A_267 = tpu.vector_load_idx %arg7[%broadcast_in_dim3A_266] : memref<2048xi32, #tpu.memory_space<vmem>>[vector<16xi32>], vector<16xi32>,
    %gather3A_268 = tpu.vector_load_idx %arg6[%gather3A_267, %add3A_265] : memref<128x512xi32, #tpu.memory_space<vmem>>[vector<16xi32>, vector<16xi32>], vector<16xi32>,
    %scan3A_269 = arith.constant 1 : i32
    %scan3A_270 = arith.constant 127 : i32
    %scan3A_271 = arith.addi %scan3A_269, %scan3A_270 : i32
    %scan3A_272 = arith.constant 1 : i32
    %scan3A_273:2 = scf.for %scan3A_1072 = %scan3A_269 to %scan3A_271 step %scan3A_272 iter_args(%scan3A_1073 = %gather3A_268, %scan3A_1074 = %broadcast_in_dim3A_35) -> (vector<16xi32>, vector<16xi32>)  : i32 {
      %add3A_1075 = arith.addi %mul3A_41, %scan3A_1072 : i32
      %broadcast_in_dim3A_1076 = vector.broadcast %add3A_1075 : i32 to vector<16xi32>
      %gather3A_1077 = tpu.vector_load_idx %arg7[%broadcast_in_dim3A_1076] : memref<2048xi32, #tpu.memory_space<vmem>>[vector<16xi32>], vector<16xi32>,
      %gather3A_1078 = tpu.vector_load_idx %arg6[%gather3A_1077, %add3A_265] : memref<128x512xi32, #tpu.memory_space<vmem>>[vector<16xi32>, vector<16xi32>], vector<16xi32>,
      %and3A_1079 = arith.andi %scan3A_1073, %gather3A_1078 : vector<16xi32>
      %eq3A_1080 = arith.constant 0 : i32
      %eq3A_1081 = vector.broadcast %eq3A_1080 : i32 to vector<16xi32>
      %eq3A_1082 = arith.cmpi eq, %and3A_1079, %eq3A_1081 : vector<16xi32>
      %or3A = arith.ori %scan3A_1073, %gather3A_1078 : vector<16xi32>
      %select_n3A_1083 = arith.select %eq3A_1082, %or3A, %and3A_1079 : vector<16xi1>, vector<16xi32>
      %select_n3A_1084 = arith.select %eq3A_1082, %broadcast_in_dim3A_33, %broadcast_in_dim3A_35 : vector<16xi1>, vector<16xi32>
      %add3A_1085 = arith.addi %scan3A_1074, %select_n3A_1084 : vector<16xi32>
      scf.yield %select_n3A_1083, %add3A_1085 : vector<16xi32>, vector<16xi32>
    }
    %scan3A_274 = arith.constant 127 : i32
    %get3A_275 = arith.constant 224 : index
    %get3A_276 = tpu.vector_load %arg8[%get3A_275] {strides = array<i32>} : memref<512xi32, #tpu.memory_space<vmem>>, vector<16xi32>,
    %mul3A_277 = arith.muli %scan3A_273#1, %get3A_276 : vector<16xi32>
    %add3A_278 = arith.addi %add3A_262, %mul3A_277 : vector<16xi32>
    %add3A_279 = arith.constant 240 : i32
    %add3A_280 = vector.broadcast %add3A_279 : i32 to vector<16xi32>
    %add3A_281 = arith.addi %iota3A, %add3A_280 : vector<16xi32>
    %broadcast_in_dim3A_282 = vector.broadcast %mul3A_41 : i32 to vector<16xi32>
    %gather3A_283 = tpu.vector_load_idx %arg7[%broadcast_in_dim3A_282] : memref<2048xi32, #tpu.memory_space<vmem>>[vector<16xi32>], vector<16xi32>,
    %gather3A_284 = tpu.vector_load_idx %arg6[%gather3A_283, %add3A_281] : memref<128x512xi32, #tpu.memory_space<vmem>>[vector<16xi32>, vector<16xi32>], vector<16xi32>,
    %scan3A_285 = arith.constant 1 : i32
    %scan3A_286 = arith.constant 127 : i32
    %scan3A_287 = arith.addi %scan3A_285, %scan3A_286 : i32
    %scan3A_288 = arith.constant 1 : i32
    %scan3A_289:2 = scf.for %scan3A_1072 = %scan3A_285 to %scan3A_287 step %scan3A_288 iter_args(%scan3A_1073 = %gather3A_284, %scan3A_1074 = %broadcast_in_dim3A_35) -> (vector<16xi32>, vector<16xi32>)  : i32 {
      %add3A_1075 = arith.addi %mul3A_41, %scan3A_1072 : i32
      %broadcast_in_dim3A_1076 = vector.broadcast %add3A_1075 : i32 to vector<16xi32>
      %gather3A_1077 = tpu.vector_load_idx %arg7[%broadcast_in_dim3A_1076] : memref<2048xi32, #tpu.memory_space<vmem>>[vector<16xi32>], vector<16xi32>,
      %gather3A_1078 = tpu.vector_load_idx %arg6[%gather3A_1077, %add3A_281] : memref<128x512xi32, #tpu.memory_space<vmem>>[vector<16xi32>, vector<16xi32>], vector<16xi32>,
      %and3A_1079 = arith.andi %scan3A_1073, %gather3A_1078 : vector<16xi32>
      %eq3A_1080 = arith.constant 0 : i32
      %eq3A_1081 = vector.broadcast %eq3A_1080 : i32 to vector<16xi32>
      %eq3A_1082 = arith.cmpi eq, %and3A_1079, %eq3A_1081 : vector<16xi32>
      %or3A = arith.ori %scan3A_1073, %gather3A_1078 : vector<16xi32>
      %select_n3A_1083 = arith.select %eq3A_1082, %or3A, %and3A_1079 : vector<16xi1>, vector<16xi32>
      %select_n3A_1084 = arith.select %eq3A_1082, %broadcast_in_dim3A_33, %broadcast_in_dim3A_35 : vector<16xi1>, vector<16xi32>
      %add3A_1085 = arith.addi %scan3A_1074, %select_n3A_1084 : vector<16xi32>
      scf.yield %select_n3A_1083, %add3A_1085 : vector<16xi32>, vector<16xi32>
    }
    %scan3A_290 = arith.constant 127 : i32
    %get3A_291 = arith.constant 240 : index
    %get3A_292 = tpu.vector_load %arg8[%get3A_291] {strides = array<i32>} : memref<512xi32, #tpu.memory_space<vmem>>, vector<16xi32>,
    %mul3A_293 = arith.muli %scan3A_289#1, %get3A_292 : vector<16xi32>
    %add3A_294 = arith.addi %add3A_278, %mul3A_293 : vector<16xi32>
    %add3A_295 = arith.constant 256 : i32
    %add3A_296 = vector.broadcast %add3A_295 : i32 to vector<16xi32>
    %add3A_297 = arith.addi %iota3A, %add3A_296 : vector<16xi32>
    %broadcast_in_dim3A_298 = vector.broadcast %mul3A_41 : i32 to vector<16xi32>
    %gather3A_299 = tpu.vector_load_idx %arg7[%broadcast_in_dim3A_298] : memref<2048xi32, #tpu.memory_space<vmem>>[vector<16xi32>], vector<16xi32>,
    %gather3A_300 = tpu.vector_load_idx %arg6[%gather3A_299, %add3A_297] : memref<128x512xi32, #tpu.memory_space<vmem>>[vector<16xi32>, vector<16xi32>], vector<16xi32>,
    %scan3A_301 = arith.constant 1 : i32
    %scan3A_302 = arith.constant 127 : i32
    %scan3A_303 = arith.addi %scan3A_301, %scan3A_302 : i32
    %scan3A_304 = arith.constant 1 : i32
    %scan3A_305:2 = scf.for %scan3A_1072 = %scan3A_301 to %scan3A_303 step %scan3A_304 iter_args(%scan3A_1073 = %gather3A_300, %scan3A_1074 = %broadcast_in_dim3A_35) -> (vector<16xi32>, vector<16xi32>)  : i32 {
      %add3A_1075 = arith.addi %mul3A_41, %scan3A_1072 : i32
      %broadcast_in_dim3A_1076 = vector.broadcast %add3A_1075 : i32 to vector<16xi32>
      %gather3A_1077 = tpu.vector_load_idx %arg7[%broadcast_in_dim3A_1076] : memref<2048xi32, #tpu.memory_space<vmem>>[vector<16xi32>], vector<16xi32>,
      %gather3A_1078 = tpu.vector_load_idx %arg6[%gather3A_1077, %add3A_297] : memref<128x512xi32, #tpu.memory_space<vmem>>[vector<16xi32>, vector<16xi32>], vector<16xi32>,
      %and3A_1079 = arith.andi %scan3A_1073, %gather3A_1078 : vector<16xi32>
      %eq3A_1080 = arith.constant 0 : i32
      %eq3A_1081 = vector.broadcast %eq3A_1080 : i32 to vector<16xi32>
      %eq3A_1082 = arith.cmpi eq, %and3A_1079, %eq3A_1081 : vector<16xi32>
      %or3A = arith.ori %scan3A_1073, %gather3A_1078 : vector<16xi32>
      %select_n3A_1083 = arith.select %eq3A_1082, %or3A, %and3A_1079 : vector<16xi1>, vector<16xi32>
      %select_n3A_1084 = arith.select %eq3A_1082, %broadcast_in_dim3A_33, %broadcast_in_dim3A_35 : vector<16xi1>, vector<16xi32>
      %add3A_1085 = arith.addi %scan3A_1074, %select_n3A_1084 : vector<16xi32>
      scf.yield %select_n3A_1083, %add3A_1085 : vector<16xi32>, vector<16xi32>
    }
    %scan3A_306 = arith.constant 127 : i32
    %get3A_307 = arith.constant 256 : index
    %get3A_308 = tpu.vector_load %arg8[%get3A_307] {strides = array<i32>} : memref<512xi32, #tpu.memory_space<vmem>>, vector<16xi32>,
    %mul3A_309 = arith.muli %scan3A_305#1, %get3A_308 : vector<16xi32>
    %add3A_310 = arith.addi %add3A_294, %mul3A_309 : vector<16xi32>
    %add3A_311 = arith.constant 272 : i32
    %add3A_312 = vector.broadcast %add3A_311 : i32 to vector<16xi32>
    %add3A_313 = arith.addi %iota3A, %add3A_312 : vector<16xi32>
    %broadcast_in_dim3A_314 = vector.broadcast %mul3A_41 : i32 to vector<16xi32>
    %gather3A_315 = tpu.vector_load_idx %arg7[%broadcast_in_dim3A_314] : memref<2048xi32, #tpu.memory_space<vmem>>[vector<16xi32>], vector<16xi32>,
    %gather3A_316 = tpu.vector_load_idx %arg6[%gather3A_315, %add3A_313] : memref<128x512xi32, #tpu.memory_space<vmem>>[vector<16xi32>, vector<16xi32>], vector<16xi32>,
    %scan3A_317 = arith.constant 1 : i32
    %scan3A_318 = arith.constant 127 : i32
    %scan3A_319 = arith.addi %scan3A_317, %scan3A_318 : i32
    %scan3A_320 = arith.constant 1 : i32
    %scan3A_321:2 = scf.for %scan3A_1072 = %scan3A_317 to %scan3A_319 step %scan3A_320 iter_args(%scan3A_1073 = %gather3A_316, %scan3A_1074 = %broadcast_in_dim3A_35) -> (vector<16xi32>, vector<16xi32>)  : i32 {
      %add3A_1075 = arith.addi %mul3A_41, %scan3A_1072 : i32
      %broadcast_in_dim3A_1076 = vector.broadcast %add3A_1075 : i32 to vector<16xi32>
      %gather3A_1077 = tpu.vector_load_idx %arg7[%broadcast_in_dim3A_1076] : memref<2048xi32, #tpu.memory_space<vmem>>[vector<16xi32>], vector<16xi32>,
      %gather3A_1078 = tpu.vector_load_idx %arg6[%gather3A_1077, %add3A_313] : memref<128x512xi32, #tpu.memory_space<vmem>>[vector<16xi32>, vector<16xi32>], vector<16xi32>,
      %and3A_1079 = arith.andi %scan3A_1073, %gather3A_1078 : vector<16xi32>
      %eq3A_1080 = arith.constant 0 : i32
      %eq3A_1081 = vector.broadcast %eq3A_1080 : i32 to vector<16xi32>
      %eq3A_1082 = arith.cmpi eq, %and3A_1079, %eq3A_1081 : vector<16xi32>
      %or3A = arith.ori %scan3A_1073, %gather3A_1078 : vector<16xi32>
      %select_n3A_1083 = arith.select %eq3A_1082, %or3A, %and3A_1079 : vector<16xi1>, vector<16xi32>
      %select_n3A_1084 = arith.select %eq3A_1082, %broadcast_in_dim3A_33, %broadcast_in_dim3A_35 : vector<16xi1>, vector<16xi32>
      %add3A_1085 = arith.addi %scan3A_1074, %select_n3A_1084 : vector<16xi32>
      scf.yield %select_n3A_1083, %add3A_1085 : vector<16xi32>, vector<16xi32>
    }
    %scan3A_322 = arith.constant 127 : i32
    %get3A_323 = arith.constant 272 : index
    %get3A_324 = tpu.vector_load %arg8[%get3A_323] {strides = array<i32>} : memref<512xi32, #tpu.memory_space<vmem>>, vector<16xi32>,
    %mul3A_325 = arith.muli %scan3A_321#1, %get3A_324 : vector<16xi32>
    %add3A_326 = arith.addi %add3A_310, %mul3A_325 : vector<16xi32>
    %add3A_327 = arith.constant 288 : i32
    %add3A_328 = vector.broadcast %add3A_327 : i32 to vector<16xi32>
    %add3A_329 = arith.addi %iota3A, %add3A_328 : vector<16xi32>
    %broadcast_in_dim3A_330 = vector.broadcast %mul3A_41 : i32 to vector<16xi32>
    %gather3A_331 = tpu.vector_load_idx %arg7[%broadcast_in_dim3A_330] : memref<2048xi32, #tpu.memory_space<vmem>>[vector<16xi32>], vector<16xi32>,
    %gather3A_332 = tpu.vector_load_idx %arg6[%gather3A_331, %add3A_329] : memref<128x512xi32, #tpu.memory_space<vmem>>[vector<16xi32>, vector<16xi32>], vector<16xi32>,
    %scan3A_333 = arith.constant 1 : i32
    %scan3A_334 = arith.constant 127 : i32
    %scan3A_335 = arith.addi %scan3A_333, %scan3A_334 : i32
    %scan3A_336 = arith.constant 1 : i32
    %scan3A_337:2 = scf.for %scan3A_1072 = %scan3A_333 to %scan3A_335 step %scan3A_336 iter_args(%scan3A_1073 = %gather3A_332, %scan3A_1074 = %broadcast_in_dim3A_35) -> (vector<16xi32>, vector<16xi32>)  : i32 {
      %add3A_1075 = arith.addi %mul3A_41, %scan3A_1072 : i32
      %broadcast_in_dim3A_1076 = vector.broadcast %add3A_1075 : i32 to vector<16xi32>
      %gather3A_1077 = tpu.vector_load_idx %arg7[%broadcast_in_dim3A_1076] : memref<2048xi32, #tpu.memory_space<vmem>>[vector<16xi32>], vector<16xi32>,
      %gather3A_1078 = tpu.vector_load_idx %arg6[%gather3A_1077, %add3A_329] : memref<128x512xi32, #tpu.memory_space<vmem>>[vector<16xi32>, vector<16xi32>], vector<16xi32>,
      %and3A_1079 = arith.andi %scan3A_1073, %gather3A_1078 : vector<16xi32>
      %eq3A_1080 = arith.constant 0 : i32
      %eq3A_1081 = vector.broadcast %eq3A_1080 : i32 to vector<16xi32>
      %eq3A_1082 = arith.cmpi eq, %and3A_1079, %eq3A_1081 : vector<16xi32>
      %or3A = arith.ori %scan3A_1073, %gather3A_1078 : vector<16xi32>
      %select_n3A_1083 = arith.select %eq3A_1082, %or3A, %and3A_1079 : vector<16xi1>, vector<16xi32>
      %select_n3A_1084 = arith.select %eq3A_1082, %broadcast_in_dim3A_33, %broadcast_in_dim3A_35 : vector<16xi1>, vector<16xi32>
      %add3A_1085 = arith.addi %scan3A_1074, %select_n3A_1084 : vector<16xi32>
      scf.yield %select_n3A_1083, %add3A_1085 : vector<16xi32>, vector<16xi32>
    }
    %scan3A_338 = arith.constant 127 : i32
    %get3A_339 = arith.constant 288 : index
    %get3A_340 = tpu.vector_load %arg8[%get3A_339] {strides = array<i32>} : memref<512xi32, #tpu.memory_space<vmem>>, vector<16xi32>,
    %mul3A_341 = arith.muli %scan3A_337#1, %get3A_340 : vector<16xi32>
    %add3A_342 = arith.addi %add3A_326, %mul3A_341 : vector<16xi32>
    %add3A_343 = arith.constant 304 : i32
    %add3A_344 = vector.broadcast %add3A_343 : i32 to vector<16xi32>
    %add3A_345 = arith.addi %iota3A, %add3A_344 : vector<16xi32>
    %broadcast_in_dim3A_346 = vector.broadcast %mul3A_41 : i32 to vector<16xi32>
    %gather3A_347 = tpu.vector_load_idx %arg7[%broadcast_in_dim3A_346] : memref<2048xi32, #tpu.memory_space<vmem>>[vector<16xi32>], vector<16xi32>,
    %gather3A_348 = tpu.vector_load_idx %arg6[%gather3A_347, %add3A_345] : memref<128x512xi32, #tpu.memory_space<vmem>>[vector<16xi32>, vector<16xi32>], vector<16xi32>,
    %scan3A_349 = arith.constant 1 : i32
    %scan3A_350 = arith.constant 127 : i32
    %scan3A_351 = arith.addi %scan3A_349, %scan3A_350 : i32
    %scan3A_352 = arith.constant 1 : i32
    %scan3A_353:2 = scf.for %scan3A_1072 = %scan3A_349 to %scan3A_351 step %scan3A_352 iter_args(%scan3A_1073 = %gather3A_348, %scan3A_1074 = %broadcast_in_dim3A_35) -> (vector<16xi32>, vector<16xi32>)  : i32 {
      %add3A_1075 = arith.addi %mul3A_41, %scan3A_1072 : i32
      %broadcast_in_dim3A_1076 = vector.broadcast %add3A_1075 : i32 to vector<16xi32>
      %gather3A_1077 = tpu.vector_load_idx %arg7[%broadcast_in_dim3A_1076] : memref<2048xi32, #tpu.memory_space<vmem>>[vector<16xi32>], vector<16xi32>,
      %gather3A_1078 = tpu.vector_load_idx %arg6[%gather3A_1077, %add3A_345] : memref<128x512xi32, #tpu.memory_space<vmem>>[vector<16xi32>, vector<16xi32>], vector<16xi32>,
      %and3A_1079 = arith.andi %scan3A_1073, %gather3A_1078 : vector<16xi32>
      %eq3A_1080 = arith.constant 0 : i32
      %eq3A_1081 = vector.broadcast %eq3A_1080 : i32 to vector<16xi32>
      %eq3A_1082 = arith.cmpi eq, %and3A_1079, %eq3A_1081 : vector<16xi32>
      %or3A = arith.ori %scan3A_1073, %gather3A_1078 : vector<16xi32>
      %select_n3A_1083 = arith.select %eq3A_1082, %or3A, %and3A_1079 : vector<16xi1>, vector<16xi32>
      %select_n3A_1084 = arith.select %eq3A_1082, %broadcast_in_dim3A_33, %broadcast_in_dim3A_35 : vector<16xi1>, vector<16xi32>
      %add3A_1085 = arith.addi %scan3A_1074, %select_n3A_1084 : vector<16xi32>
      scf.yield %select_n3A_1083, %add3A_1085 : vector<16xi32>, vector<16xi32>
    }
    %scan3A_354 = arith.constant 127 : i32
    %get3A_355 = arith.constant 304 : index
    %get3A_356 = tpu.vector_load %arg8[%get3A_355] {strides = array<i32>} : memref<512xi32, #tpu.memory_space<vmem>>, vector<16xi32>,
    %mul3A_357 = arith.muli %scan3A_353#1, %get3A_356 : vector<16xi32>
    %add3A_358 = arith.addi %add3A_342, %mul3A_357 : vector<16xi32>
    %add3A_359 = arith.constant 320 : i32
    %add3A_360 = vector.broadcast %add3A_359 : i32 to vector<16xi32>
    %add3A_361 = arith.addi %iota3A, %add3A_360 : vector<16xi32>
    %broadcast_in_dim3A_362 = vector.broadcast %mul3A_41 : i32 to vector<16xi32>
    %gather3A_363 = tpu.vector_load_idx %arg7[%broadcast_in_dim3A_362] : memref<2048xi32, #tpu.memory_space<vmem>>[vector<16xi32>], vector<16xi32>,
    %gather3A_364 = tpu.vector_load_idx %arg6[%gather3A_363, %add3A_361] : memref<128x512xi32, #tpu.memory_space<vmem>>[vector<16xi32>, vector<16xi32>], vector<16xi32>,
    %scan3A_365 = arith.constant 1 : i32
    %scan3A_366 = arith.constant 127 : i32
    %scan3A_367 = arith.addi %scan3A_365, %scan3A_366 : i32
    %scan3A_368 = arith.constant 1 : i32
    %scan3A_369:2 = scf.for %scan3A_1072 = %scan3A_365 to %scan3A_367 step %scan3A_368 iter_args(%scan3A_1073 = %gather3A_364, %scan3A_1074 = %broadcast_in_dim3A_35) -> (vector<16xi32>, vector<16xi32>)  : i32 {
      %add3A_1075 = arith.addi %mul3A_41, %scan3A_1072 : i32
      %broadcast_in_dim3A_1076 = vector.broadcast %add3A_1075 : i32 to vector<16xi32>
      %gather3A_1077 = tpu.vector_load_idx %arg7[%broadcast_in_dim3A_1076] : memref<2048xi32, #tpu.memory_space<vmem>>[vector<16xi32>], vector<16xi32>,
      %gather3A_1078 = tpu.vector_load_idx %arg6[%gather3A_1077, %add3A_361] : memref<128x512xi32, #tpu.memory_space<vmem>>[vector<16xi32>, vector<16xi32>], vector<16xi32>,
      %and3A_1079 = arith.andi %scan3A_1073, %gather3A_1078 : vector<16xi32>
      %eq3A_1080 = arith.constant 0 : i32
      %eq3A_1081 = vector.broadcast %eq3A_1080 : i32 to vector<16xi32>
      %eq3A_1082 = arith.cmpi eq, %and3A_1079, %eq3A_1081 : vector<16xi32>
      %or3A = arith.ori %scan3A_1073, %gather3A_1078 : vector<16xi32>
      %select_n3A_1083 = arith.select %eq3A_1082, %or3A, %and3A_1079 : vector<16xi1>, vector<16xi32>
      %select_n3A_1084 = arith.select %eq3A_1082, %broadcast_in_dim3A_33, %broadcast_in_dim3A_35 : vector<16xi1>, vector<16xi32>
      %add3A_1085 = arith.addi %scan3A_1074, %select_n3A_1084 : vector<16xi32>
      scf.yield %select_n3A_1083, %add3A_1085 : vector<16xi32>, vector<16xi32>
    }
    %scan3A_370 = arith.constant 127 : i32
    %get3A_371 = arith.constant 320 : index
    %get3A_372 = tpu.vector_load %arg8[%get3A_371] {strides = array<i32>} : memref<512xi32, #tpu.memory_space<vmem>>, vector<16xi32>,
    %mul3A_373 = arith.muli %scan3A_369#1, %get3A_372 : vector<16xi32>
    %add3A_374 = arith.addi %add3A_358, %mul3A_373 : vector<16xi32>
    %add3A_375 = arith.constant 336 : i32
    %add3A_376 = vector.broadcast %add3A_375 : i32 to vector<16xi32>
    %add3A_377 = arith.addi %iota3A, %add3A_376 : vector<16xi32>
    %broadcast_in_dim3A_378 = vector.broadcast %mul3A_41 : i32 to vector<16xi32>
    %gather3A_379 = tpu.vector_load_idx %arg7[%broadcast_in_dim3A_378] : memref<2048xi32, #tpu.memory_space<vmem>>[vector<16xi32>], vector<16xi32>,
    %gather3A_380 = tpu.vector_load_idx %arg6[%gather3A_379, %add3A_377] : memref<128x512xi32, #tpu.memory_space<vmem>>[vector<16xi32>, vector<16xi32>], vector<16xi32>,
    %scan3A_381 = arith.constant 1 : i32
    %scan3A_382 = arith.constant 127 : i32
    %scan3A_383 = arith.addi %scan3A_381, %scan3A_382 : i32
    %scan3A_384 = arith.constant 1 : i32
    %scan3A_385:2 = scf.for %scan3A_1072 = %scan3A_381 to %scan3A_383 step %scan3A_384 iter_args(%scan3A_1073 = %gather3A_380, %scan3A_1074 = %broadcast_in_dim3A_35) -> (vector<16xi32>, vector<16xi32>)  : i32 {
      %add3A_1075 = arith.addi %mul3A_41, %scan3A_1072 : i32
      %broadcast_in_dim3A_1076 = vector.broadcast %add3A_1075 : i32 to vector<16xi32>
      %gather3A_1077 = tpu.vector_load_idx %arg7[%broadcast_in_dim3A_1076] : memref<2048xi32, #tpu.memory_space<vmem>>[vector<16xi32>], vector<16xi32>,
      %gather3A_1078 = tpu.vector_load_idx %arg6[%gather3A_1077, %add3A_377] : memref<128x512xi32, #tpu.memory_space<vmem>>[vector<16xi32>, vector<16xi32>], vector<16xi32>,
      %and3A_1079 = arith.andi %scan3A_1073, %gather3A_1078 : vector<16xi32>
      %eq3A_1080 = arith.constant 0 : i32
      %eq3A_1081 = vector.broadcast %eq3A_1080 : i32 to vector<16xi32>
      %eq3A_1082 = arith.cmpi eq, %and3A_1079, %eq3A_1081 : vector<16xi32>
      %or3A = arith.ori %scan3A_1073, %gather3A_1078 : vector<16xi32>
      %select_n3A_1083 = arith.select %eq3A_1082, %or3A, %and3A_1079 : vector<16xi1>, vector<16xi32>
      %select_n3A_1084 = arith.select %eq3A_1082, %broadcast_in_dim3A_33, %broadcast_in_dim3A_35 : vector<16xi1>, vector<16xi32>
      %add3A_1085 = arith.addi %scan3A_1074, %select_n3A_1084 : vector<16xi32>
      scf.yield %select_n3A_1083, %add3A_1085 : vector<16xi32>, vector<16xi32>
    }
    %scan3A_386 = arith.constant 127 : i32
    %get3A_387 = arith.constant 336 : index
    %get3A_388 = tpu.vector_load %arg8[%get3A_387] {strides = array<i32>} : memref<512xi32, #tpu.memory_space<vmem>>, vector<16xi32>,
    %mul3A_389 = arith.muli %scan3A_385#1, %get3A_388 : vector<16xi32>
    %add3A_390 = arith.addi %add3A_374, %mul3A_389 : vector<16xi32>
    %add3A_391 = arith.constant 352 : i32
    %add3A_392 = vector.broadcast %add3A_391 : i32 to vector<16xi32>
    %add3A_393 = arith.addi %iota3A, %add3A_392 : vector<16xi32>
    %broadcast_in_dim3A_394 = vector.broadcast %mul3A_41 : i32 to vector<16xi32>
    %gather3A_395 = tpu.vector_load_idx %arg7[%broadcast_in_dim3A_394] : memref<2048xi32, #tpu.memory_space<vmem>>[vector<16xi32>], vector<16xi32>,
    %gather3A_396 = tpu.vector_load_idx %arg6[%gather3A_395, %add3A_393] : memref<128x512xi32, #tpu.memory_space<vmem>>[vector<16xi32>, vector<16xi32>], vector<16xi32>,
    %scan3A_397 = arith.constant 1 : i32
    %scan3A_398 = arith.constant 127 : i32
    %scan3A_399 = arith.addi %scan3A_397, %scan3A_398 : i32
    %scan3A_400 = arith.constant 1 : i32
    %scan3A_401:2 = scf.for %scan3A_1072 = %scan3A_397 to %scan3A_399 step %scan3A_400 iter_args(%scan3A_1073 = %gather3A_396, %scan3A_1074 = %broadcast_in_dim3A_35) -> (vector<16xi32>, vector<16xi32>)  : i32 {
      %add3A_1075 = arith.addi %mul3A_41, %scan3A_1072 : i32
      %broadcast_in_dim3A_1076 = vector.broadcast %add3A_1075 : i32 to vector<16xi32>
      %gather3A_1077 = tpu.vector_load_idx %arg7[%broadcast_in_dim3A_1076] : memref<2048xi32, #tpu.memory_space<vmem>>[vector<16xi32>], vector<16xi32>,
      %gather3A_1078 = tpu.vector_load_idx %arg6[%gather3A_1077, %add3A_393] : memref<128x512xi32, #tpu.memory_space<vmem>>[vector<16xi32>, vector<16xi32>], vector<16xi32>,
      %and3A_1079 = arith.andi %scan3A_1073, %gather3A_1078 : vector<16xi32>
      %eq3A_1080 = arith.constant 0 : i32
      %eq3A_1081 = vector.broadcast %eq3A_1080 : i32 to vector<16xi32>
      %eq3A_1082 = arith.cmpi eq, %and3A_1079, %eq3A_1081 : vector<16xi32>
      %or3A = arith.ori %scan3A_1073, %gather3A_1078 : vector<16xi32>
      %select_n3A_1083 = arith.select %eq3A_1082, %or3A, %and3A_1079 : vector<16xi1>, vector<16xi32>
      %select_n3A_1084 = arith.select %eq3A_1082, %broadcast_in_dim3A_33, %broadcast_in_dim3A_35 : vector<16xi1>, vector<16xi32>
      %add3A_1085 = arith.addi %scan3A_1074, %select_n3A_1084 : vector<16xi32>
      scf.yield %select_n3A_1083, %add3A_1085 : vector<16xi32>, vector<16xi32>
    }
    %scan3A_402 = arith.constant 127 : i32
    %get3A_403 = arith.constant 352 : index
    %get3A_404 = tpu.vector_load %arg8[%get3A_403] {strides = array<i32>} : memref<512xi32, #tpu.memory_space<vmem>>, vector<16xi32>,
    %mul3A_405 = arith.muli %scan3A_401#1, %get3A_404 : vector<16xi32>
    %add3A_406 = arith.addi %add3A_390, %mul3A_405 : vector<16xi32>
    %add3A_407 = arith.constant 368 : i32
    %add3A_408 = vector.broadcast %add3A_407 : i32 to vector<16xi32>
    %add3A_409 = arith.addi %iota3A, %add3A_408 : vector<16xi32>
    %broadcast_in_dim3A_410 = vector.broadcast %mul3A_41 : i32 to vector<16xi32>
    %gather3A_411 = tpu.vector_load_idx %arg7[%broadcast_in_dim3A_410] : memref<2048xi32, #tpu.memory_space<vmem>>[vector<16xi32>], vector<16xi32>,
    %gather3A_412 = tpu.vector_load_idx %arg6[%gather3A_411, %add3A_409] : memref<128x512xi32, #tpu.memory_space<vmem>>[vector<16xi32>, vector<16xi32>], vector<16xi32>,
    %scan3A_413 = arith.constant 1 : i32
    %scan3A_414 = arith.constant 127 : i32
    %scan3A_415 = arith.addi %scan3A_413, %scan3A_414 : i32
    %scan3A_416 = arith.constant 1 : i32
    %scan3A_417:2 = scf.for %scan3A_1072 = %scan3A_413 to %scan3A_415 step %scan3A_416 iter_args(%scan3A_1073 = %gather3A_412, %scan3A_1074 = %broadcast_in_dim3A_35) -> (vector<16xi32>, vector<16xi32>)  : i32 {
      %add3A_1075 = arith.addi %mul3A_41, %scan3A_1072 : i32
      %broadcast_in_dim3A_1076 = vector.broadcast %add3A_1075 : i32 to vector<16xi32>
      %gather3A_1077 = tpu.vector_load_idx %arg7[%broadcast_in_dim3A_1076] : memref<2048xi32, #tpu.memory_space<vmem>>[vector<16xi32>], vector<16xi32>,
      %gather3A_1078 = tpu.vector_load_idx %arg6[%gather3A_1077, %add3A_409] : memref<128x512xi32, #tpu.memory_space<vmem>>[vector<16xi32>, vector<16xi32>], vector<16xi32>,
      %and3A_1079 = arith.andi %scan3A_1073, %gather3A_1078 : vector<16xi32>
      %eq3A_1080 = arith.constant 0 : i32
      %eq3A_1081 = vector.broadcast %eq3A_1080 : i32 to vector<16xi32>
      %eq3A_1082 = arith.cmpi eq, %and3A_1079, %eq3A_1081 : vector<16xi32>
      %or3A = arith.ori %scan3A_1073, %gather3A_1078 : vector<16xi32>
      %select_n3A_1083 = arith.select %eq3A_1082, %or3A, %and3A_1079 : vector<16xi1>, vector<16xi32>
      %select_n3A_1084 = arith.select %eq3A_1082, %broadcast_in_dim3A_33, %broadcast_in_dim3A_35 : vector<16xi1>, vector<16xi32>
      %add3A_1085 = arith.addi %scan3A_1074, %select_n3A_1084 : vector<16xi32>
      scf.yield %select_n3A_1083, %add3A_1085 : vector<16xi32>, vector<16xi32>
    }
    %scan3A_418 = arith.constant 127 : i32
    %get3A_419 = arith.constant 368 : index
    %get3A_420 = tpu.vector_load %arg8[%get3A_419] {strides = array<i32>} : memref<512xi32, #tpu.memory_space<vmem>>, vector<16xi32>,
    %mul3A_421 = arith.muli %scan3A_417#1, %get3A_420 : vector<16xi32>
    %add3A_422 = arith.addi %add3A_406, %mul3A_421 : vector<16xi32>
    %add3A_423 = arith.constant 384 : i32
    %add3A_424 = vector.broadcast %add3A_423 : i32 to vector<16xi32>
    %add3A_425 = arith.addi %iota3A, %add3A_424 : vector<16xi32>
    %broadcast_in_dim3A_426 = vector.broadcast %mul3A_41 : i32 to vector<16xi32>
    %gather3A_427 = tpu.vector_load_idx %arg7[%broadcast_in_dim3A_426] : memref<2048xi32, #tpu.memory_space<vmem>>[vector<16xi32>], vector<16xi32>,
    %gather3A_428 = tpu.vector_load_idx %arg6[%gather3A_427, %add3A_425] : memref<128x512xi32, #tpu.memory_space<vmem>>[vector<16xi32>, vector<16xi32>], vector<16xi32>,
    %scan3A_429 = arith.constant 1 : i32
    %scan3A_430 = arith.constant 127 : i32
    %scan3A_431 = arith.addi %scan3A_429, %scan3A_430 : i32
    %scan3A_432 = arith.constant 1 : i32
    %scan3A_433:2 = scf.for %scan3A_1072 = %scan3A_429 to %scan3A_431 step %scan3A_432 iter_args(%scan3A_1073 = %gather3A_428, %scan3A_1074 = %broadcast_in_dim3A_35) -> (vector<16xi32>, vector<16xi32>)  : i32 {
      %add3A_1075 = arith.addi %mul3A_41, %scan3A_1072 : i32
      %broadcast_in_dim3A_1076 = vector.broadcast %add3A_1075 : i32 to vector<16xi32>
      %gather3A_1077 = tpu.vector_load_idx %arg7[%broadcast_in_dim3A_1076] : memref<2048xi32, #tpu.memory_space<vmem>>[vector<16xi32>], vector<16xi32>,
      %gather3A_1078 = tpu.vector_load_idx %arg6[%gather3A_1077, %add3A_425] : memref<128x512xi32, #tpu.memory_space<vmem>>[vector<16xi32>, vector<16xi32>], vector<16xi32>,
      %and3A_1079 = arith.andi %scan3A_1073, %gather3A_1078 : vector<16xi32>
      %eq3A_1080 = arith.constant 0 : i32
      %eq3A_1081 = vector.broadcast %eq3A_1080 : i32 to vector<16xi32>
      %eq3A_1082 = arith.cmpi eq, %and3A_1079, %eq3A_1081 : vector<16xi32>
      %or3A = arith.ori %scan3A_1073, %gather3A_1078 : vector<16xi32>
      %select_n3A_1083 = arith.select %eq3A_1082, %or3A, %and3A_1079 : vector<16xi1>, vector<16xi32>
      %select_n3A_1084 = arith.select %eq3A_1082, %broadcast_in_dim3A_33, %broadcast_in_dim3A_35 : vector<16xi1>, vector<16xi32>
      %add3A_1085 = arith.addi %scan3A_1074, %select_n3A_1084 : vector<16xi32>
      scf.yield %select_n3A_1083, %add3A_1085 : vector<16xi32>, vector<16xi32>
    }
    %scan3A_434 = arith.constant 127 : i32
    %get3A_435 = arith.constant 384 : index
    %get3A_436 = tpu.vector_load %arg8[%get3A_435] {strides = array<i32>} : memref<512xi32, #tpu.memory_space<vmem>>, vector<16xi32>,
    %mul3A_437 = arith.muli %scan3A_433#1, %get3A_436 : vector<16xi32>
    %add3A_438 = arith.addi %add3A_422, %mul3A_437 : vector<16xi32>
    %add3A_439 = arith.constant 400 : i32
    %add3A_440 = vector.broadcast %add3A_439 : i32 to vector<16xi32>
    %add3A_441 = arith.addi %iota3A, %add3A_440 : vector<16xi32>
    %broadcast_in_dim3A_442 = vector.broadcast %mul3A_41 : i32 to vector<16xi32>
    %gather3A_443 = tpu.vector_load_idx %arg7[%broadcast_in_dim3A_442] : memref<2048xi32, #tpu.memory_space<vmem>>[vector<16xi32>], vector<16xi32>,
    %gather3A_444 = tpu.vector_load_idx %arg6[%gather3A_443, %add3A_441] : memref<128x512xi32, #tpu.memory_space<vmem>>[vector<16xi32>, vector<16xi32>], vector<16xi32>,
    %scan3A_445 = arith.constant 1 : i32
    %scan3A_446 = arith.constant 127 : i32
    %scan3A_447 = arith.addi %scan3A_445, %scan3A_446 : i32
    %scan3A_448 = arith.constant 1 : i32
    %scan3A_449:2 = scf.for %scan3A_1072 = %scan3A_445 to %scan3A_447 step %scan3A_448 iter_args(%scan3A_1073 = %gather3A_444, %scan3A_1074 = %broadcast_in_dim3A_35) -> (vector<16xi32>, vector<16xi32>)  : i32 {
      %add3A_1075 = arith.addi %mul3A_41, %scan3A_1072 : i32
      %broadcast_in_dim3A_1076 = vector.broadcast %add3A_1075 : i32 to vector<16xi32>
      %gather3A_1077 = tpu.vector_load_idx %arg7[%broadcast_in_dim3A_1076] : memref<2048xi32, #tpu.memory_space<vmem>>[vector<16xi32>], vector<16xi32>,
      %gather3A_1078 = tpu.vector_load_idx %arg6[%gather3A_1077, %add3A_441] : memref<128x512xi32, #tpu.memory_space<vmem>>[vector<16xi32>, vector<16xi32>], vector<16xi32>,
      %and3A_1079 = arith.andi %scan3A_1073, %gather3A_1078 : vector<16xi32>
      %eq3A_1080 = arith.constant 0 : i32
      %eq3A_1081 = vector.broadcast %eq3A_1080 : i32 to vector<16xi32>
      %eq3A_1082 = arith.cmpi eq, %and3A_1079, %eq3A_1081 : vector<16xi32>
      %or3A = arith.ori %scan3A_1073, %gather3A_1078 : vector<16xi32>
      %select_n3A_1083 = arith.select %eq3A_1082, %or3A, %and3A_1079 : vector<16xi1>, vector<16xi32>
      %select_n3A_1084 = arith.select %eq3A_1082, %broadcast_in_dim3A_33, %broadcast_in_dim3A_35 : vector<16xi1>, vector<16xi32>
      %add3A_1085 = arith.addi %scan3A_1074, %select_n3A_1084 : vector<16xi32>
      scf.yield %select_n3A_1083, %add3A_1085 : vector<16xi32>, vector<16xi32>
    }
    %scan3A_450 = arith.constant 127 : i32
    %get3A_451 = arith.constant 400 : index
    %get3A_452 = tpu.vector_load %arg8[%get3A_451] {strides = array<i32>} : memref<512xi32, #tpu.memory_space<vmem>>, vector<16xi32>,
    %mul3A_453 = arith.muli %scan3A_449#1, %get3A_452 : vector<16xi32>
    %add3A_454 = arith.addi %add3A_438, %mul3A_453 : vector<16xi32>
    %add3A_455 = arith.constant 416 : i32
    %add3A_456 = vector.broadcast %add3A_455 : i32 to vector<16xi32>
    %add3A_457 = arith.addi %iota3A, %add3A_456 : vector<16xi32>
    %broadcast_in_dim3A_458 = vector.broadcast %mul3A_41 : i32 to vector<16xi32>
    %gather3A_459 = tpu.vector_load_idx %arg7[%broadcast_in_dim3A_458] : memref<2048xi32, #tpu.memory_space<vmem>>[vector<16xi32>], vector<16xi32>,
    %gather3A_460 = tpu.vector_load_idx %arg6[%gather3A_459, %add3A_457] : memref<128x512xi32, #tpu.memory_space<vmem>>[vector<16xi32>, vector<16xi32>], vector<16xi32>,
    %scan3A_461 = arith.constant 1 : i32
    %scan3A_462 = arith.constant 127 : i32
    %scan3A_463 = arith.addi %scan3A_461, %scan3A_462 : i32
    %scan3A_464 = arith.constant 1 : i32
    %scan3A_465:2 = scf.for %scan3A_1072 = %scan3A_461 to %scan3A_463 step %scan3A_464 iter_args(%scan3A_1073 = %gather3A_460, %scan3A_1074 = %broadcast_in_dim3A_35) -> (vector<16xi32>, vector<16xi32>)  : i32 {
      %add3A_1075 = arith.addi %mul3A_41, %scan3A_1072 : i32
      %broadcast_in_dim3A_1076 = vector.broadcast %add3A_1075 : i32 to vector<16xi32>
      %gather3A_1077 = tpu.vector_load_idx %arg7[%broadcast_in_dim3A_1076] : memref<2048xi32, #tpu.memory_space<vmem>>[vector<16xi32>], vector<16xi32>,
      %gather3A_1078 = tpu.vector_load_idx %arg6[%gather3A_1077, %add3A_457] : memref<128x512xi32, #tpu.memory_space<vmem>>[vector<16xi32>, vector<16xi32>], vector<16xi32>,
      %and3A_1079 = arith.andi %scan3A_1073, %gather3A_1078 : vector<16xi32>
      %eq3A_1080 = arith.constant 0 : i32
      %eq3A_1081 = vector.broadcast %eq3A_1080 : i32 to vector<16xi32>
      %eq3A_1082 = arith.cmpi eq, %and3A_1079, %eq3A_1081 : vector<16xi32>
      %or3A = arith.ori %scan3A_1073, %gather3A_1078 : vector<16xi32>
      %select_n3A_1083 = arith.select %eq3A_1082, %or3A, %and3A_1079 : vector<16xi1>, vector<16xi32>
      %select_n3A_1084 = arith.select %eq3A_1082, %broadcast_in_dim3A_33, %broadcast_in_dim3A_35 : vector<16xi1>, vector<16xi32>
      %add3A_1085 = arith.addi %scan3A_1074, %select_n3A_1084 : vector<16xi32>
      scf.yield %select_n3A_1083, %add3A_1085 : vector<16xi32>, vector<16xi32>
    }
    %scan3A_466 = arith.constant 127 : i32
    %get3A_467 = arith.constant 416 : index
    %get3A_468 = tpu.vector_load %arg8[%get3A_467] {strides = array<i32>} : memref<512xi32, #tpu.memory_space<vmem>>, vector<16xi32>,
    %mul3A_469 = arith.muli %scan3A_465#1, %get3A_468 : vector<16xi32>
    %add3A_470 = arith.addi %add3A_454, %mul3A_469 : vector<16xi32>
    %add3A_471 = arith.constant 432 : i32
    %add3A_472 = vector.broadcast %add3A_471 : i32 to vector<16xi32>
    %add3A_473 = arith.addi %iota3A, %add3A_472 : vector<16xi32>
    %broadcast_in_dim3A_474 = vector.broadcast %mul3A_41 : i32 to vector<16xi32>
    %gather3A_475 = tpu.vector_load_idx %arg7[%broadcast_in_dim3A_474] : memref<2048xi32, #tpu.memory_space<vmem>>[vector<16xi32>], vector<16xi32>,
    %gather3A_476 = tpu.vector_load_idx %arg6[%gather3A_475, %add3A_473] : memref<128x512xi32, #tpu.memory_space<vmem>>[vector<16xi32>, vector<16xi32>], vector<16xi32>,
    %scan3A_477 = arith.constant 1 : i32
    %scan3A_478 = arith.constant 127 : i32
    %scan3A_479 = arith.addi %scan3A_477, %scan3A_478 : i32
    %scan3A_480 = arith.constant 1 : i32
    %scan3A_481:2 = scf.for %scan3A_1072 = %scan3A_477 to %scan3A_479 step %scan3A_480 iter_args(%scan3A_1073 = %gather3A_476, %scan3A_1074 = %broadcast_in_dim3A_35) -> (vector<16xi32>, vector<16xi32>)  : i32 {
      %add3A_1075 = arith.addi %mul3A_41, %scan3A_1072 : i32
      %broadcast_in_dim3A_1076 = vector.broadcast %add3A_1075 : i32 to vector<16xi32>
      %gather3A_1077 = tpu.vector_load_idx %arg7[%broadcast_in_dim3A_1076] : memref<2048xi32, #tpu.memory_space<vmem>>[vector<16xi32>], vector<16xi32>,
      %gather3A_1078 = tpu.vector_load_idx %arg6[%gather3A_1077, %add3A_473] : memref<128x512xi32, #tpu.memory_space<vmem>>[vector<16xi32>, vector<16xi32>], vector<16xi32>,
      %and3A_1079 = arith.andi %scan3A_1073, %gather3A_1078 : vector<16xi32>
      %eq3A_1080 = arith.constant 0 : i32
      %eq3A_1081 = vector.broadcast %eq3A_1080 : i32 to vector<16xi32>
      %eq3A_1082 = arith.cmpi eq, %and3A_1079, %eq3A_1081 : vector<16xi32>
      %or3A = arith.ori %scan3A_1073, %gather3A_1078 : vector<16xi32>
      %select_n3A_1083 = arith.select %eq3A_1082, %or3A, %and3A_1079 : vector<16xi1>, vector<16xi32>
      %select_n3A_1084 = arith.select %eq3A_1082, %broadcast_in_dim3A_33, %broadcast_in_dim3A_35 : vector<16xi1>, vector<16xi32>
      %add3A_1085 = arith.addi %scan3A_1074, %select_n3A_1084 : vector<16xi32>
      scf.yield %select_n3A_1083, %add3A_1085 : vector<16xi32>, vector<16xi32>
    }
    %scan3A_482 = arith.constant 127 : i32
    %get3A_483 = arith.constant 432 : index
    %get3A_484 = tpu.vector_load %arg8[%get3A_483] {strides = array<i32>} : memref<512xi32, #tpu.memory_space<vmem>>, vector<16xi32>,
    %mul3A_485 = arith.muli %scan3A_481#1, %get3A_484 : vector<16xi32>
    %add3A_486 = arith.addi %add3A_470, %mul3A_485 : vector<16xi32>
    %add3A_487 = arith.constant 448 : i32
    %add3A_488 = vector.broadcast %add3A_487 : i32 to vector<16xi32>
    %add3A_489 = arith.addi %iota3A, %add3A_488 : vector<16xi32>
    %broadcast_in_dim3A_490 = vector.broadcast %mul3A_41 : i32 to vector<16xi32>
    %gather3A_491 = tpu.vector_load_idx %arg7[%broadcast_in_dim3A_490] : memref<2048xi32, #tpu.memory_space<vmem>>[vector<16xi32>], vector<16xi32>,
    %gather3A_492 = tpu.vector_load_idx %arg6[%gather3A_491, %add3A_489] : memref<128x512xi32, #tpu.memory_space<vmem>>[vector<16xi32>, vector<16xi32>], vector<16xi32>,
    %scan3A_493 = arith.constant 1 : i32
    %scan3A_494 = arith.constant 127 : i32
    %scan3A_495 = arith.addi %scan3A_493, %scan3A_494 : i32
    %scan3A_496 = arith.constant 1 : i32
    %scan3A_497:2 = scf.for %scan3A_1072 = %scan3A_493 to %scan3A_495 step %scan3A_496 iter_args(%scan3A_1073 = %gather3A_492, %scan3A_1074 = %broadcast_in_dim3A_35) -> (vector<16xi32>, vector<16xi32>)  : i32 {
      %add3A_1075 = arith.addi %mul3A_41, %scan3A_1072 : i32
      %broadcast_in_dim3A_1076 = vector.broadcast %add3A_1075 : i32 to vector<16xi32>
      %gather3A_1077 = tpu.vector_load_idx %arg7[%broadcast_in_dim3A_1076] : memref<2048xi32, #tpu.memory_space<vmem>>[vector<16xi32>], vector<16xi32>,
      %gather3A_1078 = tpu.vector_load_idx %arg6[%gather3A_1077, %add3A_489] : memref<128x512xi32, #tpu.memory_space<vmem>>[vector<16xi32>, vector<16xi32>], vector<16xi32>,
      %and3A_1079 = arith.andi %scan3A_1073, %gather3A_1078 : vector<16xi32>
      %eq3A_1080 = arith.constant 0 : i32
      %eq3A_1081 = vector.broadcast %eq3A_1080 : i32 to vector<16xi32>
      %eq3A_1082 = arith.cmpi eq, %and3A_1079, %eq3A_1081 : vector<16xi32>
      %or3A = arith.ori %scan3A_1073, %gather3A_1078 : vector<16xi32>
      %select_n3A_1083 = arith.select %eq3A_1082, %or3A, %and3A_1079 : vector<16xi1>, vector<16xi32>
      %select_n3A_1084 = arith.select %eq3A_1082, %broadcast_in_dim3A_33, %broadcast_in_dim3A_35 : vector<16xi1>, vector<16xi32>
      %add3A_1085 = arith.addi %scan3A_1074, %select_n3A_1084 : vector<16xi32>
      scf.yield %select_n3A_1083, %add3A_1085 : vector<16xi32>, vector<16xi32>
    }
    %scan3A_498 = arith.constant 127 : i32
    %get3A_499 = arith.constant 448 : index
    %get3A_500 = tpu.vector_load %arg8[%get3A_499] {strides = array<i32>} : memref<512xi32, #tpu.memory_space<vmem>>, vector<16xi32>,
    %mul3A_501 = arith.muli %scan3A_497#1, %get3A_500 : vector<16xi32>
    %add3A_502 = arith.addi %add3A_486, %mul3A_501 : vector<16xi32>
    %add3A_503 = arith.constant 464 : i32
    %add3A_504 = vector.broadcast %add3A_503 : i32 to vector<16xi32>
    %add3A_505 = arith.addi %iota3A, %add3A_504 : vector<16xi32>
    %broadcast_in_dim3A_506 = vector.broadcast %mul3A_41 : i32 to vector<16xi32>
    %gather3A_507 = tpu.vector_load_idx %arg7[%broadcast_in_dim3A_506] : memref<2048xi32, #tpu.memory_space<vmem>>[vector<16xi32>], vector<16xi32>,
    %gather3A_508 = tpu.vector_load_idx %arg6[%gather3A_507, %add3A_505] : memref<128x512xi32, #tpu.memory_space<vmem>>[vector<16xi32>, vector<16xi32>], vector<16xi32>,
    %scan3A_509 = arith.constant 1 : i32
    %scan3A_510 = arith.constant 127 : i32
    %scan3A_511 = arith.addi %scan3A_509, %scan3A_510 : i32
    %scan3A_512 = arith.constant 1 : i32
    %scan3A_513:2 = scf.for %scan3A_1072 = %scan3A_509 to %scan3A_511 step %scan3A_512 iter_args(%scan3A_1073 = %gather3A_508, %scan3A_1074 = %broadcast_in_dim3A_35) -> (vector<16xi32>, vector<16xi32>)  : i32 {
      %add3A_1075 = arith.addi %mul3A_41, %scan3A_1072 : i32
      %broadcast_in_dim3A_1076 = vector.broadcast %add3A_1075 : i32 to vector<16xi32>
      %gather3A_1077 = tpu.vector_load_idx %arg7[%broadcast_in_dim3A_1076] : memref<2048xi32, #tpu.memory_space<vmem>>[vector<16xi32>], vector<16xi32>,
      %gather3A_1078 = tpu.vector_load_idx %arg6[%gather3A_1077, %add3A_505] : memref<128x512xi32, #tpu.memory_space<vmem>>[vector<16xi32>, vector<16xi32>], vector<16xi32>,
      %and3A_1079 = arith.andi %scan3A_1073, %gather3A_1078 : vector<16xi32>
      %eq3A_1080 = arith.constant 0 : i32
      %eq3A_1081 = vector.broadcast %eq3A_1080 : i32 to vector<16xi32>
      %eq3A_1082 = arith.cmpi eq, %and3A_1079, %eq3A_1081 : vector<16xi32>
      %or3A = arith.ori %scan3A_1073, %gather3A_1078 : vector<16xi32>
      %select_n3A_1083 = arith.select %eq3A_1082, %or3A, %and3A_1079 : vector<16xi1>, vector<16xi32>
      %select_n3A_1084 = arith.select %eq3A_1082, %broadcast_in_dim3A_33, %broadcast_in_dim3A_35 : vector<16xi1>, vector<16xi32>
      %add3A_1085 = arith.addi %scan3A_1074, %select_n3A_1084 : vector<16xi32>
      scf.yield %select_n3A_1083, %add3A_1085 : vector<16xi32>, vector<16xi32>
    }
    %scan3A_514 = arith.constant 127 : i32
    %get3A_515 = arith.constant 464 : index
    %get3A_516 = tpu.vector_load %arg8[%get3A_515] {strides = array<i32>} : memref<512xi32, #tpu.memory_space<vmem>>, vector<16xi32>,
    %mul3A_517 = arith.muli %scan3A_513#1, %get3A_516 : vector<16xi32>
    %add3A_518 = arith.addi %add3A_502, %mul3A_517 : vector<16xi32>
    %add3A_519 = arith.constant 480 : i32
    %add3A_520 = vector.broadcast %add3A_519 : i32 to vector<16xi32>
    %add3A_521 = arith.addi %iota3A, %add3A_520 : vector<16xi32>
    %broadcast_in_dim3A_522 = vector.broadcast %mul3A_41 : i32 to vector<16xi32>
    %gather3A_523 = tpu.vector_load_idx %arg7[%broadcast_in_dim3A_522] : memref<2048xi32, #tpu.memory_space<vmem>>[vector<16xi32>], vector<16xi32>,
    %gather3A_524 = tpu.vector_load_idx %arg6[%gather3A_523, %add3A_521] : memref<128x512xi32, #tpu.memory_space<vmem>>[vector<16xi32>, vector<16xi32>], vector<16xi32>,
    %scan3A_525 = arith.constant 1 : i32
    %scan3A_526 = arith.constant 127 : i32
    %scan3A_527 = arith.addi %scan3A_525, %scan3A_526 : i32
    %scan3A_528 = arith.constant 1 : i32
    %scan3A_529:2 = scf.for %scan3A_1072 = %scan3A_525 to %scan3A_527 step %scan3A_528 iter_args(%scan3A_1073 = %gather3A_524, %scan3A_1074 = %broadcast_in_dim3A_35) -> (vector<16xi32>, vector<16xi32>)  : i32 {
      %add3A_1075 = arith.addi %mul3A_41, %scan3A_1072 : i32
      %broadcast_in_dim3A_1076 = vector.broadcast %add3A_1075 : i32 to vector<16xi32>
      %gather3A_1077 = tpu.vector_load_idx %arg7[%broadcast_in_dim3A_1076] : memref<2048xi32, #tpu.memory_space<vmem>>[vector<16xi32>], vector<16xi32>,
      %gather3A_1078 = tpu.vector_load_idx %arg6[%gather3A_1077, %add3A_521] : memref<128x512xi32, #tpu.memory_space<vmem>>[vector<16xi32>, vector<16xi32>], vector<16xi32>,
      %and3A_1079 = arith.andi %scan3A_1073, %gather3A_1078 : vector<16xi32>
      %eq3A_1080 = arith.constant 0 : i32
      %eq3A_1081 = vector.broadcast %eq3A_1080 : i32 to vector<16xi32>
      %eq3A_1082 = arith.cmpi eq, %and3A_1079, %eq3A_1081 : vector<16xi32>
      %or3A = arith.ori %scan3A_1073, %gather3A_1078 : vector<16xi32>
      %select_n3A_1083 = arith.select %eq3A_1082, %or3A, %and3A_1079 : vector<16xi1>, vector<16xi32>
      %select_n3A_1084 = arith.select %eq3A_1082, %broadcast_in_dim3A_33, %broadcast_in_dim3A_35 : vector<16xi1>, vector<16xi32>
      %add3A_1085 = arith.addi %scan3A_1074, %select_n3A_1084 : vector<16xi32>
      scf.yield %select_n3A_1083, %add3A_1085 : vector<16xi32>, vector<16xi32>
    }
    %scan3A_530 = arith.constant 127 : i32
    %get3A_531 = arith.constant 480 : index
    %get3A_532 = tpu.vector_load %arg8[%get3A_531] {strides = array<i32>} : memref<512xi32, #tpu.memory_space<vmem>>, vector<16xi32>,
    %mul3A_533 = arith.muli %scan3A_529#1, %get3A_532 : vector<16xi32>
    %add3A_534 = arith.addi %add3A_518, %mul3A_533 : vector<16xi32>
    %add3A_535 = arith.constant 496 : i32
    %add3A_536 = vector.broadcast %add3A_535 : i32 to vector<16xi32>
    %add3A_537 = arith.addi %iota3A, %add3A_536 : vector<16xi32>
    %broadcast_in_dim3A_538 = vector.broadcast %mul3A_41 : i32 to vector<16xi32>
    %gather3A_539 = tpu.vector_load_idx %arg7[%broadcast_in_dim3A_538] : memref<2048xi32, #tpu.memory_space<vmem>>[vector<16xi32>], vector<16xi32>,
    %gather3A_540 = tpu.vector_load_idx %arg6[%gather3A_539, %add3A_537] : memref<128x512xi32, #tpu.memory_space<vmem>>[vector<16xi32>, vector<16xi32>], vector<16xi32>,
    %scan3A_541 = arith.constant 1 : i32
    %scan3A_542 = arith.constant 127 : i32
    %scan3A_543 = arith.addi %scan3A_541, %scan3A_542 : i32
    %scan3A_544 = arith.constant 1 : i32
    %scan3A_545:2 = scf.for %scan3A_1072 = %scan3A_541 to %scan3A_543 step %scan3A_544 iter_args(%scan3A_1073 = %gather3A_540, %scan3A_1074 = %broadcast_in_dim3A_35) -> (vector<16xi32>, vector<16xi32>)  : i32 {
      %add3A_1075 = arith.addi %mul3A_41, %scan3A_1072 : i32
      %broadcast_in_dim3A_1076 = vector.broadcast %add3A_1075 : i32 to vector<16xi32>
      %gather3A_1077 = tpu.vector_load_idx %arg7[%broadcast_in_dim3A_1076] : memref<2048xi32, #tpu.memory_space<vmem>>[vector<16xi32>], vector<16xi32>,
      %gather3A_1078 = tpu.vector_load_idx %arg6[%gather3A_1077, %add3A_537] : memref<128x512xi32, #tpu.memory_space<vmem>>[vector<16xi32>, vector<16xi32>], vector<16xi32>,
      %and3A_1079 = arith.andi %scan3A_1073, %gather3A_1078 : vector<16xi32>
      %eq3A_1080 = arith.constant 0 : i32
      %eq3A_1081 = vector.broadcast %eq3A_1080 : i32 to vector<16xi32>
      %eq3A_1082 = arith.cmpi eq, %and3A_1079, %eq3A_1081 : vector<16xi32>
      %or3A = arith.ori %scan3A_1073, %gather3A_1078 : vector<16xi32>
      %select_n3A_1083 = arith.select %eq3A_1082, %or3A, %and3A_1079 : vector<16xi1>, vector<16xi32>
      %select_n3A_1084 = arith.select %eq3A_1082, %broadcast_in_dim3A_33, %broadcast_in_dim3A_35 : vector<16xi1>, vector<16xi32>
      %add3A_1085 = arith.addi %scan3A_1074, %select_n3A_1084 : vector<16xi32>
      scf.yield %select_n3A_1083, %add3A_1085 : vector<16xi32>, vector<16xi32>
    }
    %scan3A_546 = arith.constant 127 : i32
    %get3A_547 = arith.constant 496 : index
    %get3A_548 = tpu.vector_load %arg8[%get3A_547] {strides = array<i32>} : memref<512xi32, #tpu.memory_space<vmem>>, vector<16xi32>,
    %mul3A_549 = arith.muli %scan3A_545#1, %get3A_548 : vector<16xi32>
    %add3A_550 = arith.addi %add3A_534, %mul3A_549 : vector<16xi32>
    %swap3A = arith.constant 0 : index
    %swap3A_551 = tpu.vector_load %arg9[%swap3A] {strides = array<i32>} : memref<16xi32, #tpu.memory_space<vmem>>, vector<16xi32>,
    tpu.vector_store %arg9[%swap3A], %add3A_550 {strides = array<i32>} : memref<16xi32, #tpu.memory_space<vmem>>, vector<16xi32>,
    "tpu.region"() ({
      %run_scoped3A = tpu.sem_alloc : memref<!tpu.dma_semaphore, #tpu.memory_space<semaphore_mem>>
      %dma_start3A = arith.constant 0 : i32
      %dma_start3A_1072 = tpu.memref_slice %arg5[%add3A_39, %select_n3A_30, %dma_start3A] : memref<16x4x16xi32, #tpu.memory_space<hbm>> -> memref<1x1x16xi32, #tpu.memory_space<hbm>>
      %dma_start3A_1073 = tpu.memref_squeeze %dma_start3A_1072 : memref<1x1x16xi32, #tpu.memory_space<hbm>> -> memref<16xi32, #tpu.memory_space<hbm>>
      %dma_start3A_1074 = arith.constant 0 : i32
      %dma_start3A_1075 = tpu.memref_slice %arg5[%add3A_39, %select_n3A_30, %dma_start3A_1074] : memref<16x4x16xi32, #tpu.memory_space<hbm>> -> memref<1x1x16xi32, #tpu.memory_space<hbm>>
      %dma_start3A_1076 = tpu.memref_squeeze %dma_start3A_1075 : memref<1x1x16xi32, #tpu.memory_space<hbm>> -> memref<16xi32, #tpu.memory_space<hbm>>
      tpu.enqueue_dma source(%arg9 : memref<16xi32, #tpu.memory_space<vmem>>) target(%dma_start3A_1076 : memref<16xi32, #tpu.memory_space<hbm>>) target_semaphore(%run_scoped3A : memref<!tpu.dma_semaphore, #tpu.memory_space<semaphore_mem>>)
      %dma_wait3A = arith.constant 0 : i32
      %dma_wait3A_1077 = tpu.memref_slice %arg5[%add3A_39, %select_n3A_30, %dma_wait3A] : memref<16x4x16xi32, #tpu.memory_space<hbm>> -> memref<1x1x16xi32, #tpu.memory_space<hbm>>
      %dma_wait3A_1078 = tpu.memref_squeeze %dma_wait3A_1077 : memref<1x1x16xi32, #tpu.memory_space<hbm>> -> memref<16xi32, #tpu.memory_space<hbm>>
      %dma_wait3A_1079 = arith.constant 0 : i32
      %dma_wait3A_1080 = tpu.memref_slice %arg5[%add3A_39, %select_n3A_30, %dma_wait3A_1079] : memref<16x4x16xi32, #tpu.memory_space<hbm>> -> memref<1x1x16xi32, #tpu.memory_space<hbm>>
      %dma_wait3A_1081 = tpu.memref_squeeze %dma_wait3A_1080 : memref<1x1x16xi32, #tpu.memory_space<hbm>> -> memref<16xi32, #tpu.memory_space<hbm>>
      tpu.wait_dma2 semaphore(%run_scoped3A : memref<!tpu.dma_semaphore, #tpu.memory_space<semaphore_mem>>) src(%arg9 : memref<16xi32, #tpu.memory_space<vmem>>) dst(%dma_wait3A_1081 : memref<16xi32, #tpu.memory_space<hbm>>)
      tpu.yield
    }) : () -> ()
    %mul3A_552 = arith.constant 2 : i32
    %mul3A_553 = arith.muli %select_n3A, %mul3A_552 : i32
    %add3A_554 = arith.constant 1 : i32
    %add3A_555 = arith.addi %mul3A_553, %add3A_554 : i32
    %mul3A_556 = arith.constant 128 : i32
    %mul3A_557 = arith.muli %add3A_555, %mul3A_556 : i32
    %add3A_558 = arith.constant 0 : i32
    %add3A_559 = vector.broadcast %add3A_558 : i32 to vector<16xi32>
    %add3A_560 = arith.addi %iota3A, %add3A_559 : vector<16xi32>
    %broadcast_in_dim3A_561 = vector.broadcast %mul3A_557 : i32 to vector<16xi32>
    %gather3A_562 = tpu.vector_load_idx %arg7[%broadcast_in_dim3A_561] : memref<2048xi32, #tpu.memory_space<vmem>>[vector<16xi32>], vector<16xi32>,
    %gather3A_563 = tpu.vector_load_idx %arg6[%gather3A_562, %add3A_560] : memref<128x512xi32, #tpu.memory_space<vmem>>[vector<16xi32>, vector<16xi32>], vector<16xi32>,
    %scan3A_564 = arith.constant 1 : i32
    %scan3A_565 = arith.constant 127 : i32
    %scan3A_566 = arith.addi %scan3A_564, %scan3A_565 : i32
    %scan3A_567 = arith.constant 1 : i32
    %scan3A_568:2 = scf.for %scan3A_1072 = %scan3A_564 to %scan3A_566 step %scan3A_567 iter_args(%scan3A_1073 = %gather3A_563, %scan3A_1074 = %broadcast_in_dim3A_35) -> (vector<16xi32>, vector<16xi32>)  : i32 {
      %add3A_1075 = arith.addi %mul3A_557, %scan3A_1072 : i32
      %broadcast_in_dim3A_1076 = vector.broadcast %add3A_1075 : i32 to vector<16xi32>
      %gather3A_1077 = tpu.vector_load_idx %arg7[%broadcast_in_dim3A_1076] : memref<2048xi32, #tpu.memory_space<vmem>>[vector<16xi32>], vector<16xi32>,
      %gather3A_1078 = tpu.vector_load_idx %arg6[%gather3A_1077, %add3A_560] : memref<128x512xi32, #tpu.memory_space<vmem>>[vector<16xi32>, vector<16xi32>], vector<16xi32>,
      %and3A_1079 = arith.andi %scan3A_1073, %gather3A_1078 : vector<16xi32>
      %eq3A_1080 = arith.constant 0 : i32
      %eq3A_1081 = vector.broadcast %eq3A_1080 : i32 to vector<16xi32>
      %eq3A_1082 = arith.cmpi eq, %and3A_1079, %eq3A_1081 : vector<16xi32>
      %or3A = arith.ori %scan3A_1073, %gather3A_1078 : vector<16xi32>
      %select_n3A_1083 = arith.select %eq3A_1082, %or3A, %and3A_1079 : vector<16xi1>, vector<16xi32>
      %select_n3A_1084 = arith.select %eq3A_1082, %broadcast_in_dim3A_33, %broadcast_in_dim3A_35 : vector<16xi1>, vector<16xi32>
      %add3A_1085 = arith.addi %scan3A_1074, %select_n3A_1084 : vector<16xi32>
      scf.yield %select_n3A_1083, %add3A_1085 : vector<16xi32>, vector<16xi32>
    }
    %scan3A_569 = arith.constant 127 : i32
    %get3A_570 = arith.constant 0 : index
    %get3A_571 = tpu.vector_load %arg8[%get3A_570] {strides = array<i32>} : memref<512xi32, #tpu.memory_space<vmem>>, vector<16xi32>,
    %mul3A_572 = arith.muli %scan3A_568#1, %get3A_571 : vector<16xi32>
    %add3A_573 = arith.addi %broadcast_in_dim3A_35, %mul3A_572 : vector<16xi32>
    %add3A_574 = arith.constant 16 : i32
    %add3A_575 = vector.broadcast %add3A_574 : i32 to vector<16xi32>
    %add3A_576 = arith.addi %iota3A, %add3A_575 : vector<16xi32>
    %broadcast_in_dim3A_577 = vector.broadcast %mul3A_557 : i32 to vector<16xi32>
    %gather3A_578 = tpu.vector_load_idx %arg7[%broadcast_in_dim3A_577] : memref<2048xi32, #tpu.memory_space<vmem>>[vector<16xi32>], vector<16xi32>,
    %gather3A_579 = tpu.vector_load_idx %arg6[%gather3A_578, %add3A_576] : memref<128x512xi32, #tpu.memory_space<vmem>>[vector<16xi32>, vector<16xi32>], vector<16xi32>,
    %scan3A_580 = arith.constant 1 : i32
    %scan3A_581 = arith.constant 127 : i32
    %scan3A_582 = arith.addi %scan3A_580, %scan3A_581 : i32
    %scan3A_583 = arith.constant 1 : i32
    %scan3A_584:2 = scf.for %scan3A_1072 = %scan3A_580 to %scan3A_582 step %scan3A_583 iter_args(%scan3A_1073 = %gather3A_579, %scan3A_1074 = %broadcast_in_dim3A_35) -> (vector<16xi32>, vector<16xi32>)  : i32 {
      %add3A_1075 = arith.addi %mul3A_557, %scan3A_1072 : i32
      %broadcast_in_dim3A_1076 = vector.broadcast %add3A_1075 : i32 to vector<16xi32>
      %gather3A_1077 = tpu.vector_load_idx %arg7[%broadcast_in_dim3A_1076] : memref<2048xi32, #tpu.memory_space<vmem>>[vector<16xi32>], vector<16xi32>,
      %gather3A_1078 = tpu.vector_load_idx %arg6[%gather3A_1077, %add3A_576] : memref<128x512xi32, #tpu.memory_space<vmem>>[vector<16xi32>, vector<16xi32>], vector<16xi32>,
      %and3A_1079 = arith.andi %scan3A_1073, %gather3A_1078 : vector<16xi32>
      %eq3A_1080 = arith.constant 0 : i32
      %eq3A_1081 = vector.broadcast %eq3A_1080 : i32 to vector<16xi32>
      %eq3A_1082 = arith.cmpi eq, %and3A_1079, %eq3A_1081 : vector<16xi32>
      %or3A = arith.ori %scan3A_1073, %gather3A_1078 : vector<16xi32>
      %select_n3A_1083 = arith.select %eq3A_1082, %or3A, %and3A_1079 : vector<16xi1>, vector<16xi32>
      %select_n3A_1084 = arith.select %eq3A_1082, %broadcast_in_dim3A_33, %broadcast_in_dim3A_35 : vector<16xi1>, vector<16xi32>
      %add3A_1085 = arith.addi %scan3A_1074, %select_n3A_1084 : vector<16xi32>
      scf.yield %select_n3A_1083, %add3A_1085 : vector<16xi32>, vector<16xi32>
    }
    %scan3A_585 = arith.constant 127 : i32
    %get3A_586 = arith.constant 16 : index
    %get3A_587 = tpu.vector_load %arg8[%get3A_586] {strides = array<i32>} : memref<512xi32, #tpu.memory_space<vmem>>, vector<16xi32>,
    %mul3A_588 = arith.muli %scan3A_584#1, %get3A_587 : vector<16xi32>
    %add3A_589 = arith.addi %add3A_573, %mul3A_588 : vector<16xi32>
    %add3A_590 = arith.constant 32 : i32
    %add3A_591 = vector.broadcast %add3A_590 : i32 to vector<16xi32>
    %add3A_592 = arith.addi %iota3A, %add3A_591 : vector<16xi32>
    %broadcast_in_dim3A_593 = vector.broadcast %mul3A_557 : i32 to vector<16xi32>
    %gather3A_594 = tpu.vector_load_idx %arg7[%broadcast_in_dim3A_593] : memref<2048xi32, #tpu.memory_space<vmem>>[vector<16xi32>], vector<16xi32>,
    %gather3A_595 = tpu.vector_load_idx %arg6[%gather3A_594, %add3A_592] : memref<128x512xi32, #tpu.memory_space<vmem>>[vector<16xi32>, vector<16xi32>], vector<16xi32>,
    %scan3A_596 = arith.constant 1 : i32
    %scan3A_597 = arith.constant 127 : i32
    %scan3A_598 = arith.addi %scan3A_596, %scan3A_597 : i32
    %scan3A_599 = arith.constant 1 : i32
    %scan3A_600:2 = scf.for %scan3A_1072 = %scan3A_596 to %scan3A_598 step %scan3A_599 iter_args(%scan3A_1073 = %gather3A_595, %scan3A_1074 = %broadcast_in_dim3A_35) -> (vector<16xi32>, vector<16xi32>)  : i32 {
      %add3A_1075 = arith.addi %mul3A_557, %scan3A_1072 : i32
      %broadcast_in_dim3A_1076 = vector.broadcast %add3A_1075 : i32 to vector<16xi32>
      %gather3A_1077 = tpu.vector_load_idx %arg7[%broadcast_in_dim3A_1076] : memref<2048xi32, #tpu.memory_space<vmem>>[vector<16xi32>], vector<16xi32>,
      %gather3A_1078 = tpu.vector_load_idx %arg6[%gather3A_1077, %add3A_592] : memref<128x512xi32, #tpu.memory_space<vmem>>[vector<16xi32>, vector<16xi32>], vector<16xi32>,
      %and3A_1079 = arith.andi %scan3A_1073, %gather3A_1078 : vector<16xi32>
      %eq3A_1080 = arith.constant 0 : i32
      %eq3A_1081 = vector.broadcast %eq3A_1080 : i32 to vector<16xi32>
      %eq3A_1082 = arith.cmpi eq, %and3A_1079, %eq3A_1081 : vector<16xi32>
      %or3A = arith.ori %scan3A_1073, %gather3A_1078 : vector<16xi32>
      %select_n3A_1083 = arith.select %eq3A_1082, %or3A, %and3A_1079 : vector<16xi1>, vector<16xi32>
      %select_n3A_1084 = arith.select %eq3A_1082, %broadcast_in_dim3A_33, %broadcast_in_dim3A_35 : vector<16xi1>, vector<16xi32>
      %add3A_1085 = arith.addi %scan3A_1074, %select_n3A_1084 : vector<16xi32>
      scf.yield %select_n3A_1083, %add3A_1085 : vector<16xi32>, vector<16xi32>
    }
    %scan3A_601 = arith.constant 127 : i32
    %get3A_602 = arith.constant 32 : index
    %get3A_603 = tpu.vector_load %arg8[%get3A_602] {strides = array<i32>} : memref<512xi32, #tpu.memory_space<vmem>>, vector<16xi32>,
    %mul3A_604 = arith.muli %scan3A_600#1, %get3A_603 : vector<16xi32>
    %add3A_605 = arith.addi %add3A_589, %mul3A_604 : vector<16xi32>
    %add3A_606 = arith.constant 48 : i32
    %add3A_607 = vector.broadcast %add3A_606 : i32 to vector<16xi32>
    %add3A_608 = arith.addi %iota3A, %add3A_607 : vector<16xi32>
    %broadcast_in_dim3A_609 = vector.broadcast %mul3A_557 : i32 to vector<16xi32>
    %gather3A_610 = tpu.vector_load_idx %arg7[%broadcast_in_dim3A_609] : memref<2048xi32, #tpu.memory_space<vmem>>[vector<16xi32>], vector<16xi32>,
    %gather3A_611 = tpu.vector_load_idx %arg6[%gather3A_610, %add3A_608] : memref<128x512xi32, #tpu.memory_space<vmem>>[vector<16xi32>, vector<16xi32>], vector<16xi32>,
    %scan3A_612 = arith.constant 1 : i32
    %scan3A_613 = arith.constant 127 : i32
    %scan3A_614 = arith.addi %scan3A_612, %scan3A_613 : i32
    %scan3A_615 = arith.constant 1 : i32
    %scan3A_616:2 = scf.for %scan3A_1072 = %scan3A_612 to %scan3A_614 step %scan3A_615 iter_args(%scan3A_1073 = %gather3A_611, %scan3A_1074 = %broadcast_in_dim3A_35) -> (vector<16xi32>, vector<16xi32>)  : i32 {
      %add3A_1075 = arith.addi %mul3A_557, %scan3A_1072 : i32
      %broadcast_in_dim3A_1076 = vector.broadcast %add3A_1075 : i32 to vector<16xi32>
      %gather3A_1077 = tpu.vector_load_idx %arg7[%broadcast_in_dim3A_1076] : memref<2048xi32, #tpu.memory_space<vmem>>[vector<16xi32>], vector<16xi32>,
      %gather3A_1078 = tpu.vector_load_idx %arg6[%gather3A_1077, %add3A_608] : memref<128x512xi32, #tpu.memory_space<vmem>>[vector<16xi32>, vector<16xi32>], vector<16xi32>,
      %and3A_1079 = arith.andi %scan3A_1073, %gather3A_1078 : vector<16xi32>
      %eq3A_1080 = arith.constant 0 : i32
      %eq3A_1081 = vector.broadcast %eq3A_1080 : i32 to vector<16xi32>
      %eq3A_1082 = arith.cmpi eq, %and3A_1079, %eq3A_1081 : vector<16xi32>
      %or3A = arith.ori %scan3A_1073, %gather3A_1078 : vector<16xi32>
      %select_n3A_1083 = arith.select %eq3A_1082, %or3A, %and3A_1079 : vector<16xi1>, vector<16xi32>
      %select_n3A_1084 = arith.select %eq3A_1082, %broadcast_in_dim3A_33, %broadcast_in_dim3A_35 : vector<16xi1>, vector<16xi32>
      %add3A_1085 = arith.addi %scan3A_1074, %select_n3A_1084 : vector<16xi32>
      scf.yield %select_n3A_1083, %add3A_1085 : vector<16xi32>, vector<16xi32>
    }
    %scan3A_617 = arith.constant 127 : i32
    %get3A_618 = arith.constant 48 : index
    %get3A_619 = tpu.vector_load %arg8[%get3A_618] {strides = array<i32>} : memref<512xi32, #tpu.memory_space<vmem>>, vector<16xi32>,
    %mul3A_620 = arith.muli %scan3A_616#1, %get3A_619 : vector<16xi32>
    %add3A_621 = arith.addi %add3A_605, %mul3A_620 : vector<16xi32>
    %add3A_622 = arith.constant 64 : i32
    %add3A_623 = vector.broadcast %add3A_622 : i32 to vector<16xi32>
    %add3A_624 = arith.addi %iota3A, %add3A_623 : vector<16xi32>
    %broadcast_in_dim3A_625 = vector.broadcast %mul3A_557 : i32 to vector<16xi32>
    %gather3A_626 = tpu.vector_load_idx %arg7[%broadcast_in_dim3A_625] : memref<2048xi32, #tpu.memory_space<vmem>>[vector<16xi32>], vector<16xi32>,
    %gather3A_627 = tpu.vector_load_idx %arg6[%gather3A_626, %add3A_624] : memref<128x512xi32, #tpu.memory_space<vmem>>[vector<16xi32>, vector<16xi32>], vector<16xi32>,
    %scan3A_628 = arith.constant 1 : i32
    %scan3A_629 = arith.constant 127 : i32
    %scan3A_630 = arith.addi %scan3A_628, %scan3A_629 : i32
    %scan3A_631 = arith.constant 1 : i32
    %scan3A_632:2 = scf.for %scan3A_1072 = %scan3A_628 to %scan3A_630 step %scan3A_631 iter_args(%scan3A_1073 = %gather3A_627, %scan3A_1074 = %broadcast_in_dim3A_35) -> (vector<16xi32>, vector<16xi32>)  : i32 {
      %add3A_1075 = arith.addi %mul3A_557, %scan3A_1072 : i32
      %broadcast_in_dim3A_1076 = vector.broadcast %add3A_1075 : i32 to vector<16xi32>
      %gather3A_1077 = tpu.vector_load_idx %arg7[%broadcast_in_dim3A_1076] : memref<2048xi32, #tpu.memory_space<vmem>>[vector<16xi32>], vector<16xi32>,
      %gather3A_1078 = tpu.vector_load_idx %arg6[%gather3A_1077, %add3A_624] : memref<128x512xi32, #tpu.memory_space<vmem>>[vector<16xi32>, vector<16xi32>], vector<16xi32>,
      %and3A_1079 = arith.andi %scan3A_1073, %gather3A_1078 : vector<16xi32>
      %eq3A_1080 = arith.constant 0 : i32
      %eq3A_1081 = vector.broadcast %eq3A_1080 : i32 to vector<16xi32>
      %eq3A_1082 = arith.cmpi eq, %and3A_1079, %eq3A_1081 : vector<16xi32>
      %or3A = arith.ori %scan3A_1073, %gather3A_1078 : vector<16xi32>
      %select_n3A_1083 = arith.select %eq3A_1082, %or3A, %and3A_1079 : vector<16xi1>, vector<16xi32>
      %select_n3A_1084 = arith.select %eq3A_1082, %broadcast_in_dim3A_33, %broadcast_in_dim3A_35 : vector<16xi1>, vector<16xi32>
      %add3A_1085 = arith.addi %scan3A_1074, %select_n3A_1084 : vector<16xi32>
      scf.yield %select_n3A_1083, %add3A_1085 : vector<16xi32>, vector<16xi32>
    }
    %scan3A_633 = arith.constant 127 : i32
    %get3A_634 = arith.constant 64 : index
    %get3A_635 = tpu.vector_load %arg8[%get3A_634] {strides = array<i32>} : memref<512xi32, #tpu.memory_space<vmem>>, vector<16xi32>,
    %mul3A_636 = arith.muli %scan3A_632#1, %get3A_635 : vector<16xi32>
    %add3A_637 = arith.addi %add3A_621, %mul3A_636 : vector<16xi32>
    %add3A_638 = arith.constant 80 : i32
    %add3A_639 = vector.broadcast %add3A_638 : i32 to vector<16xi32>
    %add3A_640 = arith.addi %iota3A, %add3A_639 : vector<16xi32>
    %broadcast_in_dim3A_641 = vector.broadcast %mul3A_557 : i32 to vector<16xi32>
    %gather3A_642 = tpu.vector_load_idx %arg7[%broadcast_in_dim3A_641] : memref<2048xi32, #tpu.memory_space<vmem>>[vector<16xi32>], vector<16xi32>,
    %gather3A_643 = tpu.vector_load_idx %arg6[%gather3A_642, %add3A_640] : memref<128x512xi32, #tpu.memory_space<vmem>>[vector<16xi32>, vector<16xi32>], vector<16xi32>,
    %scan3A_644 = arith.constant 1 : i32
    %scan3A_645 = arith.constant 127 : i32
    %scan3A_646 = arith.addi %scan3A_644, %scan3A_645 : i32
    %scan3A_647 = arith.constant 1 : i32
    %scan3A_648:2 = scf.for %scan3A_1072 = %scan3A_644 to %scan3A_646 step %scan3A_647 iter_args(%scan3A_1073 = %gather3A_643, %scan3A_1074 = %broadcast_in_dim3A_35) -> (vector<16xi32>, vector<16xi32>)  : i32 {
      %add3A_1075 = arith.addi %mul3A_557, %scan3A_1072 : i32
      %broadcast_in_dim3A_1076 = vector.broadcast %add3A_1075 : i32 to vector<16xi32>
      %gather3A_1077 = tpu.vector_load_idx %arg7[%broadcast_in_dim3A_1076] : memref<2048xi32, #tpu.memory_space<vmem>>[vector<16xi32>], vector<16xi32>,
      %gather3A_1078 = tpu.vector_load_idx %arg6[%gather3A_1077, %add3A_640] : memref<128x512xi32, #tpu.memory_space<vmem>>[vector<16xi32>, vector<16xi32>], vector<16xi32>,
      %and3A_1079 = arith.andi %scan3A_1073, %gather3A_1078 : vector<16xi32>
      %eq3A_1080 = arith.constant 0 : i32
      %eq3A_1081 = vector.broadcast %eq3A_1080 : i32 to vector<16xi32>
      %eq3A_1082 = arith.cmpi eq, %and3A_1079, %eq3A_1081 : vector<16xi32>
      %or3A = arith.ori %scan3A_1073, %gather3A_1078 : vector<16xi32>
      %select_n3A_1083 = arith.select %eq3A_1082, %or3A, %and3A_1079 : vector<16xi1>, vector<16xi32>
      %select_n3A_1084 = arith.select %eq3A_1082, %broadcast_in_dim3A_33, %broadcast_in_dim3A_35 : vector<16xi1>, vector<16xi32>
      %add3A_1085 = arith.addi %scan3A_1074, %select_n3A_1084 : vector<16xi32>
      scf.yield %select_n3A_1083, %add3A_1085 : vector<16xi32>, vector<16xi32>
    }
    %scan3A_649 = arith.constant 127 : i32
    %get3A_650 = arith.constant 80 : index
    %get3A_651 = tpu.vector_load %arg8[%get3A_650] {strides = array<i32>} : memref<512xi32, #tpu.memory_space<vmem>>, vector<16xi32>,
    %mul3A_652 = arith.muli %scan3A_648#1, %get3A_651 : vector<16xi32>
    %add3A_653 = arith.addi %add3A_637, %mul3A_652 : vector<16xi32>
    %add3A_654 = arith.constant 96 : i32
    %add3A_655 = vector.broadcast %add3A_654 : i32 to vector<16xi32>
    %add3A_656 = arith.addi %iota3A, %add3A_655 : vector<16xi32>
    %broadcast_in_dim3A_657 = vector.broadcast %mul3A_557 : i32 to vector<16xi32>
    %gather3A_658 = tpu.vector_load_idx %arg7[%broadcast_in_dim3A_657] : memref<2048xi32, #tpu.memory_space<vmem>>[vector<16xi32>], vector<16xi32>,
    %gather3A_659 = tpu.vector_load_idx %arg6[%gather3A_658, %add3A_656] : memref<128x512xi32, #tpu.memory_space<vmem>>[vector<16xi32>, vector<16xi32>], vector<16xi32>,
    %scan3A_660 = arith.constant 1 : i32
    %scan3A_661 = arith.constant 127 : i32
    %scan3A_662 = arith.addi %scan3A_660, %scan3A_661 : i32
    %scan3A_663 = arith.constant 1 : i32
    %scan3A_664:2 = scf.for %scan3A_1072 = %scan3A_660 to %scan3A_662 step %scan3A_663 iter_args(%scan3A_1073 = %gather3A_659, %scan3A_1074 = %broadcast_in_dim3A_35) -> (vector<16xi32>, vector<16xi32>)  : i32 {
      %add3A_1075 = arith.addi %mul3A_557, %scan3A_1072 : i32
      %broadcast_in_dim3A_1076 = vector.broadcast %add3A_1075 : i32 to vector<16xi32>
      %gather3A_1077 = tpu.vector_load_idx %arg7[%broadcast_in_dim3A_1076] : memref<2048xi32, #tpu.memory_space<vmem>>[vector<16xi32>], vector<16xi32>,
      %gather3A_1078 = tpu.vector_load_idx %arg6[%gather3A_1077, %add3A_656] : memref<128x512xi32, #tpu.memory_space<vmem>>[vector<16xi32>, vector<16xi32>], vector<16xi32>,
      %and3A_1079 = arith.andi %scan3A_1073, %gather3A_1078 : vector<16xi32>
      %eq3A_1080 = arith.constant 0 : i32
      %eq3A_1081 = vector.broadcast %eq3A_1080 : i32 to vector<16xi32>
      %eq3A_1082 = arith.cmpi eq, %and3A_1079, %eq3A_1081 : vector<16xi32>
      %or3A = arith.ori %scan3A_1073, %gather3A_1078 : vector<16xi32>
      %select_n3A_1083 = arith.select %eq3A_1082, %or3A, %and3A_1079 : vector<16xi1>, vector<16xi32>
      %select_n3A_1084 = arith.select %eq3A_1082, %broadcast_in_dim3A_33, %broadcast_in_dim3A_35 : vector<16xi1>, vector<16xi32>
      %add3A_1085 = arith.addi %scan3A_1074, %select_n3A_1084 : vector<16xi32>
      scf.yield %select_n3A_1083, %add3A_1085 : vector<16xi32>, vector<16xi32>
    }
    %scan3A_665 = arith.constant 127 : i32
    %get3A_666 = arith.constant 96 : index
    %get3A_667 = tpu.vector_load %arg8[%get3A_666] {strides = array<i32>} : memref<512xi32, #tpu.memory_space<vmem>>, vector<16xi32>,
    %mul3A_668 = arith.muli %scan3A_664#1, %get3A_667 : vector<16xi32>
    %add3A_669 = arith.addi %add3A_653, %mul3A_668 : vector<16xi32>
    %add3A_670 = arith.constant 112 : i32
    %add3A_671 = vector.broadcast %add3A_670 : i32 to vector<16xi32>
    %add3A_672 = arith.addi %iota3A, %add3A_671 : vector<16xi32>
    %broadcast_in_dim3A_673 = vector.broadcast %mul3A_557 : i32 to vector<16xi32>
    %gather3A_674 = tpu.vector_load_idx %arg7[%broadcast_in_dim3A_673] : memref<2048xi32, #tpu.memory_space<vmem>>[vector<16xi32>], vector<16xi32>,
    %gather3A_675 = tpu.vector_load_idx %arg6[%gather3A_674, %add3A_672] : memref<128x512xi32, #tpu.memory_space<vmem>>[vector<16xi32>, vector<16xi32>], vector<16xi32>,
    %scan3A_676 = arith.constant 1 : i32
    %scan3A_677 = arith.constant 127 : i32
    %scan3A_678 = arith.addi %scan3A_676, %scan3A_677 : i32
    %scan3A_679 = arith.constant 1 : i32
    %scan3A_680:2 = scf.for %scan3A_1072 = %scan3A_676 to %scan3A_678 step %scan3A_679 iter_args(%scan3A_1073 = %gather3A_675, %scan3A_1074 = %broadcast_in_dim3A_35) -> (vector<16xi32>, vector<16xi32>)  : i32 {
      %add3A_1075 = arith.addi %mul3A_557, %scan3A_1072 : i32
      %broadcast_in_dim3A_1076 = vector.broadcast %add3A_1075 : i32 to vector<16xi32>
      %gather3A_1077 = tpu.vector_load_idx %arg7[%broadcast_in_dim3A_1076] : memref<2048xi32, #tpu.memory_space<vmem>>[vector<16xi32>], vector<16xi32>,
      %gather3A_1078 = tpu.vector_load_idx %arg6[%gather3A_1077, %add3A_672] : memref<128x512xi32, #tpu.memory_space<vmem>>[vector<16xi32>, vector<16xi32>], vector<16xi32>,
      %and3A_1079 = arith.andi %scan3A_1073, %gather3A_1078 : vector<16xi32>
      %eq3A_1080 = arith.constant 0 : i32
      %eq3A_1081 = vector.broadcast %eq3A_1080 : i32 to vector<16xi32>
      %eq3A_1082 = arith.cmpi eq, %and3A_1079, %eq3A_1081 : vector<16xi32>
      %or3A = arith.ori %scan3A_1073, %gather3A_1078 : vector<16xi32>
      %select_n3A_1083 = arith.select %eq3A_1082, %or3A, %and3A_1079 : vector<16xi1>, vector<16xi32>
      %select_n3A_1084 = arith.select %eq3A_1082, %broadcast_in_dim3A_33, %broadcast_in_dim3A_35 : vector<16xi1>, vector<16xi32>
      %add3A_1085 = arith.addi %scan3A_1074, %select_n3A_1084 : vector<16xi32>
      scf.yield %select_n3A_1083, %add3A_1085 : vector<16xi32>, vector<16xi32>
    }
    %scan3A_681 = arith.constant 127 : i32
    %get3A_682 = arith.constant 112 : index
    %get3A_683 = tpu.vector_load %arg8[%get3A_682] {strides = array<i32>} : memref<512xi32, #tpu.memory_space<vmem>>, vector<16xi32>,
    %mul3A_684 = arith.muli %scan3A_680#1, %get3A_683 : vector<16xi32>
    %add3A_685 = arith.addi %add3A_669, %mul3A_684 : vector<16xi32>
    %add3A_686 = arith.constant 128 : i32
    %add3A_687 = vector.broadcast %add3A_686 : i32 to vector<16xi32>
    %add3A_688 = arith.addi %iota3A, %add3A_687 : vector<16xi32>
    %broadcast_in_dim3A_689 = vector.broadcast %mul3A_557 : i32 to vector<16xi32>
    %gather3A_690 = tpu.vector_load_idx %arg7[%broadcast_in_dim3A_689] : memref<2048xi32, #tpu.memory_space<vmem>>[vector<16xi32>], vector<16xi32>,
    %gather3A_691 = tpu.vector_load_idx %arg6[%gather3A_690, %add3A_688] : memref<128x512xi32, #tpu.memory_space<vmem>>[vector<16xi32>, vector<16xi32>], vector<16xi32>,
    %scan3A_692 = arith.constant 1 : i32
    %scan3A_693 = arith.constant 127 : i32
    %scan3A_694 = arith.addi %scan3A_692, %scan3A_693 : i32
    %scan3A_695 = arith.constant 1 : i32
    %scan3A_696:2 = scf.for %scan3A_1072 = %scan3A_692 to %scan3A_694 step %scan3A_695 iter_args(%scan3A_1073 = %gather3A_691, %scan3A_1074 = %broadcast_in_dim3A_35) -> (vector<16xi32>, vector<16xi32>)  : i32 {
      %add3A_1075 = arith.addi %mul3A_557, %scan3A_1072 : i32
      %broadcast_in_dim3A_1076 = vector.broadcast %add3A_1075 : i32 to vector<16xi32>
      %gather3A_1077 = tpu.vector_load_idx %arg7[%broadcast_in_dim3A_1076] : memref<2048xi32, #tpu.memory_space<vmem>>[vector<16xi32>], vector<16xi32>,
      %gather3A_1078 = tpu.vector_load_idx %arg6[%gather3A_1077, %add3A_688] : memref<128x512xi32, #tpu.memory_space<vmem>>[vector<16xi32>, vector<16xi32>], vector<16xi32>,
      %and3A_1079 = arith.andi %scan3A_1073, %gather3A_1078 : vector<16xi32>
      %eq3A_1080 = arith.constant 0 : i32
      %eq3A_1081 = vector.broadcast %eq3A_1080 : i32 to vector<16xi32>
      %eq3A_1082 = arith.cmpi eq, %and3A_1079, %eq3A_1081 : vector<16xi32>
      %or3A = arith.ori %scan3A_1073, %gather3A_1078 : vector<16xi32>
      %select_n3A_1083 = arith.select %eq3A_1082, %or3A, %and3A_1079 : vector<16xi1>, vector<16xi32>
      %select_n3A_1084 = arith.select %eq3A_1082, %broadcast_in_dim3A_33, %broadcast_in_dim3A_35 : vector<16xi1>, vector<16xi32>
      %add3A_1085 = arith.addi %scan3A_1074, %select_n3A_1084 : vector<16xi32>
      scf.yield %select_n3A_1083, %add3A_1085 : vector<16xi32>, vector<16xi32>
    }
    %scan3A_697 = arith.constant 127 : i32
    %get3A_698 = arith.constant 128 : index
    %get3A_699 = tpu.vector_load %arg8[%get3A_698] {strides = array<i32>} : memref<512xi32, #tpu.memory_space<vmem>>, vector<16xi32>,
    %mul3A_700 = arith.muli %scan3A_696#1, %get3A_699 : vector<16xi32>
    %add3A_701 = arith.addi %add3A_685, %mul3A_700 : vector<16xi32>
    %add3A_702 = arith.constant 144 : i32
    %add3A_703 = vector.broadcast %add3A_702 : i32 to vector<16xi32>
    %add3A_704 = arith.addi %iota3A, %add3A_703 : vector<16xi32>
    %broadcast_in_dim3A_705 = vector.broadcast %mul3A_557 : i32 to vector<16xi32>
    %gather3A_706 = tpu.vector_load_idx %arg7[%broadcast_in_dim3A_705] : memref<2048xi32, #tpu.memory_space<vmem>>[vector<16xi32>], vector<16xi32>,
    %gather3A_707 = tpu.vector_load_idx %arg6[%gather3A_706, %add3A_704] : memref<128x512xi32, #tpu.memory_space<vmem>>[vector<16xi32>, vector<16xi32>], vector<16xi32>,
    %scan3A_708 = arith.constant 1 : i32
    %scan3A_709 = arith.constant 127 : i32
    %scan3A_710 = arith.addi %scan3A_708, %scan3A_709 : i32
    %scan3A_711 = arith.constant 1 : i32
    %scan3A_712:2 = scf.for %scan3A_1072 = %scan3A_708 to %scan3A_710 step %scan3A_711 iter_args(%scan3A_1073 = %gather3A_707, %scan3A_1074 = %broadcast_in_dim3A_35) -> (vector<16xi32>, vector<16xi32>)  : i32 {
      %add3A_1075 = arith.addi %mul3A_557, %scan3A_1072 : i32
      %broadcast_in_dim3A_1076 = vector.broadcast %add3A_1075 : i32 to vector<16xi32>
      %gather3A_1077 = tpu.vector_load_idx %arg7[%broadcast_in_dim3A_1076] : memref<2048xi32, #tpu.memory_space<vmem>>[vector<16xi32>], vector<16xi32>,
      %gather3A_1078 = tpu.vector_load_idx %arg6[%gather3A_1077, %add3A_704] : memref<128x512xi32, #tpu.memory_space<vmem>>[vector<16xi32>, vector<16xi32>], vector<16xi32>,
      %and3A_1079 = arith.andi %scan3A_1073, %gather3A_1078 : vector<16xi32>
      %eq3A_1080 = arith.constant 0 : i32
      %eq3A_1081 = vector.broadcast %eq3A_1080 : i32 to vector<16xi32>
      %eq3A_1082 = arith.cmpi eq, %and3A_1079, %eq3A_1081 : vector<16xi32>
      %or3A = arith.ori %scan3A_1073, %gather3A_1078 : vector<16xi32>
      %select_n3A_1083 = arith.select %eq3A_1082, %or3A, %and3A_1079 : vector<16xi1>, vector<16xi32>
      %select_n3A_1084 = arith.select %eq3A_1082, %broadcast_in_dim3A_33, %broadcast_in_dim3A_35 : vector<16xi1>, vector<16xi32>
      %add3A_1085 = arith.addi %scan3A_1074, %select_n3A_1084 : vector<16xi32>
      scf.yield %select_n3A_1083, %add3A_1085 : vector<16xi32>, vector<16xi32>
    }
    %scan3A_713 = arith.constant 127 : i32
    %get3A_714 = arith.constant 144 : index
    %get3A_715 = tpu.vector_load %arg8[%get3A_714] {strides = array<i32>} : memref<512xi32, #tpu.memory_space<vmem>>, vector<16xi32>,
    %mul3A_716 = arith.muli %scan3A_712#1, %get3A_715 : vector<16xi32>
    %add3A_717 = arith.addi %add3A_701, %mul3A_716 : vector<16xi32>
    %add3A_718 = arith.constant 160 : i32
    %add3A_719 = vector.broadcast %add3A_718 : i32 to vector<16xi32>
    %add3A_720 = arith.addi %iota3A, %add3A_719 : vector<16xi32>
    %broadcast_in_dim3A_721 = vector.broadcast %mul3A_557 : i32 to vector<16xi32>
    %gather3A_722 = tpu.vector_load_idx %arg7[%broadcast_in_dim3A_721] : memref<2048xi32, #tpu.memory_space<vmem>>[vector<16xi32>], vector<16xi32>,
    %gather3A_723 = tpu.vector_load_idx %arg6[%gather3A_722, %add3A_720] : memref<128x512xi32, #tpu.memory_space<vmem>>[vector<16xi32>, vector<16xi32>], vector<16xi32>,
    %scan3A_724 = arith.constant 1 : i32
    %scan3A_725 = arith.constant 127 : i32
    %scan3A_726 = arith.addi %scan3A_724, %scan3A_725 : i32
    %scan3A_727 = arith.constant 1 : i32
    %scan3A_728:2 = scf.for %scan3A_1072 = %scan3A_724 to %scan3A_726 step %scan3A_727 iter_args(%scan3A_1073 = %gather3A_723, %scan3A_1074 = %broadcast_in_dim3A_35) -> (vector<16xi32>, vector<16xi32>)  : i32 {
      %add3A_1075 = arith.addi %mul3A_557, %scan3A_1072 : i32
      %broadcast_in_dim3A_1076 = vector.broadcast %add3A_1075 : i32 to vector<16xi32>
      %gather3A_1077 = tpu.vector_load_idx %arg7[%broadcast_in_dim3A_1076] : memref<2048xi32, #tpu.memory_space<vmem>>[vector<16xi32>], vector<16xi32>,
      %gather3A_1078 = tpu.vector_load_idx %arg6[%gather3A_1077, %add3A_720] : memref<128x512xi32, #tpu.memory_space<vmem>>[vector<16xi32>, vector<16xi32>], vector<16xi32>,
      %and3A_1079 = arith.andi %scan3A_1073, %gather3A_1078 : vector<16xi32>
      %eq3A_1080 = arith.constant 0 : i32
      %eq3A_1081 = vector.broadcast %eq3A_1080 : i32 to vector<16xi32>
      %eq3A_1082 = arith.cmpi eq, %and3A_1079, %eq3A_1081 : vector<16xi32>
      %or3A = arith.ori %scan3A_1073, %gather3A_1078 : vector<16xi32>
      %select_n3A_1083 = arith.select %eq3A_1082, %or3A, %and3A_1079 : vector<16xi1>, vector<16xi32>
      %select_n3A_1084 = arith.select %eq3A_1082, %broadcast_in_dim3A_33, %broadcast_in_dim3A_35 : vector<16xi1>, vector<16xi32>
      %add3A_1085 = arith.addi %scan3A_1074, %select_n3A_1084 : vector<16xi32>
      scf.yield %select_n3A_1083, %add3A_1085 : vector<16xi32>, vector<16xi32>
    }
    %scan3A_729 = arith.constant 127 : i32
    %get3A_730 = arith.constant 160 : index
    %get3A_731 = tpu.vector_load %arg8[%get3A_730] {strides = array<i32>} : memref<512xi32, #tpu.memory_space<vmem>>, vector<16xi32>,
    %mul3A_732 = arith.muli %scan3A_728#1, %get3A_731 : vector<16xi32>
    %add3A_733 = arith.addi %add3A_717, %mul3A_732 : vector<16xi32>
    %add3A_734 = arith.constant 176 : i32
    %add3A_735 = vector.broadcast %add3A_734 : i32 to vector<16xi32>
    %add3A_736 = arith.addi %iota3A, %add3A_735 : vector<16xi32>
    %broadcast_in_dim3A_737 = vector.broadcast %mul3A_557 : i32 to vector<16xi32>
    %gather3A_738 = tpu.vector_load_idx %arg7[%broadcast_in_dim3A_737] : memref<2048xi32, #tpu.memory_space<vmem>>[vector<16xi32>], vector<16xi32>,
    %gather3A_739 = tpu.vector_load_idx %arg6[%gather3A_738, %add3A_736] : memref<128x512xi32, #tpu.memory_space<vmem>>[vector<16xi32>, vector<16xi32>], vector<16xi32>,
    %scan3A_740 = arith.constant 1 : i32
    %scan3A_741 = arith.constant 127 : i32
    %scan3A_742 = arith.addi %scan3A_740, %scan3A_741 : i32
    %scan3A_743 = arith.constant 1 : i32
    %scan3A_744:2 = scf.for %scan3A_1072 = %scan3A_740 to %scan3A_742 step %scan3A_743 iter_args(%scan3A_1073 = %gather3A_739, %scan3A_1074 = %broadcast_in_dim3A_35) -> (vector<16xi32>, vector<16xi32>)  : i32 {
      %add3A_1075 = arith.addi %mul3A_557, %scan3A_1072 : i32
      %broadcast_in_dim3A_1076 = vector.broadcast %add3A_1075 : i32 to vector<16xi32>
      %gather3A_1077 = tpu.vector_load_idx %arg7[%broadcast_in_dim3A_1076] : memref<2048xi32, #tpu.memory_space<vmem>>[vector<16xi32>], vector<16xi32>,
      %gather3A_1078 = tpu.vector_load_idx %arg6[%gather3A_1077, %add3A_736] : memref<128x512xi32, #tpu.memory_space<vmem>>[vector<16xi32>, vector<16xi32>], vector<16xi32>,
      %and3A_1079 = arith.andi %scan3A_1073, %gather3A_1078 : vector<16xi32>
      %eq3A_1080 = arith.constant 0 : i32
      %eq3A_1081 = vector.broadcast %eq3A_1080 : i32 to vector<16xi32>
      %eq3A_1082 = arith.cmpi eq, %and3A_1079, %eq3A_1081 : vector<16xi32>
      %or3A = arith.ori %scan3A_1073, %gather3A_1078 : vector<16xi32>
      %select_n3A_1083 = arith.select %eq3A_1082, %or3A, %and3A_1079 : vector<16xi1>, vector<16xi32>
      %select_n3A_1084 = arith.select %eq3A_1082, %broadcast_in_dim3A_33, %broadcast_in_dim3A_35 : vector<16xi1>, vector<16xi32>
      %add3A_1085 = arith.addi %scan3A_1074, %select_n3A_1084 : vector<16xi32>
      scf.yield %select_n3A_1083, %add3A_1085 : vector<16xi32>, vector<16xi32>
    }
    %scan3A_745 = arith.constant 127 : i32
    %get3A_746 = arith.constant 176 : index
    %get3A_747 = tpu.vector_load %arg8[%get3A_746] {strides = array<i32>} : memref<512xi32, #tpu.memory_space<vmem>>, vector<16xi32>,
    %mul3A_748 = arith.muli %scan3A_744#1, %get3A_747 : vector<16xi32>
    %add3A_749 = arith.addi %add3A_733, %mul3A_748 : vector<16xi32>
    %add3A_750 = arith.constant 192 : i32
    %add3A_751 = vector.broadcast %add3A_750 : i32 to vector<16xi32>
    %add3A_752 = arith.addi %iota3A, %add3A_751 : vector<16xi32>
    %broadcast_in_dim3A_753 = vector.broadcast %mul3A_557 : i32 to vector<16xi32>
    %gather3A_754 = tpu.vector_load_idx %arg7[%broadcast_in_dim3A_753] : memref<2048xi32, #tpu.memory_space<vmem>>[vector<16xi32>], vector<16xi32>,
    %gather3A_755 = tpu.vector_load_idx %arg6[%gather3A_754, %add3A_752] : memref<128x512xi32, #tpu.memory_space<vmem>>[vector<16xi32>, vector<16xi32>], vector<16xi32>,
    %scan3A_756 = arith.constant 1 : i32
    %scan3A_757 = arith.constant 127 : i32
    %scan3A_758 = arith.addi %scan3A_756, %scan3A_757 : i32
    %scan3A_759 = arith.constant 1 : i32
    %scan3A_760:2 = scf.for %scan3A_1072 = %scan3A_756 to %scan3A_758 step %scan3A_759 iter_args(%scan3A_1073 = %gather3A_755, %scan3A_1074 = %broadcast_in_dim3A_35) -> (vector<16xi32>, vector<16xi32>)  : i32 {
      %add3A_1075 = arith.addi %mul3A_557, %scan3A_1072 : i32
      %broadcast_in_dim3A_1076 = vector.broadcast %add3A_1075 : i32 to vector<16xi32>
      %gather3A_1077 = tpu.vector_load_idx %arg7[%broadcast_in_dim3A_1076] : memref<2048xi32, #tpu.memory_space<vmem>>[vector<16xi32>], vector<16xi32>,
      %gather3A_1078 = tpu.vector_load_idx %arg6[%gather3A_1077, %add3A_752] : memref<128x512xi32, #tpu.memory_space<vmem>>[vector<16xi32>, vector<16xi32>], vector<16xi32>,
      %and3A_1079 = arith.andi %scan3A_1073, %gather3A_1078 : vector<16xi32>
      %eq3A_1080 = arith.constant 0 : i32
      %eq3A_1081 = vector.broadcast %eq3A_1080 : i32 to vector<16xi32>
      %eq3A_1082 = arith.cmpi eq, %and3A_1079, %eq3A_1081 : vector<16xi32>
      %or3A = arith.ori %scan3A_1073, %gather3A_1078 : vector<16xi32>
      %select_n3A_1083 = arith.select %eq3A_1082, %or3A, %and3A_1079 : vector<16xi1>, vector<16xi32>
      %select_n3A_1084 = arith.select %eq3A_1082, %broadcast_in_dim3A_33, %broadcast_in_dim3A_35 : vector<16xi1>, vector<16xi32>
      %add3A_1085 = arith.addi %scan3A_1074, %select_n3A_1084 : vector<16xi32>
      scf.yield %select_n3A_1083, %add3A_1085 : vector<16xi32>, vector<16xi32>
    }
    %scan3A_761 = arith.constant 127 : i32
    %get3A_762 = arith.constant 192 : index
    %get3A_763 = tpu.vector_load %arg8[%get3A_762] {strides = array<i32>} : memref<512xi32, #tpu.memory_space<vmem>>, vector<16xi32>,
    %mul3A_764 = arith.muli %scan3A_760#1, %get3A_763 : vector<16xi32>
    %add3A_765 = arith.addi %add3A_749, %mul3A_764 : vector<16xi32>
    %add3A_766 = arith.constant 208 : i32
    %add3A_767 = vector.broadcast %add3A_766 : i32 to vector<16xi32>
    %add3A_768 = arith.addi %iota3A, %add3A_767 : vector<16xi32>
    %broadcast_in_dim3A_769 = vector.broadcast %mul3A_557 : i32 to vector<16xi32>
    %gather3A_770 = tpu.vector_load_idx %arg7[%broadcast_in_dim3A_769] : memref<2048xi32, #tpu.memory_space<vmem>>[vector<16xi32>], vector<16xi32>,
    %gather3A_771 = tpu.vector_load_idx %arg6[%gather3A_770, %add3A_768] : memref<128x512xi32, #tpu.memory_space<vmem>>[vector<16xi32>, vector<16xi32>], vector<16xi32>,
    %scan3A_772 = arith.constant 1 : i32
    %scan3A_773 = arith.constant 127 : i32
    %scan3A_774 = arith.addi %scan3A_772, %scan3A_773 : i32
    %scan3A_775 = arith.constant 1 : i32
    %scan3A_776:2 = scf.for %scan3A_1072 = %scan3A_772 to %scan3A_774 step %scan3A_775 iter_args(%scan3A_1073 = %gather3A_771, %scan3A_1074 = %broadcast_in_dim3A_35) -> (vector<16xi32>, vector<16xi32>)  : i32 {
      %add3A_1075 = arith.addi %mul3A_557, %scan3A_1072 : i32
      %broadcast_in_dim3A_1076 = vector.broadcast %add3A_1075 : i32 to vector<16xi32>
      %gather3A_1077 = tpu.vector_load_idx %arg7[%broadcast_in_dim3A_1076] : memref<2048xi32, #tpu.memory_space<vmem>>[vector<16xi32>], vector<16xi32>,
      %gather3A_1078 = tpu.vector_load_idx %arg6[%gather3A_1077, %add3A_768] : memref<128x512xi32, #tpu.memory_space<vmem>>[vector<16xi32>, vector<16xi32>], vector<16xi32>,
      %and3A_1079 = arith.andi %scan3A_1073, %gather3A_1078 : vector<16xi32>
      %eq3A_1080 = arith.constant 0 : i32
      %eq3A_1081 = vector.broadcast %eq3A_1080 : i32 to vector<16xi32>
      %eq3A_1082 = arith.cmpi eq, %and3A_1079, %eq3A_1081 : vector<16xi32>
      %or3A = arith.ori %scan3A_1073, %gather3A_1078 : vector<16xi32>
      %select_n3A_1083 = arith.select %eq3A_1082, %or3A, %and3A_1079 : vector<16xi1>, vector<16xi32>
      %select_n3A_1084 = arith.select %eq3A_1082, %broadcast_in_dim3A_33, %broadcast_in_dim3A_35 : vector<16xi1>, vector<16xi32>
      %add3A_1085 = arith.addi %scan3A_1074, %select_n3A_1084 : vector<16xi32>
      scf.yield %select_n3A_1083, %add3A_1085 : vector<16xi32>, vector<16xi32>
    }
    %scan3A_777 = arith.constant 127 : i32
    %get3A_778 = arith.constant 208 : index
    %get3A_779 = tpu.vector_load %arg8[%get3A_778] {strides = array<i32>} : memref<512xi32, #tpu.memory_space<vmem>>, vector<16xi32>,
    %mul3A_780 = arith.muli %scan3A_776#1, %get3A_779 : vector<16xi32>
    %add3A_781 = arith.addi %add3A_765, %mul3A_780 : vector<16xi32>
    %add3A_782 = arith.constant 224 : i32
    %add3A_783 = vector.broadcast %add3A_782 : i32 to vector<16xi32>
    %add3A_784 = arith.addi %iota3A, %add3A_783 : vector<16xi32>
    %broadcast_in_dim3A_785 = vector.broadcast %mul3A_557 : i32 to vector<16xi32>
    %gather3A_786 = tpu.vector_load_idx %arg7[%broadcast_in_dim3A_785] : memref<2048xi32, #tpu.memory_space<vmem>>[vector<16xi32>], vector<16xi32>,
    %gather3A_787 = tpu.vector_load_idx %arg6[%gather3A_786, %add3A_784] : memref<128x512xi32, #tpu.memory_space<vmem>>[vector<16xi32>, vector<16xi32>], vector<16xi32>,
    %scan3A_788 = arith.constant 1 : i32
    %scan3A_789 = arith.constant 127 : i32
    %scan3A_790 = arith.addi %scan3A_788, %scan3A_789 : i32
    %scan3A_791 = arith.constant 1 : i32
    %scan3A_792:2 = scf.for %scan3A_1072 = %scan3A_788 to %scan3A_790 step %scan3A_791 iter_args(%scan3A_1073 = %gather3A_787, %scan3A_1074 = %broadcast_in_dim3A_35) -> (vector<16xi32>, vector<16xi32>)  : i32 {
      %add3A_1075 = arith.addi %mul3A_557, %scan3A_1072 : i32
      %broadcast_in_dim3A_1076 = vector.broadcast %add3A_1075 : i32 to vector<16xi32>
      %gather3A_1077 = tpu.vector_load_idx %arg7[%broadcast_in_dim3A_1076] : memref<2048xi32, #tpu.memory_space<vmem>>[vector<16xi32>], vector<16xi32>,
      %gather3A_1078 = tpu.vector_load_idx %arg6[%gather3A_1077, %add3A_784] : memref<128x512xi32, #tpu.memory_space<vmem>>[vector<16xi32>, vector<16xi32>], vector<16xi32>,
      %and3A_1079 = arith.andi %scan3A_1073, %gather3A_1078 : vector<16xi32>
      %eq3A_1080 = arith.constant 0 : i32
      %eq3A_1081 = vector.broadcast %eq3A_1080 : i32 to vector<16xi32>
      %eq3A_1082 = arith.cmpi eq, %and3A_1079, %eq3A_1081 : vector<16xi32>
      %or3A = arith.ori %scan3A_1073, %gather3A_1078 : vector<16xi32>
      %select_n3A_1083 = arith.select %eq3A_1082, %or3A, %and3A_1079 : vector<16xi1>, vector<16xi32>
      %select_n3A_1084 = arith.select %eq3A_1082, %broadcast_in_dim3A_33, %broadcast_in_dim3A_35 : vector<16xi1>, vector<16xi32>
      %add3A_1085 = arith.addi %scan3A_1074, %select_n3A_1084 : vector<16xi32>
      scf.yield %select_n3A_1083, %add3A_1085 : vector<16xi32>, vector<16xi32>
    }
    %scan3A_793 = arith.constant 127 : i32
    %get3A_794 = arith.constant 224 : index
    %get3A_795 = tpu.vector_load %arg8[%get3A_794] {strides = array<i32>} : memref<512xi32, #tpu.memory_space<vmem>>, vector<16xi32>,
    %mul3A_796 = arith.muli %scan3A_792#1, %get3A_795 : vector<16xi32>
    %add3A_797 = arith.addi %add3A_781, %mul3A_796 : vector<16xi32>
    %add3A_798 = arith.constant 240 : i32
    %add3A_799 = vector.broadcast %add3A_798 : i32 to vector<16xi32>
    %add3A_800 = arith.addi %iota3A, %add3A_799 : vector<16xi32>
    %broadcast_in_dim3A_801 = vector.broadcast %mul3A_557 : i32 to vector<16xi32>
    %gather3A_802 = tpu.vector_load_idx %arg7[%broadcast_in_dim3A_801] : memref<2048xi32, #tpu.memory_space<vmem>>[vector<16xi32>], vector<16xi32>,
    %gather3A_803 = tpu.vector_load_idx %arg6[%gather3A_802, %add3A_800] : memref<128x512xi32, #tpu.memory_space<vmem>>[vector<16xi32>, vector<16xi32>], vector<16xi32>,
    %scan3A_804 = arith.constant 1 : i32
    %scan3A_805 = arith.constant 127 : i32
    %scan3A_806 = arith.addi %scan3A_804, %scan3A_805 : i32
    %scan3A_807 = arith.constant 1 : i32
    %scan3A_808:2 = scf.for %scan3A_1072 = %scan3A_804 to %scan3A_806 step %scan3A_807 iter_args(%scan3A_1073 = %gather3A_803, %scan3A_1074 = %broadcast_in_dim3A_35) -> (vector<16xi32>, vector<16xi32>)  : i32 {
      %add3A_1075 = arith.addi %mul3A_557, %scan3A_1072 : i32
      %broadcast_in_dim3A_1076 = vector.broadcast %add3A_1075 : i32 to vector<16xi32>
      %gather3A_1077 = tpu.vector_load_idx %arg7[%broadcast_in_dim3A_1076] : memref<2048xi32, #tpu.memory_space<vmem>>[vector<16xi32>], vector<16xi32>,
      %gather3A_1078 = tpu.vector_load_idx %arg6[%gather3A_1077, %add3A_800] : memref<128x512xi32, #tpu.memory_space<vmem>>[vector<16xi32>, vector<16xi32>], vector<16xi32>,
      %and3A_1079 = arith.andi %scan3A_1073, %gather3A_1078 : vector<16xi32>
      %eq3A_1080 = arith.constant 0 : i32
      %eq3A_1081 = vector.broadcast %eq3A_1080 : i32 to vector<16xi32>
      %eq3A_1082 = arith.cmpi eq, %and3A_1079, %eq3A_1081 : vector<16xi32>
      %or3A = arith.ori %scan3A_1073, %gather3A_1078 : vector<16xi32>
      %select_n3A_1083 = arith.select %eq3A_1082, %or3A, %and3A_1079 : vector<16xi1>, vector<16xi32>
      %select_n3A_1084 = arith.select %eq3A_1082, %broadcast_in_dim3A_33, %broadcast_in_dim3A_35 : vector<16xi1>, vector<16xi32>
      %add3A_1085 = arith.addi %scan3A_1074, %select_n3A_1084 : vector<16xi32>
      scf.yield %select_n3A_1083, %add3A_1085 : vector<16xi32>, vector<16xi32>
    }
    %scan3A_809 = arith.constant 127 : i32
    %get3A_810 = arith.constant 240 : index
    %get3A_811 = tpu.vector_load %arg8[%get3A_810] {strides = array<i32>} : memref<512xi32, #tpu.memory_space<vmem>>, vector<16xi32>,
    %mul3A_812 = arith.muli %scan3A_808#1, %get3A_811 : vector<16xi32>
    %add3A_813 = arith.addi %add3A_797, %mul3A_812 : vector<16xi32>
    %add3A_814 = arith.constant 256 : i32
    %add3A_815 = vector.broadcast %add3A_814 : i32 to vector<16xi32>
    %add3A_816 = arith.addi %iota3A, %add3A_815 : vector<16xi32>
    %broadcast_in_dim3A_817 = vector.broadcast %mul3A_557 : i32 to vector<16xi32>
    %gather3A_818 = tpu.vector_load_idx %arg7[%broadcast_in_dim3A_817] : memref<2048xi32, #tpu.memory_space<vmem>>[vector<16xi32>], vector<16xi32>,
    %gather3A_819 = tpu.vector_load_idx %arg6[%gather3A_818, %add3A_816] : memref<128x512xi32, #tpu.memory_space<vmem>>[vector<16xi32>, vector<16xi32>], vector<16xi32>,
    %scan3A_820 = arith.constant 1 : i32
    %scan3A_821 = arith.constant 127 : i32
    %scan3A_822 = arith.addi %scan3A_820, %scan3A_821 : i32
    %scan3A_823 = arith.constant 1 : i32
    %scan3A_824:2 = scf.for %scan3A_1072 = %scan3A_820 to %scan3A_822 step %scan3A_823 iter_args(%scan3A_1073 = %gather3A_819, %scan3A_1074 = %broadcast_in_dim3A_35) -> (vector<16xi32>, vector<16xi32>)  : i32 {
      %add3A_1075 = arith.addi %mul3A_557, %scan3A_1072 : i32
      %broadcast_in_dim3A_1076 = vector.broadcast %add3A_1075 : i32 to vector<16xi32>
      %gather3A_1077 = tpu.vector_load_idx %arg7[%broadcast_in_dim3A_1076] : memref<2048xi32, #tpu.memory_space<vmem>>[vector<16xi32>], vector<16xi32>,
      %gather3A_1078 = tpu.vector_load_idx %arg6[%gather3A_1077, %add3A_816] : memref<128x512xi32, #tpu.memory_space<vmem>>[vector<16xi32>, vector<16xi32>], vector<16xi32>,
      %and3A_1079 = arith.andi %scan3A_1073, %gather3A_1078 : vector<16xi32>
      %eq3A_1080 = arith.constant 0 : i32
      %eq3A_1081 = vector.broadcast %eq3A_1080 : i32 to vector<16xi32>
      %eq3A_1082 = arith.cmpi eq, %and3A_1079, %eq3A_1081 : vector<16xi32>
      %or3A = arith.ori %scan3A_1073, %gather3A_1078 : vector<16xi32>
      %select_n3A_1083 = arith.select %eq3A_1082, %or3A, %and3A_1079 : vector<16xi1>, vector<16xi32>
      %select_n3A_1084 = arith.select %eq3A_1082, %broadcast_in_dim3A_33, %broadcast_in_dim3A_35 : vector<16xi1>, vector<16xi32>
      %add3A_1085 = arith.addi %scan3A_1074, %select_n3A_1084 : vector<16xi32>
      scf.yield %select_n3A_1083, %add3A_1085 : vector<16xi32>, vector<16xi32>
    }
    %scan3A_825 = arith.constant 127 : i32
    %get3A_826 = arith.constant 256 : index
    %get3A_827 = tpu.vector_load %arg8[%get3A_826] {strides = array<i32>} : memref<512xi32, #tpu.memory_space<vmem>>, vector<16xi32>,
    %mul3A_828 = arith.muli %scan3A_824#1, %get3A_827 : vector<16xi32>
    %add3A_829 = arith.addi %add3A_813, %mul3A_828 : vector<16xi32>
    %add3A_830 = arith.constant 272 : i32
    %add3A_831 = vector.broadcast %add3A_830 : i32 to vector<16xi32>
    %add3A_832 = arith.addi %iota3A, %add3A_831 : vector<16xi32>
    %broadcast_in_dim3A_833 = vector.broadcast %mul3A_557 : i32 to vector<16xi32>
    %gather3A_834 = tpu.vector_load_idx %arg7[%broadcast_in_dim3A_833] : memref<2048xi32, #tpu.memory_space<vmem>>[vector<16xi32>], vector<16xi32>,
    %gather3A_835 = tpu.vector_load_idx %arg6[%gather3A_834, %add3A_832] : memref<128x512xi32, #tpu.memory_space<vmem>>[vector<16xi32>, vector<16xi32>], vector<16xi32>,
    %scan3A_836 = arith.constant 1 : i32
    %scan3A_837 = arith.constant 127 : i32
    %scan3A_838 = arith.addi %scan3A_836, %scan3A_837 : i32
    %scan3A_839 = arith.constant 1 : i32
    %scan3A_840:2 = scf.for %scan3A_1072 = %scan3A_836 to %scan3A_838 step %scan3A_839 iter_args(%scan3A_1073 = %gather3A_835, %scan3A_1074 = %broadcast_in_dim3A_35) -> (vector<16xi32>, vector<16xi32>)  : i32 {
      %add3A_1075 = arith.addi %mul3A_557, %scan3A_1072 : i32
      %broadcast_in_dim3A_1076 = vector.broadcast %add3A_1075 : i32 to vector<16xi32>
      %gather3A_1077 = tpu.vector_load_idx %arg7[%broadcast_in_dim3A_1076] : memref<2048xi32, #tpu.memory_space<vmem>>[vector<16xi32>], vector<16xi32>,
      %gather3A_1078 = tpu.vector_load_idx %arg6[%gather3A_1077, %add3A_832] : memref<128x512xi32, #tpu.memory_space<vmem>>[vector<16xi32>, vector<16xi32>], vector<16xi32>,
      %and3A_1079 = arith.andi %scan3A_1073, %gather3A_1078 : vector<16xi32>
      %eq3A_1080 = arith.constant 0 : i32
      %eq3A_1081 = vector.broadcast %eq3A_1080 : i32 to vector<16xi32>
      %eq3A_1082 = arith.cmpi eq, %and3A_1079, %eq3A_1081 : vector<16xi32>
      %or3A = arith.ori %scan3A_1073, %gather3A_1078 : vector<16xi32>
      %select_n3A_1083 = arith.select %eq3A_1082, %or3A, %and3A_1079 : vector<16xi1>, vector<16xi32>
      %select_n3A_1084 = arith.select %eq3A_1082, %broadcast_in_dim3A_33, %broadcast_in_dim3A_35 : vector<16xi1>, vector<16xi32>
      %add3A_1085 = arith.addi %scan3A_1074, %select_n3A_1084 : vector<16xi32>
      scf.yield %select_n3A_1083, %add3A_1085 : vector<16xi32>, vector<16xi32>
    }
    %scan3A_841 = arith.constant 127 : i32
    %get3A_842 = arith.constant 272 : index
    %get3A_843 = tpu.vector_load %arg8[%get3A_842] {strides = array<i32>} : memref<512xi32, #tpu.memory_space<vmem>>, vector<16xi32>,
    %mul3A_844 = arith.muli %scan3A_840#1, %get3A_843 : vector<16xi32>
    %add3A_845 = arith.addi %add3A_829, %mul3A_844 : vector<16xi32>
    %add3A_846 = arith.constant 288 : i32
    %add3A_847 = vector.broadcast %add3A_846 : i32 to vector<16xi32>
    %add3A_848 = arith.addi %iota3A, %add3A_847 : vector<16xi32>
    %broadcast_in_dim3A_849 = vector.broadcast %mul3A_557 : i32 to vector<16xi32>
    %gather3A_850 = tpu.vector_load_idx %arg7[%broadcast_in_dim3A_849] : memref<2048xi32, #tpu.memory_space<vmem>>[vector<16xi32>], vector<16xi32>,
    %gather3A_851 = tpu.vector_load_idx %arg6[%gather3A_850, %add3A_848] : memref<128x512xi32, #tpu.memory_space<vmem>>[vector<16xi32>, vector<16xi32>], vector<16xi32>,
    %scan3A_852 = arith.constant 1 : i32
    %scan3A_853 = arith.constant 127 : i32
    %scan3A_854 = arith.addi %scan3A_852, %scan3A_853 : i32
    %scan3A_855 = arith.constant 1 : i32
    %scan3A_856:2 = scf.for %scan3A_1072 = %scan3A_852 to %scan3A_854 step %scan3A_855 iter_args(%scan3A_1073 = %gather3A_851, %scan3A_1074 = %broadcast_in_dim3A_35) -> (vector<16xi32>, vector<16xi32>)  : i32 {
      %add3A_1075 = arith.addi %mul3A_557, %scan3A_1072 : i32
      %broadcast_in_dim3A_1076 = vector.broadcast %add3A_1075 : i32 to vector<16xi32>
      %gather3A_1077 = tpu.vector_load_idx %arg7[%broadcast_in_dim3A_1076] : memref<2048xi32, #tpu.memory_space<vmem>>[vector<16xi32>], vector<16xi32>,
      %gather3A_1078 = tpu.vector_load_idx %arg6[%gather3A_1077, %add3A_848] : memref<128x512xi32, #tpu.memory_space<vmem>>[vector<16xi32>, vector<16xi32>], vector<16xi32>,
      %and3A_1079 = arith.andi %scan3A_1073, %gather3A_1078 : vector<16xi32>
      %eq3A_1080 = arith.constant 0 : i32
      %eq3A_1081 = vector.broadcast %eq3A_1080 : i32 to vector<16xi32>
      %eq3A_1082 = arith.cmpi eq, %and3A_1079, %eq3A_1081 : vector<16xi32>
      %or3A = arith.ori %scan3A_1073, %gather3A_1078 : vector<16xi32>
      %select_n3A_1083 = arith.select %eq3A_1082, %or3A, %and3A_1079 : vector<16xi1>, vector<16xi32>
      %select_n3A_1084 = arith.select %eq3A_1082, %broadcast_in_dim3A_33, %broadcast_in_dim3A_35 : vector<16xi1>, vector<16xi32>
      %add3A_1085 = arith.addi %scan3A_1074, %select_n3A_1084 : vector<16xi32>
      scf.yield %select_n3A_1083, %add3A_1085 : vector<16xi32>, vector<16xi32>
    }
    %scan3A_857 = arith.constant 127 : i32
    %get3A_858 = arith.constant 288 : index
    %get3A_859 = tpu.vector_load %arg8[%get3A_858] {strides = array<i32>} : memref<512xi32, #tpu.memory_space<vmem>>, vector<16xi32>,
    %mul3A_860 = arith.muli %scan3A_856#1, %get3A_859 : vector<16xi32>
    %add3A_861 = arith.addi %add3A_845, %mul3A_860 : vector<16xi32>
    %add3A_862 = arith.constant 304 : i32
    %add3A_863 = vector.broadcast %add3A_862 : i32 to vector<16xi32>
    %add3A_864 = arith.addi %iota3A, %add3A_863 : vector<16xi32>
    %broadcast_in_dim3A_865 = vector.broadcast %mul3A_557 : i32 to vector<16xi32>
    %gather3A_866 = tpu.vector_load_idx %arg7[%broadcast_in_dim3A_865] : memref<2048xi32, #tpu.memory_space<vmem>>[vector<16xi32>], vector<16xi32>,
    %gather3A_867 = tpu.vector_load_idx %arg6[%gather3A_866, %add3A_864] : memref<128x512xi32, #tpu.memory_space<vmem>>[vector<16xi32>, vector<16xi32>], vector<16xi32>,
    %scan3A_868 = arith.constant 1 : i32
    %scan3A_869 = arith.constant 127 : i32
    %scan3A_870 = arith.addi %scan3A_868, %scan3A_869 : i32
    %scan3A_871 = arith.constant 1 : i32
    %scan3A_872:2 = scf.for %scan3A_1072 = %scan3A_868 to %scan3A_870 step %scan3A_871 iter_args(%scan3A_1073 = %gather3A_867, %scan3A_1074 = %broadcast_in_dim3A_35) -> (vector<16xi32>, vector<16xi32>)  : i32 {
      %add3A_1075 = arith.addi %mul3A_557, %scan3A_1072 : i32
      %broadcast_in_dim3A_1076 = vector.broadcast %add3A_1075 : i32 to vector<16xi32>
      %gather3A_1077 = tpu.vector_load_idx %arg7[%broadcast_in_dim3A_1076] : memref<2048xi32, #tpu.memory_space<vmem>>[vector<16xi32>], vector<16xi32>,
      %gather3A_1078 = tpu.vector_load_idx %arg6[%gather3A_1077, %add3A_864] : memref<128x512xi32, #tpu.memory_space<vmem>>[vector<16xi32>, vector<16xi32>], vector<16xi32>,
      %and3A_1079 = arith.andi %scan3A_1073, %gather3A_1078 : vector<16xi32>
      %eq3A_1080 = arith.constant 0 : i32
      %eq3A_1081 = vector.broadcast %eq3A_1080 : i32 to vector<16xi32>
      %eq3A_1082 = arith.cmpi eq, %and3A_1079, %eq3A_1081 : vector<16xi32>
      %or3A = arith.ori %scan3A_1073, %gather3A_1078 : vector<16xi32>
      %select_n3A_1083 = arith.select %eq3A_1082, %or3A, %and3A_1079 : vector<16xi1>, vector<16xi32>
      %select_n3A_1084 = arith.select %eq3A_1082, %broadcast_in_dim3A_33, %broadcast_in_dim3A_35 : vector<16xi1>, vector<16xi32>
      %add3A_1085 = arith.addi %scan3A_1074, %select_n3A_1084 : vector<16xi32>
      scf.yield %select_n3A_1083, %add3A_1085 : vector<16xi32>, vector<16xi32>
    }
    %scan3A_873 = arith.constant 127 : i32
    %get3A_874 = arith.constant 304 : index
    %get3A_875 = tpu.vector_load %arg8[%get3A_874] {strides = array<i32>} : memref<512xi32, #tpu.memory_space<vmem>>, vector<16xi32>,
    %mul3A_876 = arith.muli %scan3A_872#1, %get3A_875 : vector<16xi32>
    %add3A_877 = arith.addi %add3A_861, %mul3A_876 : vector<16xi32>
    %add3A_878 = arith.constant 320 : i32
    %add3A_879 = vector.broadcast %add3A_878 : i32 to vector<16xi32>
    %add3A_880 = arith.addi %iota3A, %add3A_879 : vector<16xi32>
    %broadcast_in_dim3A_881 = vector.broadcast %mul3A_557 : i32 to vector<16xi32>
    %gather3A_882 = tpu.vector_load_idx %arg7[%broadcast_in_dim3A_881] : memref<2048xi32, #tpu.memory_space<vmem>>[vector<16xi32>], vector<16xi32>,
    %gather3A_883 = tpu.vector_load_idx %arg6[%gather3A_882, %add3A_880] : memref<128x512xi32, #tpu.memory_space<vmem>>[vector<16xi32>, vector<16xi32>], vector<16xi32>,
    %scan3A_884 = arith.constant 1 : i32
    %scan3A_885 = arith.constant 127 : i32
    %scan3A_886 = arith.addi %scan3A_884, %scan3A_885 : i32
    %scan3A_887 = arith.constant 1 : i32
    %scan3A_888:2 = scf.for %scan3A_1072 = %scan3A_884 to %scan3A_886 step %scan3A_887 iter_args(%scan3A_1073 = %gather3A_883, %scan3A_1074 = %broadcast_in_dim3A_35) -> (vector<16xi32>, vector<16xi32>)  : i32 {
      %add3A_1075 = arith.addi %mul3A_557, %scan3A_1072 : i32
      %broadcast_in_dim3A_1076 = vector.broadcast %add3A_1075 : i32 to vector<16xi32>
      %gather3A_1077 = tpu.vector_load_idx %arg7[%broadcast_in_dim3A_1076] : memref<2048xi32, #tpu.memory_space<vmem>>[vector<16xi32>], vector<16xi32>,
      %gather3A_1078 = tpu.vector_load_idx %arg6[%gather3A_1077, %add3A_880] : memref<128x512xi32, #tpu.memory_space<vmem>>[vector<16xi32>, vector<16xi32>], vector<16xi32>,
      %and3A_1079 = arith.andi %scan3A_1073, %gather3A_1078 : vector<16xi32>
      %eq3A_1080 = arith.constant 0 : i32
      %eq3A_1081 = vector.broadcast %eq3A_1080 : i32 to vector<16xi32>
      %eq3A_1082 = arith.cmpi eq, %and3A_1079, %eq3A_1081 : vector<16xi32>
      %or3A = arith.ori %scan3A_1073, %gather3A_1078 : vector<16xi32>
      %select_n3A_1083 = arith.select %eq3A_1082, %or3A, %and3A_1079 : vector<16xi1>, vector<16xi32>
      %select_n3A_1084 = arith.select %eq3A_1082, %broadcast_in_dim3A_33, %broadcast_in_dim3A_35 : vector<16xi1>, vector<16xi32>
      %add3A_1085 = arith.addi %scan3A_1074, %select_n3A_1084 : vector<16xi32>
      scf.yield %select_n3A_1083, %add3A_1085 : vector<16xi32>, vector<16xi32>
    }
    %scan3A_889 = arith.constant 127 : i32
    %get3A_890 = arith.constant 320 : index
    %get3A_891 = tpu.vector_load %arg8[%get3A_890] {strides = array<i32>} : memref<512xi32, #tpu.memory_space<vmem>>, vector<16xi32>,
    %mul3A_892 = arith.muli %scan3A_888#1, %get3A_891 : vector<16xi32>
    %add3A_893 = arith.addi %add3A_877, %mul3A_892 : vector<16xi32>
    %add3A_894 = arith.constant 336 : i32
    %add3A_895 = vector.broadcast %add3A_894 : i32 to vector<16xi32>
    %add3A_896 = arith.addi %iota3A, %add3A_895 : vector<16xi32>
    %broadcast_in_dim3A_897 = vector.broadcast %mul3A_557 : i32 to vector<16xi32>
    %gather3A_898 = tpu.vector_load_idx %arg7[%broadcast_in_dim3A_897] : memref<2048xi32, #tpu.memory_space<vmem>>[vector<16xi32>], vector<16xi32>,
    %gather3A_899 = tpu.vector_load_idx %arg6[%gather3A_898, %add3A_896] : memref<128x512xi32, #tpu.memory_space<vmem>>[vector<16xi32>, vector<16xi32>], vector<16xi32>,
    %scan3A_900 = arith.constant 1 : i32
    %scan3A_901 = arith.constant 127 : i32
    %scan3A_902 = arith.addi %scan3A_900, %scan3A_901 : i32
    %scan3A_903 = arith.constant 1 : i32
    %scan3A_904:2 = scf.for %scan3A_1072 = %scan3A_900 to %scan3A_902 step %scan3A_903 iter_args(%scan3A_1073 = %gather3A_899, %scan3A_1074 = %broadcast_in_dim3A_35) -> (vector<16xi32>, vector<16xi32>)  : i32 {
      %add3A_1075 = arith.addi %mul3A_557, %scan3A_1072 : i32
      %broadcast_in_dim3A_1076 = vector.broadcast %add3A_1075 : i32 to vector<16xi32>
      %gather3A_1077 = tpu.vector_load_idx %arg7[%broadcast_in_dim3A_1076] : memref<2048xi32, #tpu.memory_space<vmem>>[vector<16xi32>], vector<16xi32>,
      %gather3A_1078 = tpu.vector_load_idx %arg6[%gather3A_1077, %add3A_896] : memref<128x512xi32, #tpu.memory_space<vmem>>[vector<16xi32>, vector<16xi32>], vector<16xi32>,
      %and3A_1079 = arith.andi %scan3A_1073, %gather3A_1078 : vector<16xi32>
      %eq3A_1080 = arith.constant 0 : i32
      %eq3A_1081 = vector.broadcast %eq3A_1080 : i32 to vector<16xi32>
      %eq3A_1082 = arith.cmpi eq, %and3A_1079, %eq3A_1081 : vector<16xi32>
      %or3A = arith.ori %scan3A_1073, %gather3A_1078 : vector<16xi32>
      %select_n3A_1083 = arith.select %eq3A_1082, %or3A, %and3A_1079 : vector<16xi1>, vector<16xi32>
      %select_n3A_1084 = arith.select %eq3A_1082, %broadcast_in_dim3A_33, %broadcast_in_dim3A_35 : vector<16xi1>, vector<16xi32>
      %add3A_1085 = arith.addi %scan3A_1074, %select_n3A_1084 : vector<16xi32>
      scf.yield %select_n3A_1083, %add3A_1085 : vector<16xi32>, vector<16xi32>
    }
    %scan3A_905 = arith.constant 127 : i32
    %get3A_906 = arith.constant 336 : index
    %get3A_907 = tpu.vector_load %arg8[%get3A_906] {strides = array<i32>} : memref<512xi32, #tpu.memory_space<vmem>>, vector<16xi32>,
    %mul3A_908 = arith.muli %scan3A_904#1, %get3A_907 : vector<16xi32>
    %add3A_909 = arith.addi %add3A_893, %mul3A_908 : vector<16xi32>
    %add3A_910 = arith.constant 352 : i32
    %add3A_911 = vector.broadcast %add3A_910 : i32 to vector<16xi32>
    %add3A_912 = arith.addi %iota3A, %add3A_911 : vector<16xi32>
    %broadcast_in_dim3A_913 = vector.broadcast %mul3A_557 : i32 to vector<16xi32>
    %gather3A_914 = tpu.vector_load_idx %arg7[%broadcast_in_dim3A_913] : memref<2048xi32, #tpu.memory_space<vmem>>[vector<16xi32>], vector<16xi32>,
    %gather3A_915 = tpu.vector_load_idx %arg6[%gather3A_914, %add3A_912] : memref<128x512xi32, #tpu.memory_space<vmem>>[vector<16xi32>, vector<16xi32>], vector<16xi32>,
    %scan3A_916 = arith.constant 1 : i32
    %scan3A_917 = arith.constant 127 : i32
    %scan3A_918 = arith.addi %scan3A_916, %scan3A_917 : i32
    %scan3A_919 = arith.constant 1 : i32
    %scan3A_920:2 = scf.for %scan3A_1072 = %scan3A_916 to %scan3A_918 step %scan3A_919 iter_args(%scan3A_1073 = %gather3A_915, %scan3A_1074 = %broadcast_in_dim3A_35) -> (vector<16xi32>, vector<16xi32>)  : i32 {
      %add3A_1075 = arith.addi %mul3A_557, %scan3A_1072 : i32
      %broadcast_in_dim3A_1076 = vector.broadcast %add3A_1075 : i32 to vector<16xi32>
      %gather3A_1077 = tpu.vector_load_idx %arg7[%broadcast_in_dim3A_1076] : memref<2048xi32, #tpu.memory_space<vmem>>[vector<16xi32>], vector<16xi32>,
      %gather3A_1078 = tpu.vector_load_idx %arg6[%gather3A_1077, %add3A_912] : memref<128x512xi32, #tpu.memory_space<vmem>>[vector<16xi32>, vector<16xi32>], vector<16xi32>,
      %and3A_1079 = arith.andi %scan3A_1073, %gather3A_1078 : vector<16xi32>
      %eq3A_1080 = arith.constant 0 : i32
      %eq3A_1081 = vector.broadcast %eq3A_1080 : i32 to vector<16xi32>
      %eq3A_1082 = arith.cmpi eq, %and3A_1079, %eq3A_1081 : vector<16xi32>
      %or3A = arith.ori %scan3A_1073, %gather3A_1078 : vector<16xi32>
      %select_n3A_1083 = arith.select %eq3A_1082, %or3A, %and3A_1079 : vector<16xi1>, vector<16xi32>
      %select_n3A_1084 = arith.select %eq3A_1082, %broadcast_in_dim3A_33, %broadcast_in_dim3A_35 : vector<16xi1>, vector<16xi32>
      %add3A_1085 = arith.addi %scan3A_1074, %select_n3A_1084 : vector<16xi32>
      scf.yield %select_n3A_1083, %add3A_1085 : vector<16xi32>, vector<16xi32>
    }
    %scan3A_921 = arith.constant 127 : i32
    %get3A_922 = arith.constant 352 : index
    %get3A_923 = tpu.vector_load %arg8[%get3A_922] {strides = array<i32>} : memref<512xi32, #tpu.memory_space<vmem>>, vector<16xi32>,
    %mul3A_924 = arith.muli %scan3A_920#1, %get3A_923 : vector<16xi32>
    %add3A_925 = arith.addi %add3A_909, %mul3A_924 : vector<16xi32>
    %add3A_926 = arith.constant 368 : i32
    %add3A_927 = vector.broadcast %add3A_926 : i32 to vector<16xi32>
    %add3A_928 = arith.addi %iota3A, %add3A_927 : vector<16xi32>
    %broadcast_in_dim3A_929 = vector.broadcast %mul3A_557 : i32 to vector<16xi32>
    %gather3A_930 = tpu.vector_load_idx %arg7[%broadcast_in_dim3A_929] : memref<2048xi32, #tpu.memory_space<vmem>>[vector<16xi32>], vector<16xi32>,
    %gather3A_931 = tpu.vector_load_idx %arg6[%gather3A_930, %add3A_928] : memref<128x512xi32, #tpu.memory_space<vmem>>[vector<16xi32>, vector<16xi32>], vector<16xi32>,
    %scan3A_932 = arith.constant 1 : i32
    %scan3A_933 = arith.constant 127 : i32
    %scan3A_934 = arith.addi %scan3A_932, %scan3A_933 : i32
    %scan3A_935 = arith.constant 1 : i32
    %scan3A_936:2 = scf.for %scan3A_1072 = %scan3A_932 to %scan3A_934 step %scan3A_935 iter_args(%scan3A_1073 = %gather3A_931, %scan3A_1074 = %broadcast_in_dim3A_35) -> (vector<16xi32>, vector<16xi32>)  : i32 {
      %add3A_1075 = arith.addi %mul3A_557, %scan3A_1072 : i32
      %broadcast_in_dim3A_1076 = vector.broadcast %add3A_1075 : i32 to vector<16xi32>
      %gather3A_1077 = tpu.vector_load_idx %arg7[%broadcast_in_dim3A_1076] : memref<2048xi32, #tpu.memory_space<vmem>>[vector<16xi32>], vector<16xi32>,
      %gather3A_1078 = tpu.vector_load_idx %arg6[%gather3A_1077, %add3A_928] : memref<128x512xi32, #tpu.memory_space<vmem>>[vector<16xi32>, vector<16xi32>], vector<16xi32>,
      %and3A_1079 = arith.andi %scan3A_1073, %gather3A_1078 : vector<16xi32>
      %eq3A_1080 = arith.constant 0 : i32
      %eq3A_1081 = vector.broadcast %eq3A_1080 : i32 to vector<16xi32>
      %eq3A_1082 = arith.cmpi eq, %and3A_1079, %eq3A_1081 : vector<16xi32>
      %or3A = arith.ori %scan3A_1073, %gather3A_1078 : vector<16xi32>
      %select_n3A_1083 = arith.select %eq3A_1082, %or3A, %and3A_1079 : vector<16xi1>, vector<16xi32>
      %select_n3A_1084 = arith.select %eq3A_1082, %broadcast_in_dim3A_33, %broadcast_in_dim3A_35 : vector<16xi1>, vector<16xi32>
      %add3A_1085 = arith.addi %scan3A_1074, %select_n3A_1084 : vector<16xi32>
      scf.yield %select_n3A_1083, %add3A_1085 : vector<16xi32>, vector<16xi32>
    }
    %scan3A_937 = arith.constant 127 : i32
    %get3A_938 = arith.constant 368 : index
    %get3A_939 = tpu.vector_load %arg8[%get3A_938] {strides = array<i32>} : memref<512xi32, #tpu.memory_space<vmem>>, vector<16xi32>,
    %mul3A_940 = arith.muli %scan3A_936#1, %get3A_939 : vector<16xi32>
    %add3A_941 = arith.addi %add3A_925, %mul3A_940 : vector<16xi32>
    %add3A_942 = arith.constant 384 : i32
    %add3A_943 = vector.broadcast %add3A_942 : i32 to vector<16xi32>
    %add3A_944 = arith.addi %iota3A, %add3A_943 : vector<16xi32>
    %broadcast_in_dim3A_945 = vector.broadcast %mul3A_557 : i32 to vector<16xi32>
    %gather3A_946 = tpu.vector_load_idx %arg7[%broadcast_in_dim3A_945] : memref<2048xi32, #tpu.memory_space<vmem>>[vector<16xi32>], vector<16xi32>,
    %gather3A_947 = tpu.vector_load_idx %arg6[%gather3A_946, %add3A_944] : memref<128x512xi32, #tpu.memory_space<vmem>>[vector<16xi32>, vector<16xi32>], vector<16xi32>,
    %scan3A_948 = arith.constant 1 : i32
    %scan3A_949 = arith.constant 127 : i32
    %scan3A_950 = arith.addi %scan3A_948, %scan3A_949 : i32
    %scan3A_951 = arith.constant 1 : i32
    %scan3A_952:2 = scf.for %scan3A_1072 = %scan3A_948 to %scan3A_950 step %scan3A_951 iter_args(%scan3A_1073 = %gather3A_947, %scan3A_1074 = %broadcast_in_dim3A_35) -> (vector<16xi32>, vector<16xi32>)  : i32 {
      %add3A_1075 = arith.addi %mul3A_557, %scan3A_1072 : i32
      %broadcast_in_dim3A_1076 = vector.broadcast %add3A_1075 : i32 to vector<16xi32>
      %gather3A_1077 = tpu.vector_load_idx %arg7[%broadcast_in_dim3A_1076] : memref<2048xi32, #tpu.memory_space<vmem>>[vector<16xi32>], vector<16xi32>,
      %gather3A_1078 = tpu.vector_load_idx %arg6[%gather3A_1077, %add3A_944] : memref<128x512xi32, #tpu.memory_space<vmem>>[vector<16xi32>, vector<16xi32>], vector<16xi32>,
      %and3A_1079 = arith.andi %scan3A_1073, %gather3A_1078 : vector<16xi32>
      %eq3A_1080 = arith.constant 0 : i32
      %eq3A_1081 = vector.broadcast %eq3A_1080 : i32 to vector<16xi32>
      %eq3A_1082 = arith.cmpi eq, %and3A_1079, %eq3A_1081 : vector<16xi32>
      %or3A = arith.ori %scan3A_1073, %gather3A_1078 : vector<16xi32>
      %select_n3A_1083 = arith.select %eq3A_1082, %or3A, %and3A_1079 : vector<16xi1>, vector<16xi32>
      %select_n3A_1084 = arith.select %eq3A_1082, %broadcast_in_dim3A_33, %broadcast_in_dim3A_35 : vector<16xi1>, vector<16xi32>
      %add3A_1085 = arith.addi %scan3A_1074, %select_n3A_1084 : vector<16xi32>
      scf.yield %select_n3A_1083, %add3A_1085 : vector<16xi32>, vector<16xi32>
    }
    %scan3A_953 = arith.constant 127 : i32
    %get3A_954 = arith.constant 384 : index
    %get3A_955 = tpu.vector_load %arg8[%get3A_954] {strides = array<i32>} : memref<512xi32, #tpu.memory_space<vmem>>, vector<16xi32>,
    %mul3A_956 = arith.muli %scan3A_952#1, %get3A_955 : vector<16xi32>
    %add3A_957 = arith.addi %add3A_941, %mul3A_956 : vector<16xi32>
    %add3A_958 = arith.constant 400 : i32
    %add3A_959 = vector.broadcast %add3A_958 : i32 to vector<16xi32>
    %add3A_960 = arith.addi %iota3A, %add3A_959 : vector<16xi32>
    %broadcast_in_dim3A_961 = vector.broadcast %mul3A_557 : i32 to vector<16xi32>
    %gather3A_962 = tpu.vector_load_idx %arg7[%broadcast_in_dim3A_961] : memref<2048xi32, #tpu.memory_space<vmem>>[vector<16xi32>], vector<16xi32>,
    %gather3A_963 = tpu.vector_load_idx %arg6[%gather3A_962, %add3A_960] : memref<128x512xi32, #tpu.memory_space<vmem>>[vector<16xi32>, vector<16xi32>], vector<16xi32>,
    %scan3A_964 = arith.constant 1 : i32
    %scan3A_965 = arith.constant 127 : i32
    %scan3A_966 = arith.addi %scan3A_964, %scan3A_965 : i32
    %scan3A_967 = arith.constant 1 : i32
    %scan3A_968:2 = scf.for %scan3A_1072 = %scan3A_964 to %scan3A_966 step %scan3A_967 iter_args(%scan3A_1073 = %gather3A_963, %scan3A_1074 = %broadcast_in_dim3A_35) -> (vector<16xi32>, vector<16xi32>)  : i32 {
      %add3A_1075 = arith.addi %mul3A_557, %scan3A_1072 : i32
      %broadcast_in_dim3A_1076 = vector.broadcast %add3A_1075 : i32 to vector<16xi32>
      %gather3A_1077 = tpu.vector_load_idx %arg7[%broadcast_in_dim3A_1076] : memref<2048xi32, #tpu.memory_space<vmem>>[vector<16xi32>], vector<16xi32>,
      %gather3A_1078 = tpu.vector_load_idx %arg6[%gather3A_1077, %add3A_960] : memref<128x512xi32, #tpu.memory_space<vmem>>[vector<16xi32>, vector<16xi32>], vector<16xi32>,
      %and3A_1079 = arith.andi %scan3A_1073, %gather3A_1078 : vector<16xi32>
      %eq3A_1080 = arith.constant 0 : i32
      %eq3A_1081 = vector.broadcast %eq3A_1080 : i32 to vector<16xi32>
      %eq3A_1082 = arith.cmpi eq, %and3A_1079, %eq3A_1081 : vector<16xi32>
      %or3A = arith.ori %scan3A_1073, %gather3A_1078 : vector<16xi32>
      %select_n3A_1083 = arith.select %eq3A_1082, %or3A, %and3A_1079 : vector<16xi1>, vector<16xi32>
      %select_n3A_1084 = arith.select %eq3A_1082, %broadcast_in_dim3A_33, %broadcast_in_dim3A_35 : vector<16xi1>, vector<16xi32>
      %add3A_1085 = arith.addi %scan3A_1074, %select_n3A_1084 : vector<16xi32>
      scf.yield %select_n3A_1083, %add3A_1085 : vector<16xi32>, vector<16xi32>
    }
    %scan3A_969 = arith.constant 127 : i32
    %get3A_970 = arith.constant 400 : index
    %get3A_971 = tpu.vector_load %arg8[%get3A_970] {strides = array<i32>} : memref<512xi32, #tpu.memory_space<vmem>>, vector<16xi32>,
    %mul3A_972 = arith.muli %scan3A_968#1, %get3A_971 : vector<16xi32>
    %add3A_973 = arith.addi %add3A_957, %mul3A_972 : vector<16xi32>
    %add3A_974 = arith.constant 416 : i32
    %add3A_975 = vector.broadcast %add3A_974 : i32 to vector<16xi32>
    %add3A_976 = arith.addi %iota3A, %add3A_975 : vector<16xi32>
    %broadcast_in_dim3A_977 = vector.broadcast %mul3A_557 : i32 to vector<16xi32>
    %gather3A_978 = tpu.vector_load_idx %arg7[%broadcast_in_dim3A_977] : memref<2048xi32, #tpu.memory_space<vmem>>[vector<16xi32>], vector<16xi32>,
    %gather3A_979 = tpu.vector_load_idx %arg6[%gather3A_978, %add3A_976] : memref<128x512xi32, #tpu.memory_space<vmem>>[vector<16xi32>, vector<16xi32>], vector<16xi32>,
    %scan3A_980 = arith.constant 1 : i32
    %scan3A_981 = arith.constant 127 : i32
    %scan3A_982 = arith.addi %scan3A_980, %scan3A_981 : i32
    %scan3A_983 = arith.constant 1 : i32
    %scan3A_984:2 = scf.for %scan3A_1072 = %scan3A_980 to %scan3A_982 step %scan3A_983 iter_args(%scan3A_1073 = %gather3A_979, %scan3A_1074 = %broadcast_in_dim3A_35) -> (vector<16xi32>, vector<16xi32>)  : i32 {
      %add3A_1075 = arith.addi %mul3A_557, %scan3A_1072 : i32
      %broadcast_in_dim3A_1076 = vector.broadcast %add3A_1075 : i32 to vector<16xi32>
      %gather3A_1077 = tpu.vector_load_idx %arg7[%broadcast_in_dim3A_1076] : memref<2048xi32, #tpu.memory_space<vmem>>[vector<16xi32>], vector<16xi32>,
      %gather3A_1078 = tpu.vector_load_idx %arg6[%gather3A_1077, %add3A_976] : memref<128x512xi32, #tpu.memory_space<vmem>>[vector<16xi32>, vector<16xi32>], vector<16xi32>,
      %and3A_1079 = arith.andi %scan3A_1073, %gather3A_1078 : vector<16xi32>
      %eq3A_1080 = arith.constant 0 : i32
      %eq3A_1081 = vector.broadcast %eq3A_1080 : i32 to vector<16xi32>
      %eq3A_1082 = arith.cmpi eq, %and3A_1079, %eq3A_1081 : vector<16xi32>
      %or3A = arith.ori %scan3A_1073, %gather3A_1078 : vector<16xi32>
      %select_n3A_1083 = arith.select %eq3A_1082, %or3A, %and3A_1079 : vector<16xi1>, vector<16xi32>
      %select_n3A_1084 = arith.select %eq3A_1082, %broadcast_in_dim3A_33, %broadcast_in_dim3A_35 : vector<16xi1>, vector<16xi32>
      %add3A_1085 = arith.addi %scan3A_1074, %select_n3A_1084 : vector<16xi32>
      scf.yield %select_n3A_1083, %add3A_1085 : vector<16xi32>, vector<16xi32>
    }
    %scan3A_985 = arith.constant 127 : i32
    %get3A_986 = arith.constant 416 : index
    %get3A_987 = tpu.vector_load %arg8[%get3A_986] {strides = array<i32>} : memref<512xi32, #tpu.memory_space<vmem>>, vector<16xi32>,
    %mul3A_988 = arith.muli %scan3A_984#1, %get3A_987 : vector<16xi32>
    %add3A_989 = arith.addi %add3A_973, %mul3A_988 : vector<16xi32>
    %add3A_990 = arith.constant 432 : i32
    %add3A_991 = vector.broadcast %add3A_990 : i32 to vector<16xi32>
    %add3A_992 = arith.addi %iota3A, %add3A_991 : vector<16xi32>
    %broadcast_in_dim3A_993 = vector.broadcast %mul3A_557 : i32 to vector<16xi32>
    %gather3A_994 = tpu.vector_load_idx %arg7[%broadcast_in_dim3A_993] : memref<2048xi32, #tpu.memory_space<vmem>>[vector<16xi32>], vector<16xi32>,
    %gather3A_995 = tpu.vector_load_idx %arg6[%gather3A_994, %add3A_992] : memref<128x512xi32, #tpu.memory_space<vmem>>[vector<16xi32>, vector<16xi32>], vector<16xi32>,
    %scan3A_996 = arith.constant 1 : i32
    %scan3A_997 = arith.constant 127 : i32
    %scan3A_998 = arith.addi %scan3A_996, %scan3A_997 : i32
    %scan3A_999 = arith.constant 1 : i32
    %scan3A_1000:2 = scf.for %scan3A_1072 = %scan3A_996 to %scan3A_998 step %scan3A_999 iter_args(%scan3A_1073 = %gather3A_995, %scan3A_1074 = %broadcast_in_dim3A_35) -> (vector<16xi32>, vector<16xi32>)  : i32 {
      %add3A_1075 = arith.addi %mul3A_557, %scan3A_1072 : i32
      %broadcast_in_dim3A_1076 = vector.broadcast %add3A_1075 : i32 to vector<16xi32>
      %gather3A_1077 = tpu.vector_load_idx %arg7[%broadcast_in_dim3A_1076] : memref<2048xi32, #tpu.memory_space<vmem>>[vector<16xi32>], vector<16xi32>,
      %gather3A_1078 = tpu.vector_load_idx %arg6[%gather3A_1077, %add3A_992] : memref<128x512xi32, #tpu.memory_space<vmem>>[vector<16xi32>, vector<16xi32>], vector<16xi32>,
      %and3A_1079 = arith.andi %scan3A_1073, %gather3A_1078 : vector<16xi32>
      %eq3A_1080 = arith.constant 0 : i32
      %eq3A_1081 = vector.broadcast %eq3A_1080 : i32 to vector<16xi32>
      %eq3A_1082 = arith.cmpi eq, %and3A_1079, %eq3A_1081 : vector<16xi32>
      %or3A = arith.ori %scan3A_1073, %gather3A_1078 : vector<16xi32>
      %select_n3A_1083 = arith.select %eq3A_1082, %or3A, %and3A_1079 : vector<16xi1>, vector<16xi32>
      %select_n3A_1084 = arith.select %eq3A_1082, %broadcast_in_dim3A_33, %broadcast_in_dim3A_35 : vector<16xi1>, vector<16xi32>
      %add3A_1085 = arith.addi %scan3A_1074, %select_n3A_1084 : vector<16xi32>
      scf.yield %select_n3A_1083, %add3A_1085 : vector<16xi32>, vector<16xi32>
    }
    %scan3A_1001 = arith.constant 127 : i32
    %get3A_1002 = arith.constant 432 : index
    %get3A_1003 = tpu.vector_load %arg8[%get3A_1002] {strides = array<i32>} : memref<512xi32, #tpu.memory_space<vmem>>, vector<16xi32>,
    %mul3A_1004 = arith.muli %scan3A_1000#1, %get3A_1003 : vector<16xi32>
    %add3A_1005 = arith.addi %add3A_989, %mul3A_1004 : vector<16xi32>
    %add3A_1006 = arith.constant 448 : i32
    %add3A_1007 = vector.broadcast %add3A_1006 : i32 to vector<16xi32>
    %add3A_1008 = arith.addi %iota3A, %add3A_1007 : vector<16xi32>
    %broadcast_in_dim3A_1009 = vector.broadcast %mul3A_557 : i32 to vector<16xi32>
    %gather3A_1010 = tpu.vector_load_idx %arg7[%broadcast_in_dim3A_1009] : memref<2048xi32, #tpu.memory_space<vmem>>[vector<16xi32>], vector<16xi32>,
    %gather3A_1011 = tpu.vector_load_idx %arg6[%gather3A_1010, %add3A_1008] : memref<128x512xi32, #tpu.memory_space<vmem>>[vector<16xi32>, vector<16xi32>], vector<16xi32>,
    %scan3A_1012 = arith.constant 1 : i32
    %scan3A_1013 = arith.constant 127 : i32
    %scan3A_1014 = arith.addi %scan3A_1012, %scan3A_1013 : i32
    %scan3A_1015 = arith.constant 1 : i32
    %scan3A_1016:2 = scf.for %scan3A_1072 = %scan3A_1012 to %scan3A_1014 step %scan3A_1015 iter_args(%scan3A_1073 = %gather3A_1011, %scan3A_1074 = %broadcast_in_dim3A_35) -> (vector<16xi32>, vector<16xi32>)  : i32 {
      %add3A_1075 = arith.addi %mul3A_557, %scan3A_1072 : i32
      %broadcast_in_dim3A_1076 = vector.broadcast %add3A_1075 : i32 to vector<16xi32>
      %gather3A_1077 = tpu.vector_load_idx %arg7[%broadcast_in_dim3A_1076] : memref<2048xi32, #tpu.memory_space<vmem>>[vector<16xi32>], vector<16xi32>,
      %gather3A_1078 = tpu.vector_load_idx %arg6[%gather3A_1077, %add3A_1008] : memref<128x512xi32, #tpu.memory_space<vmem>>[vector<16xi32>, vector<16xi32>], vector<16xi32>,
      %and3A_1079 = arith.andi %scan3A_1073, %gather3A_1078 : vector<16xi32>
      %eq3A_1080 = arith.constant 0 : i32
      %eq3A_1081 = vector.broadcast %eq3A_1080 : i32 to vector<16xi32>
      %eq3A_1082 = arith.cmpi eq, %and3A_1079, %eq3A_1081 : vector<16xi32>
      %or3A = arith.ori %scan3A_1073, %gather3A_1078 : vector<16xi32>
      %select_n3A_1083 = arith.select %eq3A_1082, %or3A, %and3A_1079 : vector<16xi1>, vector<16xi32>
      %select_n3A_1084 = arith.select %eq3A_1082, %broadcast_in_dim3A_33, %broadcast_in_dim3A_35 : vector<16xi1>, vector<16xi32>
      %add3A_1085 = arith.addi %scan3A_1074, %select_n3A_1084 : vector<16xi32>
      scf.yield %select_n3A_1083, %add3A_1085 : vector<16xi32>, vector<16xi32>
    }
    %scan3A_1017 = arith.constant 127 : i32
    %get3A_1018 = arith.constant 448 : index
    %get3A_1019 = tpu.vector_load %arg8[%get3A_1018] {strides = array<i32>} : memref<512xi32, #tpu.memory_space<vmem>>, vector<16xi32>,
    %mul3A_1020 = arith.muli %scan3A_1016#1, %get3A_1019 : vector<16xi32>
    %add3A_1021 = arith.addi %add3A_1005, %mul3A_1020 : vector<16xi32>
    %add3A_1022 = arith.constant 464 : i32
    %add3A_1023 = vector.broadcast %add3A_1022 : i32 to vector<16xi32>
    %add3A_1024 = arith.addi %iota3A, %add3A_1023 : vector<16xi32>
    %broadcast_in_dim3A_1025 = vector.broadcast %mul3A_557 : i32 to vector<16xi32>
    %gather3A_1026 = tpu.vector_load_idx %arg7[%broadcast_in_dim3A_1025] : memref<2048xi32, #tpu.memory_space<vmem>>[vector<16xi32>], vector<16xi32>,
    %gather3A_1027 = tpu.vector_load_idx %arg6[%gather3A_1026, %add3A_1024] : memref<128x512xi32, #tpu.memory_space<vmem>>[vector<16xi32>, vector<16xi32>], vector<16xi32>,
    %scan3A_1028 = arith.constant 1 : i32
    %scan3A_1029 = arith.constant 127 : i32
    %scan3A_1030 = arith.addi %scan3A_1028, %scan3A_1029 : i32
    %scan3A_1031 = arith.constant 1 : i32
    %scan3A_1032:2 = scf.for %scan3A_1072 = %scan3A_1028 to %scan3A_1030 step %scan3A_1031 iter_args(%scan3A_1073 = %gather3A_1027, %scan3A_1074 = %broadcast_in_dim3A_35) -> (vector<16xi32>, vector<16xi32>)  : i32 {
      %add3A_1075 = arith.addi %mul3A_557, %scan3A_1072 : i32
      %broadcast_in_dim3A_1076 = vector.broadcast %add3A_1075 : i32 to vector<16xi32>
      %gather3A_1077 = tpu.vector_load_idx %arg7[%broadcast_in_dim3A_1076] : memref<2048xi32, #tpu.memory_space<vmem>>[vector<16xi32>], vector<16xi32>,
      %gather3A_1078 = tpu.vector_load_idx %arg6[%gather3A_1077, %add3A_1024] : memref<128x512xi32, #tpu.memory_space<vmem>>[vector<16xi32>, vector<16xi32>], vector<16xi32>,
      %and3A_1079 = arith.andi %scan3A_1073, %gather3A_1078 : vector<16xi32>
      %eq3A_1080 = arith.constant 0 : i32
      %eq3A_1081 = vector.broadcast %eq3A_1080 : i32 to vector<16xi32>
      %eq3A_1082 = arith.cmpi eq, %and3A_1079, %eq3A_1081 : vector<16xi32>
      %or3A = arith.ori %scan3A_1073, %gather3A_1078 : vector<16xi32>
      %select_n3A_1083 = arith.select %eq3A_1082, %or3A, %and3A_1079 : vector<16xi1>, vector<16xi32>
      %select_n3A_1084 = arith.select %eq3A_1082, %broadcast_in_dim3A_33, %broadcast_in_dim3A_35 : vector<16xi1>, vector<16xi32>
      %add3A_1085 = arith.addi %scan3A_1074, %select_n3A_1084 : vector<16xi32>
      scf.yield %select_n3A_1083, %add3A_1085 : vector<16xi32>, vector<16xi32>
    }
    %scan3A_1033 = arith.constant 127 : i32
    %get3A_1034 = arith.constant 464 : index
    %get3A_1035 = tpu.vector_load %arg8[%get3A_1034] {strides = array<i32>} : memref<512xi32, #tpu.memory_space<vmem>>, vector<16xi32>,
    %mul3A_1036 = arith.muli %scan3A_1032#1, %get3A_1035 : vector<16xi32>
    %add3A_1037 = arith.addi %add3A_1021, %mul3A_1036 : vector<16xi32>
    %add3A_1038 = arith.constant 480 : i32
    %add3A_1039 = vector.broadcast %add3A_1038 : i32 to vector<16xi32>
    %add3A_1040 = arith.addi %iota3A, %add3A_1039 : vector<16xi32>
    %broadcast_in_dim3A_1041 = vector.broadcast %mul3A_557 : i32 to vector<16xi32>
    %gather3A_1042 = tpu.vector_load_idx %arg7[%broadcast_in_dim3A_1041] : memref<2048xi32, #tpu.memory_space<vmem>>[vector<16xi32>], vector<16xi32>,
    %gather3A_1043 = tpu.vector_load_idx %arg6[%gather3A_1042, %add3A_1040] : memref<128x512xi32, #tpu.memory_space<vmem>>[vector<16xi32>, vector<16xi32>], vector<16xi32>,
    %scan3A_1044 = arith.constant 1 : i32
    %scan3A_1045 = arith.constant 127 : i32
    %scan3A_1046 = arith.addi %scan3A_1044, %scan3A_1045 : i32
    %scan3A_1047 = arith.constant 1 : i32
    %scan3A_1048:2 = scf.for %scan3A_1072 = %scan3A_1044 to %scan3A_1046 step %scan3A_1047 iter_args(%scan3A_1073 = %gather3A_1043, %scan3A_1074 = %broadcast_in_dim3A_35) -> (vector<16xi32>, vector<16xi32>)  : i32 {
      %add3A_1075 = arith.addi %mul3A_557, %scan3A_1072 : i32
      %broadcast_in_dim3A_1076 = vector.broadcast %add3A_1075 : i32 to vector<16xi32>
      %gather3A_1077 = tpu.vector_load_idx %arg7[%broadcast_in_dim3A_1076] : memref<2048xi32, #tpu.memory_space<vmem>>[vector<16xi32>], vector<16xi32>,
      %gather3A_1078 = tpu.vector_load_idx %arg6[%gather3A_1077, %add3A_1040] : memref<128x512xi32, #tpu.memory_space<vmem>>[vector<16xi32>, vector<16xi32>], vector<16xi32>,
      %and3A_1079 = arith.andi %scan3A_1073, %gather3A_1078 : vector<16xi32>
      %eq3A_1080 = arith.constant 0 : i32
      %eq3A_1081 = vector.broadcast %eq3A_1080 : i32 to vector<16xi32>
      %eq3A_1082 = arith.cmpi eq, %and3A_1079, %eq3A_1081 : vector<16xi32>
      %or3A = arith.ori %scan3A_1073, %gather3A_1078 : vector<16xi32>
      %select_n3A_1083 = arith.select %eq3A_1082, %or3A, %and3A_1079 : vector<16xi1>, vector<16xi32>
      %select_n3A_1084 = arith.select %eq3A_1082, %broadcast_in_dim3A_33, %broadcast_in_dim3A_35 : vector<16xi1>, vector<16xi32>
      %add3A_1085 = arith.addi %scan3A_1074, %select_n3A_1084 : vector<16xi32>
      scf.yield %select_n3A_1083, %add3A_1085 : vector<16xi32>, vector<16xi32>
    }
    %scan3A_1049 = arith.constant 127 : i32
    %get3A_1050 = arith.constant 480 : index
    %get3A_1051 = tpu.vector_load %arg8[%get3A_1050] {strides = array<i32>} : memref<512xi32, #tpu.memory_space<vmem>>, vector<16xi32>,
    %mul3A_1052 = arith.muli %scan3A_1048#1, %get3A_1051 : vector<16xi32>
    %add3A_1053 = arith.addi %add3A_1037, %mul3A_1052 : vector<16xi32>
    %add3A_1054 = arith.constant 496 : i32
    %add3A_1055 = vector.broadcast %add3A_1054 : i32 to vector<16xi32>
    %add3A_1056 = arith.addi %iota3A, %add3A_1055 : vector<16xi32>
    %broadcast_in_dim3A_1057 = vector.broadcast %mul3A_557 : i32 to vector<16xi32>
    %gather3A_1058 = tpu.vector_load_idx %arg7[%broadcast_in_dim3A_1057] : memref<2048xi32, #tpu.memory_space<vmem>>[vector<16xi32>], vector<16xi32>,
    %gather3A_1059 = tpu.vector_load_idx %arg6[%gather3A_1058, %add3A_1056] : memref<128x512xi32, #tpu.memory_space<vmem>>[vector<16xi32>, vector<16xi32>], vector<16xi32>,
    %scan3A_1060 = arith.constant 1 : i32
    %scan3A_1061 = arith.constant 127 : i32
    %scan3A_1062 = arith.addi %scan3A_1060, %scan3A_1061 : i32
    %scan3A_1063 = arith.constant 1 : i32
    %scan3A_1064:2 = scf.for %scan3A_1072 = %scan3A_1060 to %scan3A_1062 step %scan3A_1063 iter_args(%scan3A_1073 = %gather3A_1059, %scan3A_1074 = %broadcast_in_dim3A_35) -> (vector<16xi32>, vector<16xi32>)  : i32 {
      %add3A_1075 = arith.addi %mul3A_557, %scan3A_1072 : i32
      %broadcast_in_dim3A_1076 = vector.broadcast %add3A_1075 : i32 to vector<16xi32>
      %gather3A_1077 = tpu.vector_load_idx %arg7[%broadcast_in_dim3A_1076] : memref<2048xi32, #tpu.memory_space<vmem>>[vector<16xi32>], vector<16xi32>,
      %gather3A_1078 = tpu.vector_load_idx %arg6[%gather3A_1077, %add3A_1056] : memref<128x512xi32, #tpu.memory_space<vmem>>[vector<16xi32>, vector<16xi32>], vector<16xi32>,
      %and3A_1079 = arith.andi %scan3A_1073, %gather3A_1078 : vector<16xi32>
      %eq3A_1080 = arith.constant 0 : i32
      %eq3A_1081 = vector.broadcast %eq3A_1080 : i32 to vector<16xi32>
      %eq3A_1082 = arith.cmpi eq, %and3A_1079, %eq3A_1081 : vector<16xi32>
      %or3A = arith.ori %scan3A_1073, %gather3A_1078 : vector<16xi32>
      %select_n3A_1083 = arith.select %eq3A_1082, %or3A, %and3A_1079 : vector<16xi1>, vector<16xi32>
      %select_n3A_1084 = arith.select %eq3A_1082, %broadcast_in_dim3A_33, %broadcast_in_dim3A_35 : vector<16xi1>, vector<16xi32>
      %add3A_1085 = arith.addi %scan3A_1074, %select_n3A_1084 : vector<16xi32>
      scf.yield %select_n3A_1083, %add3A_1085 : vector<16xi32>, vector<16xi32>
    }
    %scan3A_1065 = arith.constant 127 : i32
    %get3A_1066 = arith.constant 496 : index
    %get3A_1067 = tpu.vector_load %arg8[%get3A_1066] {strides = array<i32>} : memref<512xi32, #tpu.memory_space<vmem>>, vector<16xi32>,
    %mul3A_1068 = arith.muli %scan3A_1064#1, %get3A_1067 : vector<16xi32>
    %add3A_1069 = arith.addi %add3A_1053, %mul3A_1068 : vector<16xi32>
    %swap3A_1070 = arith.constant 0 : index
    %swap3A_1071 = tpu.vector_load %arg9[%swap3A_1070] {strides = array<i32>} : memref<16xi32, #tpu.memory_space<vmem>>, vector<16xi32>,
    tpu.vector_store %arg9[%swap3A_1070], %add3A_1069 {strides = array<i32>} : memref<16xi32, #tpu.memory_space<vmem>>, vector<16xi32>,
    "tpu.region"() ({
      %run_scoped3A = tpu.sem_alloc : memref<!tpu.dma_semaphore, #tpu.memory_space<semaphore_mem>>
      %dma_start3A = arith.constant 0 : i32
      %dma_start3A_1072 = tpu.memref_slice %arg5[%add3A_555, %select_n3A_30, %dma_start3A] : memref<16x4x16xi32, #tpu.memory_space<hbm>> -> memref<1x1x16xi32, #tpu.memory_space<hbm>>
      %dma_start3A_1073 = tpu.memref_squeeze %dma_start3A_1072 : memref<1x1x16xi32, #tpu.memory_space<hbm>> -> memref<16xi32, #tpu.memory_space<hbm>>
      %dma_start3A_1074 = arith.constant 0 : i32
      %dma_start3A_1075 = tpu.memref_slice %arg5[%add3A_555, %select_n3A_30, %dma_start3A_1074] : memref<16x4x16xi32, #tpu.memory_space<hbm>> -> memref<1x1x16xi32, #tpu.memory_space<hbm>>
      %dma_start3A_1076 = tpu.memref_squeeze %dma_start3A_1075 : memref<1x1x16xi32, #tpu.memory_space<hbm>> -> memref<16xi32, #tpu.memory_space<hbm>>
      tpu.enqueue_dma source(%arg9 : memref<16xi32, #tpu.memory_space<vmem>>) target(%dma_start3A_1076 : memref<16xi32, #tpu.memory_space<hbm>>) target_semaphore(%run_scoped3A : memref<!tpu.dma_semaphore, #tpu.memory_space<semaphore_mem>>)
      %dma_wait3A = arith.constant 0 : i32
      %dma_wait3A_1077 = tpu.memref_slice %arg5[%add3A_555, %select_n3A_30, %dma_wait3A] : memref<16x4x16xi32, #tpu.memory_space<hbm>> -> memref<1x1x16xi32, #tpu.memory_space<hbm>>
      %dma_wait3A_1078 = tpu.memref_squeeze %dma_wait3A_1077 : memref<1x1x16xi32, #tpu.memory_space<hbm>> -> memref<16xi32, #tpu.memory_space<hbm>>
      %dma_wait3A_1079 = arith.constant 0 : i32
      %dma_wait3A_1080 = tpu.memref_slice %arg5[%add3A_555, %select_n3A_30, %dma_wait3A_1079] : memref<16x4x16xi32, #tpu.memory_space<hbm>> -> memref<1x1x16xi32, #tpu.memory_space<hbm>>
      %dma_wait3A_1081 = tpu.memref_squeeze %dma_wait3A_1080 : memref<1x1x16xi32, #tpu.memory_space<hbm>> -> memref<16xi32, #tpu.memory_space<hbm>>
      tpu.wait_dma2 semaphore(%run_scoped3A : memref<!tpu.dma_semaphore, #tpu.memory_space<semaphore_mem>>) src(%arg9 : memref<16xi32, #tpu.memory_space<vmem>>) dst(%dma_wait3A_1081 : memref<16xi32, #tpu.memory_space<hbm>>)
      tpu.yield
    }) : () -> ()
    return
  }
}

module attributes {stable_mosaic.version = 14 : i64} {
  func.func @_pack_body(%arg0: i32, %arg1: memref<128x5x512xi32, #tpu.memory_space<vmem>>, %arg2: memref<1x128x512xi32, #tpu.memory_space<vmem>>) attributes {dimension_semantics = [#tpu.dimension_semantics<arbitrary>], iteration_bounds = array<i64: 4>, scalar_prefetch = 0 : i64, scratch_operands = 0 : i64, tpu.core_type = #tpu.core_type<tc>, window_params = [{transform_indices = @transform_0, window_bounds = array<i64: 128, 5, 512>}, {transform_indices = @transform_1, window_bounds = array<i64: 1, 128, 512>}]} {
    %get3A = arith.constant 0 : index
    %get3A_0 = arith.constant 0 : index
    %get3A_1 = arith.constant 0 : index
    %get3A_2 = vector.load %arg1[%get3A, %get3A_0, %get3A_1] : memref<128x5x512xi32, #tpu.memory_space<vmem>>, vector<128x1x512xi32>
    %get3A_3 = vector.shape_cast %get3A_2 : vector<128x1x512xi32> to vector<128x512xi32>
    %get3A_4 = arith.constant 0 : index
    %get3A_5 = arith.constant 1 : index
    %get3A_6 = arith.constant 0 : index
    %get3A_7 = vector.load %arg1[%get3A_4, %get3A_5, %get3A_6] : memref<128x5x512xi32, #tpu.memory_space<vmem>>, vector<128x1x512xi32>
    %get3A_8 = vector.shape_cast %get3A_7 : vector<128x1x512xi32> to vector<128x512xi32>
    %shift_left3A = arith.constant 1 : i32
    %shift_left3A_9 = vector.broadcast %shift_left3A : i32 to vector<128x512xi32>
    %shift_left3A_10 = arith.shli %get3A_8, %shift_left3A_9 : vector<128x512xi32>
    %or3A = arith.ori %get3A_3, %shift_left3A_10 : vector<128x512xi32>
    %get3A_11 = arith.constant 0 : index
    %get3A_12 = arith.constant 2 : index
    %get3A_13 = arith.constant 0 : index
    %get3A_14 = vector.load %arg1[%get3A_11, %get3A_12, %get3A_13] : memref<128x5x512xi32, #tpu.memory_space<vmem>>, vector<128x1x512xi32>
    %get3A_15 = vector.shape_cast %get3A_14 : vector<128x1x512xi32> to vector<128x512xi32>
    %shift_left3A_16 = arith.constant 2 : i32
    %shift_left3A_17 = vector.broadcast %shift_left3A_16 : i32 to vector<128x512xi32>
    %shift_left3A_18 = arith.shli %get3A_15, %shift_left3A_17 : vector<128x512xi32>
    %or3A_19 = arith.ori %or3A, %shift_left3A_18 : vector<128x512xi32>
    %get3A_20 = arith.constant 0 : index
    %get3A_21 = arith.constant 3 : index
    %get3A_22 = arith.constant 0 : index
    %get3A_23 = vector.load %arg1[%get3A_20, %get3A_21, %get3A_22] : memref<128x5x512xi32, #tpu.memory_space<vmem>>, vector<128x1x512xi32>
    %get3A_24 = vector.shape_cast %get3A_23 : vector<128x1x512xi32> to vector<128x512xi32>
    %shift_left3A_25 = arith.constant 3 : i32
    %shift_left3A_26 = vector.broadcast %shift_left3A_25 : i32 to vector<128x512xi32>
    %shift_left3A_27 = arith.shli %get3A_24, %shift_left3A_26 : vector<128x512xi32>
    %or3A_28 = arith.ori %or3A_19, %shift_left3A_27 : vector<128x512xi32>
    %get3A_29 = arith.constant 0 : index
    %get3A_30 = arith.constant 4 : index
    %get3A_31 = arith.constant 0 : index
    %get3A_32 = vector.load %arg1[%get3A_29, %get3A_30, %get3A_31] : memref<128x5x512xi32, #tpu.memory_space<vmem>>, vector<128x1x512xi32>
    %get3A_33 = vector.shape_cast %get3A_32 : vector<128x1x512xi32> to vector<128x512xi32>
    %shift_left3A_34 = arith.constant 4 : i32
    %shift_left3A_35 = vector.broadcast %shift_left3A_34 : i32 to vector<128x512xi32>
    %shift_left3A_36 = arith.shli %get3A_33, %shift_left3A_35 : vector<128x512xi32>
    %or3A_37 = arith.ori %or3A_28, %shift_left3A_36 : vector<128x512xi32>
    %swap3A = arith.constant 0 : index
    %swap3A_38 = arith.constant 0 : index
    %swap3A_39 = arith.constant 0 : index
    %swap3A_40 = vector.load %arg2[%swap3A, %swap3A_38, %swap3A_39] : memref<1x128x512xi32, #tpu.memory_space<vmem>>, vector<1x128x512xi32>
    %swap3A_41 = vector.shape_cast %swap3A_40 : vector<1x128x512xi32> to vector<128x512xi32>
    %swap3A_42 = vector.shape_cast %or3A_37 : vector<128x512xi32> to vector<1x128x512xi32>
    tpu.vector_store %arg2[%swap3A, %swap3A_38, %swap3A_39], %swap3A_42 {strides = array<i32>} : memref<1x128x512xi32, #tpu.memory_space<vmem>>, vector<1x128x512xi32>,
    return
  }
  func.func @transform_0(%arg0: i32) -> (i32, i32, i32) {
    %c0_i32 = arith.constant 0 : i32
    %c0_i32_0 = arith.constant 0 : i32
    %c0_i32_1 = arith.constant 0 : i32
    return %c0_i32, %c0_i32_0, %arg0 : i32, i32, i32
  }
  func.func @transform_1(%arg0: i32) -> (i32, i32, i32) {
    %c0_i32 = arith.constant 0 : i32
    %c0_i32_0 = arith.constant 0 : i32
    %c0_i32_1 = arith.constant 0 : i32
    return %arg0, %c0_i32, %c0_i32_0 : i32, i32, i32
  }
}

</mosaic_0001>

<sc_bundles>
// kernel: kernel.4.cloned.1.call-start
scs
__scs_entry_jumppad:
0x0: {  	(pc) =	sbr.rel $0x88, $3  }
0x1: {  	(tag) =	ssettag $0x0;
	lr =	simm.s32 $0x1  }
0x2: {  	[smem:$0x3F9E] =	sst lr;
	_ =	strace $0xD0000000  }
0x3: {  	_ = 	snop  }
0x4: {  	_ = 	snop  }
0x5: {  	_ = 	snop  }
0x6: {  	_ = 	snop  }
0x7: {  	_ = 	snop  }
__scs_overlays_trampoline_lowered:
0x8: {  	[smem:$0x3FAD] =	sst s0  }
0x9: {  	[smem:$0x3FAE] =	sst s1  }
0xa: {  	[smem:$0x3FAF] =	sst s2  }
0xb: {  	[smem:$0x3FB0] =	sst s3  }
0xc: {  	[smem:$0x3FB1] =	sst s4  }
0xd: {  	[smem:$0x3FB2] =	sst s5  }
0xe: {  	[smem:$0x3FB3] =	sst s6  }
0xf: {  	[smem:$0x3FB4] =	sst s7  }
0x10: {  	[smem:$0x3FB5] =	sst s8  }
0x11: {  	[smem:$0x3FB6] =	sst s9;
	s0 =	simm.s32 @!p0 $0x0  }
0x12: {  	s1 =	sld [smem:$0x3F9C];
	s0 =	simm.s32 @p0 $0x1  }
0x13: {  	[smem:$0x3FB7] =	sst s0;
	s0 =	simm.s32 @!p1 $0x0  }
0x14: {  	s2 =	sld [smem:$0x3F9B];
	s0 =	simm.s32 @p1 $0x1  }
0x15: {  	[smem:$0x3FB8] =	sst s0;
	s0 =	simm.s32 @!p2 $0x0  }
0x16: {  	s3 =	sld [smem:$0x3FDB];
	s0 =	simm.s32 @p2 $0x1  }
0x17: {  	s4 =	simm.s32 $0x1BF5;
	[smem:$0x3FBA] =	sst s0  }
0x18: {  	s0 =	sld [smem:$0x3F9D];
	_ =	swait.ge [sflag:s4], $0x0  }
0x19: {  	s7 =	sld [smem:$0x3F9E]  }
0x1a: {  	s8 =	sadd.s32 $0xFFFFE003, lr  }
0x1b: {  	s9 =	sadd.s32 $0xFFFFFEF7, lr;
	s5 =	simm.s32 $0xFFFFFFFF;
	p2 =	slt.u32 s8, $0xFFFFF086  }
0x1c: {  	p1 =	slt.u32 s9, $0xF7A;
	s5 =	simm.s32 @!p2 $0x0  }
0x1d: {  	s5 =	simm.s32 @p1 $0x1;
	p0 =	seq.s32 s7, s2  }
0x1e: {  	s7 =	smul.u32 @!p0 $0xF7A, s2;
	p2 =	seq.s32 @!p0 s5, $0x0  }
0x1f: {  	s9 =	smul.u32 $0xF7A, s1;
	s8 =	simm.s32 @!p0 $0x1BF5;
	p2 =	por !p2, p0  }
0x20: {  	[sflag:s8] =	ssyncset.s32 @!p0 $0xFFFFF086;
	s6 =	sadd.s32 @!p0 s3, s7;
	s7 =	simm.s32 @!p0 $0x108  }
0x21: {  	s3 =	sadd.s32 s3, s9;
	s6 =	sadd.s32 @!p0 $0x88, s6;
	s7 =	simm.s32 @p2 $0x1082  }
0x22: {  	[simem:s7], [sflag:s8] =	dma.local @!p0 [hbm:s6], $0xF7A  }
0x23: {  	s9 =	sor.u32 $0xD0000000, s2;
	s6 =	simm.s32 $0x108;
	_ =	swait.ge @!p0 [sflag:s8], $0x0  }
0x24: {  	s3 =	sadd.s32 $0x88, s3;
	s6 =	simm.s32 @!p1 $0x1082;
	[sflag:s4] =	ssyncset.s32 $0xFFFFF086  }
0x25: {  	[simem:s6], [sflag:s4] =	dma.local [hbm:s3], $0xF7A  }
0x26: {  	[smem:$0x3F9E] =	sst s1;
	(tag) =	ssettag s2;
	_ =	strace s9  }
0x27: {  	s1 =	sld [smem:$0x3FAE]  }
0x28: {  	s2 =	sld [smem:$0x3FAF]  }
0x29: {  	s4 =	sld [smem:$0x3FB1]  }
0x2a: {  	p0 =	seq.s32 s5, $0x0;
	s5 =	sld [smem:$0x3FB2]  }
0x2b: {  	s6 =	sld [smem:$0x3FB3]  }
0x2c: {  	s7 =	sld [smem:$0x3FB4]  }
0x2d: {  	s3 =	simm.s32 $0x108;
	s8 =	sld [smem:$0x3FB5]  }
0x2e: {  	s3 =	simm.s32 @!p0 $0x1082;
	s9 =	sld [smem:$0x3FB6]  }
0x2f: {  	lr =	sadd.s32 s0, s3;
	s0 =	sld [smem:$0x3FAD]  }
0x30: {  	s3 =	sld [smem:$0x3FB0]  }
0x31: {  	[smem:$0x3FB9] =	sst s10  }
0x32: {  	s10 =	sld [smem:$0x3FB7];
	_ =	sdelay $0x3  }
0x33: {  	p0 =	seq.s32 s10, $0x1;
	s10 =	sld [smem:$0x3FB9];
	_ =	sdelay $0x3  }
0x34: {  	[smem:$0x3FB9] =	sst s10  }
0x35: {  	s10 =	sld [smem:$0x3FB8];
	_ =	sdelay $0x3  }
0x36: {  	p1 =	seq.s32 s10, $0x1;
	s10 =	sld [smem:$0x3FB9];
	_ =	sdelay $0x3  }
0x37: {  	[smem:$0x3FB9] =	sst s10  }
0x38: {  	s10 =	sld [smem:$0x3FBA]  }
0x39: {  	_ = 	snop;
	(pc) =	sbr.ind lr, $3  }
0x3a: {  	_ = 	snop  }
0x3b: {  	_ = 	snop  }
0x3c: {  	p2 =	seq.s32 s10, $0x1;
	s10 =	sld [smem:$0x3FB9]  }
0x3d: {  	_ =	shalt  }
0x3e: {  	_ =	shalt  }
0x3f: {  	_ =	shalt  }
0x40: {  	_ =	shalt  }
0x41: {  	_ =	shalt  }
0x42: {  	_ =	shalt  }
0x43: {  	_ =	shalt  }
0x44: {  	_ =	shalt  }
0x45: {  	_ =	shalt  }
0x46: {  	_ =	shalt  }
0x47: {  	_ =	shalt  }
0x48: {  	_ =	shalt  }
0x49: {  	_ =	shalt  }
0x4a: {  	_ =	shalt  }
0x4b: {  	_ =	shalt  }
0x4c: {  	_ =	shalt  }
0x4d: {  	_ =	shalt  }
0x4e: {  	_ =	shalt  }
0x4f: {  	_ =	shalt  }
0x50: {  	_ =	shalt  }
0x51: {  	_ =	shalt  }
0x52: {  	_ =	shalt  }
0x53: {  	_ =	shalt  }
0x54: {  	_ =	shalt  }
0x55: {  	_ =	shalt  }
0x56: {  	_ =	shalt  }
0x57: {  	_ =	shalt  }
0x58: {  	_ =	shalt  }
0x59: {  	_ =	shalt  }
0x5a: {  	_ =	shalt  }
0x5b: {  	_ =	shalt  }
0x5c: {  	_ =	shalt  }
0x5d: {  	_ =	shalt  }
0x5e: {  	_ =	shalt  }
0x5f: {  	_ =	shalt  }
0x60: {  	_ =	shalt  }
0x61: {  	_ =	shalt  }
0x62: {  	_ =	shalt  }
0x63: {  	_ =	shalt  }
0x64: {  	_ =	shalt  }
0x65: {  	_ =	shalt  }
0x66: {  	_ =	shalt  }
0x67: {  	_ =	shalt  }
0x68: {  	_ =	shalt  }
0x69: {  	_ =	shalt  }
0x6a: {  	_ =	shalt  }
0x6b: {  	_ =	shalt  }
0x6c: {  	_ =	shalt  }
0x6d: {  	_ =	shalt  }
0x6e: {  	_ =	shalt  }
0x6f: {  	_ =	shalt  }
0x70: {  	_ =	shalt  }
0x71: {  	_ =	shalt  }
0x72: {  	_ =	shalt  }
0x73: {  	_ =	shalt  }
0x74: {  	_ =	shalt  }
0x75: {  	_ =	shalt  }
0x76: {  	_ =	shalt  }
0x77: {  	_ =	shalt  }
0x78: {  	_ =	shalt  }
0x79: {  	_ =	shalt  }
0x7a: {  	_ =	shalt  }
0x7b: {  	_ =	shalt  }
0x7c: {  	_ =	shalt  }
0x7d: {  	_ =	shalt  }
0x7e: {  	_ =	shalt  }
0x7f: {  	_ =	shalt  }
0x80: {  	_ =	shalt  }
0x81: {  	_ =	shalt  }
0x82: {  	_ =	shalt  }
0x83: {  	_ =	shalt  }
0x84: {  	_ =	shalt  }
0x85: {  	_ =	shalt  }
0x86: {  	_ =	shalt  }
0x87: {  	_ =	shalt  }
.Lfunc_end0:
.L_simem_size_0:
called_computation_lowered:
.L_overlay_start_0:
0x88: {  	s2 =	sld [smem:$0x3FD9]  }
0x89: {  	s3 =	sld [smem:$0x3FFE];
	_ =	sdelay $0x1  }
0x8a: {  	s1 =	srdreg.scid  }
0x8b: {  	s0 =	sand.u32 $0x1, s1  }
0x8c: {  	s17 =	sshll.u32 s0, $0xA;
	s2 =	sadd.s32 s3, s2  }
0x8d: {  	s2 =	sadd.s32 s2, s17  }
0x8e: {  	[smem:$0x3FC5] =	sst s2  }
0x8f: {  	_ = 	snop  }
0x90: {  	s2 =	sld [smem:$0x3FC8];
	(tm) =	ssettm $0x1  }
0x91: {  	s18 =	sld [smem:$0x3FFB];
	_ =	sdelay $0x3  }
0x92: {  	_ =	strace s18  }
0x93: {  	s3 =	sld [smem:$0x3FFC];
	_ =	sdelay $0x3  }
0x94: {  	_ =	strace s3  }
0x95: {  	s3 =	sld [smem:$0x3FFD];
	_ =	sdelay $0x3  }
0x96: {  	_ =	strace s3  }
0x97: {  	_ =	strace $0x8FFFFFFF  }
0x98: {  	s19 =	sld [smem:$0x3FDB];
	_ =	sdelay $0x1  }
0x99: {  	s4 =	simm.s32 $_scs_section_size  }
0x9a: {  	s5 =	simm.s32 $_size__tile_overlayer_lowered;
	s6 =	simm.s32 $_tile_overlayer_lowered  }
0x9b: {  	s22 =	simm.s32 $0x1BFF;
	s21 =	sshll.u32 s6, $0x1;
	s3 =	sadd.s32 s4, s19  }
0x9c: {  	s7 =	simm.s32 $0x0;
	s20 =	sshll.u32 s5, $0x1;
	s5 =	sadd.s32 s21, s3  }
0x9d: {  	[timem:s7], [sflag:s22] =	dma.local [hbm:s5], s20  }
0x9e: {  	_ =	swait.ge [sflag:s22], s20  }
0x9f: {  	s4 =	ssub.s32 $0x0, s20;
	[sflag:s22] =	ssyncset.done $0x0  }
0xa0: {  	[sflag:s22] =	ssyncadd.s32 s4;
	_ =	sdelay $0x1  }
0xa1: {  	s23 =	simm.s32 $0x1B8B  }
0xa2: {  	_ =	swait.ge [sflag:s23], $0x1  }
0xa3: {  	[sflag:s23] =	ssyncset.done $0x0  }
0xa4: {  	s25 =	simm.s32 $0x1B8E;
	s24 =	sld [smem:$0x3FFE];
	[sflag:s23] =	ssyncadd.s32 $0xFFFFFFFF  }
0xa5: {  	s26 =	simm.s32 $execute0_lowered;
	[smem:$0x3FD2] =	sst s25  }
0xa6: {  	s5 =	sshll.u32 s26, $0x1;
	_ =	strace $0x80000046;
	[dreg:$0x1] =	wrdreg $0xFFFFFFFF  }
0xa7: {  	s28 =	simm.s32 $_size_execute0_lowered;
	s3 =	sadd.s32 s3, s5;
	[dreg:$0x0] =	wrdreg $0x0  }
0xa8: {  	s5 =	sshll.u32 s28, $0x1;
	[dreg:$0x2] =	wrdreg s3  }
0xa9: {  	[dreg:$0x3] =	wrdreg s5  }
0xaa: {  	[dreg:$0x4] =	wrdreg $0xC0  }
0xab: {  	_ =	task [dreg:s7], $0x5FFFF  }
0xac: {  	[dreg:$0x1] =	wrdreg $0xFFFFFFFF  }
0xad: {  	[dreg:$0x0] =	wrdreg $0x60  }
0xae: {  	[dreg:$0x2] =	wrdreg s24  }
0xaf: {  	[dreg:$0x3] =	wrdreg s2  }
0xb0: {  	[dreg:$0x4] =	wrdreg $0x9  }
0xb1: {  	_ =	task.clear_ibuf [dreg:s7], $0x5FFFF;
	_ =	strace $0x90000046  }
0xb2: {  	s29 =	simm.s32 $0x9;
	_ =	strace $0x80000048  }
0xb3: {  	_ =	swait.ge [sflag:s29], $0x1  }
0xb4: {  	[sflag:s29] =	ssyncadd.s32 $0xFFFFFFFF  }
0xb5: {  	_ =	strace $0x90000048  }
0xb6: {  	_ =	sfence  }
0xb7: {  	s30 =	sld [smem:$0x0];
	_ =	sdelay $0x2  }
0xb8: {  	s31 =	sshll.u32 s1, $0xD;
	s1 =	sshrl.u32 s1, $0x2  }
0xb9: {  	s3 =	sand.u32 $0x4000, s31;
	s1 =	sadd.s32 s1, s30  }
0xba: {  	s0 =	sor.u32 s3, s0;
	s1 =	sshll.u32 s1, $0x11  }
0xbb: {  	s0 =	sor.u32 s1, s0  }
0xbc: {  	s0 =	sadd.s32 $0x8F2B, s0  }
0xbd: {  	[sflag:s0] =	ssyncadd.remote.s32 $0x1  }
0xbe: {  	_ =	sfence.sel $0xFFFF  }
0xbf: {  	[dreg:$0x0] =	wrdreg $0xFFFFFFFF;
	(pc) =	sbr.abs _section_cstart, $3  }
0xc0: {  	[dreg:$0x1] =	wrdreg $0xFFFFFFFF  }
0xc1: {  	_ =	task.clear_ibuf [dreg:s7], $0x2FFFF;
	_ =	strace $0x9FFFFFFF  }
0xc2: {  	(tm) =	ssettm $0x7FFFFFFF  }
0xc3: {  	_ =	shalt  }
tec
execute0_lowered:
.L_overlay_start_1:
0x0: {  	(tag) =	ssettag $0x1  }
0x1: {  	s0 =	stileid.u32;
	s5 =	rddreg [dreg:$0x0]  }
0x2: {  	s1 =	srdreg.scid;
	s7 =	rddreg [dreg:$0x1];
	s14 =	simm.s32 $0x1  }
0x3: {  	s15 =	simm.s32 $0x0;
	s2 =	sshll.u32 s0, $0x1;
	s4 =	sand.u32 $0x1, s1  }
0x4: {  	s1 =	rddreg [dreg:$0x2];
	s10 =	sshrl.u32 s0, $0x1;
	s12 =	sor.u32 $0x1, s0  }
0x5: {  	s13 =	sadd.s32 $0x8400, s5;
	s3 =	sand.u32 $0x2, s2;
	s2 =	simm.s32 $0x0  }
0x6: {  	s9 =	ssub.s32 $0x2, s4;
	s8 =	sor.u32 s4, s3;
	s4 =	sshll.u32 s10, $0x8  }
0x7: {  	v0 =	vimm.s32 $0x0;
	vm0 =	vcmask $0x300;
	[smem:$0x7FF] =	sst s2;
	s11 =	sshrl.u32 s9, $0x1;
	s3 =	sshll.u32 s8, $0xD;
	v1 =	vmov s4  }
0x8: {  	v3 =	vsel vm0, $0x7, v0;
	s6 =	sadd.s32 s3, s5;
	s3 =	sadd.s32 $0x8200, s5;
	s5 =	sshll.u32 s12, $0x7;
	v1 =	vshrl.u32 v1, $0x7  }
0x9: {  	s10 =	sshll.u32 s10, $0xA;
	_ =	strace $0x80000047;
	s11 =	ssub.s32 s9, s11;
	v2 =	vmov s5;
	v1 =	vshll.u32 v1, v3  }
0xa: {  	s31 =	sshll.u32 s8, $0x7;
	s8 =	sshll.u32 s8, $0x6;
	s12 =	sshll.u32 s12, $0x9;
	v2 =	vshrl.u32 v2, $0x7;
	v1 =	vbroadcast v1, $0x0  }
0xb: {  	s10 =	sor.u32 s10, s31;
	s7 =	sadd.s32 s7, s8;
	s6 =	sadd.s32 $0x200, s6;
	v2 =	vshll.u32 v2, v3  }
0xc: {  	s9 =	sor.u32 s12, s31;
	s10 =	sshrl.u32 s10, $0x3;
	s12 =	simm.s32 $0x10800;
	v3 =	vlaneseq.u32;
	[tilespmem:$0x1FFE0] =	vst v1;
	v1 =	vbroadcast v2, $0x0  }
0xd: {  	s9 =	sshrl.u32 s9, $0x3;
	s8 =	sadd.s32 s13, s10;
	s10 =	smax.u32 s11, $0x1;
	v4 =	vor.u32 $0x10, v3;
	v5 =	vor.u32 $0x20, v3;
	v6 =	vor.u32 $0x30, v3  }
0xe: {  	s11 =	simm.s32 $0x10000;
	s9 =	sadd.s32 s13, s9;
	s13 =	simm.s32 $0x10A00;
	v7 =	vor.u32 $0x40, v3;
	v8 =	vor.u32 $0x50, v3;
	v9 =	vor.u32 $0x60, v3;
	[tilespmem:$0x1FFF0] =	vst v1  }
.LBB2_1:
0xf: {  	[tilespmem:s2], [sflag:$0x1] =	stream.linear.gather [hbm4b:s6+s2], $0x10000, $0x38;
	[tilespmem:$0x10A80] =	vst v63  }
0x10: {  	_ =	swait.ge [sflag:s14], $0x10000  }
0x11: {  	[sflag:s14] =	ssyncset.done $0x0  }
0x12: {  	[sflag:s14] =	ssyncadd.s32 $0xFFFF0000  }
0x13: {  	[tilespmem:s11], [sflag:$0x1] =	stream.linear.gather [hbm4b:s3+s2], $0x800, $0x38;
	[tilespmem:$0x10A80] =	vst v63  }
0x14: {  	_ =	swait.ge [sflag:s14], $0x800  }
0x15: {  	[sflag:s14] =	ssyncset.done $0x0  }
0x16: {  	[sflag:s14] =	ssyncadd.s32 $0xFFFFF800  }
0x17: {  	[tilespmem:s12], [sflag:$0x1] =	stream.linear.gather [hbm4b:s7+s2], $0x200, $0x38;
	[tilespmem:$0x10A80] =	vst v63  }
0x18: {  	_ =	swait.ge [sflag:s14], $0x200  }
0x19: {  	v2 =	vld [tilespmem:$0x1FFE0];
	_ =	sdelay $0x3  }
0x1a: {  	s16 =	sadd.s32 $0x1, s4  }
0x1b: {  	v1 =	vmov s16  }
0x1c: {  	[sflag:s14] =	ssyncset.done $0x0  }
0x1d: {  	[sflag:s14] =	ssyncadd.s32 $0xFFFFFE00  }
0x1e: {  	v2 =	vld.idx.msk [tilespmem:v2+s11+$0x0], $0xffff;
	_ =	sdelay $0x1  }
0x1f: {  	s28 =	sadd.s32 $0x2, s4;
	v1 =	vld.idx.msk [tilespmem:v1+s11+$0x0], $0xffff  }
0x20: {  	v10 =	vmov s28;
	_ =	sdelay $0x1  }
0x21: {  	v11 =	vshll.u32 v2, $0x9;
	v2 =	vshll.u32 v2, $0x7  }
0x22: {  	v11 =	vand.u32 $0xFFFFF000, v11;
	v2 =	vand.u32 $0x380, v2  }
0x23: {  	s29 =	sadd.s32 $0x3, s4;
	v35 =	vor.u32 v2, v11;
	v2 =	vshll.u32 v1, $0x9;
	v1 =	vshll.u32 v1, $0x7  }
0x24: {  	v10 =	vld.idx.msk [tilespmem:v10+s11+$0x0], $0xffff;
	v11 =	vmov s29;
	v2 =	vand.u32 $0xFFFFF000, v2;
	v1 =	vand.u32 $0x380, v1  }
0x25: {  	v12 =	vor.u32 v3, v35;
	v1 =	vor.u32 v2, v1  }
0x26: {  	v1 =	vor.u32 v3, v1;
	_ =	sdelay $0x2  }
0x27: {  	s30 =	sadd.s32 $0x4, s4;
	v2 =	vld.idx.msk [tilespmem:v11+s11+$0x0], $0xffff;
	v11 =	vshll.u32 v10, $0x9;
	v10 =	vshll.u32 v10, $0x7  }
0x28: {  	v14 =	vmov s30;
	v12 =	vld.idx.msk [tilespmem:v12+s2+$0x0], $0xffff;
	v11 =	vand.u32 $0xFFFFF000, v11;
	v10 =	vand.u32 $0x380, v10  }
0x29: {  	v10 =	vor.u32 v11, v10;
	v1 =	vld.idx.msk [tilespmem:v1+s2+$0x0], $0xffff  }
0x2a: {  	v10 =	vor.u32 v3, v10;
	_ =	sdelay $0x1  }
0x2b: {  	s31 =	sadd.s32 $0x5, s4;
	v11 =	vshll.u32 v2, $0x9;
	v2 =	vshll.u32 v2, $0x7  }
0x2c: {  	v13 =	vmov s31;
	v14 =	vld.idx.msk [tilespmem:v14+s11+$0x0], $0xffff;
	v11 =	vand.u32 $0xFFFFF000, v11;
	v2 =	vand.u32 $0x380, v2  }
0x2d: {  	v2 =	vor.u32 v11, v2;
	v15 =	vand.u32 v12, v1  }
0x2e: {  	v11 =	vor.u32 v3, v2;
	v1 =	vor.u32 v12, v1;
	v2 =	vld.idx.msk [tilespmem:v10+s2+$0x0], $0xffff;
	vm0 =	veq.s32 v15, $0x0  }
0x2f: {  	s16 =	simm.s32 $0x6;
	v10 =	vsel vm0, v1, v15;
	v12 =	vsel vm0, $0x1, v0;
	v1 =	vimm.s32 $0x0  }
.LBB2_2:
0x30: {  	p0 =	sne.s32 s16, $0x7F;
	v1 =	vadd.s32 v12, v1;
	s17 =	smov.u32 s16;
	s16 =	sadd.s32 $0x1, s16  }
.Ltmp0:
0x31: {  	v12 =	vshll.u32 v14, $0x9;
	v15 =	vshll.u32 v14, $0x7;
	s17 =	sadd.s32 s17, s4;
	v14 =	vld.idx.msk [tilespmem:v13+s11+$0x0], $0xffff;
	(pc) =	sbr.rel @p0 .LBB2_2-.Ltmp0, $4  }
0x32: {  	v12 =	vand.u32 $0xFFFFF000, v12;
	v15 =	vand.u32 $0x380, v15;
	v13 =	vmov s17  }
0x33: {  	v12 =	vor.u32 v12, v15;
	v15 =	vand.u32 v10, v2;
	v16 =	vmov v2;
	v2 =	vld.idx.msk [tilespmem:v11+s2+$0x0], $0xffff  }
0x34: {  	v11 =	vor.u32 v3, v12;
	vm0 =	veq.s32 v15, $0x0;
	v10 =	vor.u32 v10, v16  }
0x35: {  	v10 =	vsel vm0, v10, v15;
	v12 =	vsel vm0, $0x1, v0  }
0x36: {  	_ =	sdelay $0x3  }
0x37: {  	s16 =	sadd.s32 $0x1, s4;
	v13 =	vld.idx.msk [tilespmem:v13+s11+$0x0], $0xffff  }
0x38: {  	v15 =	vmov s16  }
0x39: {  	v16 =	vshll.u32 v14, $0x9;
	v14 =	vshll.u32 v14, $0x7  }
0x3a: {  	v16 =	vand.u32 $0xFFFFF000, v16;
	v14 =	vand.u32 $0x380, v14  }
0x3b: {  	v14 =	vor.u32 v16, v14  }
0x3c: {  	s28 =	sadd.s32 $0x2, s4;
	v11 =	vld.idx.msk [tilespmem:v11+s2+$0x0], $0xffff;
	v14 =	vor.u32 v3, v14;
	v60 =	vshll.u32 v13, $0x9;
	v13 =	vshll.u32 v13, $0x7  }
0x3d: {  	v17 =	vmov s28;
	v15 =	vld.idx.msk [tilespmem:v15+s11+$0x0], $0xffff;
	v16 =	vand.u32 $0xFFFFF000, v60;
	v13 =	vand.u32 $0x380, v13  }
0x3e: {  	v18 =	vand.u32 v10, v2;
	v13 =	vor.u32 v16, v13  }
0x3f: {  	v2 =	vor.u32 v10, v2;
	vm0 =	veq.s32 v18, $0x0;
	v10 =	vor.u32 v3, v13  }
0x40: {  	s29 =	sadd.s32 $0x3, s4;
	v2 =	vsel vm0, v2, v18  }
0x41: {  	v1 =	vadd.s32 v12, v1;
	v61 =	vmov s29;
	v18 =	vand.u32 v2, v11;
	v13 =	vld.idx.msk [tilespmem:v14+s2+$0x0], $0xffff  }
0x42: {  	v2 =	vor.u32 v2, v11;
	v17 =	vld.idx.msk [tilespmem:v17+s11+$0x0], $0xffff;
	v14 =	vshll.u32 v15, $0x9;
	v15 =	vshll.u32 v15, $0x7  }
0x43: {  	vm1 =	veq.s32 v18, $0x0;
	v14 =	vand.u32 $0xFFFFF000, v14;
	v15 =	vand.u32 $0x380, v15  }
0x44: {  	v2 =	vsel vm1, v2, v18;
	v14 =	vor.u32 v14, v15;
	v15 =	vor.u32 v4, v35;
	v10 =	vld.idx.msk [tilespmem:v10+s2+$0x0], $0xffff  }
0x45: {  	v12 =	vsel vm1, $0x1, v0;
	v11 =	vor.u32 v4, v14;
	v14 =	vsel vm0, $0x1, v0  }
0x46: {  	v1 =	vadd.s32 v14, v1;
	v14 =	vand.u32 v2, v13;
	v2 =	vor.u32 v2, v13  }
0x47: {  	v13 =	vshll.u32 v17, $0x9;
	v1 =	vadd.s32 v12, v1;
	vm13 =	veq.s32 v14, $0x0;
	v12 =	vld.idx.msk [tilespmem:v61+s11+$0x0], $0xffff  }
0x48: {  	s30 =	sadd.s32 $0x4, s4;
	v13 =	vand.u32 $0xFFFFF000, v13;
	v2 =	vsel vm13, v2, v14;
	v14 =	vshll.u32 v17, $0x7  }
0x49: {  	v15 =	vld.idx.msk [tilespmem:v15+s2+$0x0], $0xffff;
	v14 =	vand.u32 $0x380, v14;
	v2 =	vand.u32 v2, v10;
	v10 =	vmov s30  }
0x4a: {  	v62 =	vsel vm13, $0x1, v0;
	v11 =	vld.idx.msk [tilespmem:v11+s2+$0x0], $0xffff;
	v13 =	vor.u32 v13, v14;
	vm14 =	veq.s32 v2, $0x0  }
0x4b: {  	v1 =	vadd.s32 v62, v1;
	v2 =	vor.u32 v4, v13;
	v13 =	vsel vm14, $0x1, v0  }
0x4c: {  	v14 =	vshll.u32 v12, $0x9;
	v12 =	vshll.u32 v12, $0x7;
	v46 =	vadd.s32 v13, v1;
	v1 =	vld [tilespmem:$0x10800]  }
0x4d: {  	s31 =	sadd.s32 $0x5, s4;
	v13 =	vand.u32 $0xFFFFF000, v14;
	v12 =	vand.u32 $0x380, v12  }
0x4e: {  	v14 =	vmov s31;
	v12 =	vor.u32 v13, v12;
	v13 =	vld.idx.msk [tilespmem:v10+s11+$0x0], $0xffff  }
0x4f: {  	v63 =	vand.u32 v15, v11  }
0x50: {  	v10 =	vor.u32 v15, v11;
	v12 =	vor.u32 v4, v12;
	vm15 =	veq.s32 v63, $0x0;
	v2 =	vld.idx.msk [tilespmem:v2+s2+$0x0], $0xffff  }
0x51: {  	s16 =	simm.s32 $0x6;
	[tilespmem:$0x1FFD0] =	vst v1;
	v1 =	vimm.s32 $0x0;
	v10 =	vsel vm15, v10, v63;
	v11 =	vsel vm15, $0x1, v0  }
.LBB2_4:
0x52: {  	p0 =	sne.s32 s16, $0x7F;
	v1 =	vadd.s32 v11, v1;
	s17 =	smov.u32 s16;
	s16 =	sadd.s32 $0x1, s16  }
.Ltmp1:
0x53: {  	v11 =	vshll.u32 v13, $0x9;
	v15 =	vshll.u32 v13, $0x7;
	s17 =	sadd.s32 s17, s4;
	v13 =	vld.idx.msk [tilespmem:v14+s11+$0x0], $0xffff;
	(pc) =	sbr.rel @p0 .LBB2_4-.Ltmp1, $4  }
0x54: {  	v11 =	vand.u32 $0xFFFFF000, v11;
	v15 =	vand.u32 $0x380, v15;
	v14 =	vmov s17  }
0x55: {  	v11 =	vor.u32 v11, v15;
	v15 =	vand.u32 v10, v2;
	v16 =	vmov v2;
	v2 =	vld.idx.msk [tilespmem:v12+s2+$0x0], $0xffff  }
0x56: {  	v12 =	vor.u32 v4, v11;
	vm0 =	veq.s32 v15, $0x0;
	v10 =	vor.u32 v10, v16  }
0x57: {  	v10 =	vsel vm0, v10, v15;
	v11 =	vsel vm0, $0x1, v0  }
0x58: {  	_ =	sdelay $0x3  }
0x59: {  	s16 =	sadd.s32 $0x1, s4;
	v14 =	vld.idx.msk [tilespmem:v14+s11+$0x0], $0xffff  }
0x5a: {  	v15 =	vmov s16  }
0x5b: {  	v16 =	vshll.u32 v13, $0x9;
	v13 =	vshll.u32 v13, $0x7  }
0x5c: {  	v16 =	vand.u32 $0xFFFFF000, v16;
	v13 =	vand.u32 $0x380, v13  }
0x5d: {  	v13 =	vor.u32 v16, v13  }
0x5e: {  	s28 =	sadd.s32 $0x2, s4;
	v12 =	vld.idx.msk [tilespmem:v12+s2+$0x0], $0xffff;
	v13 =	vor.u32 v4, v13;
	v60 =	vshll.u32 v14, $0x9;
	v14 =	vshll.u32 v14, $0x7  }
0x5f: {  	v17 =	vmov s28;
	v15 =	vld.idx.msk [tilespmem:v15+s11+$0x0], $0xffff;
	v16 =	vand.u32 $0xFFFFF000, v60;
	v14 =	vand.u32 $0x380, v14  }
0x60: {  	v18 =	vand.u32 v10, v2;
	v14 =	vor.u32 v16, v14  }
0x61: {  	v2 =	vor.u32 v10, v2;
	vm0 =	veq.s32 v18, $0x0;
	v10 =	vor.u32 v4, v14  }
0x62: {  	s29 =	sadd.s32 $0x3, s4;
	v2 =	vsel vm0, v2, v18  }
0x63: {  	v1 =	vadd.s32 v11, v1;
	v61 =	vmov s29;
	v18 =	vand.u32 v2, v12;
	v13 =	vld.idx.msk [tilespmem:v13+s2+$0x0], $0xffff  }
0x64: {  	v2 =	vor.u32 v2, v12;
	v17 =	vld.idx.msk [tilespmem:v17+s11+$0x0], $0xffff;
	v14 =	vshll.u32 v15, $0x9;
	v15 =	vshll.u32 v15, $0x7  }
0x65: {  	vm1 =	veq.s32 v18, $0x0;
	v14 =	vand.u32 $0xFFFFF000, v14;
	v15 =	vand.u32 $0x380, v15  }
0x66: {  	v2 =	vsel vm1, v2, v18;
	v11 =	vsel vm1, $0x1, v0;
	v14 =	vor.u32 v14, v15;
	v10 =	vld.idx.msk [tilespmem:v10+s2+$0x0], $0xffff  }
0x67: {  	v15 =	vor.u32 v5, v35;
	v12 =	vor.u32 v5, v14;
	v14 =	vsel vm0, $0x1, v0  }
0x68: {  	v1 =	vadd.s32 v14, v1;
	v14 =	vand.u32 v2, v13;
	v2 =	vor.u32 v2, v13  }
0x69: {  	v13 =	vshll.u32 v17, $0x9;
	v1 =	vadd.s32 v11, v1;
	vm13 =	veq.s32 v14, $0x0  }
0x6a: {  	v11 =	vld.idx.msk [tilespmem:v61+s11+$0x0], $0xffff;
	v13 =	vand.u32 $0xFFFFF000, v13;
	v2 =	vsel vm13, v2, v14;
	v14 =	vshll.u32 v17, $0x7  }
0x6b: {  	s30 =	sadd.s32 $0x4, s4;
	v62 =	vsel vm13, $0x1, v0;
	v14 =	vand.u32 $0x380, v14;
	v2 =	vand.u32 v2, v10  }
0x6c: {  	v15 =	vld.idx.msk [tilespmem:v15+s2+$0x0], $0xffff;
	v10 =	vmov s30;
	v13 =	vor.u32 v13, v14;
	vm14 =	veq.s32 v2, $0x0  }
0x6d: {  	v1 =	vadd.s32 v62, v1;
	v12 =	vld.idx.msk [tilespmem:v12+s2+$0x0], $0xffff;
	v2 =	vor.u32 v5, v13;
	v13 =	vsel vm14, $0x1, v0  }
0x6e: {  	v1 =	vadd.s32 v13, v1  }
0x6f: {  	v14 =	vshll.u32 v11, $0x9;
	v11 =	vshll.u32 v11, $0x7;
	[tilespmem:$0x1FFB0] =	vst v1;
	v1 =	vld [tilespmem:$0x10810]  }
0x70: {  	s31 =	sadd.s32 $0x5, s4;
	v13 =	vand.u32 $0xFFFFF000, v14;
	v11 =	vand.u32 $0x380, v11  }
0x71: {  	v14 =	vmov s31;
	v11 =	vor.u32 v13, v11;
	v13 =	vld.idx.msk [tilespmem:v10+s11+$0x0], $0xffff  }
0x72: {  	v63 =	vand.u32 v15, v12  }
0x73: {  	v10 =	vor.u32 v15, v12;
	v12 =	vor.u32 v5, v11;
	vm15 =	veq.s32 v63, $0x0;
	v2 =	vld.idx.msk [tilespmem:v2+s2+$0x0], $0xffff  }
0x74: {  	s16 =	simm.s32 $0x6;
	v10 =	vsel vm15, v10, v63;
	v11 =	vsel vm15, $0x1, v0;
	[tilespmem:$0x1FFC0] =	vst v1;
	v1 =	vimm.s32 $0x0  }
.LBB2_6:
0x75: {  	p0 =	sne.s32 s16, $0x7F;
	v1 =	vadd.s32 v11, v1;
	s17 =	smov.u32 s16;
	s16 =	sadd.s32 $0x1, s16  }
.Ltmp2:
0x76: {  	v11 =	vshll.u32 v13, $0x9;
	v15 =	vshll.u32 v13, $0x7;
	s17 =	sadd.s32 s17, s4;
	v13 =	vld.idx.msk [tilespmem:v14+s11+$0x0], $0xffff;
	(pc) =	sbr.rel @p0 .LBB2_6-.Ltmp2, $4  }
0x77: {  	v11 =	vand.u32 $0xFFFFF000, v11;
	v15 =	vand.u32 $0x380, v15;
	v14 =	vmov s17  }
0x78: {  	v11 =	vor.u32 v11, v15;
	v15 =	vand.u32 v10, v2;
	v16 =	vmov v2;
	v2 =	vld.idx.msk [tilespmem:v12+s2+$0x0], $0xffff  }
0x79: {  	v12 =	vor.u32 v5, v11;
	vm0 =	veq.s32 v15, $0x0;
	v10 =	vor.u32 v10, v16  }
0x7a: {  	v10 =	vsel vm0, v10, v15;
	v11 =	vsel vm0, $0x1, v0  }
0x7b: {  	_ =	sdelay $0x3  }
0x7c: {  	s16 =	sadd.s32 $0x1, s4;
	v14 =	vld.idx.msk [tilespmem:v14+s11+$0x0], $0xffff  }
0x7d: {  	v15 =	vmov s16  }
0x7e: {  	v16 =	vshll.u32 v13, $0x9;
	v13 =	vshll.u32 v13, $0x7  }
0x7f: {  	v16 =	vand.u32 $0xFFFFF000, v16;
	v13 =	vand.u32 $0x380, v13  }
0x80: {  	v13 =	vor.u32 v16, v13  }
0x81: {  	s28 =	sadd.s32 $0x2, s4;
	v12 =	vld.idx.msk [tilespmem:v12+s2+$0x0], $0xffff;
	v13 =	vor.u32 v5, v13;
	v60 =	vshll.u32 v14, $0x9;
	v14 =	vshll.u32 v14, $0x7  }
0x82: {  	v17 =	vmov s28;
	v15 =	vld.idx.msk [tilespmem:v15+s11+$0x0], $0xffff;
	v16 =	vand.u32 $0xFFFFF000, v60;
	v14 =	vand.u32 $0x380, v14  }
0x83: {  	v18 =	vand.u32 v10, v2;
	v14 =	vor.u32 v16, v14  }
0x84: {  	v2 =	vor.u32 v10, v2;
	vm0 =	veq.s32 v18, $0x0;
	v10 =	vor.u32 v5, v14  }
0x85: {  	s29 =	sadd.s32 $0x3, s4;
	v2 =	vsel vm0, v2, v18  }
0x86: {  	v1 =	vadd.s32 v11, v1;
	v61 =	vmov s29;
	v18 =	vand.u32 v2, v12;
	v13 =	vld.idx.msk [tilespmem:v13+s2+$0x0], $0xffff  }
0x87: {  	v2 =	vor.u32 v2, v12;
	v17 =	vld.idx.msk [tilespmem:v17+s11+$0x0], $0xffff;
	v14 =	vshll.u32 v15, $0x9;
	v15 =	vshll.u32 v15, $0x7  }
0x88: {  	vm1 =	veq.s32 v18, $0x0;
	v14 =	vand.u32 $0xFFFFF000, v14;
	v15 =	vand.u32 $0x380, v15  }
0x89: {  	v2 =	vsel vm1, v2, v18;
	v11 =	vsel vm1, $0x1, v0;
	v14 =	vor.u32 v14, v15;
	v10 =	vld.idx.msk [tilespmem:v10+s2+$0x0], $0xffff  }
0x8a: {  	v15 =	vor.u32 v6, v35;
	v12 =	vor.u32 v6, v14;
	v14 =	vsel vm0, $0x1, v0  }
0x8b: {  	v1 =	vadd.s32 v14, v1;
	v14 =	vand.u32 v2, v13;
	v2 =	vor.u32 v2, v13  }
0x8c: {  	v13 =	vshll.u32 v17, $0x9;
	v1 =	vadd.s32 v11, v1;
	vm13 =	veq.s32 v14, $0x0  }
0x8d: {  	v11 =	vld.idx.msk [tilespmem:v61+s11+$0x0], $0xffff;
	v13 =	vand.u32 $0xFFFFF000, v13;
	v2 =	vsel vm13, v2, v14;
	v14 =	vshll.u32 v17, $0x7  }
0x8e: {  	s30 =	sadd.s32 $0x4, s4;
	v62 =	vsel vm13, $0x1, v0;
	v14 =	vand.u32 $0x380, v14;
	v2 =	vand.u32 v2, v10  }
0x8f: {  	v15 =	vld.idx.msk [tilespmem:v15+s2+$0x0], $0xffff;
	v10 =	vmov s30;
	v13 =	vor.u32 v13, v14;
	vm14 =	veq.s32 v2, $0x0  }
0x90: {  	v1 =	vadd.s32 v62, v1;
	v12 =	vld.idx.msk [tilespmem:v12+s2+$0x0], $0xffff;
	v2 =	vor.u32 v6, v13;
	v13 =	vsel vm14, $0x1, v0  }
0x91: {  	v1 =	vadd.s32 v13, v1  }
0x92: {  	v14 =	vshll.u32 v11, $0x9;
	v11 =	vshll.u32 v11, $0x7;
	[tilespmem:$0x1FF90] =	vst v1;
	v1 =	vld [tilespmem:$0x10820]  }
0x93: {  	s31 =	sadd.s32 $0x5, s4;
	v13 =	vand.u32 $0xFFFFF000, v14;
	v11 =	vand.u32 $0x380, v11  }
0x94: {  	v14 =	vmov s31;
	v11 =	vor.u32 v13, v11;
	v13 =	vld.idx.msk [tilespmem:v10+s11+$0x0], $0xffff  }
0x95: {  	v63 =	vand.u32 v15, v12  }
0x96: {  	v10 =	vor.u32 v15, v12;
	v12 =	vor.u32 v6, v11;
	vm15 =	veq.s32 v63, $0x0;
	v2 =	vld.idx.msk [tilespmem:v2+s2+$0x0], $0xffff  }
0x97: {  	s16 =	simm.s32 $0x6;
	v10 =	vsel vm15, v10, v63;
	v11 =	vsel vm15, $0x1, v0;
	[tilespmem:$0x1FFA0] =	vst v1;
	v1 =	vimm.s32 $0x0  }
.LBB2_8:
0x98: {  	p0 =	sne.s32 s16, $0x7F;
	v1 =	vadd.s32 v11, v1;
	s17 =	smov.u32 s16;
	s16 =	sadd.s32 $0x1, s16  }
.Ltmp3:
0x99: {  	v11 =	vshll.u32 v13, $0x9;
	v15 =	vshll.u32 v13, $0x7;
	s17 =	sadd.s32 s17, s4;
	v13 =	vld.idx.msk [tilespmem:v14+s11+$0x0], $0xffff;
	(pc) =	sbr.rel @p0 .LBB2_8-.Ltmp3, $4  }
0x9a: {  	v11 =	vand.u32 $0xFFFFF000, v11;
	v15 =	vand.u32 $0x380, v15;
	v14 =	vmov s17  }
0x9b: {  	v11 =	vor.u32 v11, v15;
	v15 =	vand.u32 v10, v2;
	v16 =	vmov v2;
	v2 =	vld.idx.msk [tilespmem:v12+s2+$0x0], $0xffff  }
0x9c: {  	v12 =	vor.u32 v6, v11;
	vm0 =	veq.s32 v15, $0x0;
	v10 =	vor.u32 v10, v16  }
0x9d: {  	v10 =	vsel vm0, v10, v15;
	v11 =	vsel vm0, $0x1, v0  }
0x9e: {  	_ =	sdelay $0x3  }
0x9f: {  	s16 =	sadd.s32 $0x1, s4;
	v14 =	vld.idx.msk [tilespmem:v14+s11+$0x0], $0xffff  }
0xa0: {  	v15 =	vmov s16  }
0xa1: {  	v16 =	vshll.u32 v13, $0x9;
	v13 =	vshll.u32 v13, $0x7  }
0xa2: {  	v16 =	vand.u32 $0xFFFFF000, v16;
	v13 =	vand.u32 $0x380, v13  }
0xa3: {  	v13 =	vor.u32 v16, v13  }
0xa4: {  	s28 =	sadd.s32 $0x2, s4;
	v12 =	vld.idx.msk [tilespmem:v12+s2+$0x0], $0xffff;
	v13 =	vor.u32 v6, v13;
	v60 =	vshll.u32 v14, $0x9;
	v14 =	vshll.u32 v14, $0x7  }
0xa5: {  	v17 =	vmov s28;
	v15 =	vld.idx.msk [tilespmem:v15+s11+$0x0], $0xffff;
	v16 =	vand.u32 $0xFFFFF000, v60;
	v14 =	vand.u32 $0x380, v14  }
0xa6: {  	v18 =	vand.u32 v10, v2;
	v14 =	vor.u32 v16, v14  }
0xa7: {  	v2 =	vor.u32 v10, v2;
	vm0 =	veq.s32 v18, $0x0;
	v10 =	vor.u32 v6, v14  }
0xa8: {  	s29 =	sadd.s32 $0x3, s4;
	v2 =	vsel vm0, v2, v18  }
0xa9: {  	v1 =	vadd.s32 v11, v1;
	v61 =	vmov s29;
	v18 =	vand.u32 v2, v12;
	v13 =	vld.idx.msk [tilespmem:v13+s2+$0x0], $0xffff  }
0xaa: {  	v2 =	vor.u32 v2, v12;
	v17 =	vld.idx.msk [tilespmem:v17+s11+$0x0], $0xffff;
	v14 =	vshll.u32 v15, $0x9;
	v15 =	vshll.u32 v15, $0x7  }
0xab: {  	vm1 =	veq.s32 v18, $0x0;
	v14 =	vand.u32 $0xFFFFF000, v14;
	v15 =	vand.u32 $0x380, v15  }
0xac: {  	v2 =	vsel vm1, v2, v18;
	v11 =	vsel vm1, $0x1, v0;
	v14 =	vor.u32 v14, v15;
	v10 =	vld.idx.msk [tilespmem:v10+s2+$0x0], $0xffff  }
0xad: {  	v15 =	vor.u32 v7, v35;
	v12 =	vor.u32 v7, v14;
	v14 =	vsel vm0, $0x1, v0  }
0xae: {  	v1 =	vadd.s32 v14, v1;
	v14 =	vand.u32 v2, v13;
	v2 =	vor.u32 v2, v13  }
0xaf: {  	v13 =	vshll.u32 v17, $0x9;
	v1 =	vadd.s32 v11, v1;
	vm13 =	veq.s32 v14, $0x0  }
0xb0: {  	v11 =	vld.idx.msk [tilespmem:v61+s11+$0x0], $0xffff;
	v13 =	vand.u32 $0xFFFFF000, v13;
	v2 =	vsel vm13, v2, v14;
	v14 =	vshll.u32 v17, $0x7  }
0xb1: {  	s30 =	sadd.s32 $0x4, s4;
	v62 =	vsel vm13, $0x1, v0;
	v14 =	vand.u32 $0x380, v14;
	v2 =	vand.u32 v2, v10  }
0xb2: {  	v15 =	vld.idx.msk [tilespmem:v15+s2+$0x0], $0xffff;
	v10 =	vmov s30;
	v13 =	vor.u32 v13, v14;
	vm14 =	veq.s32 v2, $0x0  }
0xb3: {  	v1 =	vadd.s32 v62, v1;
	v12 =	vld.idx.msk [tilespmem:v12+s2+$0x0], $0xffff;
	v2 =	vor.u32 v7, v13;
	v13 =	vsel vm14, $0x1, v0  }
0xb4: {  	v1 =	vadd.s32 v13, v1  }
0xb5: {  	v14 =	vshll.u32 v11, $0x9;
	v11 =	vshll.u32 v11, $0x7;
	[tilespmem:$0x1FF70] =	vst v1;
	v1 =	vld [tilespmem:$0x10830]  }
0xb6: {  	s31 =	sadd.s32 $0x5, s4;
	v13 =	vand.u32 $0xFFFFF000, v14;
	v11 =	vand.u32 $0x380, v11  }
0xb7: {  	v14 =	vmov s31;
	v11 =	vor.u32 v13, v11;
	v13 =	vld.idx.msk [tilespmem:v10+s11+$0x0], $0xffff  }
0xb8: {  	v63 =	vand.u32 v15, v12  }
0xb9: {  	v10 =	vor.u32 v15, v12;
	v12 =	vor.u32 v7, v11;
	vm15 =	veq.s32 v63, $0x0;
	v2 =	vld.idx.msk [tilespmem:v2+s2+$0x0], $0xffff  }
0xba: {  	s16 =	simm.s32 $0x6;
	v10 =	vsel vm15, v10, v63;
	v11 =	vsel vm15, $0x1, v0;
	[tilespmem:$0x1FF80] =	vst v1;
	v1 =	vimm.s32 $0x0  }
.LBB2_10:
0xbb: {  	p0 =	sne.s32 s16, $0x7F;
	v1 =	vadd.s32 v11, v1;
	s17 =	smov.u32 s16;
	s16 =	sadd.s32 $0x1, s16  }
.Ltmp4:
0xbc: {  	v11 =	vshll.u32 v13, $0x9;
	v15 =	vshll.u32 v13, $0x7;
	s17 =	sadd.s32 s17, s4;
	v13 =	vld.idx.msk [tilespmem:v14+s11+$0x0], $0xffff;
	(pc) =	sbr.rel @p0 .LBB2_10-.Ltmp4, $4  }
0xbd: {  	v11 =	vand.u32 $0xFFFFF000, v11;
	v15 =	vand.u32 $0x380, v15;
	v14 =	vmov s17  }
0xbe: {  	v11 =	vor.u32 v11, v15;
	v15 =	vand.u32 v10, v2;
	v16 =	vmov v2;
	v2 =	vld.idx.msk [tilespmem:v12+s2+$0x0], $0xffff  }
0xbf: {  	v12 =	vor.u32 v7, v11;
	vm0 =	veq.s32 v15, $0x0;
	v10 =	vor.u32 v10, v16  }
0xc0: {  	v10 =	vsel vm0, v10, v15;
	v11 =	vsel vm0, $0x1, v0  }
0xc1: {  	_ =	sdelay $0x3  }
0xc2: {  	s16 =	sadd.s32 $0x1, s4;
	v14 =	vld.idx.msk [tilespmem:v14+s11+$0x0], $0xffff  }
0xc3: {  	v15 =	vmov s16  }
0xc4: {  	v16 =	vshll.u32 v13, $0x9;
	v13 =	vshll.u32 v13, $0x7  }
0xc5: {  	v16 =	vand.u32 $0xFFFFF000, v16;
	v13 =	vand.u32 $0x380, v13  }
0xc6: {  	v13 =	vor.u32 v16, v13  }
0xc7: {  	s28 =	sadd.s32 $0x2, s4;
	v12 =	vld.idx.msk [tilespmem:v12+s2+$0x0], $0xffff;
	v13 =	vor.u32 v7, v13;
	v60 =	vshll.u32 v14, $0x9;
	v14 =	vshll.u32 v14, $0x7  }
0xc8: {  	v17 =	vmov s28;
	v15 =	vld.idx.msk [tilespmem:v15+s11+$0x0], $0xffff;
	v16 =	vand.u32 $0xFFFFF000, v60;
	v14 =	vand.u32 $0x380, v14  }
0xc9: {  	v18 =	vand.u32 v10, v2;
	v14 =	vor.u32 v16, v14  }
0xca: {  	v2 =	vor.u32 v10, v2;
	vm0 =	veq.s32 v18, $0x0;
	v10 =	vor.u32 v7, v14  }
0xcb: {  	s29 =	sadd.s32 $0x3, s4;
	v2 =	vsel vm0, v2, v18  }
0xcc: {  	v1 =	vadd.s32 v11, v1;
	v61 =	vmov s29;
	v18 =	vand.u32 v2, v12;
	v13 =	vld.idx.msk [tilespmem:v13+s2+$0x0], $0xffff  }
0xcd: {  	v2 =	vor.u32 v2, v12;
	v17 =	vld.idx.msk [tilespmem:v17+s11+$0x0], $0xffff;
	v14 =	vshll.u32 v15, $0x9;
	v15 =	vshll.u32 v15, $0x7  }
0xce: {  	vm1 =	veq.s32 v18, $0x0;
	v14 =	vand.u32 $0xFFFFF000, v14;
	v15 =	vand.u32 $0x380, v15  }
0xcf: {  	v2 =	vsel vm1, v2, v18;
	v11 =	vsel vm1, $0x1, v0;
	v14 =	vor.u32 v14, v15;
	v10 =	vld.idx.msk [tilespmem:v10+s2+$0x0], $0xffff  }
0xd0: {  	v15 =	vor.u32 v8, v35;
	v12 =	vor.u32 v8, v14;
	v14 =	vsel vm0, $0x1, v0  }
0xd1: {  	v1 =	vadd.s32 v14, v1;
	v14 =	vand.u32 v2, v13;
	v2 =	vor.u32 v2, v13  }
0xd2: {  	v13 =	vshll.u32 v17, $0x9;
	v1 =	vadd.s32 v11, v1;
	vm13 =	veq.s32 v14, $0x0  }
0xd3: {  	v11 =	vld.idx.msk [tilespmem:v61+s11+$0x0], $0xffff;
	v13 =	vand.u32 $0xFFFFF000, v13;
	v2 =	vsel vm13, v2, v14;
	v14 =	vshll.u32 v17, $0x7  }
0xd4: {  	s30 =	sadd.s32 $0x4, s4;
	v62 =	vsel vm13, $0x1, v0;
	v14 =	vand.u32 $0x380, v14;
	v2 =	vand.u32 v2, v10  }
0xd5: {  	v15 =	vld.idx.msk [tilespmem:v15+s2+$0x0], $0xffff;
	v10 =	vmov s30;
	v13 =	vor.u32 v13, v14;
	vm14 =	veq.s32 v2, $0x0  }
0xd6: {  	v1 =	vadd.s32 v62, v1;
	v12 =	vld.idx.msk [tilespmem:v12+s2+$0x0], $0xffff;
	v2 =	vor.u32 v8, v13;
	v13 =	vsel vm14, $0x1, v0  }
0xd7: {  	v1 =	vadd.s32 v13, v1  }
0xd8: {  	v14 =	vshll.u32 v11, $0x9;
	v11 =	vshll.u32 v11, $0x7;
	[tilespmem:$0x1FF50] =	vst v1;
	v1 =	vld [tilespmem:$0x10840]  }
0xd9: {  	s31 =	sadd.s32 $0x5, s4;
	v13 =	vand.u32 $0xFFFFF000, v14;
	v11 =	vand.u32 $0x380, v11  }
0xda: {  	v14 =	vmov s31;
	v11 =	vor.u32 v13, v11;
	v13 =	vld.idx.msk [tilespmem:v10+s11+$0x0], $0xffff  }
0xdb: {  	v63 =	vand.u32 v15, v12  }
0xdc: {  	v10 =	vor.u32 v15, v12;
	v12 =	vor.u32 v8, v11;
	vm15 =	veq.s32 v63, $0x0;
	v2 =	vld.idx.msk [tilespmem:v2+s2+$0x0], $0xffff  }
0xdd: {  	s16 =	simm.s32 $0x6;
	v10 =	vsel vm15, v10, v63;
	v11 =	vsel vm15, $0x1, v0;
	[tilespmem:$0x1FF60] =	vst v1;
	v1 =	vimm.s32 $0x0  }
.LBB2_12:
0xde: {  	p0 =	sne.s32 s16, $0x7F;
	v1 =	vadd.s32 v11, v1;
	s17 =	smov.u32 s16;
	s16 =	sadd.s32 $0x1, s16  }
.Ltmp5:
0xdf: {  	v11 =	vshll.u32 v13, $0x9;
	v15 =	vshll.u32 v13, $0x7;
	s17 =	sadd.s32 s17, s4;
	v13 =	vld.idx.msk [tilespmem:v14+s11+$0x0], $0xffff;
	(pc) =	sbr.rel @p0 .LBB2_12-.Ltmp5, $4  }
0xe0: {  	v11 =	vand.u32 $0xFFFFF000, v11;
	v15 =	vand.u32 $0x380, v15;
	v14 =	vmov s17  }
0xe1: {  	v11 =	vor.u32 v11, v15;
	v15 =	vand.u32 v10, v2;
	v16 =	vmov v2;
	v2 =	vld.idx.msk [tilespmem:v12+s2+$0x0], $0xffff  }
0xe2: {  	v12 =	vor.u32 v8, v11;
	vm0 =	veq.s32 v15, $0x0;
	v10 =	vor.u32 v10, v16  }
0xe3: {  	v10 =	vsel vm0, v10, v15;
	v11 =	vsel vm0, $0x1, v0  }
0xe4: {  	_ =	sdelay $0x3  }
0xe5: {  	s16 =	sadd.s32 $0x1, s4;
	v14 =	vld.idx.msk [tilespmem:v14+s11+$0x0], $0xffff  }
0xe6: {  	v15 =	vmov s16  }
0xe7: {  	v16 =	vshll.u32 v13, $0x9;
	v13 =	vshll.u32 v13, $0x7  }
0xe8: {  	v16 =	vand.u32 $0xFFFFF000, v16;
	v13 =	vand.u32 $0x380, v13  }
0xe9: {  	v13 =	vor.u32 v16, v13  }
0xea: {  	s28 =	sadd.s32 $0x2, s4;
	v12 =	vld.idx.msk [tilespmem:v12+s2+$0x0], $0xffff;
	v13 =	vor.u32 v8, v13;
	v60 =	vshll.u32 v14, $0x9;
	v14 =	vshll.u32 v14, $0x7  }
0xeb: {  	v17 =	vmov s28;
	v15 =	vld.idx.msk [tilespmem:v15+s11+$0x0], $0xffff;
	v16 =	vand.u32 $0xFFFFF000, v60;
	v14 =	vand.u32 $0x380, v14  }
0xec: {  	v18 =	vand.u32 v10, v2;
	v14 =	vor.u32 v16, v14  }
0xed: {  	v2 =	vor.u32 v10, v2;
	vm0 =	veq.s32 v18, $0x0;
	v10 =	vor.u32 v8, v14  }
0xee: {  	s29 =	sadd.s32 $0x3, s4;
	v2 =	vsel vm0, v2, v18  }
0xef: {  	v1 =	vadd.s32 v11, v1;
	v61 =	vmov s29;
	v18 =	vand.u32 v2, v12;
	v13 =	vld.idx.msk [tilespmem:v13+s2+$0x0], $0xffff  }
0xf0: {  	v2 =	vor.u32 v2, v12;
	v17 =	vld.idx.msk [tilespmem:v17+s11+$0x0], $0xffff;
	v14 =	vshll.u32 v15, $0x9;
	v15 =	vshll.u32 v15, $0x7  }
0xf1: {  	vm1 =	veq.s32 v18, $0x0;
	v14 =	vand.u32 $0xFFFFF000, v14;
	v15 =	vand.u32 $0x380, v15  }
0xf2: {  	v2 =	vsel vm1, v2, v18;
	v11 =	vsel vm1, $0x1, v0;
	v14 =	vor.u32 v14, v15;
	v10 =	vld.idx.msk [tilespmem:v10+s2+$0x0], $0xffff  }
0xf3: {  	v15 =	vor.u32 v9, v35;
	v12 =	vor.u32 v9, v14;
	v14 =	vsel vm0, $0x1, v0  }
0xf4: {  	v1 =	vadd.s32 v14, v1;
	v14 =	vand.u32 v2, v13;
	v2 =	vor.u32 v2, v13  }
0xf5: {  	v13 =	vshll.u32 v17, $0x9;
	v1 =	vadd.s32 v11, v1;
	vm13 =	veq.s32 v14, $0x0  }
0xf6: {  	v11 =	vld.idx.msk [tilespmem:v61+s11+$0x0], $0xffff;
	v13 =	vand.u32 $0xFFFFF000, v13;
	v2 =	vsel vm13, v2, v14;
	v14 =	vshll.u32 v17, $0x7  }
0xf7: {  	s30 =	sadd.s32 $0x4, s4;
	v62 =	vsel vm13, $0x1, v0;
	v14 =	vand.u32 $0x380, v14;
	v2 =	vand.u32 v2, v10  }
0xf8: {  	v15 =	vld.idx.msk [tilespmem:v15+s2+$0x0], $0xffff;
	v10 =	vmov s30;
	v13 =	vor.u32 v13, v14;
	vm14 =	veq.s32 v2, $0x0  }
0xf9: {  	v1 =	vadd.s32 v62, v1;
	v12 =	vld.idx.msk [tilespmem:v12+s2+$0x0], $0xffff;
	v2 =	vor.u32 v9, v13;
	v13 =	vsel vm14, $0x1, v0  }
0xfa: {  	v1 =	vadd.s32 v13, v1  }
0xfb: {  	v14 =	vshll.u32 v11, $0x9;
	v11 =	vshll.u32 v11, $0x7;
	[tilespmem:$0x1FF30] =	vst v1;
	v1 =	vld [tilespmem:$0x10850]  }
0xfc: {  	s31 =	sadd.s32 $0x5, s4;
	v13 =	vand.u32 $0xFFFFF000, v14;
	v11 =	vand.u32 $0x380, v11  }
0xfd: {  	v14 =	vmov s31;
	v11 =	vor.u32 v13, v11;
	v13 =	vld.idx.msk [tilespmem:v10+s11+$0x0], $0xffff  }
0xfe: {  	v63 =	vand.u32 v15, v12  }
0xff: {  	v10 =	vor.u32 v15, v12;
	v12 =	vor.u32 v9, v11;
	vm15 =	veq.s32 v63, $0x0;
	v2 =	vld.idx.msk [tilespmem:v2+s2+$0x0], $0xffff  }
0x100: {  	s16 =	simm.s32 $0x6;
	v10 =	vsel vm15, v10, v63;
	v11 =	vsel vm15, $0x1, v0;
	[tilespmem:$0x1FF40] =	vst v1;
	v1 =	vimm.s32 $0x0  }
.LBB2_14:
0x101: {  	p0 =	sne.s32 s16, $0x7F;
	v1 =	vadd.s32 v11, v1;
	s17 =	smov.u32 s16;
	s16 =	sadd.s32 $0x1, s16  }
.Ltmp6:
0x102: {  	v11 =	vshll.u32 v13, $0x9;
	v15 =	vshll.u32 v13, $0x7;
	s17 =	sadd.s32 s17, s4;
	v13 =	vld.idx.msk [tilespmem:v14+s11+$0x0], $0xffff;
	(pc) =	sbr.rel @p0 .LBB2_14-.Ltmp6, $4  }
0x103: {  	v11 =	vand.u32 $0xFFFFF000, v11;
	v15 =	vand.u32 $0x380, v15;
	v14 =	vmov s17  }
0x104: {  	v11 =	vor.u32 v11, v15;
	v15 =	vand.u32 v10, v2;
	v16 =	vmov v2;
	v2 =	vld.idx.msk [tilespmem:v12+s2+$0x0], $0xffff  }
0x105: {  	v12 =	vor.u32 v9, v11;
	vm0 =	veq.s32 v15, $0x0;
	v10 =	vor.u32 v10, v16  }
0x106: {  	v10 =	vsel vm0, v10, v15;
	v11 =	vsel vm0, $0x1, v0  }
0x107: {  	_ =	sdelay $0x3  }
0x108: {  	s16 =	sadd.s32 $0x1, s4;
	v14 =	vld.idx.msk [tilespmem:v14+s11+$0x0], $0xffff  }
0x109: {  	v15 =	vmov s16  }
0x10a: {  	v16 =	vshll.u32 v13, $0x9;
	v13 =	vshll.u32 v13, $0x7  }
0x10b: {  	s28 =	sadd.s32 $0x2, s4;
	v16 =	vand.u32 $0xFFFFF000, v16;
	v13 =	vand.u32 $0x380, v13  }
0x10c: {  	v12 =	vld.idx.msk [tilespmem:v12+s2+$0x0], $0xffff;
	v18 =	vmov s28;
	v13 =	vor.u32 v16, v13  }
0x10d: {  	v13 =	vor.u32 v9, v13;
	v17 =	vshll.u32 v14, $0x9;
	v14 =	vshll.u32 v14, $0x7  }
0x10e: {  	v16 =	vand.u32 v10, v2;
	v15 =	vld.idx.msk [tilespmem:v15+s11+$0x0], $0xffff;
	v17 =	vand.u32 $0xFFFFF000, v17;
	v14 =	vand.u32 $0x380, v14  }
0x10f: {  	v2 =	vor.u32 v10, v2;
	vm0 =	veq.s32 v16, $0x0;
	v10 =	vor.u32 v17, v14  }
0x110: {  	v2 =	vsel vm0, v2, v16;
	v14 =	vor.u32 v9, v10  }
0x111: {  	v19 =	vand.u32 v2, v12  }
0x112: {  	s29 =	sadd.s32 $0x3, s4;
	v1 =	vadd.s32 v11, v1;
	v2 =	vor.u32 v2, v12;
	vm1 =	veq.s32 v19, $0x0;
	v13 =	vld.idx.msk [tilespmem:v13+s2+$0x0], $0xffff  }
0x113: {  	v18 =	vld.idx.msk [tilespmem:v18+s11+$0x0], $0xffff;
	v17 =	vmov s29;
	v16 =	vshll.u32 v15, $0x9;
	v15 =	vshll.u32 v15, $0x7  }
0x114: {  	v10 =	vor.u32 $0x70, v3;
	v16 =	vand.u32 $0xFFFFF000, v16;
	v15 =	vand.u32 $0x380, v15  }
0x115: {  	v2 =	vsel vm1, v2, v19;
	v15 =	vor.u32 v16, v15;
	v16 =	vor.u32 v10, v35;
	v11 =	vld.idx.msk [tilespmem:v14+s2+$0x0], $0xffff  }
0x116: {  	v14 =	vsel vm1, $0x1, v0;
	v12 =	vor.u32 v10, v15;
	v15 =	vsel vm0, $0x1, v0  }
0x117: {  	v1 =	vadd.s32 v15, v1;
	v15 =	vand.u32 v2, v13;
	v2 =	vor.u32 v2, v13  }
0x118: {  	v1 =	vadd.s32 v14, v1;
	vm13 =	veq.s32 v15, $0x0;
	v14 =	vshll.u32 v18, $0x9  }
0x119: {  	v13 =	vld.idx.msk [tilespmem:v17+s11+$0x0], $0xffff;
	v2 =	vsel vm13, v2, v15;
	v15 =	vshll.u32 v18, $0x7;
	v17 =	vsel vm13, $0x1, v0  }
0x11a: {  	s30 =	sadd.s32 $0x4, s4;
	v14 =	vand.u32 $0xFFFFF000, v14;
	v15 =	vand.u32 $0x380, v15;
	v2 =	vand.u32 v2, v11  }
0x11b: {  	v16 =	vld.idx.msk [tilespmem:v16+s2+$0x0], $0xffff;
	v11 =	vmov s30;
	v14 =	vor.u32 v14, v15;
	vm14 =	veq.s32 v2, $0x0  }
0x11c: {  	v1 =	vadd.s32 v17, v1;
	v12 =	vld.idx.msk [tilespmem:v12+s2+$0x0], $0xffff;
	v2 =	vor.u32 v10, v14;
	v14 =	vsel vm14, $0x1, v0  }
0x11d: {  	v1 =	vadd.s32 v14, v1  }
0x11e: {  	v15 =	vshll.u32 v13, $0x9;
	v13 =	vshll.u32 v13, $0x7;
	[tilespmem:$0x1FF10] =	vst v1;
	v1 =	vld [tilespmem:$0x10860]  }
0x11f: {  	s31 =	sadd.s32 $0x5, s4;
	v14 =	vand.u32 $0xFFFFF000, v15;
	v13 =	vand.u32 $0x380, v13  }
0x120: {  	v15 =	vmov s31;
	v13 =	vor.u32 v14, v13;
	v14 =	vld.idx.msk [tilespmem:v11+s11+$0x0], $0xffff  }
0x121: {  	v17 =	vand.u32 v16, v12  }
0x122: {  	v11 =	vor.u32 v16, v12;
	v12 =	vor.u32 v10, v13;
	vm15 =	veq.s32 v17, $0x0;
	v2 =	vld.idx.msk [tilespmem:v2+s2+$0x0], $0xffff  }
0x123: {  	s16 =	simm.s32 $0x6;
	v11 =	vsel vm15, v11, v17;
	v13 =	vsel vm15, $0x1, v0;
	[tilespmem:$0x1FF20] =	vst v1;
	v1 =	vimm.s32 $0x0  }
.LBB2_16:
0x124: {  	p0 =	sne.s32 s16, $0x7F;
	v1 =	vadd.s32 v13, v1;
	s17 =	smov.u32 s16;
	s16 =	sadd.s32 $0x1, s16  }
.Ltmp7:
0x125: {  	v13 =	vshll.u32 v14, $0x9;
	v16 =	vshll.u32 v14, $0x7;
	s17 =	sadd.s32 s17, s4;
	v14 =	vld.idx.msk [tilespmem:v15+s11+$0x0], $0xffff;
	(pc) =	sbr.rel @p0 .LBB2_16-.Ltmp7, $4  }
0x126: {  	v13 =	vand.u32 $0xFFFFF000, v13;
	v16 =	vand.u32 $0x380, v16;
	v15 =	vmov s17  }
0x127: {  	v13 =	vor.u32 v13, v16;
	v16 =	vand.u32 v11, v2;
	v17 =	vmov v2;
	v2 =	vld.idx.msk [tilespmem:v12+s2+$0x0], $0xffff  }
0x128: {  	v12 =	vor.u32 v10, v13;
	vm0 =	veq.s32 v16, $0x0;
	v11 =	vor.u32 v11, v17  }
0x129: {  	v11 =	vsel vm0, v11, v16;
	v13 =	vsel vm0, $0x1, v0  }
0x12a: {  	_ =	sdelay $0x2  }
0x12b: {  	s16 =	sadd.s32 $0x1, s4  }
0x12c: {  	v15 =	vld.idx.msk [tilespmem:v15+s11+$0x0], $0xffff;
	v16 =	vmov s16;
	_ =	sdelay $0x1  }
0x12d: {  	v17 =	vshll.u32 v14, $0x9;
	v14 =	vshll.u32 v14, $0x7  }
0x12e: {  	v17 =	vand.u32 $0xFFFFF000, v17;
	v14 =	vand.u32 $0x380, v14  }
0x12f: {  	v19 =	vld.idx.msk [tilespmem:v12+s2+$0x0], $0xffff;
	v14 =	vor.u32 v17, v14;
	v17 =	vand.u32 v11, v2  }
0x130: {  	s28 =	sadd.s32 $0x2, s4;
	v14 =	vor.u32 v10, v14;
	v18 =	vshll.u32 v15, $0x9;
	v15 =	vshll.u32 v15, $0x7;
	v16 =	vld.idx.msk [tilespmem:v16+s11+$0x0], $0xffff  }
0x131: {  	v12 =	vand.u32 $0xFFFFF000, v18;
	v15 =	vand.u32 $0x380, v15;
	v18 =	vmov s28  }
0x132: {  	v2 =	vor.u32 v11, v2;
	vm0 =	veq.s32 v17, $0x0;
	v11 =	vor.u32 v12, v15  }
0x133: {  	s29 =	sadd.s32 $0x3, s4;
	v2 =	vsel vm0, v2, v17;
	v11 =	vor.u32 v10, v11  }
0x134: {  	v1 =	vadd.s32 v13, v1;
	v17 =	vmov s29;
	v20 =	vand.u32 v2, v19  }
0x135: {  	v2 =	vor.u32 v2, v19;
	v14 =	vld.idx.msk [tilespmem:v14+s2+$0x0], $0xffff;
	v15 =	vshll.u32 v16, $0x9;
	v16 =	vshll.u32 v16, $0x7  }
0x136: {  	v12 =	vor.u32 $0x400, v3;
	v18 =	vld.idx.msk [tilespmem:v18+s11+$0x0], $0xffff;
	v15 =	vand.u32 $0xFFFFF000, v15;
	v16 =	vand.u32 $0x380, v16  }
0x137: {  	v19 =	vsel vm0, $0x1, v0;
	v15 =	vor.u32 v16, v15;
	v16 =	vor.u32 v12, v35  }
0x138: {  	vm1 =	veq.s32 v20, $0x0;
	v1 =	vadd.s32 v19, v1;
	v11 =	vld.idx.msk [tilespmem:v11+s2+$0x0], $0xffff  }
0x139: {  	v2 =	vsel vm1, v2, v20;
	v13 =	vsel vm1, $0x1, v0;
	v15 =	vor.u32 v12, v15  }
0x13a: {  	v1 =	vadd.s32 v13, v1;
	v19 =	vand.u32 v2, v14  }
0x13b: {  	v13 =	vld.idx.msk [tilespmem:v17+s11+$0x0], $0xffff;
	v2 =	vor.u32 v2, v14;
	vm13 =	veq.s32 v19, $0x0;
	v17 =	vshll.u32 v18, $0x7  }
0x13c: {  	v2 =	vsel vm13, v2, v19;
	v17 =	vand.u32 $0x380, v17;
	v14 =	vld.idx.msk [tilespmem:v16+s2+$0x0], $0xffff;
	v16 =	vshll.u32 v18, $0x9  }
0x13d: {  	s30 =	sadd.s32 $0x4, s4;
	v18 =	vsel vm13, $0x1, v0;
	v2 =	vand.u32 v2, v11;
	v16 =	vand.u32 $0xFFFFF000, v16  }
0x13e: {  	v11 =	vmov s30;
	v19 =	vld.idx.msk [tilespmem:v15+s2+$0x0], $0xffff;
	vm14 =	veq.s32 v2, $0x0;
	v15 =	vor.u32 v17, v16  }
0x13f: {  	v1 =	vadd.s32 v18, v1;
	v2 =	vor.u32 v12, v15;
	v15 =	vsel vm14, $0x1, v0  }
0x140: {  	v1 =	vadd.s32 v15, v1  }
0x141: {  	v16 =	vshll.u32 v13, $0x9;
	v13 =	vshll.u32 v13, $0x7;
	[tilespmem:$0x1FEF0] =	vst v1;
	v1 =	vld [tilespmem:$0x10870]  }
0x142: {  	s31 =	sadd.s32 $0x5, s4;
	v13 =	vand.u32 $0x380, v13;
	v15 =	vand.u32 $0xFFFFF000, v16  }
0x143: {  	v16 =	vmov s31;
	v13 =	vor.u32 v13, v15;
	v15 =	vld.idx.msk [tilespmem:v11+s11+$0x0], $0xffff  }
0x144: {  	v17 =	vand.u32 v14, v19  }
0x145: {  	v11 =	vor.u32 v14, v19;
	v13 =	vor.u32 v12, v13;
	vm15 =	veq.s32 v17, $0x0;
	v2 =	vld.idx.msk [tilespmem:v2+s2+$0x0], $0xffff  }
0x146: {  	s16 =	simm.s32 $0x6;
	v11 =	vsel vm15, v11, v17;
	v14 =	vsel vm15, $0x1, v0;
	[tilespmem:$0x1FF00] =	vst v1;
	v1 =	vimm.s32 $0x0  }
.LBB2_18:
0x147: {  	p0 =	sne.s32 s16, $0x7F;
	v1 =	vadd.s32 v14, v1;
	s17 =	smov.u32 s16;
	s16 =	sadd.s32 $0x1, s16  }
.Ltmp8:
0x148: {  	v14 =	vshll.u32 v15, $0x9;
	v17 =	vshll.u32 v15, $0x7;
	s17 =	sadd.s32 s17, s4;
	v15 =	vld.idx.msk [tilespmem:v16+s11+$0x0], $0xffff;
	(pc) =	sbr.rel @p0 .LBB2_18-.Ltmp8, $4  }
0x149: {  	v14 =	vand.u32 $0xFFFFF000, v14;
	v17 =	vand.u32 $0x380, v17;
	v16 =	vmov s17  }
0x14a: {  	v14 =	vor.u32 v17, v14;
	v17 =	vand.u32 v11, v2;
	v18 =	vmov v2;
	v2 =	vld.idx.msk [tilespmem:v13+s2+$0x0], $0xffff  }
0x14b: {  	v13 =	vor.u32 v12, v14;
	vm0 =	veq.s32 v17, $0x0;
	v11 =	vor.u32 v11, v18  }
0x14c: {  	v11 =	vsel vm0, v11, v17;
	v14 =	vsel vm0, $0x1, v0  }
0x14d: {  	_ =	sdelay $0x2  }
0x14e: {  	s16 =	sadd.s32 $0x1, s4  }
0x14f: {  	v16 =	vld.idx.msk [tilespmem:v16+s11+$0x0], $0xffff;
	v17 =	vmov s16;
	_ =	sdelay $0x1  }
0x150: {  	v18 =	vshll.u32 v15, $0x9;
	v15 =	vshll.u32 v15, $0x7  }
0x151: {  	v18 =	vand.u32 $0xFFFFF000, v18;
	v15 =	vand.u32 $0x380, v15  }
0x152: {  	v15 =	vor.u32 v15, v18  }
0x153: {  	s28 =	sadd.s32 $0x2, s4;
	v15 =	vor.u32 v12, v15;
	v19 =	vshll.u32 v16, $0x9;
	v16 =	vshll.u32 v16, $0x7;
	v17 =	vld.idx.msk [tilespmem:v17+s11+$0x0], $0xffff  }
0x154: {  	v20 =	vld.idx.msk [tilespmem:v13+s2+$0x0], $0xffff;
	v13 =	vand.u32 $0xFFFFF000, v19;
	v16 =	vand.u32 $0x380, v16;
	v19 =	vmov s28  }
0x155: {  	v18 =	vand.u32 v11, v2;
	v2 =	vor.u32 v11, v2;
	v11 =	vor.u32 v16, v13  }
0x156: {  	s29 =	sadd.s32 $0x3, s4;
	vm0 =	veq.s32 v18, $0x0;
	v11 =	vor.u32 v12, v11  }
0x157: {  	v1 =	vadd.s32 v14, v1;
	v2 =	vsel vm0, v2, v18;
	v18 =	vmov s29  }
0x158: {  	v61 =	vsel vm0, $0x1, v0;
	v15 =	vld.idx.msk [tilespmem:v15+s2+$0x0], $0xffff;
	v16 =	vshll.u32 v17, $0x9;
	v17 =	vshll.u32 v17, $0x7  }
0x159: {  	v13 =	vor.u32 $0x410, v3;
	v19 =	vld.idx.msk [tilespmem:v19+s11+$0x0], $0xffff;
	v16 =	vand.u32 $0xFFFFF000, v16;
	v17 =	vand.u32 $0x380, v17  }
0x15a: {  	v21 =	vand.u32 v2, v20;
	v16 =	vor.u32 v17, v16;
	v17 =	vor.u32 v13, v35  }
0x15b: {  	v2 =	vor.u32 v2, v20;
	v1 =	vadd.s32 v61, v1;
	vm1 =	veq.s32 v21, $0x0;
	v11 =	vld.idx.msk [tilespmem:v11+s2+$0x0], $0xffff  }
0x15c: {  	v2 =	vsel vm1, v2, v21;
	v14 =	vsel vm1, $0x1, v0;
	v16 =	vor.u32 v13, v16  }
0x15d: {  	v1 =	vadd.s32 v14, v1;
	v62 =	vand.u32 v2, v15  }
0x15e: {  	v14 =	vld.idx.msk [tilespmem:v18+s11+$0x0], $0xffff;
	v2 =	vor.u32 v2, v15;
	vm13 =	veq.s32 v62, $0x0;
	v18 =	vshll.u32 v19, $0x7  }
0x15f: {  	v2 =	vsel vm13, v2, v62;
	v18 =	vand.u32 $0x380, v18;
	v15 =	vld.idx.msk [tilespmem:v17+s2+$0x0], $0xffff;
	v17 =	vshll.u32 v19, $0x9  }
0x160: {  	s30 =	sadd.s32 $0x4, s4;
	v19 =	vsel vm13, $0x1, v0;
	v2 =	vand.u32 v2, v11;
	v17 =	vand.u32 $0xFFFFF000, v17  }
0x161: {  	v11 =	vmov s30;
	v63 =	vld.idx.msk [tilespmem:v16+s2+$0x0], $0xffff;
	vm14 =	veq.s32 v2, $0x0;
	v16 =	vor.u32 v18, v17  }
0x162: {  	v1 =	vadd.s32 v19, v1;
	v2 =	vor.u32 v13, v16;
	v16 =	vsel vm14, $0x1, v0  }
0x163: {  	v1 =	vadd.s32 v16, v1  }
0x164: {  	v17 =	vshll.u32 v14, $0x9;
	v14 =	vshll.u32 v14, $0x7;
	[tilespmem:$0x1FED0] =	vst v1;
	v1 =	vld [tilespmem:$0x10880]  }
0x165: {  	s31 =	sadd.s32 $0x5, s4;
	v14 =	vand.u32 $0x380, v14;
	v16 =	vand.u32 $0xFFFFF000, v17  }
0x166: {  	v17 =	vmov s31;
	v14 =	vor.u32 v14, v16;
	v16 =	vld.idx.msk [tilespmem:v11+s11+$0x0], $0xffff  }
0x167: {  	v18 =	vand.u32 v15, v63  }
0x168: {  	v11 =	vor.u32 v15, v63;
	v14 =	vor.u32 v13, v14;
	vm15 =	veq.s32 v18, $0x0;
	v2 =	vld.idx.msk [tilespmem:v2+s2+$0x0], $0xffff  }
0x169: {  	s16 =	simm.s32 $0x6;
	v11 =	vsel vm15, v11, v18;
	v15 =	vsel vm15, $0x1, v0;
	[tilespmem:$0x1FEE0] =	vst v1;
	v1 =	vimm.s32 $0x0  }
.LBB2_20:
0x16a: {  	p0 =	sne.s32 s16, $0x7F;
	v1 =	vadd.s32 v15, v1;
	s17 =	smov.u32 s16;
	s16 =	sadd.s32 $0x1, s16  }
.Ltmp9:
0x16b: {  	v15 =	vshll.u32 v16, $0x9;
	v18 =	vshll.u32 v16, $0x7;
	s17 =	sadd.s32 s17, s4;
	v16 =	vld.idx.msk [tilespmem:v17+s11+$0x0], $0xffff;
	(pc) =	sbr.rel @p0 .LBB2_20-.Ltmp9, $4  }
0x16c: {  	v15 =	vand.u32 $0xFFFFF000, v15;
	v18 =	vand.u32 $0x380, v18;
	v17 =	vmov s17  }
0x16d: {  	v15 =	vor.u32 v18, v15;
	v18 =	vand.u32 v11, v2;
	v19 =	vmov v2;
	v2 =	vld.idx.msk [tilespmem:v14+s2+$0x0], $0xffff  }
0x16e: {  	v14 =	vor.u32 v13, v15;
	vm0 =	veq.s32 v18, $0x0;
	v11 =	vor.u32 v11, v19  }
0x16f: {  	v11 =	vsel vm0, v11, v18;
	v15 =	vsel vm0, $0x1, v0  }
0x170: {  	_ =	sdelay $0x2  }
0x171: {  	s16 =	sadd.s32 $0x1, s4  }
0x172: {  	v17 =	vld.idx.msk [tilespmem:v17+s11+$0x0], $0xffff;
	v18 =	vmov s16;
	_ =	sdelay $0x1  }
0x173: {  	v19 =	vshll.u32 v16, $0x9;
	v16 =	vshll.u32 v16, $0x7  }
0x174: {  	v19 =	vand.u32 $0xFFFFF000, v19;
	v16 =	vand.u32 $0x380, v16  }
0x175: {  	v16 =	vor.u32 v16, v19  }
0x176: {  	s28 =	sadd.s32 $0x2, s4;
	v16 =	vor.u32 v13, v16;
	v20 =	vshll.u32 v17, $0x9;
	v17 =	vshll.u32 v17, $0x7;
	v18 =	vld.idx.msk [tilespmem:v18+s11+$0x0], $0xffff  }
0x177: {  	v21 =	vld.idx.msk [tilespmem:v14+s2+$0x0], $0xffff;
	v14 =	vand.u32 $0xFFFFF000, v20;
	v17 =	vand.u32 $0x380, v17;
	v20 =	vmov s28  }
0x178: {  	v19 =	vand.u32 v11, v2;
	v2 =	vor.u32 v11, v2;
	v11 =	vor.u32 v17, v14  }
0x179: {  	s29 =	sadd.s32 $0x3, s4;
	vm0 =	veq.s32 v19, $0x0;
	v11 =	vor.u32 v13, v11  }
0x17a: {  	v1 =	vadd.s32 v15, v1;
	v2 =	vsel vm0, v2, v19;
	v19 =	vmov s29  }
0x17b: {  	v61 =	vsel vm0, $0x1, v0;
	v16 =	vld.idx.msk [tilespmem:v16+s2+$0x0], $0xffff;
	v17 =	vshll.u32 v18, $0x9;
	v18 =	vshll.u32 v18, $0x7  }
0x17c: {  	v14 =	vor.u32 $0x420, v3;
	v20 =	vld.idx.msk [tilespmem:v20+s11+$0x0], $0xffff;
	v17 =	vand.u32 $0xFFFFF000, v17;
	v18 =	vand.u32 $0x380, v18  }
0x17d: {  	v22 =	vand.u32 v2, v21;
	v17 =	vor.u32 v18, v17;
	v18 =	vor.u32 v14, v35  }
0x17e: {  	v2 =	vor.u32 v2, v21;
	v1 =	vadd.s32 v61, v1;
	vm1 =	veq.s32 v22, $0x0;
	v11 =	vld.idx.msk [tilespmem:v11+s2+$0x0], $0xffff  }
0x17f: {  	v2 =	vsel vm1, v2, v22;
	v15 =	vsel vm1, $0x1, v0;
	v17 =	vor.u32 v14, v17  }
0x180: {  	v1 =	vadd.s32 v15, v1;
	v62 =	vand.u32 v2, v16  }
0x181: {  	v15 =	vld.idx.msk [tilespmem:v19+s11+$0x0], $0xffff;
	v2 =	vor.u32 v2, v16;
	vm13 =	veq.s32 v62, $0x0;
	v19 =	vshll.u32 v20, $0x7  }
0x182: {  	v2 =	vsel vm13, v2, v62;
	v19 =	vand.u32 $0x380, v19;
	v16 =	vld.idx.msk [tilespmem:v18+s2+$0x0], $0xffff;
	v18 =	vshll.u32 v20, $0x9  }
0x183: {  	s30 =	sadd.s32 $0x4, s4;
	v20 =	vsel vm13, $0x1, v0;
	v2 =	vand.u32 v2, v11;
	v18 =	vand.u32 $0xFFFFF000, v18  }
0x184: {  	v11 =	vmov s30;
	v63 =	vld.idx.msk [tilespmem:v17+s2+$0x0], $0xffff;
	vm14 =	veq.s32 v2, $0x0;
	v17 =	vor.u32 v19, v18  }
0x185: {  	v1 =	vadd.s32 v20, v1;
	v2 =	vor.u32 v14, v17;
	v17 =	vsel vm14, $0x1, v0  }
0x186: {  	v1 =	vadd.s32 v17, v1  }
0x187: {  	v18 =	vshll.u32 v15, $0x9;
	v15 =	vshll.u32 v15, $0x7;
	[tilespmem:$0x1FEB0] =	vst v1;
	v1 =	vld [tilespmem:$0x10890]  }
0x188: {  	s31 =	sadd.s32 $0x5, s4;
	v15 =	vand.u32 $0x380, v15;
	v17 =	vand.u32 $0xFFFFF000, v18  }
0x189: {  	v18 =	vmov s31;
	v15 =	vor.u32 v15, v17;
	v17 =	vld.idx.msk [tilespmem:v11+s11+$0x0], $0xffff  }
0x18a: {  	v19 =	vand.u32 v16, v63  }
0x18b: {  	v11 =	vor.u32 v16, v63;
	v15 =	vor.u32 v14, v15;
	vm15 =	veq.s32 v19, $0x0;
	v2 =	vld.idx.msk [tilespmem:v2+s2+$0x0], $0xffff  }
0x18c: {  	s16 =	simm.s32 $0x6;
	v11 =	vsel vm15, v11, v19;
	v16 =	vsel vm15, $0x1, v0;
	[tilespmem:$0x1FEC0] =	vst v1;
	v1 =	vimm.s32 $0x0  }
.LBB2_22:
0x18d: {  	p0 =	sne.s32 s16, $0x7F;
	v1 =	vadd.s32 v16, v1;
	s17 =	smov.u32 s16;
	s16 =	sadd.s32 $0x1, s16  }
.Ltmp10:
0x18e: {  	v16 =	vshll.u32 v17, $0x9;
	v19 =	vshll.u32 v17, $0x7;
	s17 =	sadd.s32 s17, s4;
	v17 =	vld.idx.msk [tilespmem:v18+s11+$0x0], $0xffff;
	(pc) =	sbr.rel @p0 .LBB2_22-.Ltmp10, $4  }
0x18f: {  	v16 =	vand.u32 $0xFFFFF000, v16;
	v19 =	vand.u32 $0x380, v19;
	v18 =	vmov s17  }
0x190: {  	v16 =	vor.u32 v19, v16;
	v19 =	vand.u32 v11, v2;
	v20 =	vmov v2;
	v2 =	vld.idx.msk [tilespmem:v15+s2+$0x0], $0xffff  }
0x191: {  	v15 =	vor.u32 v14, v16;
	vm0 =	veq.s32 v19, $0x0;
	v11 =	vor.u32 v11, v20  }
0x192: {  	v11 =	vsel vm0, v11, v19;
	v16 =	vsel vm0, $0x1, v0  }
0x193: {  	_ =	sdelay $0x2  }
0x194: {  	s16 =	sadd.s32 $0x1, s4  }
0x195: {  	v18 =	vld.idx.msk [tilespmem:v18+s11+$0x0], $0xffff;
	v19 =	vmov s16;
	_ =	sdelay $0x1  }
0x196: {  	v20 =	vshll.u32 v17, $0x9;
	v17 =	vshll.u32 v17, $0x7  }
0x197: {  	v20 =	vand.u32 $0xFFFFF000, v20;
	v17 =	vand.u32 $0x380, v17  }
0x198: {  	v17 =	vor.u32 v17, v20  }
0x199: {  	s28 =	sadd.s32 $0x2, s4;
	v17 =	vor.u32 v14, v17;
	v21 =	vshll.u32 v18, $0x9;
	v18 =	vshll.u32 v18, $0x7;
	v19 =	vld.idx.msk [tilespmem:v19+s11+$0x0], $0xffff  }
0x19a: {  	v22 =	vld.idx.msk [tilespmem:v15+s2+$0x0], $0xffff;
	v59 =	vmov s28;
	v15 =	vand.u32 $0xFFFFF000, v21;
	v18 =	vand.u32 $0x380, v18  }
0x19b: {  	v20 =	vand.u32 v11, v2;
	v2 =	vor.u32 v11, v2;
	v11 =	vor.u32 v18, v15  }
0x19c: {  	s29 =	sadd.s32 $0x3, s4;
	vm0 =	veq.s32 v20, $0x0;
	v11 =	vor.u32 v14, v11  }
0x19d: {  	v1 =	vadd.s32 v16, v1;
	v2 =	vsel vm0, v2, v20;
	v20 =	vmov s29  }
0x19e: {  	v60 =	vsel vm0, $0x1, v0;
	v17 =	vld.idx.msk [tilespmem:v17+s2+$0x0], $0xffff;
	v18 =	vshll.u32 v19, $0x9;
	v19 =	vshll.u32 v19, $0x7  }
0x19f: {  	v21 =	vld.idx.msk [tilespmem:v59+s11+$0x0], $0xffff;
	v15 =	vor.u32 $0x430, v3;
	v18 =	vand.u32 $0xFFFFF000, v18;
	v19 =	vand.u32 $0x380, v19  }
0x1a0: {  	v23 =	vand.u32 v2, v22;
	v18 =	vor.u32 v19, v18;
	v19 =	vor.u32 v15, v35  }
0x1a1: {  	v2 =	vor.u32 v2, v22;
	v1 =	vadd.s32 v60, v1;
	vm1 =	veq.s32 v23, $0x0;
	v11 =	vld.idx.msk [tilespmem:v11+s2+$0x0], $0xffff  }
0x1a2: {  	v2 =	vsel vm1, v2, v23;
	v16 =	vsel vm1, $0x1, v0;
	v18 =	vor.u32 v15, v18  }
0x1a3: {  	v1 =	vadd.s32 v16, v1;
	v61 =	vand.u32 v2, v17  }
0x1a4: {  	v16 =	vld.idx.msk [tilespmem:v20+s11+$0x0], $0xffff;
	v20 =	vshll.u32 v21, $0x7;
	v2 =	vor.u32 v2, v17;
	vm13 =	veq.s32 v61, $0x0  }
0x1a5: {  	v20 =	vand.u32 $0x380, v20;
	v2 =	vsel vm13, v2, v61;
	v17 =	vld.idx.msk [tilespmem:v19+s2+$0x0], $0xffff;
	v19 =	vshll.u32 v21, $0x9  }
0x1a6: {  	s30 =	sadd.s32 $0x4, s4;
	v62 =	vsel vm13, $0x1, v0;
	v2 =	vand.u32 v2, v11;
	v19 =	vand.u32 $0xFFFFF000, v19  }
0x1a7: {  	v11 =	vmov s30;
	v63 =	vld.idx.msk [tilespmem:v18+s2+$0x0], $0xffff;
	vm14 =	veq.s32 v2, $0x0;
	v18 =	vor.u32 v20, v19  }
0x1a8: {  	v1 =	vadd.s32 v62, v1;
	v2 =	vor.u32 v15, v18;
	v18 =	vsel vm14, $0x1, v0  }
0x1a9: {  	v1 =	vadd.s32 v18, v1  }
0x1aa: {  	v19 =	vshll.u32 v16, $0x9;
	v16 =	vshll.u32 v16, $0x7;
	[tilespmem:$0x1FE90] =	vst v1;
	v1 =	vld [tilespmem:$0x108A0]  }
0x1ab: {  	s31 =	sadd.s32 $0x5, s4;
	v16 =	vand.u32 $0x380, v16;
	v18 =	vand.u32 $0xFFFFF000, v19  }
0x1ac: {  	v19 =	vmov s31;
	v16 =	vor.u32 v16, v18;
	v18 =	vld.idx.msk [tilespmem:v11+s11+$0x0], $0xffff  }
0x1ad: {  	v20 =	vand.u32 v17, v63  }
0x1ae: {  	v11 =	vor.u32 v17, v63;
	v16 =	vor.u32 v15, v16;
	vm15 =	veq.s32 v20, $0x0;
	v2 =	vld.idx.msk [tilespmem:v2+s2+$0x0], $0xffff  }
0x1af: {  	s16 =	simm.s32 $0x6;
	v11 =	vsel vm15, v11, v20;
	v17 =	vsel vm15, $0x1, v0;
	[tilespmem:$0x1FEA0] =	vst v1;
	v1 =	vimm.s32 $0x0  }
.LBB2_24:
0x1b0: {  	p0 =	sne.s32 s16, $0x7F;
	v1 =	vadd.s32 v17, v1;
	s17 =	smov.u32 s16;
	s16 =	sadd.s32 $0x1, s16  }
.Ltmp11:
0x1b1: {  	v17 =	vshll.u32 v18, $0x9;
	v20 =	vshll.u32 v18, $0x7;
	s17 =	sadd.s32 s17, s4;
	v18 =	vld.idx.msk [tilespmem:v19+s11+$0x0], $0xffff;
	(pc) =	sbr.rel @p0 .LBB2_24-.Ltmp11, $4  }
0x1b2: {  	v17 =	vand.u32 $0xFFFFF000, v17;
	v20 =	vand.u32 $0x380, v20;
	v19 =	vmov s17  }
0x1b3: {  	v17 =	vor.u32 v20, v17;
	v20 =	vand.u32 v11, v2;
	v21 =	vmov v2;
	v2 =	vld.idx.msk [tilespmem:v16+s2+$0x0], $0xffff  }
0x1b4: {  	v16 =	vor.u32 v15, v17;
	vm0 =	veq.s32 v20, $0x0;
	v11 =	vor.u32 v11, v21  }
0x1b5: {  	v11 =	vsel vm0, v11, v20;
	v17 =	vsel vm0, $0x1, v0  }
0x1b6: {  	_ =	sdelay $0x2  }
0x1b7: {  	s16 =	sadd.s32 $0x1, s4  }
0x1b8: {  	v19 =	vld.idx.msk [tilespmem:v19+s11+$0x0], $0xffff;
	v20 =	vmov s16;
	_ =	sdelay $0x1  }
0x1b9: {  	v21 =	vshll.u32 v18, $0x9;
	v18 =	vshll.u32 v18, $0x7  }
0x1ba: {  	v21 =	vand.u32 $0xFFFFF000, v21;
	v18 =	vand.u32 $0x380, v18  }
0x1bb: {  	v23 =	vld.idx.msk [tilespmem:v16+s2+$0x0], $0xffff;
	v18 =	vor.u32 v18, v21;
	v21 =	vand.u32 v11, v2  }
0x1bc: {  	s28 =	sadd.s32 $0x2, s4;
	v18 =	vor.u32 v15, v18;
	v22 =	vshll.u32 v19, $0x9;
	v19 =	vshll.u32 v19, $0x7;
	v20 =	vld.idx.msk [tilespmem:v20+s11+$0x0], $0xffff  }
0x1bd: {  	v16 =	vand.u32 $0xFFFFF000, v22;
	v19 =	vand.u32 $0x380, v19;
	v22 =	vmov s28  }
0x1be: {  	v2 =	vor.u32 v11, v2;
	vm0 =	veq.s32 v21, $0x0;
	v11 =	vor.u32 v19, v16  }
0x1bf: {  	s29 =	sadd.s32 $0x3, s4;
	v2 =	vsel vm0, v2, v21;
	v11 =	vor.u32 v15, v11  }
0x1c0: {  	v1 =	vadd.s32 v17, v1;
	v21 =	vmov s29;
	v24 =	vand.u32 v2, v23  }
0x1c1: {  	v2 =	vor.u32 v2, v23;
	v18 =	vld.idx.msk [tilespmem:v18+s2+$0x0], $0xffff;
	v19 =	vshll.u32 v20, $0x9;
	v20 =	vshll.u32 v20, $0x7  }
0x1c2: {  	v16 =	vor.u32 $0x440, v3;
	v22 =	vld.idx.msk [tilespmem:v22+s11+$0x0], $0xffff;
	v19 =	vand.u32 $0xFFFFF000, v19;
	v20 =	vand.u32 $0x380, v20  }
0x1c3: {  	v23 =	vsel vm0, $0x1, v0;
	v19 =	vor.u32 v20, v19;
	v20 =	vor.u32 v16, v35  }
0x1c4: {  	vm1 =	veq.s32 v24, $0x0;
	v1 =	vadd.s32 v23, v1;
	v11 =	vld.idx.msk [tilespmem:v11+s2+$0x0], $0xffff  }
0x1c5: {  	v2 =	vsel vm1, v2, v24;
	v17 =	vsel vm1, $0x1, v0;
	v19 =	vor.u32 v16, v19  }
0x1c6: {  	v1 =	vadd.s32 v17, v1;
	v23 =	vand.u32 v2, v18  }
0x1c7: {  	v17 =	vld.idx.msk [tilespmem:v21+s11+$0x0], $0xffff;
	v2 =	vor.u32 v2, v18;
	vm13 =	veq.s32 v23, $0x0;
	v21 =	vshll.u32 v22, $0x7  }
0x1c8: {  	v2 =	vsel vm13, v2, v23;
	v21 =	vand.u32 $0x380, v21;
	v18 =	vld.idx.msk [tilespmem:v20+s2+$0x0], $0xffff;
	v20 =	vshll.u32 v22, $0x9  }
0x1c9: {  	s30 =	sadd.s32 $0x4, s4;
	v22 =	vsel vm13, $0x1, v0;
	v2 =	vand.u32 v2, v11;
	v20 =	vand.u32 $0xFFFFF000, v20  }
0x1ca: {  	v11 =	vmov s30;
	v23 =	vld.idx.msk [tilespmem:v19+s2+$0x0], $0xffff;
	vm14 =	veq.s32 v2, $0x0;
	v19 =	vor.u32 v21, v20  }
0x1cb: {  	v1 =	vadd.s32 v22, v1;
	v2 =	vor.u32 v16, v19;
	v19 =	vsel vm14, $0x1, v0  }
0x1cc: {  	v1 =	vadd.s32 v19, v1  }
0x1cd: {  	v20 =	vshll.u32 v17, $0x9;
	v17 =	vshll.u32 v17, $0x7;
	[tilespmem:$0x1FE70] =	vst v1;
	v1 =	vld [tilespmem:$0x108B0]  }
0x1ce: {  	s31 =	sadd.s32 $0x5, s4;
	v17 =	vand.u32 $0x380, v17;
	v19 =	vand.u32 $0xFFFFF000, v20  }
0x1cf: {  	v20 =	vmov s31;
	v17 =	vor.u32 v17, v19;
	v19 =	vld.idx.msk [tilespmem:v11+s11+$0x0], $0xffff  }
0x1d0: {  	v21 =	vand.u32 v18, v23  }
0x1d1: {  	v11 =	vor.u32 v18, v23;
	v17 =	vor.u32 v16, v17;
	vm15 =	veq.s32 v21, $0x0;
	v2 =	vld.idx.msk [tilespmem:v2+s2+$0x0], $0xffff  }
0x1d2: {  	s16 =	simm.s32 $0x6;
	v11 =	vsel vm15, v11, v21;
	v18 =	vsel vm15, $0x1, v0;
	[tilespmem:$0x1FE80] =	vst v1;
	v1 =	vimm.s32 $0x0  }
.LBB2_26:
0x1d3: {  	p0 =	sne.s32 s16, $0x7F;
	v1 =	vadd.s32 v18, v1;
	s17 =	smov.u32 s16;
	s16 =	sadd.s32 $0x1, s16  }
.Ltmp12:
0x1d4: {  	v18 =	vshll.u32 v19, $0x9;
	v21 =	vshll.u32 v19, $0x7;
	s17 =	sadd.s32 s17, s4;
	v19 =	vld.idx.msk [tilespmem:v20+s11+$0x0], $0xffff;
	(pc) =	sbr.rel @p0 .LBB2_26-.Ltmp12, $4  }
0x1d5: {  	v18 =	vand.u32 $0xFFFFF000, v18;
	v21 =	vand.u32 $0x380, v21;
	v20 =	vmov s17  }
0x1d6: {  	v18 =	vor.u32 v21, v18;
	v21 =	vand.u32 v11, v2;
	v22 =	vmov v2;
	v2 =	vld.idx.msk [tilespmem:v17+s2+$0x0], $0xffff  }
0x1d7: {  	v17 =	vor.u32 v16, v18;
	vm0 =	veq.s32 v21, $0x0;
	v11 =	vor.u32 v11, v22  }
0x1d8: {  	v11 =	vsel vm0, v11, v21;
	v18 =	vsel vm0, $0x1, v0  }
0x1d9: {  	_ =	sdelay $0x2  }
0x1da: {  	s16 =	sadd.s32 $0x1, s4  }
0x1db: {  	v20 =	vld.idx.msk [tilespmem:v20+s11+$0x0], $0xffff;
	v21 =	vmov s16;
	_ =	sdelay $0x1  }
0x1dc: {  	v22 =	vshll.u32 v19, $0x9;
	v19 =	vshll.u32 v19, $0x7  }
0x1dd: {  	v22 =	vand.u32 $0xFFFFF000, v22;
	v19 =	vand.u32 $0x380, v19  }
0x1de: {  	v19 =	vor.u32 v19, v22  }
0x1df: {  	s28 =	sadd.s32 $0x2, s4;
	v19 =	vor.u32 v16, v19;
	v23 =	vshll.u32 v20, $0x9;
	v20 =	vshll.u32 v20, $0x7;
	v21 =	vld.idx.msk [tilespmem:v21+s11+$0x0], $0xffff  }
0x1e0: {  	v24 =	vld.idx.msk [tilespmem:v17+s2+$0x0], $0xffff;
	v17 =	vand.u32 $0xFFFFF000, v23;
	v20 =	vand.u32 $0x380, v20;
	v23 =	vmov s28  }
0x1e1: {  	v22 =	vand.u32 v11, v2;
	v2 =	vor.u32 v11, v2;
	v11 =	vor.u32 v20, v17  }
0x1e2: {  	s29 =	sadd.s32 $0x3, s4;
	vm0 =	veq.s32 v22, $0x0;
	v11 =	vor.u32 v16, v11  }
0x1e3: {  	v1 =	vadd.s32 v18, v1;
	v2 =	vsel vm0, v2, v22;
	v22 =	vmov s29  }
0x1e4: {  	v61 =	vsel vm0, $0x1, v0;
	v19 =	vld.idx.msk [tilespmem:v19+s2+$0x0], $0xffff;
	v20 =	vshll.u32 v21, $0x9;
	v21 =	vshll.u32 v21, $0x7  }
0x1e5: {  	v17 =	vor.u32 $0x450, v3;
	v23 =	vld.idx.msk [tilespmem:v23+s11+$0x0], $0xffff;
	v20 =	vand.u32 $0xFFFFF000, v20;
	v21 =	vand.u32 $0x380, v21  }
0x1e6: {  	v25 =	vand.u32 v2, v24;
	v20 =	vor.u32 v21, v20;
	v21 =	vor.u32 v17, v35  }
0x1e7: {  	v2 =	vor.u32 v2, v24;
	v1 =	vadd.s32 v61, v1;
	vm1 =	veq.s32 v25, $0x0;
	v11 =	vld.idx.msk [tilespmem:v11+s2+$0x0], $0xffff  }
0x1e8: {  	v2 =	vsel vm1, v2, v25;
	v18 =	vsel vm1, $0x1, v0;
	v20 =	vor.u32 v17, v20  }
0x1e9: {  	v1 =	vadd.s32 v18, v1;
	v62 =	vand.u32 v2, v19  }
0x1ea: {  	v18 =	vld.idx.msk [tilespmem:v22+s11+$0x0], $0xffff;
	v2 =	vor.u32 v2, v19;
	vm13 =	veq.s32 v62, $0x0;
	v22 =	vshll.u32 v23, $0x7  }
0x1eb: {  	v2 =	vsel vm13, v2, v62;
	v22 =	vand.u32 $0x380, v22;
	v19 =	vld.idx.msk [tilespmem:v21+s2+$0x0], $0xffff;
	v21 =	vshll.u32 v23, $0x9  }
0x1ec: {  	s30 =	sadd.s32 $0x4, s4;
	v23 =	vsel vm13, $0x1, v0;
	v2 =	vand.u32 v2, v11;
	v21 =	vand.u32 $0xFFFFF000, v21  }
0x1ed: {  	v11 =	vmov s30;
	v63 =	vld.idx.msk [tilespmem:v20+s2+$0x0], $0xffff;
	vm14 =	veq.s32 v2, $0x0;
	v20 =	vor.u32 v22, v21  }
0x1ee: {  	v1 =	vadd.s32 v23, v1;
	v2 =	vor.u32 v17, v20;
	v20 =	vsel vm14, $0x1, v0  }
0x1ef: {  	v1 =	vadd.s32 v20, v1  }
0x1f0: {  	v21 =	vshll.u32 v18, $0x9;
	v18 =	vshll.u32 v18, $0x7;
	[tilespmem:$0x1FE50] =	vst v1;
	v1 =	vld [tilespmem:$0x108C0]  }
0x1f1: {  	s31 =	sadd.s32 $0x5, s4;
	v18 =	vand.u32 $0x380, v18;
	v20 =	vand.u32 $0xFFFFF000, v21  }
0x1f2: {  	v21 =	vmov s31;
	v18 =	vor.u32 v18, v20;
	v20 =	vld.idx.msk [tilespmem:v11+s11+$0x0], $0xffff  }
0x1f3: {  	v22 =	vand.u32 v19, v63  }
0x1f4: {  	v11 =	vor.u32 v19, v63;
	v18 =	vor.u32 v17, v18;
	vm15 =	veq.s32 v22, $0x0;
	v2 =	vld.idx.msk [tilespmem:v2+s2+$0x0], $0xffff  }
0x1f5: {  	s16 =	simm.s32 $0x6;
	v11 =	vsel vm15, v11, v22;
	v19 =	vsel vm15, $0x1, v0;
	[tilespmem:$0x1FE60] =	vst v1;
	v1 =	vimm.s32 $0x0  }
.LBB2_28:
0x1f6: {  	p0 =	sne.s32 s16, $0x7F;
	v1 =	vadd.s32 v19, v1;
	s17 =	smov.u32 s16;
	s16 =	sadd.s32 $0x1, s16  }
.Ltmp13:
0x1f7: {  	v19 =	vshll.u32 v20, $0x9;
	v22 =	vshll.u32 v20, $0x7;
	s17 =	sadd.s32 s17, s4;
	v20 =	vld.idx.msk [tilespmem:v21+s11+$0x0], $0xffff;
	(pc) =	sbr.rel @p0 .LBB2_28-.Ltmp13, $4  }
0x1f8: {  	v19 =	vand.u32 $0xFFFFF000, v19;
	v22 =	vand.u32 $0x380, v22;
	v21 =	vmov s17  }
0x1f9: {  	v19 =	vor.u32 v22, v19;
	v22 =	vand.u32 v11, v2;
	v23 =	vmov v2;
	v2 =	vld.idx.msk [tilespmem:v18+s2+$0x0], $0xffff  }
0x1fa: {  	v18 =	vor.u32 v17, v19;
	vm0 =	veq.s32 v22, $0x0;
	v11 =	vor.u32 v11, v23  }
0x1fb: {  	v11 =	vsel vm0, v11, v22;
	v19 =	vsel vm0, $0x1, v0  }
0x1fc: {  	_ =	sdelay $0x2  }
0x1fd: {  	s16 =	sadd.s32 $0x1, s4  }
0x1fe: {  	v21 =	vld.idx.msk [tilespmem:v21+s11+$0x0], $0xffff;
	v22 =	vmov s16;
	_ =	sdelay $0x1  }
0x1ff: {  	v23 =	vshll.u32 v20, $0x9;
	v20 =	vshll.u32 v20, $0x7  }
0x200: {  	v23 =	vand.u32 $0xFFFFF000, v23;
	v20 =	vand.u32 $0x380, v20  }
0x201: {  	v20 =	vor.u32 v20, v23  }
0x202: {  	s28 =	sadd.s32 $0x2, s4;
	v20 =	vor.u32 v17, v20;
	v24 =	vshll.u32 v21, $0x9;
	v21 =	vshll.u32 v21, $0x7;
	v22 =	vld.idx.msk [tilespmem:v22+s11+$0x0], $0xffff  }
0x203: {  	v25 =	vld.idx.msk [tilespmem:v18+s2+$0x0], $0xffff;
	v59 =	vmov s28;
	v18 =	vand.u32 $0xFFFFF000, v24;
	v21 =	vand.u32 $0x380, v21  }
0x204: {  	v23 =	vand.u32 v11, v2;
	v2 =	vor.u32 v11, v2;
	v11 =	vor.u32 v21, v18  }
0x205: {  	s29 =	sadd.s32 $0x3, s4;
	vm0 =	veq.s32 v23, $0x0;
	v11 =	vor.u32 v17, v11  }
0x206: {  	v1 =	vadd.s32 v19, v1;
	v2 =	vsel vm0, v2, v23;
	v23 =	vmov s29  }
0x207: {  	v60 =	vsel vm0, $0x1, v0;
	v20 =	vld.idx.msk [tilespmem:v20+s2+$0x0], $0xffff;
	v21 =	vshll.u32 v22, $0x9;
	v22 =	vshll.u32 v22, $0x7  }
0x208: {  	v24 =	vld.idx.msk [tilespmem:v59+s11+$0x0], $0xffff;
	v18 =	vor.u32 $0x460, v3;
	v21 =	vand.u32 $0xFFFFF000, v21;
	v22 =	vand.u32 $0x380, v22  }
0x209: {  	v26 =	vand.u32 v2, v25;
	v21 =	vor.u32 v22, v21;
	v22 =	vor.u32 v18, v35  }
0x20a: {  	v2 =	vor.u32 v2, v25;
	v1 =	vadd.s32 v60, v1;
	vm1 =	veq.s32 v26, $0x0;
	v11 =	vld.idx.msk [tilespmem:v11+s2+$0x0], $0xffff  }
0x20b: {  	v2 =	vsel vm1, v2, v26;
	v19 =	vsel vm1, $0x1, v0;
	v21 =	vor.u32 v18, v21  }
0x20c: {  	v1 =	vadd.s32 v19, v1;
	v61 =	vand.u32 v2, v20  }
0x20d: {  	v19 =	vld.idx.msk [tilespmem:v23+s11+$0x0], $0xffff;
	v23 =	vshll.u32 v24, $0x7;
	v2 =	vor.u32 v2, v20;
	vm13 =	veq.s32 v61, $0x0  }
0x20e: {  	v23 =	vand.u32 $0x380, v23;
	v2 =	vsel vm13, v2, v61;
	v20 =	vld.idx.msk [tilespmem:v22+s2+$0x0], $0xffff;
	v22 =	vshll.u32 v24, $0x9  }
0x20f: {  	s30 =	sadd.s32 $0x4, s4;
	v62 =	vsel vm13, $0x1, v0;
	v2 =	vand.u32 v2, v11;
	v22 =	vand.u32 $0xFFFFF000, v22  }
0x210: {  	v11 =	vmov s30;
	v63 =	vld.idx.msk [tilespmem:v21+s2+$0x0], $0xffff;
	vm14 =	veq.s32 v2, $0x0;
	v21 =	vor.u32 v23, v22  }
0x211: {  	v1 =	vadd.s32 v62, v1;
	v2 =	vor.u32 v18, v21;
	v21 =	vsel vm14, $0x1, v0  }
0x212: {  	v1 =	vadd.s32 v21, v1  }
0x213: {  	v22 =	vshll.u32 v19, $0x9;
	v19 =	vshll.u32 v19, $0x7;
	[tilespmem:$0x1FE30] =	vst v1;
	v1 =	vld [tilespmem:$0x108D0]  }
0x214: {  	s31 =	sadd.s32 $0x5, s4;
	v19 =	vand.u32 $0x380, v19;
	v21 =	vand.u32 $0xFFFFF000, v22  }
0x215: {  	v22 =	vmov s31;
	v19 =	vor.u32 v19, v21;
	v21 =	vld.idx.msk [tilespmem:v11+s11+$0x0], $0xffff  }
0x216: {  	v23 =	vand.u32 v20, v63  }
0x217: {  	v11 =	vor.u32 v20, v63;
	v19 =	vor.u32 v18, v19;
	vm15 =	veq.s32 v23, $0x0;
	v2 =	vld.idx.msk [tilespmem:v2+s2+$0x0], $0xffff  }
0x218: {  	s16 =	simm.s32 $0x6;
	v11 =	vsel vm15, v11, v23;
	v20 =	vsel vm15, $0x1, v0;
	[tilespmem:$0x1FE40] =	vst v1;
	v1 =	vimm.s32 $0x0  }
.LBB2_30:
0x219: {  	p0 =	sne.s32 s16, $0x7F;
	v1 =	vadd.s32 v20, v1;
	s17 =	smov.u32 s16;
	s16 =	sadd.s32 $0x1, s16  }
.Ltmp14:
0x21a: {  	v20 =	vshll.u32 v21, $0x9;
	v23 =	vshll.u32 v21, $0x7;
	s17 =	sadd.s32 s17, s4;
	v21 =	vld.idx.msk [tilespmem:v22+s11+$0x0], $0xffff;
	(pc) =	sbr.rel @p0 .LBB2_30-.Ltmp14, $4  }
0x21b: {  	v20 =	vand.u32 $0xFFFFF000, v20;
	v23 =	vand.u32 $0x380, v23;
	v22 =	vmov s17  }
0x21c: {  	v20 =	vor.u32 v23, v20;
	v23 =	vand.u32 v11, v2;
	v24 =	vmov v2;
	v2 =	vld.idx.msk [tilespmem:v19+s2+$0x0], $0xffff  }
0x21d: {  	v19 =	vor.u32 v18, v20;
	vm0 =	veq.s32 v23, $0x0;
	v11 =	vor.u32 v11, v24  }
0x21e: {  	v11 =	vsel vm0, v11, v23;
	v20 =	vsel vm0, $0x1, v0  }
0x21f: {  	_ =	sdelay $0x2  }
0x220: {  	s16 =	sadd.s32 $0x1, s4  }
0x221: {  	v22 =	vld.idx.msk [tilespmem:v22+s11+$0x0], $0xffff;
	v23 =	vmov s16;
	_ =	sdelay $0x1  }
0x222: {  	v24 =	vshll.u32 v21, $0x9;
	v21 =	vshll.u32 v21, $0x7  }
0x223: {  	v24 =	vand.u32 $0xFFFFF000, v24;
	v21 =	vand.u32 $0x380, v21  }
0x224: {  	v21 =	vor.u32 v21, v24  }
0x225: {  	s28 =	sadd.s32 $0x2, s4;
	v21 =	vor.u32 v18, v21;
	v25 =	vshll.u32 v22, $0x9;
	v22 =	vshll.u32 v22, $0x7;
	v23 =	vld.idx.msk [tilespmem:v23+s11+$0x0], $0xffff  }
0x226: {  	v26 =	vld.idx.msk [tilespmem:v19+s2+$0x0], $0xffff;
	v56 =	vmov s28;
	v19 =	vand.u32 $0xFFFFF000, v25;
	v22 =	vand.u32 $0x380, v22  }
0x227: {  	v55 =	vand.u32 v11, v2;
	v2 =	vor.u32 v11, v2;
	v11 =	vor.u32 v22, v19  }
0x228: {  	s29 =	sadd.s32 $0x3, s4;
	vm0 =	veq.s32 v55, $0x0;
	v11 =	vor.u32 v18, v11  }
0x229: {  	v1 =	vadd.s32 v20, v1;
	v57 =	vmov s29;
	v2 =	vsel vm0, v2, v55  }
0x22a: {  	v58 =	vsel vm0, $0x1, v0;
	v21 =	vld.idx.msk [tilespmem:v21+s2+$0x0], $0xffff;
	v22 =	vshll.u32 v23, $0x9;
	v23 =	vshll.u32 v23, $0x7  }
0x22b: {  	v25 =	vld.idx.msk [tilespmem:v56+s11+$0x0], $0xffff;
	v19 =	vor.u32 $0x470, v3;
	v22 =	vand.u32 $0xFFFFF000, v22;
	v23 =	vand.u32 $0x380, v23  }
0x22c: {  	v27 =	vand.u32 v2, v26;
	v22 =	vor.u32 v23, v22;
	v23 =	vor.u32 v19, v35  }
0x22d: {  	v2 =	vor.u32 v2, v26;
	v1 =	vadd.s32 v58, v1;
	vm1 =	veq.s32 v27, $0x0;
	v11 =	vld.idx.msk [tilespmem:v11+s2+$0x0], $0xffff  }
0x22e: {  	v2 =	vsel vm1, v2, v27;
	v20 =	vsel vm1, $0x1, v0;
	v22 =	vor.u32 v19, v22  }
0x22f: {  	v1 =	vadd.s32 v20, v1;
	v59 =	vand.u32 v2, v21  }
0x230: {  	v20 =	vld.idx.msk [tilespmem:v57+s11+$0x0], $0xffff;
	v60 =	vshll.u32 v25, $0x7;
	v2 =	vor.u32 v2, v21;
	vm13 =	veq.s32 v59, $0x0  }
0x231: {  	v24 =	vand.u32 $0x380, v60;
	v2 =	vsel vm13, v2, v59;
	v21 =	vld.idx.msk [tilespmem:v23+s2+$0x0], $0xffff;
	v23 =	vshll.u32 v25, $0x9  }
0x232: {  	s30 =	sadd.s32 $0x4, s4;
	v61 =	vsel vm13, $0x1, v0;
	v2 =	vand.u32 v2, v11;
	v23 =	vand.u32 $0xFFFFF000, v23  }
0x233: {  	v11 =	vmov s30;
	v62 =	vld.idx.msk [tilespmem:v22+s2+$0x0], $0xffff;
	vm14 =	veq.s32 v2, $0x0;
	v22 =	vor.u32 v24, v23  }
0x234: {  	v1 =	vadd.s32 v61, v1;
	v2 =	vor.u32 v19, v22;
	v22 =	vsel vm14, $0x1, v0  }
0x235: {  	v1 =	vadd.s32 v22, v1  }
0x236: {  	v23 =	vshll.u32 v20, $0x9;
	v20 =	vshll.u32 v20, $0x7;
	[tilespmem:$0x1FE10] =	vst v1;
	v1 =	vld [tilespmem:$0x108E0]  }
0x237: {  	s31 =	sadd.s32 $0x5, s4;
	v20 =	vand.u32 $0x380, v20;
	v22 =	vand.u32 $0xFFFFF000, v23  }
0x238: {  	v23 =	vmov s31;
	v20 =	vor.u32 v20, v22;
	v22 =	vld.idx.msk [tilespmem:v11+s11+$0x0], $0xffff  }
0x239: {  	v63 =	vand.u32 v21, v62  }
0x23a: {  	v11 =	vor.u32 v21, v62;
	v20 =	vor.u32 v19, v20;
	vm15 =	veq.s32 v63, $0x0;
	v2 =	vld.idx.msk [tilespmem:v2+s2+$0x0], $0xffff  }
0x23b: {  	s16 =	simm.s32 $0x6;
	v11 =	vsel vm15, v11, v63;
	v21 =	vsel vm15, $0x1, v0;
	[tilespmem:$0x1FE20] =	vst v1;
	v1 =	vimm.s32 $0x0  }
.LBB2_32:
0x23c: {  	p0 =	sne.s32 s16, $0x7F;
	v1 =	vadd.s32 v21, v1;
	s17 =	smov.u32 s16;
	s16 =	sadd.s32 $0x1, s16  }
.Ltmp15:
0x23d: {  	v21 =	vshll.u32 v22, $0x9;
	v24 =	vshll.u32 v22, $0x7;
	s17 =	sadd.s32 s17, s4;
	v22 =	vld.idx.msk [tilespmem:v23+s11+$0x0], $0xffff;
	(pc) =	sbr.rel @p0 .LBB2_32-.Ltmp15, $4  }
0x23e: {  	v21 =	vand.u32 $0xFFFFF000, v21;
	v24 =	vand.u32 $0x380, v24;
	v23 =	vmov s17  }
0x23f: {  	v21 =	vor.u32 v24, v21;
	v24 =	vand.u32 v11, v2;
	v25 =	vmov v2;
	v2 =	vld.idx.msk [tilespmem:v20+s2+$0x0], $0xffff  }
0x240: {  	v20 =	vor.u32 v19, v21;
	vm0 =	veq.s32 v24, $0x0;
	v11 =	vor.u32 v11, v25  }
0x241: {  	v11 =	vsel vm0, v11, v24;
	v21 =	vsel vm0, $0x1, v0  }
0x242: {  	_ =	sdelay $0x2  }
0x243: {  	s16 =	sadd.s32 $0x1, s4  }
0x244: {  	v23 =	vld.idx.msk [tilespmem:v23+s11+$0x0], $0xffff;
	v24 =	vmov s16;
	_ =	sdelay $0x1  }
0x245: {  	v25 =	vshll.u32 v22, $0x9;
	v22 =	vshll.u32 v22, $0x7  }
0x246: {  	v25 =	vand.u32 $0xFFFFF000, v25;
	v22 =	vand.u32 $0x380, v22  }
0x247: {  	v27 =	vld.idx.msk [tilespmem:v20+s2+$0x0], $0xffff;
	v22 =	vor.u32 v22, v25;
	v25 =	vand.u32 v11, v2  }
0x248: {  	s28 =	sadd.s32 $0x2, s4;
	v22 =	vor.u32 v19, v22;
	v26 =	vshll.u32 v23, $0x9;
	v23 =	vshll.u32 v23, $0x7;
	v24 =	vld.idx.msk [tilespmem:v24+s11+$0x0], $0xffff  }
0x249: {  	v20 =	vand.u32 $0xFFFFF000, v26;
	v23 =	vand.u32 $0x380, v23;
	v26 =	vmov s28  }
0x24a: {  	v2 =	vor.u32 v11, v2;
	vm0 =	veq.s32 v25, $0x0;
	v11 =	vor.u32 v23, v20  }
0x24b: {  	s29 =	sadd.s32 $0x3, s4;
	v2 =	vsel vm0, v2, v25;
	v11 =	vor.u32 v19, v11  }
0x24c: {  	v1 =	vadd.s32 v21, v1;
	v25 =	vmov s29;
	v28 =	vand.u32 v2, v27  }
0x24d: {  	v2 =	vor.u32 v2, v27;
	v22 =	vld.idx.msk [tilespmem:v22+s2+$0x0], $0xffff;
	v23 =	vshll.u32 v24, $0x9;
	v24 =	vshll.u32 v24, $0x7  }
0x24e: {  	v20 =	vor.u32 $0x800, v3;
	v26 =	vld.idx.msk [tilespmem:v26+s11+$0x0], $0xffff;
	v23 =	vand.u32 $0xFFFFF000, v23;
	v24 =	vand.u32 $0x380, v24  }
0x24f: {  	v27 =	vsel vm0, $0x1, v0;
	v23 =	vor.u32 v24, v23;
	v24 =	vor.u32 v20, v35  }
0x250: {  	vm1 =	veq.s32 v28, $0x0;
	v1 =	vadd.s32 v27, v1;
	v11 =	vld.idx.msk [tilespmem:v11+s2+$0x0], $0xffff  }
0x251: {  	v2 =	vsel vm1, v2, v28;
	v21 =	vsel vm1, $0x1, v0;
	v23 =	vor.u32 v20, v23  }
0x252: {  	v1 =	vadd.s32 v21, v1;
	v27 =	vand.u32 v2, v22  }
0x253: {  	v21 =	vld.idx.msk [tilespmem:v25+s11+$0x0], $0xffff;
	v2 =	vor.u32 v2, v22;
	vm13 =	veq.s32 v27, $0x0;
	v25 =	vshll.u32 v26, $0x7  }
0x254: {  	v2 =	vsel vm13, v2, v27;
	v25 =	vand.u32 $0x380, v25;
	v22 =	vld.idx.msk [tilespmem:v24+s2+$0x0], $0xffff;
	v24 =	vshll.u32 v26, $0x9  }
0x255: {  	s30 =	sadd.s32 $0x4, s4;
	v26 =	vsel vm13, $0x1, v0;
	v2 =	vand.u32 v2, v11;
	v24 =	vand.u32 $0xFFFFF000, v24  }
0x256: {  	v11 =	vmov s30;
	v27 =	vld.idx.msk [tilespmem:v23+s2+$0x0], $0xffff;
	vm14 =	veq.s32 v2, $0x0;
	v23 =	vor.u32 v25, v24  }
0x257: {  	v1 =	vadd.s32 v26, v1;
	v2 =	vor.u32 v20, v23;
	v23 =	vsel vm14, $0x1, v0  }
0x258: {  	v1 =	vadd.s32 v23, v1  }
0x259: {  	v24 =	vshll.u32 v21, $0x9;
	v21 =	vshll.u32 v21, $0x7;
	[tilespmem:$0x1FDF0] =	vst v1;
	v1 =	vld [tilespmem:$0x108F0]  }
0x25a: {  	s31 =	sadd.s32 $0x5, s4;
	v21 =	vand.u32 $0x380, v21;
	v23 =	vand.u32 $0xFFFFF000, v24  }
0x25b: {  	v24 =	vmov s31;
	v21 =	vor.u32 v21, v23;
	v23 =	vld.idx.msk [tilespmem:v11+s11+$0x0], $0xffff  }
0x25c: {  	v25 =	vand.u32 v22, v27  }
0x25d: {  	v11 =	vor.u32 v22, v27;
	v21 =	vor.u32 v20, v21;
	vm15 =	veq.s32 v25, $0x0;
	v2 =	vld.idx.msk [tilespmem:v2+s2+$0x0], $0xffff  }
0x25e: {  	s16 =	simm.s32 $0x6;
	v11 =	vsel vm15, v11, v25;
	v22 =	vsel vm15, $0x1, v0;
	[tilespmem:$0x1FE00] =	vst v1;
	v1 =	vimm.s32 $0x0  }
.LBB2_34:
0x25f: {  	p0 =	sne.s32 s16, $0x7F;
	v1 =	vadd.s32 v22, v1;
	s17 =	smov.u32 s16;
	s16 =	sadd.s32 $0x1, s16  }
.Ltmp16:
0x260: {  	v22 =	vshll.u32 v23, $0x9;
	v25 =	vshll.u32 v23, $0x7;
	s17 =	sadd.s32 s17, s4;
	v23 =	vld.idx.msk [tilespmem:v24+s11+$0x0], $0xffff;
	(pc) =	sbr.rel @p0 .LBB2_34-.Ltmp16, $4  }
0x261: {  	v22 =	vand.u32 $0xFFFFF000, v22;
	v25 =	vand.u32 $0x380, v25;
	v24 =	vmov s17  }
0x262: {  	v22 =	vor.u32 v25, v22;
	v25 =	vand.u32 v11, v2;
	v26 =	vmov v2;
	v2 =	vld.idx.msk [tilespmem:v21+s2+$0x0], $0xffff  }
0x263: {  	v21 =	vor.u32 v20, v22;
	vm0 =	veq.s32 v25, $0x0;
	v11 =	vor.u32 v11, v26  }
0x264: {  	v11 =	vsel vm0, v11, v25;
	v22 =	vsel vm0, $0x1, v0  }
0x265: {  	_ =	sdelay $0x2  }
0x266: {  	s16 =	sadd.s32 $0x1, s4  }
0x267: {  	v24 =	vld.idx.msk [tilespmem:v24+s11+$0x0], $0xffff;
	v25 =	vmov s16;
	_ =	sdelay $0x1  }
0x268: {  	v26 =	vshll.u32 v23, $0x9;
	v23 =	vshll.u32 v23, $0x7  }
0x269: {  	v26 =	vand.u32 $0xFFFFF000, v26;
	v23 =	vand.u32 $0x380, v23  }
0x26a: {  	v23 =	vor.u32 v23, v26  }
0x26b: {  	s28 =	sadd.s32 $0x2, s4;
	v23 =	vor.u32 v20, v23;
	v27 =	vshll.u32 v24, $0x9;
	v24 =	vshll.u32 v24, $0x7;
	v25 =	vld.idx.msk [tilespmem:v25+s11+$0x0], $0xffff  }
0x26c: {  	v28 =	vld.idx.msk [tilespmem:v21+s2+$0x0], $0xffff;
	v21 =	vand.u32 $0xFFFFF000, v27;
	v24 =	vand.u32 $0x380, v24;
	v27 =	vmov s28  }
0x26d: {  	v26 =	vand.u32 v11, v2;
	v2 =	vor.u32 v11, v2;
	v11 =	vor.u32 v24, v21  }
0x26e: {  	s29 =	sadd.s32 $0x3, s4;
	vm0 =	veq.s32 v26, $0x0;
	v11 =	vor.u32 v20, v11  }
0x26f: {  	v1 =	vadd.s32 v22, v1;
	v2 =	vsel vm0, v2, v26;
	v26 =	vmov s29  }
0x270: {  	v61 =	vsel vm0, $0x1, v0;
	v23 =	vld.idx.msk [tilespmem:v23+s2+$0x0], $0xffff;
	v24 =	vshll.u32 v25, $0x9;
	v25 =	vshll.u32 v25, $0x7  }
0x271: {  	v21 =	vor.u32 $0x810, v3;
	v27 =	vld.idx.msk [tilespmem:v27+s11+$0x0], $0xffff;
	v24 =	vand.u32 $0xFFFFF000, v24;
	v25 =	vand.u32 $0x380, v25  }
0x272: {  	v29 =	vand.u32 v2, v28;
	v24 =	vor.u32 v25, v24;
	v25 =	vor.u32 v21, v35  }
0x273: {  	v2 =	vor.u32 v2, v28;
	v1 =	vadd.s32 v61, v1;
	vm1 =	veq.s32 v29, $0x0;
	v11 =	vld.idx.msk [tilespmem:v11+s2+$0x0], $0xffff  }
0x274: {  	v2 =	vsel vm1, v2, v29;
	v22 =	vsel vm1, $0x1, v0;
	v24 =	vor.u32 v21, v24  }
0x275: {  	v1 =	vadd.s32 v22, v1;
	v62 =	vand.u32 v2, v23  }
0x276: {  	v22 =	vld.idx.msk [tilespmem:v26+s11+$0x0], $0xffff;
	v2 =	vor.u32 v2, v23;
	vm13 =	veq.s32 v62, $0x0;
	v26 =	vshll.u32 v27, $0x7  }
0x277: {  	v2 =	vsel vm13, v2, v62;
	v26 =	vand.u32 $0x380, v26;
	v23 =	vld.idx.msk [tilespmem:v25+s2+$0x0], $0xffff;
	v25 =	vshll.u32 v27, $0x9  }
0x278: {  	s30 =	sadd.s32 $0x4, s4;
	v27 =	vsel vm13, $0x1, v0;
	v2 =	vand.u32 v2, v11;
	v25 =	vand.u32 $0xFFFFF000, v25  }
0x279: {  	v11 =	vmov s30;
	v63 =	vld.idx.msk [tilespmem:v24+s2+$0x0], $0xffff;
	vm14 =	veq.s32 v2, $0x0;
	v24 =	vor.u32 v26, v25  }
0x27a: {  	v1 =	vadd.s32 v27, v1;
	v2 =	vor.u32 v21, v24;
	v24 =	vsel vm14, $0x1, v0  }
0x27b: {  	v1 =	vadd.s32 v24, v1  }
0x27c: {  	v25 =	vshll.u32 v22, $0x9;
	v22 =	vshll.u32 v22, $0x7;
	[tilespmem:$0x1FDD0] =	vst v1;
	v1 =	vld [tilespmem:$0x10900]  }
0x27d: {  	s31 =	sadd.s32 $0x5, s4;
	v22 =	vand.u32 $0x380, v22;
	v24 =	vand.u32 $0xFFFFF000, v25  }
0x27e: {  	v25 =	vmov s31;
	v22 =	vor.u32 v22, v24;
	v24 =	vld.idx.msk [tilespmem:v11+s11+$0x0], $0xffff  }
0x27f: {  	v26 =	vand.u32 v23, v63  }
0x280: {  	v11 =	vor.u32 v23, v63;
	v22 =	vor.u32 v21, v22;
	vm15 =	veq.s32 v26, $0x0;
	v2 =	vld.idx.msk [tilespmem:v2+s2+$0x0], $0xffff  }
0x281: {  	s16 =	simm.s32 $0x6;
	v11 =	vsel vm15, v11, v26;
	v23 =	vsel vm15, $0x1, v0;
	[tilespmem:$0x1FDE0] =	vst v1;
	v1 =	vimm.s32 $0x0  }
.LBB2_36:
0x282: {  	p0 =	sne.s32 s16, $0x7F;
	v1 =	vadd.s32 v23, v1;
	s17 =	smov.u32 s16;
	s16 =	sadd.s32 $0x1, s16  }
.Ltmp17:
0x283: {  	v23 =	vshll.u32 v24, $0x9;
	v26 =	vshll.u32 v24, $0x7;
	s17 =	sadd.s32 s17, s4;
	v24 =	vld.idx.msk [tilespmem:v25+s11+$0x0], $0xffff;
	(pc) =	sbr.rel @p0 .LBB2_36-.Ltmp17, $4  }
0x284: {  	v23 =	vand.u32 $0xFFFFF000, v23;
	v26 =	vand.u32 $0x380, v26;
	v25 =	vmov s17  }
0x285: {  	v23 =	vor.u32 v26, v23;
	v26 =	vand.u32 v11, v2;
	v27 =	vmov v2;
	v2 =	vld.idx.msk [tilespmem:v22+s2+$0x0], $0xffff  }
0x286: {  	v22 =	vor.u32 v21, v23;
	vm0 =	veq.s32 v26, $0x0;
	v11 =	vor.u32 v11, v27  }
0x287: {  	v11 =	vsel vm0, v11, v26;
	v23 =	vsel vm0, $0x1, v0  }
0x288: {  	_ =	sdelay $0x2  }
0x289: {  	s16 =	sadd.s32 $0x1, s4  }
0x28a: {  	v25 =	vld.idx.msk [tilespmem:v25+s11+$0x0], $0xffff;
	v26 =	vmov s16;
	_ =	sdelay $0x1  }
0x28b: {  	v27 =	vshll.u32 v24, $0x9;
	v24 =	vshll.u32 v24, $0x7  }
0x28c: {  	v27 =	vand.u32 $0xFFFFF000, v27;
	v24 =	vand.u32 $0x380, v24  }
0x28d: {  	v24 =	vor.u32 v24, v27  }
0x28e: {  	s28 =	sadd.s32 $0x2, s4;
	v24 =	vor.u32 v21, v24;
	v28 =	vshll.u32 v25, $0x9;
	v25 =	vshll.u32 v25, $0x7;
	v26 =	vld.idx.msk [tilespmem:v26+s11+$0x0], $0xffff  }
0x28f: {  	v29 =	vld.idx.msk [tilespmem:v22+s2+$0x0], $0xffff;
	v59 =	vmov s28;
	v22 =	vand.u32 $0xFFFFF000, v28;
	v25 =	vand.u32 $0x380, v25  }
0x290: {  	v27 =	vand.u32 v11, v2;
	v2 =	vor.u32 v11, v2;
	v11 =	vor.u32 v25, v22  }
0x291: {  	s29 =	sadd.s32 $0x3, s4;
	vm0 =	veq.s32 v27, $0x0;
	v11 =	vor.u32 v21, v11  }
0x292: {  	v1 =	vadd.s32 v23, v1;
	v2 =	vsel vm0, v2, v27;
	v27 =	vmov s29  }
0x293: {  	v60 =	vsel vm0, $0x1, v0;
	v24 =	vld.idx.msk [tilespmem:v24+s2+$0x0], $0xffff;
	v25 =	vshll.u32 v26, $0x9;
	v26 =	vshll.u32 v26, $0x7  }
0x294: {  	v28 =	vld.idx.msk [tilespmem:v59+s11+$0x0], $0xffff;
	v22 =	vor.u32 $0x820, v3;
	v25 =	vand.u32 $0xFFFFF000, v25;
	v26 =	vand.u32 $0x380, v26  }
0x295: {  	v30 =	vand.u32 v2, v29;
	v25 =	vor.u32 v26, v25;
	v26 =	vor.u32 v22, v35  }
0x296: {  	v2 =	vor.u32 v2, v29;
	v1 =	vadd.s32 v60, v1;
	vm1 =	veq.s32 v30, $0x0;
	v11 =	vld.idx.msk [tilespmem:v11+s2+$0x0], $0xffff  }
0x297: {  	v2 =	vsel vm1, v2, v30;
	v23 =	vsel vm1, $0x1, v0;
	v25 =	vor.u32 v22, v25  }
0x298: {  	v1 =	vadd.s32 v23, v1;
	v61 =	vand.u32 v2, v24  }
0x299: {  	v23 =	vld.idx.msk [tilespmem:v27+s11+$0x0], $0xffff;
	v27 =	vshll.u32 v28, $0x7;
	v2 =	vor.u32 v2, v24;
	vm13 =	veq.s32 v61, $0x0  }
0x29a: {  	v27 =	vand.u32 $0x380, v27;
	v2 =	vsel vm13, v2, v61;
	v24 =	vld.idx.msk [tilespmem:v26+s2+$0x0], $0xffff;
	v26 =	vshll.u32 v28, $0x9  }
0x29b: {  	s30 =	sadd.s32 $0x4, s4;
	v62 =	vsel vm13, $0x1, v0;
	v2 =	vand.u32 v2, v11;
	v26 =	vand.u32 $0xFFFFF000, v26  }
0x29c: {  	v11 =	vmov s30;
	v63 =	vld.idx.msk [tilespmem:v25+s2+$0x0], $0xffff;
	vm14 =	veq.s32 v2, $0x0;
	v25 =	vor.u32 v27, v26  }
0x29d: {  	v1 =	vadd.s32 v62, v1;
	v2 =	vor.u32 v22, v25;
	v25 =	vsel vm14, $0x1, v0  }
0x29e: {  	v1 =	vadd.s32 v25, v1  }
0x29f: {  	v26 =	vshll.u32 v23, $0x9;
	v23 =	vshll.u32 v23, $0x7;
	[tilespmem:$0x1FDB0] =	vst v1;
	v1 =	vld [tilespmem:$0x10910]  }
0x2a0: {  	s31 =	sadd.s32 $0x5, s4;
	v23 =	vand.u32 $0x380, v23;
	v25 =	vand.u32 $0xFFFFF000, v26  }
0x2a1: {  	v26 =	vmov s31;
	v23 =	vor.u32 v23, v25;
	v25 =	vld.idx.msk [tilespmem:v11+s11+$0x0], $0xffff  }
0x2a2: {  	v27 =	vand.u32 v24, v63  }
0x2a3: {  	v11 =	vor.u32 v24, v63;
	v23 =	vor.u32 v22, v23;
	vm15 =	veq.s32 v27, $0x0;
	v2 =	vld.idx.msk [tilespmem:v2+s2+$0x0], $0xffff  }
0x2a4: {  	s16 =	simm.s32 $0x6;
	v11 =	vsel vm15, v11, v27;
	v24 =	vsel vm15, $0x1, v0;
	[tilespmem:$0x1FDC0] =	vst v1;
	v1 =	vimm.s32 $0x0  }
.LBB2_38:
0x2a5: {  	p0 =	sne.s32 s16, $0x7F;
	v1 =	vadd.s32 v24, v1;
	s17 =	smov.u32 s16;
	s16 =	sadd.s32 $0x1, s16  }
.Ltmp18:
0x2a6: {  	v24 =	vshll.u32 v25, $0x9;
	v27 =	vshll.u32 v25, $0x7;
	s17 =	sadd.s32 s17, s4;
	v25 =	vld.idx.msk [tilespmem:v26+s11+$0x0], $0xffff;
	(pc) =	sbr.rel @p0 .LBB2_38-.Ltmp18, $4  }
0x2a7: {  	v24 =	vand.u32 $0xFFFFF000, v24;
	v27 =	vand.u32 $0x380, v27;
	v26 =	vmov s17  }
0x2a8: {  	v24 =	vor.u32 v27, v24;
	v27 =	vand.u32 v11, v2;
	v28 =	vmov v2;
	v2 =	vld.idx.msk [tilespmem:v23+s2+$0x0], $0xffff  }
0x2a9: {  	v23 =	vor.u32 v22, v24;
	vm0 =	veq.s32 v27, $0x0;
	v11 =	vor.u32 v11, v28  }
0x2aa: {  	v11 =	vsel vm0, v11, v27;
	v24 =	vsel vm0, $0x1, v0  }
0x2ab: {  	_ =	sdelay $0x2  }
0x2ac: {  	s16 =	sadd.s32 $0x1, s4  }
0x2ad: {  	v26 =	vld.idx.msk [tilespmem:v26+s11+$0x0], $0xffff;
	v27 =	vmov s16;
	_ =	sdelay $0x1  }
0x2ae: {  	v28 =	vshll.u32 v25, $0x9;
	v25 =	vshll.u32 v25, $0x7  }
0x2af: {  	v28 =	vand.u32 $0xFFFFF000, v28;
	v25 =	vand.u32 $0x380, v25  }
0x2b0: {  	v25 =	vor.u32 v25, v28  }
0x2b1: {  	s28 =	sadd.s32 $0x2, s4;
	v25 =	vor.u32 v22, v25;
	v29 =	vshll.u32 v26, $0x9;
	v26 =	vshll.u32 v26, $0x7;
	v27 =	vld.idx.msk [tilespmem:v27+s11+$0x0], $0xffff  }
0x2b2: {  	v30 =	vld.idx.msk [tilespmem:v23+s2+$0x0], $0xffff;
	v23 =	vand.u32 $0xFFFFF000, v29;
	v26 =	vand.u32 $0x380, v26;
	v29 =	vmov s28  }
0x2b3: {  	v28 =	vand.u32 v11, v2;
	v2 =	vor.u32 v11, v2;
	v11 =	vor.u32 v26, v23  }
0x2b4: {  	s29 =	sadd.s32 $0x3, s4;
	vm0 =	veq.s32 v28, $0x0;
	v11 =	vor.u32 v22, v11  }
0x2b5: {  	v1 =	vadd.s32 v24, v1;
	v2 =	vsel vm0, v2, v28;
	v28 =	vmov s29  }
0x2b6: {  	v61 =	vsel vm0, $0x1, v0;
	v25 =	vld.idx.msk [tilespmem:v25+s2+$0x0], $0xffff;
	v26 =	vshll.u32 v27, $0x9;
	v27 =	vshll.u32 v27, $0x7  }
0x2b7: {  	v23 =	vor.u32 $0x830, v3;
	v29 =	vld.idx.msk [tilespmem:v29+s11+$0x0], $0xffff;
	v26 =	vand.u32 $0xFFFFF000, v26;
	v27 =	vand.u32 $0x380, v27  }
0x2b8: {  	v31 =	vand.u32 v2, v30;
	v26 =	vor.u32 v27, v26;
	v27 =	vor.u32 v23, v35  }
0x2b9: {  	v2 =	vor.u32 v2, v30;
	v1 =	vadd.s32 v61, v1;
	vm1 =	veq.s32 v31, $0x0;
	v11 =	vld.idx.msk [tilespmem:v11+s2+$0x0], $0xffff  }
0x2ba: {  	v2 =	vsel vm1, v2, v31;
	v24 =	vsel vm1, $0x1, v0;
	v26 =	vor.u32 v23, v26  }
0x2bb: {  	v1 =	vadd.s32 v24, v1;
	v62 =	vand.u32 v2, v25  }
0x2bc: {  	v24 =	vld.idx.msk [tilespmem:v28+s11+$0x0], $0xffff;
	v2 =	vor.u32 v2, v25;
	vm13 =	veq.s32 v62, $0x0;
	v28 =	vshll.u32 v29, $0x7  }
0x2bd: {  	v2 =	vsel vm13, v2, v62;
	v28 =	vand.u32 $0x380, v28;
	v25 =	vld.idx.msk [tilespmem:v27+s2+$0x0], $0xffff;
	v27 =	vshll.u32 v29, $0x9  }
0x2be: {  	s30 =	sadd.s32 $0x4, s4;
	v29 =	vsel vm13, $0x1, v0;
	v2 =	vand.u32 v2, v11;
	v27 =	vand.u32 $0xFFFFF000, v27  }
0x2bf: {  	v11 =	vmov s30;
	v63 =	vld.idx.msk [tilespmem:v26+s2+$0x0], $0xffff;
	vm14 =	veq.s32 v2, $0x0;
	v26 =	vor.u32 v28, v27  }
0x2c0: {  	v1 =	vadd.s32 v29, v1;
	v2 =	vor.u32 v23, v26;
	v26 =	vsel vm14, $0x1, v0  }
0x2c1: {  	v1 =	vadd.s32 v26, v1  }
0x2c2: {  	v27 =	vshll.u32 v24, $0x9;
	v24 =	vshll.u32 v24, $0x7;
	[tilespmem:$0x1FD90] =	vst v1;
	v1 =	vld [tilespmem:$0x10920]  }
0x2c3: {  	s31 =	sadd.s32 $0x5, s4;
	v24 =	vand.u32 $0x380, v24;
	v26 =	vand.u32 $0xFFFFF000, v27  }
0x2c4: {  	v27 =	vmov s31;
	v24 =	vor.u32 v24, v26;
	v26 =	vld.idx.msk [tilespmem:v11+s11+$0x0], $0xffff  }
0x2c5: {  	v28 =	vand.u32 v25, v63  }
0x2c6: {  	v11 =	vor.u32 v25, v63;
	v24 =	vor.u32 v23, v24;
	vm15 =	veq.s32 v28, $0x0;
	v2 =	vld.idx.msk [tilespmem:v2+s2+$0x0], $0xffff  }
0x2c7: {  	s16 =	simm.s32 $0x6;
	v11 =	vsel vm15, v11, v28;
	v25 =	vsel vm15, $0x1, v0;
	[tilespmem:$0x1FDA0] =	vst v1;
	v1 =	vimm.s32 $0x0  }
.LBB2_40:
0x2c8: {  	p0 =	sne.s32 s16, $0x7F;
	v1 =	vadd.s32 v25, v1;
	s17 =	smov.u32 s16;
	s16 =	sadd.s32 $0x1, s16  }
.Ltmp19:
0x2c9: {  	v25 =	vshll.u32 v26, $0x9;
	v28 =	vshll.u32 v26, $0x7;
	s17 =	sadd.s32 s17, s4;
	v26 =	vld.idx.msk [tilespmem:v27+s11+$0x0], $0xffff;
	(pc) =	sbr.rel @p0 .LBB2_40-.Ltmp19, $4  }
0x2ca: {  	v25 =	vand.u32 $0xFFFFF000, v25;
	v28 =	vand.u32 $0x380, v28;
	v27 =	vmov s17  }
0x2cb: {  	v25 =	vor.u32 v28, v25;
	v28 =	vand.u32 v11, v2;
	v29 =	vmov v2;
	v2 =	vld.idx.msk [tilespmem:v24+s2+$0x0], $0xffff  }
0x2cc: {  	v24 =	vor.u32 v23, v25;
	vm0 =	veq.s32 v28, $0x0;
	v11 =	vor.u32 v11, v29  }
0x2cd: {  	v11 =	vsel vm0, v11, v28;
	v25 =	vsel vm0, $0x1, v0  }
0x2ce: {  	_ =	sdelay $0x2  }
0x2cf: {  	s16 =	sadd.s32 $0x1, s4  }
0x2d0: {  	v27 =	vld.idx.msk [tilespmem:v27+s11+$0x0], $0xffff;
	v28 =	vmov s16;
	_ =	sdelay $0x1  }
0x2d1: {  	v29 =	vshll.u32 v26, $0x9;
	v26 =	vshll.u32 v26, $0x7  }
0x2d2: {  	v29 =	vand.u32 $0xFFFFF000, v29;
	v26 =	vand.u32 $0x380, v26  }
0x2d3: {  	v31 =	vld.idx.msk [tilespmem:v24+s2+$0x0], $0xffff;
	v26 =	vor.u32 v26, v29;
	v29 =	vand.u32 v11, v2  }
0x2d4: {  	s28 =	sadd.s32 $0x2, s4;
	v26 =	vor.u32 v23, v26;
	v30 =	vshll.u32 v27, $0x9;
	v27 =	vshll.u32 v27, $0x7;
	v28 =	vld.idx.msk [tilespmem:v28+s11+$0x0], $0xffff  }
0x2d5: {  	v24 =	vand.u32 $0xFFFFF000, v30;
	v27 =	vand.u32 $0x380, v27;
	v30 =	vmov s28  }
0x2d6: {  	v2 =	vor.u32 v11, v2;
	vm0 =	veq.s32 v29, $0x0;
	v11 =	vor.u32 v27, v24  }
0x2d7: {  	s29 =	sadd.s32 $0x3, s4;
	v2 =	vsel vm0, v2, v29;
	v11 =	vor.u32 v23, v11  }
0x2d8: {  	v1 =	vadd.s32 v25, v1;
	v29 =	vmov s29;
	v32 =	vand.u32 v2, v31  }
0x2d9: {  	v2 =	vor.u32 v2, v31;
	v26 =	vld.idx.msk [tilespmem:v26+s2+$0x0], $0xffff;
	v27 =	vshll.u32 v28, $0x9;
	v28 =	vshll.u32 v28, $0x7  }
0x2da: {  	v24 =	vor.u32 $0x840, v3;
	v30 =	vld.idx.msk [tilespmem:v30+s11+$0x0], $0xffff;
	v27 =	vand.u32 $0xFFFFF000, v27;
	v28 =	vand.u32 $0x380, v28  }
0x2db: {  	v31 =	vsel vm0, $0x1, v0;
	v27 =	vor.u32 v28, v27;
	v28 =	vor.u32 v24, v35  }
0x2dc: {  	vm1 =	veq.s32 v32, $0x0;
	v1 =	vadd.s32 v31, v1;
	v11 =	vld.idx.msk [tilespmem:v11+s2+$0x0], $0xffff  }
0x2dd: {  	v2 =	vsel vm1, v2, v32;
	v25 =	vsel vm1, $0x1, v0;
	v27 =	vor.u32 v24, v27  }
0x2de: {  	v1 =	vadd.s32 v25, v1;
	v31 =	vand.u32 v2, v26  }
0x2df: {  	v25 =	vld.idx.msk [tilespmem:v29+s11+$0x0], $0xffff;
	v2 =	vor.u32 v2, v26;
	vm13 =	veq.s32 v31, $0x0;
	v29 =	vshll.u32 v30, $0x7  }
0x2e0: {  	v2 =	vsel vm13, v2, v31;
	v29 =	vand.u32 $0x380, v29;
	v26 =	vld.idx.msk [tilespmem:v28+s2+$0x0], $0xffff;
	v28 =	vshll.u32 v30, $0x9  }
0x2e1: {  	s30 =	sadd.s32 $0x4, s4;
	v30 =	vsel vm13, $0x1, v0;
	v2 =	vand.u32 v2, v11;
	v28 =	vand.u32 $0xFFFFF000, v28  }
0x2e2: {  	v11 =	vmov s30;
	v31 =	vld.idx.msk [tilespmem:v27+s2+$0x0], $0xffff;
	vm14 =	veq.s32 v2, $0x0;
	v27 =	vor.u32 v29, v28  }
0x2e3: {  	v1 =	vadd.s32 v30, v1;
	v2 =	vor.u32 v24, v27;
	v27 =	vsel vm14, $0x1, v0  }
0x2e4: {  	v1 =	vadd.s32 v27, v1  }
0x2e5: {  	v28 =	vshll.u32 v25, $0x9;
	v25 =	vshll.u32 v25, $0x7;
	[tilespmem:$0x1FD70] =	vst v1;
	v1 =	vld [tilespmem:$0x10930]  }
0x2e6: {  	s31 =	sadd.s32 $0x5, s4;
	v25 =	vand.u32 $0x380, v25;
	v27 =	vand.u32 $0xFFFFF000, v28  }
0x2e7: {  	v28 =	vmov s31;
	v25 =	vor.u32 v25, v27;
	v27 =	vld.idx.msk [tilespmem:v11+s11+$0x0], $0xffff  }
0x2e8: {  	v29 =	vand.u32 v26, v31  }
0x2e9: {  	v11 =	vor.u32 v26, v31;
	v25 =	vor.u32 v24, v25;
	vm15 =	veq.s32 v29, $0x0;
	v2 =	vld.idx.msk [tilespmem:v2+s2+$0x0], $0xffff  }
0x2ea: {  	s16 =	simm.s32 $0x6;
	v11 =	vsel vm15, v11, v29;
	v26 =	vsel vm15, $0x1, v0;
	[tilespmem:$0x1FD80] =	vst v1;
	v1 =	vimm.s32 $0x0  }
.LBB2_42:
0x2eb: {  	p0 =	sne.s32 s16, $0x7F;
	v1 =	vadd.s32 v26, v1;
	s17 =	smov.u32 s16;
	s16 =	sadd.s32 $0x1, s16  }
.Ltmp20:
0x2ec: {  	v26 =	vshll.u32 v27, $0x9;
	v29 =	vshll.u32 v27, $0x7;
	s17 =	sadd.s32 s17, s4;
	v27 =	vld.idx.msk [tilespmem:v28+s11+$0x0], $0xffff;
	(pc) =	sbr.rel @p0 .LBB2_42-.Ltmp20, $4  }
0x2ed: {  	v26 =	vand.u32 $0xFFFFF000, v26;
	v29 =	vand.u32 $0x380, v29;
	v28 =	vmov s17  }
0x2ee: {  	v26 =	vor.u32 v29, v26;
	v29 =	vand.u32 v11, v2;
	v30 =	vmov v2;
	v2 =	vld.idx.msk [tilespmem:v25+s2+$0x0], $0xffff  }
0x2ef: {  	v25 =	vor.u32 v24, v26;
	vm0 =	veq.s32 v29, $0x0;
	v11 =	vor.u32 v11, v30  }
0x2f0: {  	v11 =	vsel vm0, v11, v29;
	v26 =	vsel vm0, $0x1, v0  }
0x2f1: {  	_ =	sdelay $0x2  }
0x2f2: {  	s16 =	sadd.s32 $0x1, s4  }
0x2f3: {  	v28 =	vld.idx.msk [tilespmem:v28+s11+$0x0], $0xffff;
	v29 =	vmov s16;
	_ =	sdelay $0x1  }
0x2f4: {  	v30 =	vshll.u32 v27, $0x9;
	v27 =	vshll.u32 v27, $0x7  }
0x2f5: {  	v30 =	vand.u32 $0xFFFFF000, v30;
	v27 =	vand.u32 $0x380, v27  }
0x2f6: {  	v27 =	vor.u32 v27, v30  }
0x2f7: {  	s28 =	sadd.s32 $0x2, s4;
	v27 =	vor.u32 v24, v27;
	v31 =	vshll.u32 v28, $0x9;
	v28 =	vshll.u32 v28, $0x7;
	v29 =	vld.idx.msk [tilespmem:v29+s11+$0x0], $0xffff  }
0x2f8: {  	v32 =	vld.idx.msk [tilespmem:v25+s2+$0x0], $0xffff;
	v25 =	vand.u32 $0xFFFFF000, v31;
	v28 =	vand.u32 $0x380, v28;
	v31 =	vmov s28  }
0x2f9: {  	v30 =	vand.u32 v11, v2;
	v2 =	vor.u32 v11, v2;
	v11 =	vor.u32 v28, v25  }
0x2fa: {  	s29 =	sadd.s32 $0x3, s4;
	vm0 =	veq.s32 v30, $0x0;
	v11 =	vor.u32 v24, v11  }
0x2fb: {  	v1 =	vadd.s32 v26, v1;
	v2 =	vsel vm0, v2, v30;
	v30 =	vmov s29  }
0x2fc: {  	v61 =	vsel vm0, $0x1, v0;
	v27 =	vld.idx.msk [tilespmem:v27+s2+$0x0], $0xffff;
	v28 =	vshll.u32 v29, $0x9;
	v29 =	vshll.u32 v29, $0x7  }
0x2fd: {  	v25 =	vor.u32 $0x850, v3;
	v31 =	vld.idx.msk [tilespmem:v31+s11+$0x0], $0xffff;
	v28 =	vand.u32 $0xFFFFF000, v28;
	v29 =	vand.u32 $0x380, v29  }
0x2fe: {  	v33 =	vand.u32 v2, v32;
	v28 =	vor.u32 v29, v28;
	v29 =	vor.u32 v25, v35  }
0x2ff: {  	v2 =	vor.u32 v2, v32;
	v1 =	vadd.s32 v61, v1;
	vm1 =	veq.s32 v33, $0x0;
	v11 =	vld.idx.msk [tilespmem:v11+s2+$0x0], $0xffff  }
0x300: {  	v2 =	vsel vm1, v2, v33;
	v26 =	vsel vm1, $0x1, v0;
	v28 =	vor.u32 v25, v28  }
0x301: {  	v1 =	vadd.s32 v26, v1;
	v62 =	vand.u32 v2, v27  }
0x302: {  	v26 =	vld.idx.msk [tilespmem:v30+s11+$0x0], $0xffff;
	v2 =	vor.u32 v2, v27;
	vm13 =	veq.s32 v62, $0x0;
	v30 =	vshll.u32 v31, $0x7  }
0x303: {  	v2 =	vsel vm13, v2, v62;
	v30 =	vand.u32 $0x380, v30;
	v27 =	vld.idx.msk [tilespmem:v29+s2+$0x0], $0xffff;
	v29 =	vshll.u32 v31, $0x9  }
0x304: {  	s30 =	sadd.s32 $0x4, s4;
	v31 =	vsel vm13, $0x1, v0;
	v2 =	vand.u32 v2, v11;
	v29 =	vand.u32 $0xFFFFF000, v29  }
0x305: {  	v11 =	vmov s30;
	v63 =	vld.idx.msk [tilespmem:v28+s2+$0x0], $0xffff;
	vm14 =	veq.s32 v2, $0x0;
	v28 =	vor.u32 v30, v29  }
0x306: {  	v1 =	vadd.s32 v31, v1;
	v2 =	vor.u32 v25, v28;
	v28 =	vsel vm14, $0x1, v0  }
0x307: {  	v1 =	vadd.s32 v28, v1  }
0x308: {  	v29 =	vshll.u32 v26, $0x9;
	v26 =	vshll.u32 v26, $0x7;
	[tilespmem:$0x1FD50] =	vst v1;
	v1 =	vld [tilespmem:$0x10940]  }
0x309: {  	s31 =	sadd.s32 $0x5, s4;
	v26 =	vand.u32 $0x380, v26;
	v28 =	vand.u32 $0xFFFFF000, v29  }
0x30a: {  	v29 =	vmov s31;
	v26 =	vor.u32 v26, v28;
	v28 =	vld.idx.msk [tilespmem:v11+s11+$0x0], $0xffff  }
0x30b: {  	v30 =	vand.u32 v27, v63  }
0x30c: {  	v11 =	vor.u32 v27, v63;
	v26 =	vor.u32 v25, v26;
	vm15 =	veq.s32 v30, $0x0;
	v2 =	vld.idx.msk [tilespmem:v2+s2+$0x0], $0xffff  }
0x30d: {  	s16 =	simm.s32 $0x6;
	v11 =	vsel vm15, v11, v30;
	v27 =	vsel vm15, $0x1, v0;
	[tilespmem:$0x1FD60] =	vst v1;
	v1 =	vimm.s32 $0x0  }
.LBB2_44:
0x30e: {  	p0 =	sne.s32 s16, $0x7F;
	v1 =	vadd.s32 v27, v1;
	s17 =	smov.u32 s16;
	s16 =	sadd.s32 $0x1, s16  }
.Ltmp21:
0x30f: {  	v27 =	vshll.u32 v28, $0x9;
	v30 =	vshll.u32 v28, $0x7;
	s17 =	sadd.s32 s17, s4;
	v28 =	vld.idx.msk [tilespmem:v29+s11+$0x0], $0xffff;
	(pc) =	sbr.rel @p0 .LBB2_44-.Ltmp21, $4  }
0x310: {  	v27 =	vand.u32 $0xFFFFF000, v27;
	v30 =	vand.u32 $0x380, v30;
	v29 =	vmov s17  }
0x311: {  	v27 =	vor.u32 v30, v27;
	v30 =	vand.u32 v11, v2;
	v31 =	vmov v2;
	v2 =	vld.idx.msk [tilespmem:v26+s2+$0x0], $0xffff  }
0x312: {  	v26 =	vor.u32 v25, v27;
	vm0 =	veq.s32 v30, $0x0;
	v11 =	vor.u32 v11, v31  }
0x313: {  	v11 =	vsel vm0, v11, v30;
	v27 =	vsel vm0, $0x1, v0  }
0x314: {  	_ =	sdelay $0x2  }
0x315: {  	s16 =	sadd.s32 $0x1, s4  }
0x316: {  	v29 =	vld.idx.msk [tilespmem:v29+s11+$0x0], $0xffff;
	v30 =	vmov s16;
	_ =	sdelay $0x1  }
0x317: {  	v31 =	vshll.u32 v28, $0x9;
	v28 =	vshll.u32 v28, $0x7  }
0x318: {  	v31 =	vand.u32 $0xFFFFF000, v31;
	v28 =	vand.u32 $0x380, v28  }
0x319: {  	v28 =	vor.u32 v28, v31  }
0x31a: {  	s28 =	sadd.s32 $0x2, s4;
	v28 =	vor.u32 v25, v28;
	v32 =	vshll.u32 v29, $0x9;
	v29 =	vshll.u32 v29, $0x7;
	v30 =	vld.idx.msk [tilespmem:v30+s11+$0x0], $0xffff  }
0x31b: {  	v33 =	vld.idx.msk [tilespmem:v26+s2+$0x0], $0xffff;
	v59 =	vmov s28;
	v26 =	vand.u32 $0xFFFFF000, v32;
	v29 =	vand.u32 $0x380, v29  }
0x31c: {  	v31 =	vand.u32 v11, v2;
	v2 =	vor.u32 v11, v2;
	v11 =	vor.u32 v29, v26  }
0x31d: {  	s29 =	sadd.s32 $0x3, s4;
	vm0 =	veq.s32 v31, $0x0;
	v11 =	vor.u32 v25, v11  }
0x31e: {  	v1 =	vadd.s32 v27, v1;
	v2 =	vsel vm0, v2, v31;
	v31 =	vmov s29  }
0x31f: {  	v60 =	vsel vm0, $0x1, v0;
	v28 =	vld.idx.msk [tilespmem:v28+s2+$0x0], $0xffff;
	v29 =	vshll.u32 v30, $0x9;
	v30 =	vshll.u32 v30, $0x7  }
0x320: {  	v32 =	vld.idx.msk [tilespmem:v59+s11+$0x0], $0xffff;
	v26 =	vor.u32 $0x860, v3;
	v29 =	vand.u32 $0xFFFFF000, v29;
	v30 =	vand.u32 $0x380, v30  }
0x321: {  	v34 =	vand.u32 v2, v33;
	v29 =	vor.u32 v30, v29;
	v30 =	vor.u32 v26, v35  }
0x322: {  	v2 =	vor.u32 v2, v33;
	v1 =	vadd.s32 v60, v1;
	vm1 =	veq.s32 v34, $0x0;
	v11 =	vld.idx.msk [tilespmem:v11+s2+$0x0], $0xffff  }
0x323: {  	v2 =	vsel vm1, v2, v34;
	v27 =	vsel vm1, $0x1, v0;
	v29 =	vor.u32 v26, v29  }
0x324: {  	v1 =	vadd.s32 v27, v1;
	v61 =	vand.u32 v2, v28  }
0x325: {  	v27 =	vld.idx.msk [tilespmem:v31+s11+$0x0], $0xffff;
	v31 =	vshll.u32 v32, $0x7;
	v2 =	vor.u32 v2, v28;
	vm13 =	veq.s32 v61, $0x0  }
0x326: {  	s30 =	sadd.s32 $0x4, s4;
	v31 =	vand.u32 $0x380, v31;
	v2 =	vsel vm13, v2, v61;
	v28 =	vld.idx.msk [tilespmem:v30+s2+$0x0], $0xffff;
	v30 =	vshll.u32 v32, $0x9  }
0x327: {  	v2 =	vand.u32 v2, v11;
	v11 =	vmov s30;
	v30 =	vand.u32 $0xFFFFF000, v30  }
0x328: {  	v62 =	vsel vm13, $0x1, v0;
	v63 =	vld.idx.msk [tilespmem:v29+s2+$0x0], $0xffff;
	v29 =	vor.u32 v31, v30  }
0x329: {  	v1 =	vadd.s32 v62, v1;
	vm14 =	veq.s32 v2, $0x0;
	v2 =	vor.u32 v26, v29  }
0x32a: {  	v30 =	vshll.u32 v27, $0x9;
	v27 =	vshll.u32 v27, $0x7;
	v29 =	vsel vm14, $0x1, v0  }
0x32b: {  	s31 =	sadd.s32 $0x5, s4;
	v27 =	vand.u32 $0x380, v27;
	v48 =	vadd.s32 v29, v1;
	v29 =	vand.u32 $0xFFFFF000, v30  }
0x32c: {  	v30 =	vmov s31;
	v27 =	vor.u32 v27, v29;
	v29 =	vld.idx.msk [tilespmem:v11+s11+$0x0], $0xffff  }
0x32d: {  	v31 =	vand.u32 v28, v63  }
0x32e: {  	v11 =	vor.u32 v28, v63;
	v27 =	vor.u32 v26, v27;
	vm15 =	veq.s32 v31, $0x0;
	v2 =	vld.idx.msk [tilespmem:v2+s2+$0x0], $0xffff  }
0x32f: {  	v49 =	vld [tilespmem:$0x10950];
	s16 =	simm.s32 $0x6;
	v1 =	vimm.s32 $0x0;
	v11 =	vsel vm15, v11, v31;
	v28 =	vsel vm15, $0x1, v0  }
.LBB2_46:
0x330: {  	p0 =	sne.s32 s16, $0x7F;
	v1 =	vadd.s32 v28, v1;
	s17 =	smov.u32 s16;
	s16 =	sadd.s32 $0x1, s16  }
.Ltmp22:
0x331: {  	v28 =	vshll.u32 v29, $0x9;
	v31 =	vshll.u32 v29, $0x7;
	s17 =	sadd.s32 s17, s4;
	v29 =	vld.idx.msk [tilespmem:v30+s11+$0x0], $0xffff;
	(pc) =	sbr.rel @p0 .LBB2_46-.Ltmp22, $4  }
0x332: {  	v28 =	vand.u32 $0xFFFFF000, v28;
	v31 =	vand.u32 $0x380, v31;
	v30 =	vmov s17  }
0x333: {  	v28 =	vor.u32 v31, v28;
	v31 =	vand.u32 v11, v2;
	v32 =	vmov v2;
	v2 =	vld.idx.msk [tilespmem:v27+s2+$0x0], $0xffff  }
0x334: {  	v27 =	vor.u32 v26, v28;
	vm0 =	veq.s32 v31, $0x0;
	v11 =	vor.u32 v11, v32  }
0x335: {  	v11 =	vsel vm0, v11, v31;
	v28 =	vsel vm0, $0x1, v0  }
0x336: {  	_ =	sdelay $0x2  }
0x337: {  	s16 =	sadd.s32 $0x1, s4  }
0x338: {  	v30 =	vld.idx.msk [tilespmem:v30+s11+$0x0], $0xffff;
	v31 =	vmov s16;
	_ =	sdelay $0x1  }
0x339: {  	v32 =	vshll.u32 v29, $0x9;
	v29 =	vshll.u32 v29, $0x7  }
0x33a: {  	v32 =	vand.u32 $0xFFFFF000, v32;
	v29 =	vand.u32 $0x380, v29  }
0x33b: {  	v29 =	vor.u32 v29, v32  }
0x33c: {  	s28 =	sadd.s32 $0x2, s4;
	v29 =	vor.u32 v26, v29;
	v33 =	vshll.u32 v30, $0x9;
	v30 =	vshll.u32 v30, $0x7;
	v31 =	vld.idx.msk [tilespmem:v31+s11+$0x0], $0xffff  }
0x33d: {  	v34 =	vld.idx.msk [tilespmem:v27+s2+$0x0], $0xffff;
	v56 =	vmov s28;
	v27 =	vand.u32 $0xFFFFF000, v33;
	v30 =	vand.u32 $0x380, v30  }
0x33e: {  	v55 =	vand.u32 v11, v2;
	v2 =	vor.u32 v11, v2;
	v11 =	vor.u32 v30, v27  }
0x33f: {  	s29 =	sadd.s32 $0x3, s4;
	vm0 =	veq.s32 v55, $0x0;
	v11 =	vor.u32 v26, v11  }
0x340: {  	v1 =	vadd.s32 v28, v1;
	v57 =	vmov s29;
	v2 =	vsel vm0, v2, v55  }
0x341: {  	v58 =	vsel vm0, $0x1, v0;
	v29 =	vld.idx.msk [tilespmem:v29+s2+$0x0], $0xffff;
	v30 =	vshll.u32 v31, $0x9;
	v31 =	vshll.u32 v31, $0x7  }
0x342: {  	v33 =	vld.idx.msk [tilespmem:v56+s11+$0x0], $0xffff;
	v27 =	vor.u32 $0x870, v3;
	v30 =	vand.u32 $0xFFFFF000, v30;
	v31 =	vand.u32 $0x380, v31  }
0x343: {  	v36 =	vand.u32 v2, v34;
	v30 =	vor.u32 v31, v30;
	v31 =	vor.u32 v27, v35  }
0x344: {  	v2 =	vor.u32 v2, v34;
	v1 =	vadd.s32 v58, v1;
	vm1 =	veq.s32 v36, $0x0;
	v11 =	vld.idx.msk [tilespmem:v11+s2+$0x0], $0xffff  }
0x345: {  	v2 =	vsel vm1, v2, v36;
	v28 =	vsel vm1, $0x1, v0;
	v30 =	vor.u32 v27, v30  }
0x346: {  	v1 =	vadd.s32 v28, v1;
	v59 =	vand.u32 v2, v29  }
0x347: {  	v28 =	vld.idx.msk [tilespmem:v57+s11+$0x0], $0xffff;
	v60 =	vshll.u32 v33, $0x7;
	v2 =	vor.u32 v2, v29;
	vm13 =	veq.s32 v59, $0x0  }
0x348: {  	s30 =	sadd.s32 $0x4, s4;
	v32 =	vand.u32 $0x380, v60;
	v2 =	vsel vm13, v2, v59;
	v29 =	vld.idx.msk [tilespmem:v31+s2+$0x0], $0xffff;
	v31 =	vshll.u32 v33, $0x9  }
0x349: {  	v2 =	vand.u32 v2, v11;
	v11 =	vmov s30;
	v31 =	vand.u32 $0xFFFFF000, v31  }
0x34a: {  	v61 =	vsel vm13, $0x1, v0;
	v62 =	vld.idx.msk [tilespmem:v30+s2+$0x0], $0xffff;
	v30 =	vor.u32 v32, v31  }
0x34b: {  	v1 =	vadd.s32 v61, v1;
	vm14 =	veq.s32 v2, $0x0;
	v2 =	vor.u32 v27, v30  }
0x34c: {  	v31 =	vshll.u32 v28, $0x9;
	v28 =	vshll.u32 v28, $0x7;
	v30 =	vsel vm14, $0x1, v0  }
0x34d: {  	s31 =	sadd.s32 $0x5, s4;
	v28 =	vand.u32 $0x380, v28;
	v50 =	vadd.s32 v30, v1;
	v30 =	vand.u32 $0xFFFFF000, v31  }
0x34e: {  	v31 =	vmov s31;
	v28 =	vor.u32 v28, v30;
	v30 =	vld.idx.msk [tilespmem:v11+s11+$0x0], $0xffff  }
0x34f: {  	v63 =	vand.u32 v29, v62  }
0x350: {  	v11 =	vor.u32 v29, v62;
	v28 =	vor.u32 v27, v28;
	vm15 =	veq.s32 v63, $0x0;
	v2 =	vld.idx.msk [tilespmem:v2+s2+$0x0], $0xffff  }
0x351: {  	v51 =	vld [tilespmem:$0x10960];
	s16 =	simm.s32 $0x6;
	v1 =	vimm.s32 $0x0;
	v11 =	vsel vm15, v11, v63;
	v29 =	vsel vm15, $0x1, v0  }
.LBB2_48:
0x352: {  	p0 =	sne.s32 s16, $0x7F;
	v1 =	vadd.s32 v29, v1;
	s17 =	smov.u32 s16;
	s16 =	sadd.s32 $0x1, s16  }
.Ltmp23:
0x353: {  	v29 =	vshll.u32 v30, $0x9;
	v32 =	vshll.u32 v30, $0x7;
	s17 =	sadd.s32 s17, s4;
	v30 =	vld.idx.msk [tilespmem:v31+s11+$0x0], $0xffff;
	(pc) =	sbr.rel @p0 .LBB2_48-.Ltmp23, $4  }
0x354: {  	v29 =	vand.u32 $0xFFFFF000, v29;
	v32 =	vand.u32 $0x380, v32;
	v31 =	vmov s17  }
0x355: {  	v29 =	vor.u32 v32, v29;
	v32 =	vand.u32 v11, v2;
	v33 =	vmov v2;
	v2 =	vld.idx.msk [tilespmem:v28+s2+$0x0], $0xffff  }
0x356: {  	v28 =	vor.u32 v27, v29;
	vm0 =	veq.s32 v32, $0x0;
	v11 =	vor.u32 v11, v33  }
0x357: {  	v11 =	vsel vm0, v11, v32;
	v29 =	vsel vm0, $0x1, v0  }
0x358: {  	_ =	sdelay $0x3  }
0x359: {  	s16 =	sadd.s32 $0x1, s4;
	v31 =	vld.idx.msk [tilespmem:v31+s11+$0x0], $0xffff  }
0x35a: {  	v32 =	vmov s16  }
0x35b: {  	v33 =	vshll.u32 v30, $0x9;
	v30 =	vshll.u32 v30, $0x7  }
0x35c: {  	v33 =	vand.u32 $0xFFFFF000, v33;
	v30 =	vand.u32 $0x380, v30  }
0x35d: {  	v30 =	vor.u32 v30, v33  }
0x35e: {  	s28 =	sadd.s32 $0x2, s4;
	v36 =	vld.idx.msk [tilespmem:v28+s2+$0x0], $0xffff;
	v30 =	vor.u32 v27, v30;
	v34 =	vshll.u32 v31, $0x9;
	v31 =	vshll.u32 v31, $0x7  }
0x35f: {  	v53 =	vmov s28;
	v32 =	vld.idx.msk [tilespmem:v32+s11+$0x0], $0xffff;
	v28 =	vand.u32 $0xFFFFF000, v34;
	v31 =	vand.u32 $0x380, v31  }
0x360: {  	v52 =	vand.u32 v11, v2;
	v2 =	vor.u32 v11, v2;
	v11 =	vor.u32 v31, v28  }
0x361: {  	s29 =	sadd.s32 $0x3, s4;
	v1 =	vadd.s32 v29, v1;
	vm0 =	veq.s32 v52, $0x0;
	v11 =	vor.u32 v27, v11  }
0x362: {  	v54 =	vmov s29;
	v2 =	vsel vm0, v2, v52;
	v56 =	vsel vm0, $0x1, v0  }
0x363: {  	v37 =	vand.u32 v2, v36;
	v2 =	vor.u32 v2, v36;
	v1 =	vadd.s32 v56, v1;
	v30 =	vld.idx.msk [tilespmem:v30+s2+$0x0], $0xffff  }
0x364: {  	v34 =	vld.idx.msk [tilespmem:v53+s11+$0x0], $0xffff;
	vm1 =	veq.s32 v37, $0x0;
	v31 =	vshll.u32 v32, $0x9;
	v32 =	vshll.u32 v32, $0x7  }
0x365: {  	v28 =	vor.u32 $0xC00, v3;
	v31 =	vand.u32 $0xFFFFF000, v31;
	v32 =	vand.u32 $0x380, v32  }
0x366: {  	v29 =	vsel vm1, $0x1, v0;
	v55 =	vor.u32 v28, v35;
	v31 =	vor.u32 v32, v31;
	v11 =	vld.idx.msk [tilespmem:v11+s2+$0x0], $0xffff  }
0x367: {  	v2 =	vsel vm1, v2, v37;
	v1 =	vadd.s32 v29, v1;
	v29 =	vld.idx.msk [tilespmem:v54+s11+$0x0], $0xffff;
	v31 =	vor.u32 v28, v31  }
0x368: {  	v57 =	vand.u32 v2, v30  }
0x369: {  	v59 =	vshll.u32 v34, $0x7;
	v2 =	vor.u32 v2, v30;
	vm13 =	veq.s32 v57, $0x0  }
0x36a: {  	s30 =	sadd.s32 $0x4, s4;
	v58 =	vshll.u32 v34, $0x9;
	v33 =	vand.u32 $0x380, v59;
	v2 =	vsel vm13, v2, v57  }
0x36b: {  	v30 =	vld.idx.msk [tilespmem:v55+s2+$0x0], $0xffff;
	v32 =	vand.u32 $0xFFFFF000, v58;
	v2 =	vand.u32 v2, v11;
	v11 =	vmov s30  }
0x36c: {  	v62 =	vshll.u32 v29, $0x9;
	v61 =	vld.idx.msk [tilespmem:v31+s2+$0x0], $0xffff;
	v31 =	vor.u32 v33, v32  }
0x36d: {  	v60 =	vsel vm13, $0x1, v0;
	vm14 =	veq.s32 v2, $0x0;
	v2 =	vor.u32 v28, v31  }
0x36e: {  	v29 =	vshll.u32 v29, $0x7;
	v1 =	vadd.s32 v60, v1;
	v31 =	vsel vm14, $0x1, v0  }
0x36f: {  	s31 =	sadd.s32 $0x5, s4;
	v29 =	vand.u32 $0x380, v29;
	v52 =	vadd.s32 v31, v1;
	v31 =	vand.u32 $0xFFFFF000, v62  }
0x370: {  	v32 =	vmov s31;
	v29 =	vor.u32 v29, v31;
	v31 =	vld.idx.msk [tilespmem:v11+s11+$0x0], $0xffff  }
0x371: {  	v63 =	vand.u32 v30, v61  }
0x372: {  	v29 =	vor.u32 v28, v29;
	v11 =	vor.u32 v30, v61;
	vm15 =	veq.s32 v63, $0x0;
	v2 =	vld.idx.msk [tilespmem:v2+s2+$0x0], $0xffff  }
0x373: {  	s16 =	simm.s32 $0x6;
	v53 =	vld [tilespmem:$0x10970];
	v1 =	vimm.s32 $0x0;
	v11 =	vsel vm15, v11, v63;
	v30 =	vsel vm15, $0x1, v0  }
.LBB2_50:
0x374: {  	p0 =	sne.s32 s16, $0x7F;
	v1 =	vadd.s32 v30, v1;
	s17 =	smov.u32 s16;
	s16 =	sadd.s32 $0x1, s16  }
.Ltmp24:
0x375: {  	v30 =	vshll.u32 v31, $0x9;
	v33 =	vshll.u32 v31, $0x7;
	s17 =	sadd.s32 s17, s4;
	v31 =	vld.idx.msk [tilespmem:v32+s11+$0x0], $0xffff;
	(pc) =	sbr.rel @p0 .LBB2_50-.Ltmp24, $4  }
0x376: {  	v30 =	vand.u32 $0xFFFFF000, v30;
	v33 =	vand.u32 $0x380, v33;
	v32 =	vmov s17  }
0x377: {  	v30 =	vor.u32 v33, v30;
	v33 =	vand.u32 v11, v2;
	v34 =	vmov v2;
	v2 =	vld.idx.msk [tilespmem:v29+s2+$0x0], $0xffff  }
0x378: {  	v29 =	vor.u32 v28, v30;
	vm0 =	veq.s32 v33, $0x0;
	v11 =	vor.u32 v11, v34  }
0x379: {  	v11 =	vsel vm0, v11, v33;
	v30 =	vsel vm0, $0x1, v0  }
0x37a: {  	_ =	sdelay $0x3  }
0x37b: {  	s16 =	sadd.s32 $0x1, s4;
	v32 =	vld.idx.msk [tilespmem:v32+s11+$0x0], $0xffff  }
0x37c: {  	v33 =	vmov s16  }
0x37d: {  	v34 =	vshll.u32 v31, $0x9;
	v31 =	vshll.u32 v31, $0x7  }
0x37e: {  	v34 =	vand.u32 $0xFFFFF000, v34;
	v31 =	vand.u32 $0x380, v31  }
0x37f: {  	v31 =	vor.u32 v31, v34  }
0x380: {  	s28 =	sadd.s32 $0x2, s4;
	v37 =	vld.idx.msk [tilespmem:v29+s2+$0x0], $0xffff;
	v31 =	vor.u32 v28, v31;
	v36 =	vshll.u32 v32, $0x9;
	v32 =	vshll.u32 v32, $0x7  }
0x381: {  	v42 =	vmov s28;
	v33 =	vld.idx.msk [tilespmem:v33+s11+$0x0], $0xffff;
	v29 =	vand.u32 $0xFFFFF000, v36;
	v32 =	vand.u32 $0x380, v32  }
0x382: {  	v41 =	vand.u32 v11, v2;
	v2 =	vor.u32 v11, v2;
	v11 =	vor.u32 v32, v29  }
0x383: {  	s29 =	sadd.s32 $0x3, s4;
	vm0 =	veq.s32 v41, $0x0;
	v11 =	vor.u32 v28, v11  }
0x384: {  	v1 =	vadd.s32 v30, v1;
	v44 =	vmov s29;
	v2 =	vsel vm0, v2, v41  }
0x385: {  	v47 =	vsel vm0, $0x1, v0;
	v38 =	vand.u32 v2, v37;
	v2 =	vor.u32 v2, v37;
	v31 =	vld.idx.msk [tilespmem:v31+s2+$0x0], $0xffff  }
0x386: {  	v1 =	vadd.s32 v47, v1;
	v36 =	vld.idx.msk [tilespmem:v42+s11+$0x0], $0xffff;
	v43 =	vshll.u32 v33, $0x9;
	v33 =	vshll.u32 v33, $0x7  }
0x387: {  	v29 =	vor.u32 $0xC10, v3;
	v32 =	vand.u32 $0xFFFFF000, v43;
	v33 =	vand.u32 $0x380, v33  }
0x388: {  	vm1 =	veq.s32 v38, $0x0;
	v45 =	vor.u32 v29, v35;
	v32 =	vor.u32 v33, v32;
	v11 =	vld.idx.msk [tilespmem:v11+s2+$0x0], $0xffff  }
0x389: {  	v2 =	vsel vm1, v2, v38;
	v30 =	vsel vm1, $0x1, v0;
	v32 =	vor.u32 v29, v32  }
0x38a: {  	v1 =	vadd.s32 v30, v1;
	v54 =	vand.u32 v2, v31  }
0x38b: {  	v30 =	vld.idx.msk [tilespmem:v44+s11+$0x0], $0xffff;
	v56 =	vshll.u32 v36, $0x7;
	v2 =	vor.u32 v2, v31;
	vm13 =	veq.s32 v54, $0x0  }
0x38c: {  	s30 =	sadd.s32 $0x4, s4;
	v55 =	vshll.u32 v36, $0x9;
	v34 =	vand.u32 $0x380, v56;
	v2 =	vsel vm13, v2, v54  }
0x38d: {  	v31 =	vld.idx.msk [tilespmem:v45+s2+$0x0], $0xffff;
	v33 =	vand.u32 $0xFFFFF000, v55;
	v2 =	vand.u32 v2, v11;
	v11 =	vmov s30  }
0x38e: {  	v59 =	vor.u32 v34, v33;
	v58 =	vld.idx.msk [tilespmem:v32+s2+$0x0], $0xffff  }
0x38f: {  	vm14 =	veq.s32 v2, $0x0;
	v2 =	vor.u32 v29, v59  }
0x390: {  	v61 =	vshll.u32 v30, $0x9;
	v30 =	vshll.u32 v30, $0x7  }
0x391: {  	s31 =	sadd.s32 $0x5, s4;
	v62 =	vand.u32 $0xFFFFF000, v61;
	v30 =	vand.u32 $0x380, v30;
	v57 =	vsel vm13, $0x1, v0  }
0x392: {  	v33 =	vmov s31;
	v30 =	vor.u32 v30, v62;
	v1 =	vadd.s32 v57, v1;
	v32 =	vld.idx.msk [tilespmem:v11+s11+$0x0], $0xffff  }
0x393: {  	v30 =	vor.u32 v29, v30;
	v60 =	vsel vm14, $0x1, v0;
	v63 =	vand.u32 v31, v58  }
0x394: {  	v54 =	vadd.s32 v60, v1;
	v11 =	vor.u32 v31, v58;
	v2 =	vld.idx.msk [tilespmem:v2+s2+$0x0], $0xffff;
	vm15 =	veq.s32 v63, $0x0  }
0x395: {  	s16 =	simm.s32 $0x6;
	v55 =	vld [tilespmem:$0x10980];
	v1 =	vimm.s32 $0x0;
	v11 =	vsel vm15, v11, v63;
	v31 =	vsel vm15, $0x1, v0  }
.LBB2_52:
0x396: {  	p0 =	sne.s32 s16, $0x7F;
	v1 =	vadd.s32 v31, v1;
	s17 =	smov.u32 s16;
	s16 =	sadd.s32 $0x1, s16  }
.Ltmp25:
0x397: {  	v31 =	vshll.u32 v32, $0x9;
	v34 =	vshll.u32 v32, $0x7;
	s17 =	sadd.s32 s17, s4;
	v32 =	vld.idx.msk [tilespmem:v33+s11+$0x0], $0xffff;
	(pc) =	sbr.rel @p0 .LBB2_52-.Ltmp25, $4  }
0x398: {  	v31 =	vand.u32 $0xFFFFF000, v31;
	v34 =	vand.u32 $0x380, v34;
	v33 =	vmov s17  }
0x399: {  	v31 =	vor.u32 v34, v31;
	v34 =	vand.u32 v11, v2;
	v36 =	vmov v2;
	v2 =	vld.idx.msk [tilespmem:v30+s2+$0x0], $0xffff  }
0x39a: {  	v30 =	vor.u32 v29, v31;
	vm0 =	veq.s32 v34, $0x0;
	v11 =	vor.u32 v11, v36  }
0x39b: {  	v11 =	vsel vm0, v11, v34;
	v31 =	vsel vm0, $0x1, v0  }
0x39c: {  	_ =	sdelay $0x3  }
0x39d: {  	s16 =	sadd.s32 $0x1, s4;
	v33 =	vld.idx.msk [tilespmem:v33+s11+$0x0], $0xffff  }
0x39e: {  	v34 =	vmov s16  }
0x39f: {  	v36 =	vshll.u32 v32, $0x9;
	v58 =	vshll.u32 v32, $0x7  }
0x3a0: {  	v36 =	vand.u32 $0xFFFFF000, v36;
	v32 =	vand.u32 $0x380, v58  }
0x3a1: {  	v32 =	vor.u32 v32, v36  }
0x3a2: {  	s28 =	sadd.s32 $0x2, s4;
	v38 =	vld.idx.msk [tilespmem:v30+s2+$0x0], $0xffff;
	v32 =	vor.u32 v29, v32;
	v37 =	vshll.u32 v33, $0x9;
	v33 =	vshll.u32 v33, $0x7  }
0x3a3: {  	v60 =	vmov s28;
	v34 =	vld.idx.msk [tilespmem:v34+s11+$0x0], $0xffff;
	v30 =	vand.u32 $0xFFFFF000, v37;
	v33 =	vand.u32 $0x380, v33  }
0x3a4: {  	v59 =	vand.u32 v11, v2;
	v2 =	vor.u32 v11, v2;
	v11 =	vor.u32 v33, v30  }
0x3a5: {  	s29 =	sadd.s32 $0x3, s4;
	vm0 =	veq.s32 v59, $0x0;
	v11 =	vor.u32 v29, v11  }
0x3a6: {  	v1 =	vadd.s32 v31, v1;
	v62 =	vmov s29;
	v2 =	vsel vm0, v2, v59  }
0x3a7: {  	v40 =	vsel vm0, $0x1, v0;
	v39 =	vand.u32 v2, v38;
	v2 =	vor.u32 v2, v38;
	v32 =	vld.idx.msk [tilespmem:v32+s2+$0x0], $0xffff  }
0x3a8: {  	v1 =	vadd.s32 v40, v1;
	v37 =	vld.idx.msk [tilespmem:v60+s11+$0x0], $0xffff;
	v61 =	vshll.u32 v34, $0x9;
	v34 =	vshll.u32 v34, $0x7  }
0x3a9: {  	v30 =	vor.u32 $0xC20, v3;
	v33 =	vand.u32 $0xFFFFF000, v61;
	v34 =	vand.u32 $0x380, v34  }
0x3aa: {  	vm1 =	veq.s32 v39, $0x0;
	v63 =	vor.u32 v30, v35;
	v33 =	vor.u32 v34, v33;
	v11 =	vld.idx.msk [tilespmem:v11+s2+$0x0], $0xffff  }
0x3ab: {  	v2 =	vsel vm1, v2, v39;
	v31 =	vsel vm1, $0x1, v0;
	v33 =	vor.u32 v30, v33  }
0x3ac: {  	v1 =	vadd.s32 v31, v1;
	v41 =	vand.u32 v2, v32  }
0x3ad: {  	v31 =	vld.idx.msk [tilespmem:v62+s11+$0x0], $0xffff;
	v44 =	vshll.u32 v37, $0x7;
	v2 =	vor.u32 v2, v32;
	vm13 =	veq.s32 v41, $0x0  }
0x3ae: {  	s30 =	sadd.s32 $0x4, s4;
	v43 =	vshll.u32 v37, $0x9;
	v36 =	vand.u32 $0x380, v44;
	v2 =	vsel vm13, v2, v41  }
0x3af: {  	v42 =	vld.idx.msk [tilespmem:v63+s2+$0x0], $0xffff;
	v34 =	vand.u32 $0xFFFFF000, v43;
	v2 =	vand.u32 v2, v11;
	v11 =	vmov s30  }
0x3b0: {  	v59 =	vor.u32 v36, v34;
	v47 =	vld.idx.msk [tilespmem:v33+s2+$0x0], $0xffff  }
0x3b1: {  	vm14 =	veq.s32 v2, $0x0;
	v2 =	vor.u32 v30, v59  }
0x3b2: {  	v61 =	vshll.u32 v31, $0x9;
	v31 =	vshll.u32 v31, $0x7  }
0x3b3: {  	s31 =	sadd.s32 $0x5, s4;
	v62 =	vand.u32 $0xFFFFF000, v61;
	v31 =	vand.u32 $0x380, v31;
	v45 =	vsel vm13, $0x1, v0  }
0x3b4: {  	v34 =	vmov s31;
	v31 =	vor.u32 v31, v62;
	v1 =	vadd.s32 v45, v1;
	v33 =	vld.idx.msk [tilespmem:v11+s11+$0x0], $0xffff  }
0x3b5: {  	v31 =	vor.u32 v30, v31;
	v60 =	vsel vm14, $0x1, v0;
	v63 =	vand.u32 v42, v47  }
0x3b6: {  	v56 =	vadd.s32 v60, v1;
	v11 =	vor.u32 v42, v47;
	v2 =	vld.idx.msk [tilespmem:v2+s2+$0x0], $0xffff;
	vm15 =	veq.s32 v63, $0x0  }
0x3b7: {  	v57 =	vld [tilespmem:$0x10990];
	s16 =	simm.s32 $0x6;
	v1 =	vimm.s32 $0x0;
	v11 =	vsel vm15, v11, v63;
	v32 =	vsel vm15, $0x1, v0  }
.LBB2_54:
0x3b8: {  	p0 =	sne.s32 s16, $0x7F;
	v1 =	vadd.s32 v32, v1;
	s17 =	smov.u32 s16;
	s16 =	sadd.s32 $0x1, s16  }
.Ltmp26:
0x3b9: {  	v32 =	vshll.u32 v33, $0x9;
	v36 =	vshll.u32 v33, $0x7;
	s17 =	sadd.s32 s17, s4;
	v33 =	vld.idx.msk [tilespmem:v34+s11+$0x0], $0xffff;
	(pc) =	sbr.rel @p0 .LBB2_54-.Ltmp26, $4  }
0x3ba: {  	v32 =	vand.u32 $0xFFFFF000, v32;
	v36 =	vand.u32 $0x380, v36;
	v34 =	vmov s17  }
0x3bb: {  	v32 =	vor.u32 v36, v32;
	v36 =	vand.u32 v11, v2;
	v37 =	vmov v2;
	v2 =	vld.idx.msk [tilespmem:v31+s2+$0x0], $0xffff  }
0x3bc: {  	v31 =	vor.u32 v30, v32;
	vm0 =	veq.s32 v36, $0x0;
	v11 =	vor.u32 v11, v37  }
0x3bd: {  	v11 =	vsel vm0, v11, v36;
	v32 =	vsel vm0, $0x1, v0  }
0x3be: {  	_ =	sdelay $0x3  }
0x3bf: {  	s16 =	sadd.s32 $0x1, s4;
	v34 =	vld.idx.msk [tilespmem:v34+s11+$0x0], $0xffff  }
0x3c0: {  	v36 =	vmov s16  }
0x3c1: {  	v37 =	vshll.u32 v33, $0x9;
	v43 =	vshll.u32 v33, $0x7  }
0x3c2: {  	v37 =	vand.u32 $0xFFFFF000, v37;
	v33 =	vand.u32 $0x380, v43  }
0x3c3: {  	v33 =	vor.u32 v33, v37  }
0x3c4: {  	s28 =	sadd.s32 $0x2, s4;
	v39 =	vld.idx.msk [tilespmem:v31+s2+$0x0], $0xffff;
	v33 =	vor.u32 v30, v33;
	v38 =	vshll.u32 v34, $0x9;
	v34 =	vshll.u32 v34, $0x7  }
0x3c5: {  	v45 =	vmov s28;
	v36 =	vld.idx.msk [tilespmem:v36+s11+$0x0], $0xffff;
	v31 =	vand.u32 $0xFFFFF000, v38;
	v34 =	vand.u32 $0x380, v34  }
0x3c6: {  	v44 =	vand.u32 v11, v2;
	v2 =	vor.u32 v11, v2;
	v11 =	vor.u32 v34, v31  }
0x3c7: {  	vm0 =	veq.s32 v44, $0x0;
	v11 =	vor.u32 v30, v11  }
0x3c8: {  	s29 =	sadd.s32 $0x3, s4;
	v2 =	vsel vm0, v2, v44  }
0x3c9: {  	v58 =	vmov s29;
	v40 =	vand.u32 v2, v39;
	v33 =	vld.idx.msk [tilespmem:v33+s2+$0x0], $0xffff  }
0x3ca: {  	v2 =	vor.u32 v2, v39;
	v38 =	vld.idx.msk [tilespmem:v45+s11+$0x0], $0xffff;
	v47 =	vshll.u32 v36, $0x9;
	v36 =	vshll.u32 v36, $0x7  }
0x3cb: {  	v31 =	vor.u32 $0xC30, v3;
	v34 =	vand.u32 $0xFFFFF000, v47;
	v36 =	vand.u32 $0x380, v36  }
0x3cc: {  	vm1 =	veq.s32 v40, $0x0;
	v59 =	vor.u32 v31, v35;
	v34 =	vor.u32 v36, v34;
	v11 =	vld.idx.msk [tilespmem:v11+s2+$0x0], $0xffff  }
0x3cd: {  	v2 =	vsel vm1, v2, v40;
	v34 =	vor.u32 v31, v34  }
0x3ce: {  	v1 =	vadd.s32 v32, v1;
	v60 =	vsel vm0, $0x1, v0;
	v62 =	vand.u32 v2, v33  }
0x3cf: {  	v63 =	vld.idx.msk [tilespmem:v58+s11+$0x0], $0xffff;
	v44 =	vshll.u32 v38, $0x7;
	v2 =	vor.u32 v2, v33;
	vm13 =	veq.s32 v62, $0x0  }
0x3d0: {  	s30 =	sadd.s32 $0x4, s4;
	v43 =	vshll.u32 v38, $0x9;
	v37 =	vand.u32 $0x380, v44;
	v2 =	vsel vm13, v2, v62  }
0x3d1: {  	v42 =	vld.idx.msk [tilespmem:v59+s2+$0x0], $0xffff;
	v36 =	vand.u32 $0xFFFFF000, v43;
	v2 =	vand.u32 v2, v11;
	v11 =	vmov s30  }
0x3d2: {  	v1 =	vadd.s32 v60, v1;
	v59 =	vor.u32 v37, v36;
	v47 =	vld.idx.msk [tilespmem:v34+s2+$0x0], $0xffff  }
0x3d3: {  	v61 =	vsel vm1, $0x1, v0;
	vm14 =	veq.s32 v2, $0x0;
	v2 =	vor.u32 v31, v59  }
0x3d4: {  	v1 =	vadd.s32 v61, v1;
	v61 =	vshll.u32 v63, $0x9;
	v32 =	vshll.u32 v63, $0x7  }
0x3d5: {  	s31 =	sadd.s32 $0x5, s4;
	v32 =	vand.u32 $0x380, v32;
	v45 =	vsel vm13, $0x1, v0;
	v62 =	vand.u32 $0xFFFFF000, v61  }
0x3d6: {  	v36 =	vmov s31;
	v1 =	vadd.s32 v45, v1;
	v32 =	vor.u32 v32, v62;
	v34 =	vld.idx.msk [tilespmem:v11+s11+$0x0], $0xffff  }
0x3d7: {  	v32 =	vor.u32 v31, v32;
	v60 =	vsel vm14, $0x1, v0;
	v63 =	vand.u32 v42, v47  }
0x3d8: {  	v58 =	vadd.s32 v60, v1;
	v11 =	vor.u32 v42, v47;
	v2 =	vld.idx.msk [tilespmem:v2+s2+$0x0], $0xffff;
	vm15 =	veq.s32 v63, $0x0  }
0x3d9: {  	s16 =	simm.s32 $0x6;
	v59 =	vld [tilespmem:$0x109A0];
	v1 =	vimm.s32 $0x0;
	v11 =	vsel vm15, v11, v63;
	v33 =	vsel vm15, $0x1, v0  }
.LBB2_56:
0x3da: {  	p0 =	sne.s32 s16, $0x7F;
	v1 =	vadd.s32 v33, v1;
	s17 =	smov.u32 s16;
	s16 =	sadd.s32 $0x1, s16  }
.Ltmp27:
0x3db: {  	v33 =	vshll.u32 v34, $0x9;
	v37 =	vshll.u32 v34, $0x7;
	s17 =	sadd.s32 s17, s4;
	v34 =	vld.idx.msk [tilespmem:v36+s11+$0x0], $0xffff;
	(pc) =	sbr.rel @p0 .LBB2_56-.Ltmp27, $4  }
0x3dc: {  	v33 =	vand.u32 $0xFFFFF000, v33;
	v37 =	vand.u32 $0x380, v37;
	v36 =	vmov s17  }
0x3dd: {  	v33 =	vor.u32 v37, v33;
	v37 =	vand.u32 v11, v2;
	v38 =	vmov v2;
	v2 =	vld.idx.msk [tilespmem:v32+s2+$0x0], $0xffff  }
0x3de: {  	v32 =	vor.u32 v31, v33;
	vm0 =	veq.s32 v37, $0x0;
	v11 =	vor.u32 v11, v38  }
0x3df: {  	v11 =	vsel vm0, v11, v37;
	v33 =	vsel vm0, $0x1, v0  }
0x3e0: {  	_ =	sdelay $0x3  }
0x3e1: {  	s16 =	sadd.s32 $0x1, s4;
	v36 =	vld.idx.msk [tilespmem:v36+s11+$0x0], $0xffff  }
0x3e2: {  	v37 =	vmov s16  }
0x3e3: {  	v38 =	vshll.u32 v34, $0x9;
	v44 =	vshll.u32 v34, $0x7  }
0x3e4: {  	v38 =	vand.u32 $0xFFFFF000, v38;
	v34 =	vand.u32 $0x380, v44  }
0x3e5: {  	v34 =	vor.u32 v34, v38  }
0x3e6: {  	s28 =	sadd.s32 $0x2, s4;
	v34 =	vor.u32 v31, v34;
	v39 =	vshll.u32 v36, $0x9;
	v36 =	vshll.u32 v36, $0x7  }
0x3e7: {  	v60 =	vmov s28;
	v37 =	vld.idx.msk [tilespmem:v37+s11+$0x0], $0xffff;
	v47 =	vand.u32 $0xFFFFF000, v39;
	v36 =	vand.u32 $0x380, v36  }
0x3e8: {  	v40 =	vld.idx.msk [tilespmem:v32+s2+$0x0], $0xffff;
	v45 =	vand.u32 v11, v2;
	v2 =	vor.u32 v11, v2;
	v11 =	vor.u32 v36, v47  }
0x3e9: {  	v11 =	vor.u32 v31, v11  }
0x3ea: {  	v32 =	vor.u32 $0xC40, v3;
	s29 =	sadd.s32 $0x3, s4  }
0x3eb: {  	v62 =	vmov s29;
	v63 =	vor.u32 v32, v35;
	vm0 =	veq.s32 v45, $0x0;
	v34 =	vld.idx.msk [tilespmem:v34+s2+$0x0], $0xffff  }
0x3ec: {  	v2 =	vsel vm0, v2, v45;
	v39 =	vld.idx.msk [tilespmem:v60+s11+$0x0], $0xffff;
	v61 =	vshll.u32 v37, $0x9;
	v37 =	vshll.u32 v37, $0x7  }
0x3ed: {  	v41 =	vand.u32 v2, v40;
	v36 =	vand.u32 $0xFFFFF000, v61;
	v37 =	vand.u32 $0x380, v37  }
0x3ee: {  	v2 =	vor.u32 v2, v40;
	vm1 =	veq.s32 v41, $0x0;
	v36 =	vor.u32 v37, v36;
	v11 =	vld.idx.msk [tilespmem:v11+s2+$0x0], $0xffff  }
0x3ef: {  	v2 =	vsel vm1, v2, v41;
	v36 =	vor.u32 v32, v36  }
0x3f0: {  	v1 =	vadd.s32 v33, v1;
	v44 =	vsel vm0, $0x1, v0;
	v47 =	vand.u32 v2, v34  }
0x3f1: {  	v60 =	vld.idx.msk [tilespmem:v62+s11+$0x0], $0xffff;
	v62 =	vshll.u32 v39, $0x7;
	v2 =	vor.u32 v2, v34;
	vm13 =	veq.s32 v47, $0x0  }
0x3f2: {  	s30 =	sadd.s32 $0x4, s4;
	v61 =	vshll.u32 v39, $0x9;
	v38 =	vand.u32 $0x380, v62;
	v2 =	vsel vm13, v2, v47  }
0x3f3: {  	v34 =	vld.idx.msk [tilespmem:v63+s2+$0x0], $0xffff;
	v37 =	vand.u32 $0xFFFFF000, v61;
	v2 =	vand.u32 v2, v11;
	v11 =	vmov s30  }
0x3f4: {  	v1 =	vadd.s32 v44, v1;
	v43 =	vor.u32 v38, v37;
	v40 =	vld.idx.msk [tilespmem:v36+s2+$0x0], $0xffff  }
0x3f5: {  	v45 =	vsel vm1, $0x1, v0;
	vm14 =	veq.s32 v2, $0x0;
	v2 =	vor.u32 v32, v43  }
0x3f6: {  	v1 =	vadd.s32 v45, v1;
	v45 =	vshll.u32 v60, $0x9;
	v33 =	vshll.u32 v60, $0x7  }
0x3f7: {  	s31 =	sadd.s32 $0x5, s4;
	v33 =	vand.u32 $0x380, v33;
	v63 =	vsel vm13, $0x1, v0;
	v47 =	vand.u32 $0xFFFFF000, v45  }
0x3f8: {  	v37 =	vmov s31;
	v1 =	vadd.s32 v63, v1;
	v33 =	vor.u32 v33, v47;
	v36 =	vld.idx.msk [tilespmem:v11+s11+$0x0], $0xffff  }
0x3f9: {  	v33 =	vor.u32 v32, v33;
	v44 =	vsel vm14, $0x1, v0;
	v63 =	vand.u32 v34, v40  }
0x3fa: {  	v60 =	vadd.s32 v44, v1;
	v11 =	vor.u32 v34, v40;
	v2 =	vld.idx.msk [tilespmem:v2+s2+$0x0], $0xffff;
	vm15 =	veq.s32 v63, $0x0  }
0x3fb: {  	s16 =	simm.s32 $0x6;
	v61 =	vld [tilespmem:$0x109B0];
	v1 =	vimm.s32 $0x0;
	v11 =	vsel vm15, v11, v63;
	v34 =	vsel vm15, $0x1, v0  }
.LBB2_58:
0x3fc: {  	p0 =	sne.s32 s16, $0x7F;
	v1 =	vadd.s32 v34, v1;
	s17 =	smov.u32 s16;
	s16 =	sadd.s32 $0x1, s16  }
.Ltmp28:
0x3fd: {  	v34 =	vshll.u32 v36, $0x9;
	v38 =	vshll.u32 v36, $0x7;
	s17 =	sadd.s32 s17, s4;
	v36 =	vld.idx.msk [tilespmem:v37+s11+$0x0], $0xffff;
	(pc) =	sbr.rel @p0 .LBB2_58-.Ltmp28, $4  }
0x3fe: {  	v34 =	vand.u32 $0xFFFFF000, v34;
	v38 =	vand.u32 $0x380, v38;
	v37 =	vmov s17  }
0x3ff: {  	v34 =	vor.u32 v38, v34;
	v38 =	vand.u32 v11, v2;
	v39 =	vmov v2;
	v2 =	vld.idx.msk [tilespmem:v33+s2+$0x0], $0xffff  }
0x400: {  	v33 =	vor.u32 v32, v34;
	vm0 =	veq.s32 v38, $0x0;
	v11 =	vor.u32 v11, v39  }
0x401: {  	v11 =	vsel vm0, v11, v38;
	v34 =	vsel vm0, $0x1, v0  }
0x402: {  	_ =	sdelay $0x3  }
0x403: {  	s16 =	sadd.s32 $0x1, s4;
	v37 =	vld.idx.msk [tilespmem:v37+s11+$0x0], $0xffff  }
0x404: {  	v38 =	vmov s16  }
0x405: {  	v39 =	vshll.u32 v36, $0x9;
	v45 =	vshll.u32 v36, $0x7  }
0x406: {  	v39 =	vand.u32 $0xFFFFF000, v39;
	v36 =	vand.u32 $0x380, v45  }
0x407: {  	v36 =	vor.u32 v36, v39  }
0x408: {  	s28 =	sadd.s32 $0x2, s4;
	v36 =	vor.u32 v32, v36;
	v40 =	vshll.u32 v37, $0x9;
	v37 =	vshll.u32 v37, $0x7  }
0x409: {  	v63 =	vmov s28;
	v38 =	vld.idx.msk [tilespmem:v38+s11+$0x0], $0xffff;
	v62 =	vand.u32 $0xFFFFF000, v40;
	v37 =	vand.u32 $0x380, v37  }
0x40a: {  	v41 =	vld.idx.msk [tilespmem:v33+s2+$0x0], $0xffff;
	v47 =	vand.u32 v11, v2;
	v2 =	vor.u32 v11, v2;
	v11 =	vor.u32 v37, v62  }
0x40b: {  	v11 =	vor.u32 v32, v11  }
0x40c: {  	v33 =	vor.u32 $0xC50, v3;
	s29 =	sadd.s32 $0x3, s4;
	vm0 =	veq.s32 v47, $0x0  }
0x40d: {  	v1 =	vadd.s32 v34, v1;
	v45 =	vmov s29;
	v2 =	vsel vm0, v2, v47;
	v36 =	vld.idx.msk [tilespmem:v36+s2+$0x0], $0xffff  }
0x40e: {  	v47 =	vor.u32 v33, v35;
	v40 =	vld.idx.msk [tilespmem:v63+s11+$0x0], $0xffff;
	v44 =	vshll.u32 v38, $0x9;
	v38 =	vshll.u32 v38, $0x7  }
0x40f: {  	v42 =	vand.u32 v2, v41;
	v37 =	vand.u32 $0xFFFFF000, v44;
	v38 =	vand.u32 $0x380, v38  }
0x410: {  	v2 =	vor.u32 v2, v41;
	vm1 =	veq.s32 v42, $0x0;
	v37 =	vor.u32 v38, v37;
	v11 =	vld.idx.msk [tilespmem:v11+s2+$0x0], $0xffff  }
0x411: {  	v62 =	vsel vm0, $0x1, v0;
	v2 =	vsel vm1, v2, v42;
	v37 =	vor.u32 v33, v37  }
0x412: {  	v1 =	vadd.s32 v62, v1;
	v44 =	vand.u32 v2, v36  }
0x413: {  	v45 =	vld.idx.msk [tilespmem:v45+s11+$0x0], $0xffff;
	v62 =	vshll.u32 v40, $0x7;
	v2 =	vor.u32 v2, v36;
	vm13 =	veq.s32 v44, $0x0  }
0x414: {  	s30 =	sadd.s32 $0x4, s4;
	v39 =	vand.u32 $0x380, v62;
	v36 =	vld.idx.msk [tilespmem:v47+s2+$0x0], $0xffff;
	v47 =	vshll.u32 v40, $0x9;
	v2 =	vsel vm13, v2, v44  }
0x415: {  	v38 =	vand.u32 $0xFFFFF000, v47;
	v2 =	vand.u32 v2, v11;
	v11 =	vmov s30  }
0x416: {  	v42 =	vor.u32 v39, v38;
	v41 =	vld.idx.msk [tilespmem:v37+s2+$0x0], $0xffff  }
0x417: {  	v63 =	vsel vm1, $0x1, v0;
	vm14 =	veq.s32 v2, $0x0;
	v2 =	vor.u32 v33, v42  }
0x418: {  	v1 =	vadd.s32 v63, v1;
	v34 =	vshll.u32 v45, $0x7;
	v44 =	vshll.u32 v45, $0x9  }
0x419: {  	s31 =	sadd.s32 $0x5, s4;
	v34 =	vand.u32 $0x380, v34;
	v63 =	vsel vm13, $0x1, v0;
	v45 =	vand.u32 $0xFFFFF000, v44  }
0x41a: {  	v38 =	vmov s31;
	v1 =	vadd.s32 v63, v1;
	v34 =	vor.u32 v34, v45;
	v37 =	vld.idx.msk [tilespmem:v11+s11+$0x0], $0xffff  }
0x41b: {  	v34 =	vor.u32 v33, v34;
	v43 =	vsel vm14, $0x1, v0;
	v47 =	vand.u32 v36, v41  }
0x41c: {  	v62 =	vadd.s32 v43, v1;
	v11 =	vor.u32 v36, v41;
	v2 =	vld.idx.msk [tilespmem:v2+s2+$0x0], $0xffff;
	vm15 =	veq.s32 v47, $0x0  }
0x41d: {  	s16 =	simm.s32 $0x6;
	v63 =	vld [tilespmem:$0x109C0];
	v1 =	vimm.s32 $0x0;
	v11 =	vsel vm15, v11, v47;
	v36 =	vsel vm15, $0x1, v0  }
.LBB2_60:
0x41e: {  	p0 =	sne.s32 s16, $0x7F;
	v1 =	vadd.s32 v36, v1;
	s17 =	smov.u32 s16;
	s16 =	sadd.s32 $0x1, s16  }
.Ltmp29:
0x41f: {  	v36 =	vshll.u32 v37, $0x9;
	v39 =	vshll.u32 v37, $0x7;
	s17 =	sadd.s32 s17, s4;
	v37 =	vld.idx.msk [tilespmem:v38+s11+$0x0], $0xffff;
	(pc) =	sbr.rel @p0 .LBB2_60-.Ltmp29, $4  }
0x420: {  	v36 =	vand.u32 $0xFFFFF000, v36;
	v39 =	vand.u32 $0x380, v39;
	v38 =	vmov s17  }
0x421: {  	v36 =	vor.u32 v39, v36;
	v39 =	vand.u32 v11, v2;
	v40 =	vmov v2;
	v2 =	vld.idx.msk [tilespmem:v34+s2+$0x0], $0xffff  }
0x422: {  	v34 =	vor.u32 v33, v36;
	vm0 =	veq.s32 v39, $0x0;
	v11 =	vor.u32 v11, v40  }
0x423: {  	v11 =	vsel vm0, v11, v39;
	v36 =	vsel vm0, $0x1, v0  }
0x424: {  	_ =	sdelay $0x3  }
0x425: {  	s16 =	sadd.s32 $0x1, s4;
	v38 =	vld.idx.msk [tilespmem:v38+s11+$0x0], $0xffff  }
0x426: {  	v39 =	vmov s16  }
0x427: {  	v40 =	vshll.u32 v37, $0x9;
	v44 =	vshll.u32 v37, $0x7  }
0x428: {  	v40 =	vand.u32 $0xFFFFF000, v40;
	v37 =	vand.u32 $0x380, v44  }
0x429: {  	v37 =	vor.u32 v37, v40  }
0x42a: {  	s28 =	sadd.s32 $0x2, s4;
	v42 =	vld.idx.msk [tilespmem:v34+s2+$0x0], $0xffff;
	v37 =	vor.u32 v33, v37;
	v41 =	vshll.u32 v38, $0x9;
	v38 =	vshll.u32 v38, $0x7  }
0x42b: {  	v47 =	vmov s28;
	v39 =	vld.idx.msk [tilespmem:v39+s11+$0x0], $0xffff;
	v45 =	vand.u32 $0xFFFFF000, v41;
	v38 =	vand.u32 $0x380, v38  }
0x42c: {  	v40 =	vand.u32 v11, v2;
	v2 =	vor.u32 v11, v2;
	v11 =	vor.u32 v38, v45  }
0x42d: {  	vm0 =	veq.s32 v40, $0x0;
	v11 =	vor.u32 v33, v11  }
0x42e: {  	v34 =	vor.u32 $0xC60, v3;
	s29 =	sadd.s32 $0x3, s4;
	v1 =	vadd.s32 v36, v1;
	v2 =	vsel vm0, v2, v40  }
0x42f: {  	v40 =	vmov s29;
	v43 =	vand.u32 v2, v42;
	v2 =	vor.u32 v2, v42;
	v37 =	vld.idx.msk [tilespmem:v37+s2+$0x0], $0xffff  }
0x430: {  	v41 =	vld.idx.msk [tilespmem:v47+s11+$0x0], $0xffff;
	vm1 =	veq.s32 v43, $0x0;
	v44 =	vshll.u32 v39, $0x9;
	v39 =	vshll.u32 v39, $0x7  }
0x431: {  	v45 =	vsel vm0, $0x1, v0;
	v38 =	vand.u32 $0xFFFFF000, v44;
	v39 =	vand.u32 $0x380, v39  }
0x432: {  	v2 =	vsel vm1, v2, v43;
	v38 =	vor.u32 v39, v38;
	v39 =	vor.u32 v34, v35;
	v11 =	vld.idx.msk [tilespmem:v11+s2+$0x0], $0xffff  }
0x433: {  	v47 =	vsel vm1, $0x1, v0;
	v1 =	vadd.s32 v45, v1;
	v38 =	vor.u32 v34, v38  }
0x434: {  	v1 =	vadd.s32 v47, v1;
	v45 =	vand.u32 v2, v37  }
0x435: {  	v36 =	vld.idx.msk [tilespmem:v40+s11+$0x0], $0xffff;
	v44 =	vshll.u32 v41, $0x7;
	v2 =	vor.u32 v2, v37;
	vm13 =	veq.s32 v45, $0x0  }
0x436: {  	s30 =	sadd.s32 $0x4, s4;
	v47 =	vshll.u32 v41, $0x9;
	v40 =	vand.u32 $0x380, v44;
	v2 =	vsel vm13, v2, v45  }
0x437: {  	v37 =	vld.idx.msk [tilespmem:v39+s2+$0x0], $0xffff;
	v39 =	vand.u32 $0xFFFFF000, v47;
	v2 =	vand.u32 v2, v11;
	v11 =	vmov s30  }
0x438: {  	v38 =	vld.idx.msk [tilespmem:v38+s2+$0x0], $0xffff;
	v39 =	vor.u32 v40, v39  }
0x439: {  	s31 =	sadd.s32 $0x5, s4;
	v39 =	vor.u32 v34, v39  }
0x43a: {  	v41 =	vmov s31;
	v47 =	vshll.u32 v36, $0x9;
	v36 =	vshll.u32 v36, $0x7  }
0x43b: {  	v45 =	vsel vm13, $0x1, v0;
	v40 =	vand.u32 $0xFFFFF000, v47;
	v44 =	vand.u32 $0x380, v36  }
0x43c: {  	v1 =	vadd.s32 v45, v1;
	vm14 =	veq.s32 v2, $0x0;
	v45 =	vor.u32 v44, v40;
	v40 =	vld.idx.msk [tilespmem:v11+s11+$0x0], $0xffff  }
0x43d: {  	v36 =	vimm.s32 $0x0;
	v2 =	vsel vm14, $0x1, v0;
	v47 =	vand.u32 v37, v38  }
0x43e: {  	v37 =	vor.u32 v37, v38;
	vm15 =	veq.s32 v47, $0x0;
	v11 =	vld.idx.msk [tilespmem:v39+s2+$0x0], $0xffff;
	v39 =	vor.u32 v34, v45  }
0x43f: {  	s16 =	simm.s32 $0x6;
	v1 =	vadd.s32 v2, v1;
	v2 =	vld [tilespmem:$0x109D0];
	v37 =	vsel vm15, v37, v47;
	v38 =	vsel vm15, $0x1, v0  }
.LBB2_62:
0x440: {  	p0 =	sne.s32 s16, $0x7F;
	v36 =	vadd.s32 v38, v36;
	s17 =	smov.u32 s16;
	s16 =	sadd.s32 $0x1, s16  }
.Ltmp30:
0x441: {  	v38 =	vshll.u32 v40, $0x9;
	v42 =	vshll.u32 v40, $0x7;
	s17 =	sadd.s32 s17, s4;
	v40 =	vld.idx.msk [tilespmem:v41+s11+$0x0], $0xffff;
	(pc) =	sbr.rel @p0 .LBB2_62-.Ltmp30, $4  }
0x442: {  	v38 =	vand.u32 $0xFFFFF000, v38;
	v42 =	vand.u32 $0x380, v42;
	v41 =	vmov s17  }
0x443: {  	v38 =	vor.u32 v42, v38;
	v42 =	vand.u32 v37, v11;
	v43 =	vmov v11;
	v11 =	vld.idx.msk [tilespmem:v39+s2+$0x0], $0xffff  }
0x444: {  	v39 =	vor.u32 v34, v38;
	vm0 =	veq.s32 v42, $0x0;
	v37 =	vor.u32 v37, v43  }
0x445: {  	v37 =	vsel vm0, v37, v42;
	v38 =	vsel vm0, $0x1, v0  }
0x446: {  	_ =	sdelay $0x1  }
0x447: {  	s16 =	sadd.s32 $0x1, s4  }
0x448: {  	v42 =	vmov s16  }
0x449: {  	v41 =	vld.idx.msk [tilespmem:v41+s11+$0x0], $0xffff  }
0x44a: {  	v43 =	vshll.u32 v40, $0x9;
	v47 =	vshll.u32 v40, $0x7  }
0x44b: {  	v43 =	vand.u32 $0xFFFFF000, v43;
	v40 =	vand.u32 $0x380, v47  }
0x44c: {  	v40 =	vor.u32 v40, v43  }
0x44d: {  	v40 =	vor.u32 v34, v40;
	v42 =	vld.idx.msk [tilespmem:v42+s11+$0x0], $0xffff  }
0x44e: {  	s28 =	sadd.s32 $0x2, s4;
	v44 =	vshll.u32 v41, $0x9;
	v41 =	vshll.u32 v41, $0x7  }
0x44f: {  	v39 =	vld.idx.msk [tilespmem:v39+s2+$0x0], $0xffff;
	v45 =	vmov s28;
	v44 =	vand.u32 $0xFFFFF000, v44;
	v41 =	vand.u32 $0x380, v41  }
0x450: {  	v43 =	vand.u32 v37, v11;
	v44 =	vor.u32 v41, v44  }
0x451: {  	v11 =	vor.u32 v37, v11;
	vm0 =	veq.s32 v43, $0x0;
	v37 =	vor.u32 v34, v44  }
0x452: {  	v41 =	vsel vm0, v11, v43;
	v40 =	vld.idx.msk [tilespmem:v40+s2+$0x0], $0xffff;
	v43 =	vshll.u32 v42, $0x9;
	v42 =	vshll.u32 v42, $0x7  }
0x453: {  	s29 =	sadd.s32 $0x3, s4;
	v11 =	vor.u32 $0xC70, v3;
	v43 =	vand.u32 $0xFFFFF000, v43;
	v42 =	vand.u32 $0x380, v42  }
0x454: {  	v45 =	vld.idx.msk [tilespmem:v45+s11+$0x0], $0xffff;
	v44 =	vmov s29;
	v42 =	vor.u32 v42, v43;
	v43 =	vand.u32 v41, v39  }
0x455: {  	v35 =	vor.u32 v11, v35;
	v39 =	vor.u32 v41, v39;
	vm1 =	veq.s32 v43, $0x0  }
0x456: {  	v36 =	vadd.s32 v38, v36;
	v47 =	vsel vm0, $0x1, v0;
	v37 =	vld.idx.msk [tilespmem:v37+s2+$0x0], $0xffff;
	v38 =	vsel vm1, v39, v43  }
0x457: {  	v36 =	vadd.s32 v47, v36;
	v41 =	vor.u32 v11, v42;
	v47 =	vand.u32 v38, v40  }
0x458: {  	v39 =	vsel vm1, $0x1, v0;
	v38 =	vor.u32 v38, v40;
	vm13 =	veq.s32 v47, $0x0  }
0x459: {  	v36 =	vadd.s32 v39, v36;
	v39 =	vld.idx.msk [tilespmem:v44+s11+$0x0], $0xffff;
	v38 =	vsel vm13, v38, v47;
	v47 =	vshll.u32 v45, $0x9  }
0x45a: {  	s30 =	sadd.s32 $0x4, s4;
	v40 =	vld.idx.msk [tilespmem:v35+s2+$0x0], $0xffff;
	v45 =	vshll.u32 v45, $0x7;
	v35 =	vand.u32 $0xFFFFF000, v47  }
0x45b: {  	v42 =	vand.u32 $0x380, v45;
	v37 =	vand.u32 v38, v37;
	v38 =	vmov s30  }
0x45c: {  	v44 =	vld.idx.msk [tilespmem:v41+s2+$0x0], $0xffff;
	v35 =	vor.u32 v42, v35  }
0x45d: {  	v43 =	vsel vm13, $0x1, v0;
	vm14 =	veq.s32 v37, $0x0;
	v37 =	vor.u32 v11, v35  }
0x45e: {  	v36 =	vadd.s32 v43, v36;
	v47 =	vsel vm14, $0x1, v0  }
0x45f: {  	s31 =	sadd.s32 $0x5, s4;
	v45 =	vshll.u32 v39, $0x9;
	v39 =	vshll.u32 v39, $0x7;
	v35 =	vadd.s32 v47, v36  }
0x460: {  	v47 =	vand.u32 $0xFFFFF000, v45;
	v39 =	vand.u32 $0x380, v39;
	v42 =	vld.idx.msk [tilespmem:v38+s11+$0x0], $0xffff;
	v38 =	vmov s31  }
0x461: {  	v43 =	vor.u32 v39, v47;
	v45 =	vand.u32 v40, v44  }
0x462: {  	v40 =	vor.u32 v40, v44;
	vm15 =	veq.s32 v45, $0x0;
	v39 =	vld.idx.msk [tilespmem:v37+s2+$0x0], $0xffff;
	v37 =	vor.u32 v11, v43  }
0x463: {  	s16 =	simm.s32 $0x6;
	v41 =	vimm.s32 $0x0;
	v36 =	vld [tilespmem:$0x109E0];
	v40 =	vsel vm15, v40, v45;
	v43 =	vsel vm15, $0x1, v0  }
.LBB2_64:
0x464: {  	p0 =	sne.s32 s16, $0x7F;
	v41 =	vadd.s32 v43, v41;
	s17 =	smov.u32 s16;
	s16 =	sadd.s32 $0x1, s16  }
.Ltmp31:
0x465: {  	v43 =	vshll.u32 v42, $0x9;
	v44 =	vshll.u32 v42, $0x7;
	s17 =	sadd.s32 s17, s4;
	v42 =	vld.idx.msk [tilespmem:v38+s11+$0x0], $0xffff;
	(pc) =	sbr.rel @p0 .LBB2_64-.Ltmp31, $4  }
0x466: {  	v43 =	vand.u32 $0xFFFFF000, v43;
	v44 =	vand.u32 $0x380, v44;
	v38 =	vmov s17  }
0x467: {  	v43 =	vor.u32 v44, v43;
	v44 =	vand.u32 v40, v39;
	v45 =	vmov v39;
	v39 =	vld.idx.msk [tilespmem:v37+s2+$0x0], $0xffff  }
0x468: {  	v37 =	vor.u32 v11, v43;
	vm0 =	veq.s32 v44, $0x0;
	v40 =	vor.u32 v40, v45  }
0x469: {  	v40 =	vsel vm0, v40, v44;
	v43 =	vsel vm0, $0x1, v0  }
0x46a: {  	v44 =	vld [tilespmem:$0x1FFD0];
	_ =	sdelay $0x3  }
0x46b: {  	v45 =	vld [tilespmem:$0x1FFB0]  }
0x46c: {  	v44 =	vmul.u32 v46, v44;
	v46 =	vld [tilespmem:$0x1FFC0];
	_ =	sdelay $0x3  }
0x46d: {  	v47 =	vld [tilespmem:$0x1FFA0]  }
0x46e: {  	v45 =	vmul.u32 v45, v46;
	v46 =	vld [tilespmem:$0x1FF90];
	_ =	sdelay $0x3  }
0x46f: {  	v44 =	vadd.s32 v44, v45;
	v45 =	vld [tilespmem:$0x1FF70]  }
0x470: {  	v46 =	vmul.u32 v46, v47;
	v47 =	vld [tilespmem:$0x1FF80];
	_ =	sdelay $0x3  }
0x471: {  	v44 =	vadd.s32 v46, v44;
	v46 =	vld [tilespmem:$0x1FF50]  }
0x472: {  	v45 =	vmul.u32 v45, v47;
	v47 =	vld [tilespmem:$0x1FF60];
	_ =	sdelay $0x3  }
0x473: {  	v44 =	vadd.s32 v45, v44;
	v45 =	vld [tilespmem:$0x1FF30]  }
0x474: {  	v46 =	vmul.u32 v46, v47;
	v47 =	vld [tilespmem:$0x1FF40];
	_ =	sdelay $0x3  }
0x475: {  	v44 =	vadd.s32 v46, v44;
	v46 =	vld [tilespmem:$0x1FF10]  }
0x476: {  	v45 =	vmul.u32 v45, v47;
	v47 =	vld [tilespmem:$0x1FF20];
	_ =	sdelay $0x3  }
0x477: {  	v44 =	vadd.s32 v45, v44;
	v45 =	vld [tilespmem:$0x1FEF0]  }
0x478: {  	v46 =	vmul.u32 v46, v47;
	v47 =	vld [tilespmem:$0x1FF00];
	_ =	sdelay $0x4  }
0x479: {  	v45 =	vmul.u32 v45, v47  }
0x47a: {  	v44 =	vadd.s32 v46, v44  }
0x47b: {  	v41 =	vadd.s32 v43, v41;
	v43 =	vadd.s32 v45, v44;
	v44 =	vld [tilespmem:$0x1FED0]  }
0x47c: {  	v45 =	vld [tilespmem:$0x1FEE0];
	_ =	sdelay $0x3  }
0x47d: {  	v46 =	vld [tilespmem:$0x1FEB0]  }
0x47e: {  	v47 =	vld [tilespmem:$0x1FEC0];
	v44 =	vmul.u32 v44, v45  }
0x47f: {  	v45 =	vshll.u32 v42, $0x9;
	v42 =	vshll.u32 v42, $0x7  }
0x480: {  	v45 =	vand.u32 $0xFFFFF000, v45;
	v42 =	vand.u32 $0x380, v42;
	v43 =	vadd.s32 v44, v43;
	v44 =	vld [tilespmem:$0x1FE90]  }
0x481: {  	v42 =	vor.u32 v42, v45;
	v45 =	vld [tilespmem:$0x1FEA0];
	_ =	sdelay $0x1  }
0x482: {  	v46 =	vmul.u32 v46, v47;
	_ =	sdelay $0x1  }
0x483: {  	v43 =	vadd.s32 v46, v43;
	v46 =	vld [tilespmem:$0x1FE80]  }
0x484: {  	v44 =	vmul.u32 v44, v45;
	v45 =	vld [tilespmem:$0x1FE70];
	_ =	sdelay $0x4  }
0x485: {  	v45 =	vmul.u32 v45, v46  }
0x486: {  	v46 =	vand.u32 v40, v39;
	v39 =	vor.u32 v40, v39;
	v40 =	vadd.s32 v44, v43;
	v43 =	vld [tilespmem:$0x1FE50]  }
0x487: {  	v44 =	vld [tilespmem:$0x1FE60];
	_ =	sdelay $0x3  }
0x488: {  	v40 =	vadd.s32 v45, v40;
	v45 =	vld [tilespmem:$0x1FE40]  }
0x489: {  	v43 =	vmul.u32 v43, v44;
	v44 =	vld [tilespmem:$0x1FE30];
	_ =	sdelay $0x3  }
0x48a: {  	v38 =	vld.idx.msk [tilespmem:v38+s11+$0x0], $0xffff;
	vm0 =	veq.s32 v46, $0x0  }
0x48b: {  	v39 =	vsel vm0, v39, v46;
	v46 =	vld [tilespmem:$0x1FE00];
	v44 =	vmul.u32 v44, v45  }
0x48c: {  	v40 =	vadd.s32 v43, v40;
	v43 =	vld [tilespmem:$0x1FE10]  }
0x48d: {  	v45 =	vsel vm0, $0x1, v0;
	v40 =	vadd.s32 v44, v40;
	v44 =	vld [tilespmem:$0x1FE20]  }
0x48e: {  	v41 =	vadd.s32 v45, v41;
	v45 =	vld [tilespmem:$0x1FDF0];
	_ =	sdelay $0x1  }
0x48f: {  	v37 =	vld.idx.msk [tilespmem:v37+s2+$0x0], $0xffff;
	_ =	sdelay $0x1  }
0x490: {  	v43 =	vmul.u32 v43, v44;
	v44 =	vshll.u32 v38, $0x9;
	v38 =	vshll.u32 v38, $0x7  }
0x491: {  	v45 =	vmul.u32 v45, v46;
	v44 =	vand.u32 $0xFFFFF000, v44;
	v38 =	vand.u32 $0x380, v38  }
0x492: {  	v38 =	vor.u32 v38, v44;
	v40 =	vadd.s32 v43, v40;
	v44 =	vld [tilespmem:$0x1FDE0]  }
0x493: {  	v43 =	vand.u32 v39, v37;
	v37 =	vor.u32 v39, v37;
	v39 =	vadd.s32 v45, v40;
	v40 =	vld [tilespmem:$0x1FDD0];
	_ =	sdelay $0x3  }
0x494: {  	v45 =	vld [tilespmem:$0x1FDC0]  }
0x495: {  	v40 =	vmul.u32 v40, v44;
	v44 =	vld [tilespmem:$0x1FDB0];
	_ =	sdelay $0x3  }
0x496: {  	v47 =	vld [tilespmem:$0x1FDA0]  }
0x497: {  	v46 =	vld [tilespmem:$0x1FD90];
	vm12 =	veq.s32 v43, $0x0;
	v44 =	vmul.u32 v44, v45  }
0x498: {  	v37 =	vsel vm12, v37, v43;
	v43 =	vld [tilespmem:$0x1FD70];
	v39 =	vadd.s32 v40, v39  }
0x499: {  	v39 =	vadd.s32 v44, v39;
	v44 =	vld [tilespmem:$0x1FD80];
	_ =	sdelay $0x2  }
0x49a: {  	v40 =	vmul.u32 v46, v47  }
0x49b: {  	v42 =	vor.u32 v11, v42  }
0x49c: {  	v39 =	vadd.s32 v40, v39;
	v40 =	vld [tilespmem:$0x1FD50];
	v43 =	vmul.u32 v43, v44;
	v44 =	vsel vm12, $0x1, v0  }
0x49d: {  	v41 =	vadd.s32 v44, v41;
	v44 =	vld [tilespmem:$0x1FD60];
	_ =	sdelay $0x1  }
0x49e: {  	v38 =	vor.u32 v11, v38  }
0x49f: {  	v42 =	vld.idx.msk [tilespmem:v42+s2+$0x0], $0xffff;
	_ =	sdelay $0x1  }
0x4a0: {  	v40 =	vmul.u32 v40, v44  }
0x4a1: {  	v48 =	vmul.u32 v48, v49;
	v51 =	vmul.u32 v50, v51;
	v39 =	vadd.s32 v43, v39  }
0x4a2: {  	v53 =	vmul.u32 v52, v53;
	v1 =	vmul.u32 v1, v2;
	v38 =	vld.idx.msk [tilespmem:v38+s2+$0x0], $0xffff;
	v39 =	vadd.s32 v40, v39  }
0x4a3: {  	v49 =	vand.u32 v37, v42;
	v37 =	vor.u32 v37, v42;
	v39 =	vadd.s32 v48, v39  }
0x4a4: {  	vm13 =	veq.s32 v49, $0x0;
	v45 =	vmul.u32 v54, v55;
	v39 =	vadd.s32 v51, v39  }
0x4a5: {  	v37 =	vsel vm13, v37, v49;
	v46 =	vmul.u32 v56, v57;
	v39 =	vadd.s32 v53, v39  }
0x4a6: {  	v49 =	vld [tilespmem:$0x109F0];
	v47 =	vsel vm13, $0x1, v0;
	v48 =	vmul.u32 v58, v59;
	v39 =	vadd.s32 v45, v39  }
0x4a7: {  	v37 =	vand.u32 v37, v38;
	v51 =	vmul.u32 v60, v61;
	v50 =	vadd.s32 v46, v39  }
0x4a8: {  	vm14 =	veq.s32 v37, $0x0;
	v53 =	vmul.u32 v62, v63;
	v52 =	vadd.s32 v48, v50  }
0x4a9: {  	v2 =	vsel vm14, $0x1, v0;
	v41 =	vadd.s32 v47, v41;
	v37 =	vadd.s32 v51, v52  }
0x4aa: {  	v35 =	vmul.u32 v35, v36;
	v2 =	vadd.s32 v2, v41;
	v37 =	vadd.s32 v53, v37  }
0x4ab: {  	v2 =	vmul.u32 v2, v49;
	v1 =	vadd.s32 v1, v37  }
0x4ac: {  	v1 =	vadd.s32 v35, v1  }
0x4ad: {  	v1 =	vadd.s32 v2, v1  }
0x4ae: {  	s16 =	simm.s32 $0x1;
	[tilespmem:$0x10A00] =	vst v1  }
0x4af: {  	[hbm4b:s8+s2] =	stream.linear.scatter [tilespmem:s13], [sflag:$0x1], $0x80, $0x38;
	[tilespmem:$0x10A80] =	vst v63  }
0x4b0: {  	_ =	swait.ge [sflag:s16], $0x80  }
0x4b1: {  	v2 =	vld [tilespmem:$0x1FFF0];
	_ =	sdelay $0x3  }
0x4b2: {  	s17 =	sadd.s32 $0x1, s5  }
0x4b3: {  	v1 =	vmov s17  }
0x4b4: {  	[sflag:s16] =	ssyncset.done $0x0  }
0x4b5: {  	[sflag:s16] =	ssyncadd.s32 $0xFFFFFF80  }
0x4b6: {  	v2 =	vld.idx.msk [tilespmem:v2+s11+$0x0], $0xffff;
	_ =	sdelay $0x1  }
0x4b7: {  	s28 =	sadd.s32 $0x2, s5;
	v1 =	vld.idx.msk [tilespmem:v1+s11+$0x0], $0xffff  }
0x4b8: {  	v54 =	vmov s28;
	_ =	sdelay $0x1  }
0x4b9: {  	v55 =	vshll.u32 v2, $0x9;
	v2 =	vshll.u32 v2, $0x7  }
0x4ba: {  	v35 =	vand.u32 $0xFFFFF000, v55;
	v2 =	vand.u32 $0x380, v2  }
0x4bb: {  	s29 =	sadd.s32 $0x3, s5;
	v35 =	vor.u32 v2, v35;
	v2 =	vshll.u32 v1, $0x9;
	v1 =	vshll.u32 v1, $0x7  }
0x4bc: {  	v56 =	vmov s29;
	v36 =	vld.idx.msk [tilespmem:v54+s11+$0x0], $0xffff;
	v2 =	vand.u32 $0xFFFFF000, v2;
	v1 =	vand.u32 $0x380, v1  }
0x4bd: {  	v57 =	vor.u32 v3, v35;
	v1 =	vor.u32 v2, v1  }
0x4be: {  	v1 =	vor.u32 v3, v1;
	_ =	sdelay $0x2  }
0x4bf: {  	s30 =	sadd.s32 $0x4, s5;
	v59 =	vshll.u32 v36, $0x9;
	v36 =	vshll.u32 v36, $0x7;
	v2 =	vld.idx.msk [tilespmem:v56+s11+$0x0], $0xffff  }
0x4c0: {  	v61 =	vmov s30;
	v38 =	vand.u32 $0xFFFFF000, v59;
	v36 =	vand.u32 $0x380, v36;
	v58 =	vld.idx.msk [tilespmem:v57+s2+$0x0], $0xffff  }
0x4c1: {  	v60 =	vld.idx.msk [tilespmem:v1+s2+$0x0], $0xffff;
	v1 =	vor.u32 v38, v36  }
0x4c2: {  	v36 =	vor.u32 v3, v1;
	_ =	sdelay $0x1  }
0x4c3: {  	s31 =	sadd.s32 $0x5, s5;
	v1 =	vshll.u32 v2, $0x9;
	v2 =	vshll.u32 v2, $0x7  }
0x4c4: {  	v40 =	vmov s31;
	v39 =	vld.idx.msk [tilespmem:v61+s11+$0x0], $0xffff;
	v62 =	vand.u32 $0xFFFFF000, v1;
	v2 =	vand.u32 $0x380, v2  }
0x4c5: {  	v38 =	vor.u32 v62, v2;
	v63 =	vand.u32 v58, v60  }
0x4c6: {  	v38 =	vor.u32 v3, v38;
	v37 =	vor.u32 v58, v60;
	vm15 =	veq.s32 v63, $0x0;
	v2 =	vld.idx.msk [tilespmem:v36+s2+$0x0], $0xffff  }
0x4c7: {  	s16 =	simm.s32 $0x6;
	v1 =	vimm.s32 $0x0;
	v36 =	vsel vm15, v37, v63;
	v37 =	vsel vm15, $0x1, v0  }
.LBB2_66:
0x4c8: {  	p0 =	sne.s32 s16, $0x7F;
	v1 =	vadd.s32 v37, v1;
	s17 =	smov.u32 s16;
	s16 =	sadd.s32 $0x1, s16  }
.Ltmp32:
0x4c9: {  	v37 =	vshll.u32 v39, $0x9;
	v41 =	vshll.u32 v39, $0x7;
	s17 =	sadd.s32 s17, s5;
	v39 =	vld.idx.msk [tilespmem:v40+s11+$0x0], $0xffff;
	(pc) =	sbr.rel @p0 .LBB2_66-.Ltmp32, $4  }
0x4ca: {  	v37 =	vand.u32 $0xFFFFF000, v37;
	v41 =	vand.u32 $0x380, v41;
	v40 =	vmov s17  }
0x4cb: {  	v37 =	vor.u32 v37, v41;
	v41 =	vand.u32 v36, v2;
	v42 =	vmov v2;
	v2 =	vld.idx.msk [tilespmem:v38+s2+$0x0], $0xffff  }
0x4cc: {  	v38 =	vor.u32 v3, v37;
	vm0 =	veq.s32 v41, $0x0;
	v36 =	vor.u32 v36, v42  }
0x4cd: {  	v36 =	vsel vm0, v36, v41;
	v37 =	vsel vm0, $0x1, v0  }
0x4ce: {  	_ =	sdelay $0x3  }
0x4cf: {  	v40 =	vld.idx.msk [tilespmem:v40+s11+$0x0], $0xffff  }
0x4d0: {  	s16 =	sadd.s32 $0x1, s5  }
0x4d1: {  	v42 =	vshll.u32 v39, $0x9;
	v61 =	vshll.u32 v39, $0x7;
	v41 =	vmov s16  }
0x4d2: {  	v42 =	vand.u32 $0xFFFFF000, v42;
	v39 =	vand.u32 $0x380, v61  }
0x4d3: {  	v39 =	vor.u32 v42, v39  }
0x4d4: {  	v39 =	vor.u32 v3, v39;
	v62 =	vshll.u32 v40, $0x9;
	v40 =	vshll.u32 v40, $0x7  }
0x4d5: {  	s28 =	sadd.s32 $0x2, s5;
	v38 =	vld.idx.msk [tilespmem:v38+s2+$0x0], $0xffff;
	v42 =	vand.u32 $0xFFFFF000, v62;
	v40 =	vand.u32 $0x380, v40  }
0x4d6: {  	v43 =	vmov s28;
	v41 =	vld.idx.msk [tilespmem:v41+s11+$0x0], $0xffff;
	v40 =	vor.u32 v42, v40  }
0x4d7: {  	v44 =	vand.u32 v36, v2;
	v63 =	vor.u32 v3, v40  }
0x4d8: {  	v2 =	vor.u32 v36, v2;
	vm0 =	veq.s32 v44, $0x0  }
0x4d9: {  	s29 =	sadd.s32 $0x3, s5;
	v49 =	vor.u32 v4, v35;
	v1 =	vadd.s32 v37, v1;
	s30 =	sadd.s32 $0x4, s5;
	v2 =	vsel vm0, v2, v44;
	v39 =	vld.idx.msk [tilespmem:v39+s2+$0x0], $0xffff  }
0x4da: {  	v48 =	vmov s29;
	v58 =	vmov s30;
	v44 =	vand.u32 v2, v38  }
0x4db: {  	v2 =	vor.u32 v2, v38;
	v43 =	vld.idx.msk [tilespmem:v43+s11+$0x0], $0xffff;
	v47 =	vshll.u32 v41, $0x9;
	v41 =	vshll.u32 v41, $0x7  }
0x4dc: {  	vm1 =	veq.s32 v44, $0x0;
	v40 =	vand.u32 $0xFFFFF000, v47;
	v41 =	vand.u32 $0x380, v41;
	v36 =	vld.idx.msk [tilespmem:v63+s2+$0x0], $0xffff  }
0x4dd: {  	v51 =	vsel vm0, $0x1, v0;
	v2 =	vsel vm1, v2, v44;
	v40 =	vor.u32 v40, v41  }
0x4de: {  	v1 =	vadd.s32 v51, v1;
	v53 =	vand.u32 v2, v39;
	v50 =	vor.u32 v4, v40  }
0x4df: {  	v52 =	vsel vm1, $0x1, v0;
	v2 =	vor.u32 v2, v39;
	vm13 =	veq.s32 v53, $0x0  }
0x4e0: {  	v1 =	vadd.s32 v52, v1;
	v55 =	vshll.u32 v43, $0x9;
	v2 =	vsel vm13, v2, v53  }
0x4e1: {  	v54 =	vld.idx.msk [tilespmem:v48+s11+$0x0], $0xffff;
	v56 =	vshll.u32 v43, $0x7;
	v39 =	vand.u32 $0xFFFFF000, v55;
	v2 =	vand.u32 v2, v36  }
0x4e2: {  	v41 =	vld.idx.msk [tilespmem:v49+s2+$0x0], $0xffff;
	v40 =	vand.u32 $0x380, v56;
	v57 =	vsel vm13, $0x1, v0;
	vm14 =	veq.s32 v2, $0x0  }
0x4e3: {  	v39 =	vor.u32 v39, v40;
	v1 =	vadd.s32 v57, v1;
	v38 =	vld.idx.msk [tilespmem:v50+s2+$0x0], $0xffff;
	v59 =	vsel vm14, $0x1, v0  }
0x4e4: {  	v2 =	vor.u32 v4, v39;
	v1 =	vadd.s32 v59, v1  }
0x4e5: {  	[tilespmem:$0x1FD30] =	vst v1;
	v1 =	vld [tilespmem:$0x10800]  }
0x4e6: {  	s31 =	sadd.s32 $0x5, s5;
	v60 =	vshll.u32 v54, $0x9;
	v37 =	vshll.u32 v54, $0x7  }
0x4e7: {  	v61 =	vand.u32 $0xFFFFF000, v60;
	v37 =	vand.u32 $0x380, v37;
	v40 =	vmov s31;
	v39 =	vld.idx.msk [tilespmem:v58+s11+$0x0], $0xffff  }
0x4e8: {  	v37 =	vor.u32 v61, v37;
	v62 =	vand.u32 v41, v38  }
0x4e9: {  	v63 =	vor.u32 v41, v38;
	v2 =	vld.idx.msk [tilespmem:v2+s2+$0x0], $0xffff;
	v38 =	vor.u32 v4, v37;
	vm15 =	veq.s32 v62, $0x0  }
0x4ea: {  	s16 =	simm.s32 $0x6;
	v36 =	vsel vm15, v63, v62;
	v37 =	vsel vm15, $0x1, v0;
	[tilespmem:$0x1FD40] =	vst v1;
	v1 =	vimm.s32 $0x0  }
.LBB2_68:
0x4eb: {  	p0 =	sne.s32 s16, $0x7F;
	v1 =	vadd.s32 v37, v1;
	s17 =	smov.u32 s16;
	s16 =	sadd.s32 $0x1, s16  }
.Ltmp33:
0x4ec: {  	v37 =	vshll.u32 v39, $0x9;
	v41 =	vshll.u32 v39, $0x7;
	s17 =	sadd.s32 s17, s5;
	v39 =	vld.idx.msk [tilespmem:v40+s11+$0x0], $0xffff;
	(pc) =	sbr.rel @p0 .LBB2_68-.Ltmp33, $4  }
0x4ed: {  	v37 =	vand.u32 $0xFFFFF000, v37;
	v41 =	vand.u32 $0x380, v41;
	v40 =	vmov s17  }
0x4ee: {  	v37 =	vor.u32 v37, v41;
	v41 =	vand.u32 v36, v2;
	v42 =	vmov v2;
	v2 =	vld.idx.msk [tilespmem:v38+s2+$0x0], $0xffff  }
0x4ef: {  	v38 =	vor.u32 v4, v37;
	vm0 =	veq.s32 v41, $0x0;
	v36 =	vor.u32 v36, v42  }
0x4f0: {  	v36 =	vsel vm0, v36, v41;
	v37 =	vsel vm0, $0x1, v0  }
0x4f1: {  	_ =	sdelay $0x3  }
0x4f2: {  	v40 =	vld.idx.msk [tilespmem:v40+s11+$0x0], $0xffff  }
0x4f3: {  	s16 =	sadd.s32 $0x1, s5  }
0x4f4: {  	v42 =	vshll.u32 v39, $0x9;
	v61 =	vshll.u32 v39, $0x7;
	v41 =	vmov s16  }
0x4f5: {  	v42 =	vand.u32 $0xFFFFF000, v42;
	v39 =	vand.u32 $0x380, v61  }
0x4f6: {  	v39 =	vor.u32 v42, v39  }
0x4f7: {  	v39 =	vor.u32 v4, v39;
	v62 =	vshll.u32 v40, $0x9;
	v40 =	vshll.u32 v40, $0x7  }
0x4f8: {  	s28 =	sadd.s32 $0x2, s5;
	v38 =	vld.idx.msk [tilespmem:v38+s2+$0x0], $0xffff;
	v42 =	vand.u32 $0xFFFFF000, v62;
	v40 =	vand.u32 $0x380, v40  }
0x4f9: {  	v43 =	vmov s28;
	v41 =	vld.idx.msk [tilespmem:v41+s11+$0x0], $0xffff;
	v40 =	vor.u32 v42, v40  }
0x4fa: {  	v44 =	vand.u32 v36, v2;
	v63 =	vor.u32 v4, v40  }
0x4fb: {  	v2 =	vor.u32 v36, v2;
	vm0 =	veq.s32 v44, $0x0  }
0x4fc: {  	s29 =	sadd.s32 $0x3, s5;
	v49 =	vor.u32 v5, v35;
	v1 =	vadd.s32 v37, v1;
	s30 =	sadd.s32 $0x4, s5;
	v2 =	vsel vm0, v2, v44;
	v39 =	vld.idx.msk [tilespmem:v39+s2+$0x0], $0xffff  }
0x4fd: {  	v48 =	vmov s29;
	v58 =	vmov s30;
	v44 =	vand.u32 v2, v38  }
0x4fe: {  	v2 =	vor.u32 v2, v38;
	v43 =	vld.idx.msk [tilespmem:v43+s11+$0x0], $0xffff;
	v47 =	vshll.u32 v41, $0x9;
	v41 =	vshll.u32 v41, $0x7  }
0x4ff: {  	vm1 =	veq.s32 v44, $0x0;
	v40 =	vand.u32 $0xFFFFF000, v47;
	v41 =	vand.u32 $0x380, v41;
	v36 =	vld.idx.msk [tilespmem:v63+s2+$0x0], $0xffff  }
0x500: {  	v51 =	vsel vm0, $0x1, v0;
	v2 =	vsel vm1, v2, v44;
	v40 =	vor.u32 v40, v41  }
0x501: {  	v1 =	vadd.s32 v51, v1;
	v53 =	vand.u32 v2, v39;
	v50 =	vor.u32 v5, v40  }
0x502: {  	v52 =	vsel vm1, $0x1, v0;
	v2 =	vor.u32 v2, v39;
	vm13 =	veq.s32 v53, $0x0  }
0x503: {  	v1 =	vadd.s32 v52, v1;
	v55 =	vshll.u32 v43, $0x9;
	v2 =	vsel vm13, v2, v53  }
0x504: {  	v54 =	vld.idx.msk [tilespmem:v48+s11+$0x0], $0xffff;
	v56 =	vshll.u32 v43, $0x7;
	v39 =	vand.u32 $0xFFFFF000, v55;
	v2 =	vand.u32 v2, v36  }
0x505: {  	v41 =	vld.idx.msk [tilespmem:v49+s2+$0x0], $0xffff;
	v40 =	vand.u32 $0x380, v56;
	v57 =	vsel vm13, $0x1, v0;
	vm14 =	veq.s32 v2, $0x0  }
0x506: {  	v39 =	vor.u32 v39, v40;
	v1 =	vadd.s32 v57, v1;
	v38 =	vld.idx.msk [tilespmem:v50+s2+$0x0], $0xffff;
	v59 =	vsel vm14, $0x1, v0  }
0x507: {  	v2 =	vor.u32 v5, v39;
	v1 =	vadd.s32 v59, v1  }
0x508: {  	[tilespmem:$0x1FD10] =	vst v1;
	v1 =	vld [tilespmem:$0x10810]  }
0x509: {  	s31 =	sadd.s32 $0x5, s5;
	v60 =	vshll.u32 v54, $0x9;
	v37 =	vshll.u32 v54, $0x7  }
0x50a: {  	v61 =	vand.u32 $0xFFFFF000, v60;
	v37 =	vand.u32 $0x380, v37;
	v40 =	vmov s31;
	v39 =	vld.idx.msk [tilespmem:v58+s11+$0x0], $0xffff  }
0x50b: {  	v37 =	vor.u32 v61, v37;
	v62 =	vand.u32 v41, v38  }
0x50c: {  	v63 =	vor.u32 v41, v38;
	v2 =	vld.idx.msk [tilespmem:v2+s2+$0x0], $0xffff;
	v38 =	vor.u32 v5, v37;
	vm15 =	veq.s32 v62, $0x0  }
0x50d: {  	s16 =	simm.s32 $0x6;
	v36 =	vsel vm15, v63, v62;
	v37 =	vsel vm15, $0x1, v0;
	[tilespmem:$0x1FD20] =	vst v1;
	v1 =	vimm.s32 $0x0  }
.LBB2_70:
0x50e: {  	p0 =	sne.s32 s16, $0x7F;
	v1 =	vadd.s32 v37, v1;
	s17 =	smov.u32 s16;
	s16 =	sadd.s32 $0x1, s16  }
.Ltmp34:
0x50f: {  	v37 =	vshll.u32 v39, $0x9;
	v41 =	vshll.u32 v39, $0x7;
	s17 =	sadd.s32 s17, s5;
	v39 =	vld.idx.msk [tilespmem:v40+s11+$0x0], $0xffff;
	(pc) =	sbr.rel @p0 .LBB2_70-.Ltmp34, $4  }
0x510: {  	v37 =	vand.u32 $0xFFFFF000, v37;
	v41 =	vand.u32 $0x380, v41;
	v40 =	vmov s17  }
0x511: {  	v37 =	vor.u32 v37, v41;
	v41 =	vand.u32 v36, v2;
	v42 =	vmov v2;
	v2 =	vld.idx.msk [tilespmem:v38+s2+$0x0], $0xffff  }
0x512: {  	v38 =	vor.u32 v5, v37;
	vm0 =	veq.s32 v41, $0x0;
	v36 =	vor.u32 v36, v42  }
0x513: {  	v36 =	vsel vm0, v36, v41;
	v37 =	vsel vm0, $0x1, v0  }
0x514: {  	_ =	sdelay $0x3  }
0x515: {  	v40 =	vld.idx.msk [tilespmem:v40+s11+$0x0], $0xffff  }
0x516: {  	s16 =	sadd.s32 $0x1, s5  }
0x517: {  	v42 =	vshll.u32 v39, $0x9;
	v61 =	vshll.u32 v39, $0x7;
	v41 =	vmov s16  }
0x518: {  	v42 =	vand.u32 $0xFFFFF000, v42;
	v39 =	vand.u32 $0x380, v61  }
0x519: {  	v39 =	vor.u32 v42, v39  }
0x51a: {  	v39 =	vor.u32 v5, v39;
	v62 =	vshll.u32 v40, $0x9;
	v40 =	vshll.u32 v40, $0x7  }
0x51b: {  	s28 =	sadd.s32 $0x2, s5;
	v38 =	vld.idx.msk [tilespmem:v38+s2+$0x0], $0xffff;
	v42 =	vand.u32 $0xFFFFF000, v62;
	v40 =	vand.u32 $0x380, v40  }
0x51c: {  	v43 =	vmov s28;
	v41 =	vld.idx.msk [tilespmem:v41+s11+$0x0], $0xffff;
	v40 =	vor.u32 v42, v40  }
0x51d: {  	v44 =	vand.u32 v36, v2;
	v63 =	vor.u32 v5, v40  }
0x51e: {  	v2 =	vor.u32 v36, v2;
	vm0 =	veq.s32 v44, $0x0  }
0x51f: {  	s29 =	sadd.s32 $0x3, s5;
	v49 =	vor.u32 v6, v35;
	v1 =	vadd.s32 v37, v1;
	s30 =	sadd.s32 $0x4, s5;
	v2 =	vsel vm0, v2, v44;
	v39 =	vld.idx.msk [tilespmem:v39+s2+$0x0], $0xffff  }
0x520: {  	v48 =	vmov s29;
	v58 =	vmov s30;
	v44 =	vand.u32 v2, v38  }
0x521: {  	v2 =	vor.u32 v2, v38;
	v43 =	vld.idx.msk [tilespmem:v43+s11+$0x0], $0xffff;
	v47 =	vshll.u32 v41, $0x9;
	v41 =	vshll.u32 v41, $0x7  }
0x522: {  	vm1 =	veq.s32 v44, $0x0;
	v40 =	vand.u32 $0xFFFFF000, v47;
	v41 =	vand.u32 $0x380, v41;
	v36 =	vld.idx.msk [tilespmem:v63+s2+$0x0], $0xffff  }
0x523: {  	v51 =	vsel vm0, $0x1, v0;
	v2 =	vsel vm1, v2, v44;
	v40 =	vor.u32 v40, v41  }
0x524: {  	v1 =	vadd.s32 v51, v1;
	v53 =	vand.u32 v2, v39;
	v50 =	vor.u32 v6, v40  }
0x525: {  	v52 =	vsel vm1, $0x1, v0;
	v2 =	vor.u32 v2, v39;
	vm13 =	veq.s32 v53, $0x0  }
0x526: {  	v1 =	vadd.s32 v52, v1;
	v55 =	vshll.u32 v43, $0x9;
	v2 =	vsel vm13, v2, v53  }
0x527: {  	v54 =	vld.idx.msk [tilespmem:v48+s11+$0x0], $0xffff;
	v56 =	vshll.u32 v43, $0x7;
	v39 =	vand.u32 $0xFFFFF000, v55;
	v2 =	vand.u32 v2, v36  }
0x528: {  	v41 =	vld.idx.msk [tilespmem:v49+s2+$0x0], $0xffff;
	v40 =	vand.u32 $0x380, v56;
	v57 =	vsel vm13, $0x1, v0;
	vm14 =	veq.s32 v2, $0x0  }
0x529: {  	v39 =	vor.u32 v39, v40;
	v1 =	vadd.s32 v57, v1;
	v38 =	vld.idx.msk [tilespmem:v50+s2+$0x0], $0xffff;
	v59 =	vsel vm14, $0x1, v0  }
0x52a: {  	v2 =	vor.u32 v6, v39;
	v1 =	vadd.s32 v59, v1  }
0x52b: {  	[tilespmem:$0x1FCF0] =	vst v1;
	v1 =	vld [tilespmem:$0x10820]  }
0x52c: {  	s31 =	sadd.s32 $0x5, s5;
	v60 =	vshll.u32 v54, $0x9;
	v37 =	vshll.u32 v54, $0x7  }
0x52d: {  	v61 =	vand.u32 $0xFFFFF000, v60;
	v37 =	vand.u32 $0x380, v37;
	v40 =	vmov s31;
	v39 =	vld.idx.msk [tilespmem:v58+s11+$0x0], $0xffff  }
0x52e: {  	v37 =	vor.u32 v61, v37;
	v62 =	vand.u32 v41, v38  }
0x52f: {  	v63 =	vor.u32 v41, v38;
	v2 =	vld.idx.msk [tilespmem:v2+s2+$0x0], $0xffff;
	v38 =	vor.u32 v6, v37;
	vm15 =	veq.s32 v62, $0x0  }
0x530: {  	s16 =	simm.s32 $0x6;
	v36 =	vsel vm15, v63, v62;
	v37 =	vsel vm15, $0x1, v0;
	[tilespmem:$0x1FD00] =	vst v1;
	v1 =	vimm.s32 $0x0  }
.LBB2_72:
0x531: {  	p0 =	sne.s32 s16, $0x7F;
	v1 =	vadd.s32 v37, v1;
	s17 =	smov.u32 s16;
	s16 =	sadd.s32 $0x1, s16  }
.Ltmp35:
0x532: {  	v37 =	vshll.u32 v39, $0x9;
	v41 =	vshll.u32 v39, $0x7;
	s17 =	sadd.s32 s17, s5;
	v39 =	vld.idx.msk [tilespmem:v40+s11+$0x0], $0xffff;
	(pc) =	sbr.rel @p0 .LBB2_72-.Ltmp35, $4  }
0x533: {  	v37 =	vand.u32 $0xFFFFF000, v37;
	v41 =	vand.u32 $0x380, v41;
	v40 =	vmov s17  }
0x534: {  	v37 =	vor.u32 v37, v41;
	v41 =	vand.u32 v36, v2;
	v42 =	vmov v2;
	v2 =	vld.idx.msk [tilespmem:v38+s2+$0x0], $0xffff  }
0x535: {  	v38 =	vor.u32 v6, v37;
	vm0 =	veq.s32 v41, $0x0;
	v36 =	vor.u32 v36, v42  }
0x536: {  	v36 =	vsel vm0, v36, v41;
	v37 =	vsel vm0, $0x1, v0  }
0x537: {  	_ =	sdelay $0x3  }
0x538: {  	v40 =	vld.idx.msk [tilespmem:v40+s11+$0x0], $0xffff  }
0x539: {  	s16 =	sadd.s32 $0x1, s5  }
0x53a: {  	v42 =	vshll.u32 v39, $0x9;
	v61 =	vshll.u32 v39, $0x7;
	v41 =	vmov s16  }
0x53b: {  	v42 =	vand.u32 $0xFFFFF000, v42;
	v39 =	vand.u32 $0x380, v61  }
0x53c: {  	v39 =	vor.u32 v42, v39  }
0x53d: {  	v39 =	vor.u32 v6, v39;
	v62 =	vshll.u32 v40, $0x9;
	v40 =	vshll.u32 v40, $0x7  }
0x53e: {  	s28 =	sadd.s32 $0x2, s5;
	v38 =	vld.idx.msk [tilespmem:v38+s2+$0x0], $0xffff;
	v42 =	vand.u32 $0xFFFFF000, v62;
	v40 =	vand.u32 $0x380, v40  }
0x53f: {  	v43 =	vmov s28;
	v41 =	vld.idx.msk [tilespmem:v41+s11+$0x0], $0xffff;
	v40 =	vor.u32 v42, v40  }
0x540: {  	v44 =	vand.u32 v36, v2;
	v63 =	vor.u32 v6, v40  }
0x541: {  	v2 =	vor.u32 v36, v2;
	vm0 =	veq.s32 v44, $0x0  }
0x542: {  	s29 =	sadd.s32 $0x3, s5;
	v49 =	vor.u32 v7, v35;
	v1 =	vadd.s32 v37, v1;
	s30 =	sadd.s32 $0x4, s5;
	v2 =	vsel vm0, v2, v44;
	v39 =	vld.idx.msk [tilespmem:v39+s2+$0x0], $0xffff  }
0x543: {  	v48 =	vmov s29;
	v58 =	vmov s30;
	v44 =	vand.u32 v2, v38  }
0x544: {  	v2 =	vor.u32 v2, v38;
	v43 =	vld.idx.msk [tilespmem:v43+s11+$0x0], $0xffff;
	v47 =	vshll.u32 v41, $0x9;
	v41 =	vshll.u32 v41, $0x7  }
0x545: {  	vm1 =	veq.s32 v44, $0x0;
	v40 =	vand.u32 $0xFFFFF000, v47;
	v41 =	vand.u32 $0x380, v41;
	v36 =	vld.idx.msk [tilespmem:v63+s2+$0x0], $0xffff  }
0x546: {  	v51 =	vsel vm0, $0x1, v0;
	v2 =	vsel vm1, v2, v44;
	v40 =	vor.u32 v40, v41  }
0x547: {  	v1 =	vadd.s32 v51, v1;
	v53 =	vand.u32 v2, v39;
	v50 =	vor.u32 v7, v40  }
0x548: {  	v52 =	vsel vm1, $0x1, v0;
	v2 =	vor.u32 v2, v39;
	vm13 =	veq.s32 v53, $0x0  }
0x549: {  	v1 =	vadd.s32 v52, v1;
	v55 =	vshll.u32 v43, $0x9;
	v2 =	vsel vm13, v2, v53  }
0x54a: {  	v54 =	vld.idx.msk [tilespmem:v48+s11+$0x0], $0xffff;
	v56 =	vshll.u32 v43, $0x7;
	v39 =	vand.u32 $0xFFFFF000, v55;
	v2 =	vand.u32 v2, v36  }
0x54b: {  	v41 =	vld.idx.msk [tilespmem:v49+s2+$0x0], $0xffff;
	v40 =	vand.u32 $0x380, v56;
	v57 =	vsel vm13, $0x1, v0;
	vm14 =	veq.s32 v2, $0x0  }
0x54c: {  	v39 =	vor.u32 v39, v40;
	v1 =	vadd.s32 v57, v1;
	v38 =	vld.idx.msk [tilespmem:v50+s2+$0x0], $0xffff;
	v59 =	vsel vm14, $0x1, v0  }
0x54d: {  	v2 =	vor.u32 v7, v39;
	v1 =	vadd.s32 v59, v1  }
0x54e: {  	[tilespmem:$0x1FCD0] =	vst v1;
	v1 =	vld [tilespmem:$0x10830]  }
0x54f: {  	s31 =	sadd.s32 $0x5, s5;
	v60 =	vshll.u32 v54, $0x9;
	v37 =	vshll.u32 v54, $0x7  }
0x550: {  	v61 =	vand.u32 $0xFFFFF000, v60;
	v37 =	vand.u32 $0x380, v37;
	v40 =	vmov s31;
	v39 =	vld.idx.msk [tilespmem:v58+s11+$0x0], $0xffff  }
0x551: {  	v37 =	vor.u32 v61, v37;
	v62 =	vand.u32 v41, v38  }
0x552: {  	v63 =	vor.u32 v41, v38;
	v2 =	vld.idx.msk [tilespmem:v2+s2+$0x0], $0xffff;
	v38 =	vor.u32 v7, v37;
	vm15 =	veq.s32 v62, $0x0  }
0x553: {  	s16 =	simm.s32 $0x6;
	v36 =	vsel vm15, v63, v62;
	v37 =	vsel vm15, $0x1, v0;
	[tilespmem:$0x1FCE0] =	vst v1;
	v1 =	vimm.s32 $0x0  }
.LBB2_74:
0x554: {  	p0 =	sne.s32 s16, $0x7F;
	v1 =	vadd.s32 v37, v1;
	s17 =	smov.u32 s16;
	s16 =	sadd.s32 $0x1, s16  }
.Ltmp36:
0x555: {  	v37 =	vshll.u32 v39, $0x9;
	v41 =	vshll.u32 v39, $0x7;
	s17 =	sadd.s32 s17, s5;
	v39 =	vld.idx.msk [tilespmem:v40+s11+$0x0], $0xffff;
	(pc) =	sbr.rel @p0 .LBB2_74-.Ltmp36, $4  }
0x556: {  	v37 =	vand.u32 $0xFFFFF000, v37;
	v41 =	vand.u32 $0x380, v41;
	v40 =	vmov s17  }
0x557: {  	v37 =	vor.u32 v37, v41;
	v41 =	vand.u32 v36, v2;
	v42 =	vmov v2;
	v2 =	vld.idx.msk [tilespmem:v38+s2+$0x0], $0xffff  }
0x558: {  	v38 =	vor.u32 v7, v37;
	vm0 =	veq.s32 v41, $0x0;
	v36 =	vor.u32 v36, v42  }
0x559: {  	v36 =	vsel vm0, v36, v41;
	v37 =	vsel vm0, $0x1, v0  }
0x55a: {  	_ =	sdelay $0x3  }
0x55b: {  	v40 =	vld.idx.msk [tilespmem:v40+s11+$0x0], $0xffff  }
0x55c: {  	s16 =	sadd.s32 $0x1, s5  }
0x55d: {  	v42 =	vshll.u32 v39, $0x9;
	v61 =	vshll.u32 v39, $0x7;
	v41 =	vmov s16  }
0x55e: {  	v42 =	vand.u32 $0xFFFFF000, v42;
	v39 =	vand.u32 $0x380, v61  }
0x55f: {  	v39 =	vor.u32 v42, v39  }
0x560: {  	v39 =	vor.u32 v7, v39;
	v62 =	vshll.u32 v40, $0x9;
	v40 =	vshll.u32 v40, $0x7  }
0x561: {  	s28 =	sadd.s32 $0x2, s5;
	v38 =	vld.idx.msk [tilespmem:v38+s2+$0x0], $0xffff;
	v42 =	vand.u32 $0xFFFFF000, v62;
	v40 =	vand.u32 $0x380, v40  }
0x562: {  	v43 =	vmov s28;
	v41 =	vld.idx.msk [tilespmem:v41+s11+$0x0], $0xffff;
	v40 =	vor.u32 v42, v40  }
0x563: {  	v44 =	vand.u32 v36, v2;
	v63 =	vor.u32 v7, v40  }
0x564: {  	v2 =	vor.u32 v36, v2;
	vm0 =	veq.s32 v44, $0x0  }
0x565: {  	s29 =	sadd.s32 $0x3, s5;
	v49 =	vor.u32 v8, v35;
	v1 =	vadd.s32 v37, v1;
	s30 =	sadd.s32 $0x4, s5;
	v2 =	vsel vm0, v2, v44;
	v39 =	vld.idx.msk [tilespmem:v39+s2+$0x0], $0xffff  }
0x566: {  	v48 =	vmov s29;
	v58 =	vmov s30;
	v44 =	vand.u32 v2, v38  }
0x567: {  	v2 =	vor.u32 v2, v38;
	v43 =	vld.idx.msk [tilespmem:v43+s11+$0x0], $0xffff;
	v47 =	vshll.u32 v41, $0x9;
	v41 =	vshll.u32 v41, $0x7  }
0x568: {  	vm1 =	veq.s32 v44, $0x0;
	v40 =	vand.u32 $0xFFFFF000, v47;
	v41 =	vand.u32 $0x380, v41;
	v36 =	vld.idx.msk [tilespmem:v63+s2+$0x0], $0xffff  }
0x569: {  	v51 =	vsel vm0, $0x1, v0;
	v2 =	vsel vm1, v2, v44;
	v40 =	vor.u32 v40, v41  }
0x56a: {  	v1 =	vadd.s32 v51, v1;
	v53 =	vand.u32 v2, v39;
	v50 =	vor.u32 v8, v40  }
0x56b: {  	v52 =	vsel vm1, $0x1, v0;
	v2 =	vor.u32 v2, v39;
	vm13 =	veq.s32 v53, $0x0  }
0x56c: {  	v1 =	vadd.s32 v52, v1;
	v55 =	vshll.u32 v43, $0x9;
	v2 =	vsel vm13, v2, v53  }
0x56d: {  	v54 =	vld.idx.msk [tilespmem:v48+s11+$0x0], $0xffff;
	v56 =	vshll.u32 v43, $0x7;
	v39 =	vand.u32 $0xFFFFF000, v55;
	v2 =	vand.u32 v2, v36  }
0x56e: {  	v41 =	vld.idx.msk [tilespmem:v49+s2+$0x0], $0xffff;
	v40 =	vand.u32 $0x380, v56;
	v57 =	vsel vm13, $0x1, v0;
	vm14 =	veq.s32 v2, $0x0  }
0x56f: {  	v39 =	vor.u32 v39, v40;
	v1 =	vadd.s32 v57, v1;
	v38 =	vld.idx.msk [tilespmem:v50+s2+$0x0], $0xffff;
	v59 =	vsel vm14, $0x1, v0  }
0x570: {  	v2 =	vor.u32 v8, v39;
	v1 =	vadd.s32 v59, v1  }
0x571: {  	[tilespmem:$0x1FCB0] =	vst v1;
	v1 =	vld [tilespmem:$0x10840]  }
0x572: {  	s31 =	sadd.s32 $0x5, s5;
	v60 =	vshll.u32 v54, $0x9;
	v37 =	vshll.u32 v54, $0x7  }
0x573: {  	v61 =	vand.u32 $0xFFFFF000, v60;
	v37 =	vand.u32 $0x380, v37;
	v40 =	vmov s31;
	v39 =	vld.idx.msk [tilespmem:v58+s11+$0x0], $0xffff  }
0x574: {  	v37 =	vor.u32 v61, v37;
	v62 =	vand.u32 v41, v38  }
0x575: {  	v63 =	vor.u32 v41, v38;
	v2 =	vld.idx.msk [tilespmem:v2+s2+$0x0], $0xffff;
	v38 =	vor.u32 v8, v37;
	vm15 =	veq.s32 v62, $0x0  }
0x576: {  	s16 =	simm.s32 $0x6;
	v36 =	vsel vm15, v63, v62;
	v37 =	vsel vm15, $0x1, v0;
	[tilespmem:$0x1FCC0] =	vst v1;
	v1 =	vimm.s32 $0x0  }
.LBB2_76:
0x577: {  	p0 =	sne.s32 s16, $0x7F;
	v1 =	vadd.s32 v37, v1;
	s17 =	smov.u32 s16;
	s16 =	sadd.s32 $0x1, s16  }
.Ltmp37:
0x578: {  	v37 =	vshll.u32 v39, $0x9;
	v41 =	vshll.u32 v39, $0x7;
	s17 =	sadd.s32 s17, s5;
	v39 =	vld.idx.msk [tilespmem:v40+s11+$0x0], $0xffff;
	(pc) =	sbr.rel @p0 .LBB2_76-.Ltmp37, $4  }
0x579: {  	v37 =	vand.u32 $0xFFFFF000, v37;
	v41 =	vand.u32 $0x380, v41;
	v40 =	vmov s17  }
0x57a: {  	v37 =	vor.u32 v37, v41;
	v41 =	vand.u32 v36, v2;
	v42 =	vmov v2;
	v2 =	vld.idx.msk [tilespmem:v38+s2+$0x0], $0xffff  }
0x57b: {  	v38 =	vor.u32 v8, v37;
	vm0 =	veq.s32 v41, $0x0;
	v36 =	vor.u32 v36, v42  }
0x57c: {  	v36 =	vsel vm0, v36, v41;
	v37 =	vsel vm0, $0x1, v0  }
0x57d: {  	_ =	sdelay $0x3  }
0x57e: {  	v40 =	vld.idx.msk [tilespmem:v40+s11+$0x0], $0xffff  }
0x57f: {  	s16 =	sadd.s32 $0x1, s5  }
0x580: {  	v42 =	vshll.u32 v39, $0x9;
	v61 =	vshll.u32 v39, $0x7;
	v41 =	vmov s16  }
0x581: {  	v42 =	vand.u32 $0xFFFFF000, v42;
	v39 =	vand.u32 $0x380, v61  }
0x582: {  	v39 =	vor.u32 v42, v39  }
0x583: {  	v39 =	vor.u32 v8, v39;
	v62 =	vshll.u32 v40, $0x9;
	v40 =	vshll.u32 v40, $0x7  }
0x584: {  	s28 =	sadd.s32 $0x2, s5;
	v38 =	vld.idx.msk [tilespmem:v38+s2+$0x0], $0xffff;
	v42 =	vand.u32 $0xFFFFF000, v62;
	v40 =	vand.u32 $0x380, v40  }
0x585: {  	v43 =	vmov s28;
	v41 =	vld.idx.msk [tilespmem:v41+s11+$0x0], $0xffff;
	v40 =	vor.u32 v42, v40  }
0x586: {  	v44 =	vand.u32 v36, v2;
	v63 =	vor.u32 v8, v40  }
0x587: {  	v2 =	vor.u32 v36, v2;
	vm0 =	veq.s32 v44, $0x0  }
0x588: {  	s29 =	sadd.s32 $0x3, s5;
	v49 =	vor.u32 v9, v35;
	v1 =	vadd.s32 v37, v1;
	s30 =	sadd.s32 $0x4, s5;
	v2 =	vsel vm0, v2, v44;
	v39 =	vld.idx.msk [tilespmem:v39+s2+$0x0], $0xffff  }
0x589: {  	v48 =	vmov s29;
	v58 =	vmov s30;
	v44 =	vand.u32 v2, v38  }
0x58a: {  	v2 =	vor.u32 v2, v38;
	v43 =	vld.idx.msk [tilespmem:v43+s11+$0x0], $0xffff;
	v47 =	vshll.u32 v41, $0x9;
	v41 =	vshll.u32 v41, $0x7  }
0x58b: {  	vm1 =	veq.s32 v44, $0x0;
	v40 =	vand.u32 $0xFFFFF000, v47;
	v41 =	vand.u32 $0x380, v41;
	v36 =	vld.idx.msk [tilespmem:v63+s2+$0x0], $0xffff  }
0x58c: {  	v51 =	vsel vm0, $0x1, v0;
	v2 =	vsel vm1, v2, v44;
	v40 =	vor.u32 v40, v41  }
0x58d: {  	v1 =	vadd.s32 v51, v1;
	v53 =	vand.u32 v2, v39;
	v50 =	vor.u32 v9, v40  }
0x58e: {  	v52 =	vsel vm1, $0x1, v0;
	v2 =	vor.u32 v2, v39;
	vm13 =	veq.s32 v53, $0x0  }
0x58f: {  	v1 =	vadd.s32 v52, v1;
	v55 =	vshll.u32 v43, $0x9;
	v2 =	vsel vm13, v2, v53  }
0x590: {  	v54 =	vld.idx.msk [tilespmem:v48+s11+$0x0], $0xffff;
	v56 =	vshll.u32 v43, $0x7;
	v39 =	vand.u32 $0xFFFFF000, v55;
	v2 =	vand.u32 v2, v36  }
0x591: {  	v41 =	vld.idx.msk [tilespmem:v49+s2+$0x0], $0xffff;
	v40 =	vand.u32 $0x380, v56;
	v57 =	vsel vm13, $0x1, v0;
	vm14 =	veq.s32 v2, $0x0  }
0x592: {  	v39 =	vor.u32 v39, v40;
	v1 =	vadd.s32 v57, v1;
	v38 =	vld.idx.msk [tilespmem:v50+s2+$0x0], $0xffff;
	v59 =	vsel vm14, $0x1, v0  }
0x593: {  	v2 =	vor.u32 v9, v39;
	v1 =	vadd.s32 v59, v1  }
0x594: {  	[tilespmem:$0x1FC90] =	vst v1;
	v1 =	vld [tilespmem:$0x10850]  }
0x595: {  	s31 =	sadd.s32 $0x5, s5;
	v60 =	vshll.u32 v54, $0x9;
	v37 =	vshll.u32 v54, $0x7  }
0x596: {  	v61 =	vand.u32 $0xFFFFF000, v60;
	v37 =	vand.u32 $0x380, v37;
	v40 =	vmov s31;
	v39 =	vld.idx.msk [tilespmem:v58+s11+$0x0], $0xffff  }
0x597: {  	v37 =	vor.u32 v61, v37;
	v62 =	vand.u32 v41, v38  }
0x598: {  	v63 =	vor.u32 v41, v38;
	v2 =	vld.idx.msk [tilespmem:v2+s2+$0x0], $0xffff;
	v38 =	vor.u32 v9, v37;
	vm15 =	veq.s32 v62, $0x0  }
0x599: {  	s16 =	simm.s32 $0x6;
	v36 =	vsel vm15, v63, v62;
	v37 =	vsel vm15, $0x1, v0;
	[tilespmem:$0x1FCA0] =	vst v1;
	v1 =	vimm.s32 $0x0  }
.LBB2_78:
0x59a: {  	p0 =	sne.s32 s16, $0x7F;
	v1 =	vadd.s32 v37, v1;
	s17 =	smov.u32 s16;
	s16 =	sadd.s32 $0x1, s16  }
.Ltmp38:
0x59b: {  	v37 =	vshll.u32 v39, $0x9;
	v41 =	vshll.u32 v39, $0x7;
	s17 =	sadd.s32 s17, s5;
	v39 =	vld.idx.msk [tilespmem:v40+s11+$0x0], $0xffff;
	(pc) =	sbr.rel @p0 .LBB2_78-.Ltmp38, $4  }
0x59c: {  	v37 =	vand.u32 $0xFFFFF000, v37;
	v41 =	vand.u32 $0x380, v41;
	v40 =	vmov s17  }
0x59d: {  	v37 =	vor.u32 v37, v41;
	v41 =	vand.u32 v36, v2;
	v42 =	vmov v2;
	v2 =	vld.idx.msk [tilespmem:v38+s2+$0x0], $0xffff  }
0x59e: {  	v38 =	vor.u32 v9, v37;
	vm0 =	veq.s32 v41, $0x0;
	v36 =	vor.u32 v36, v42  }
0x59f: {  	v36 =	vsel vm0, v36, v41;
	v37 =	vsel vm0, $0x1, v0  }
0x5a0: {  	_ =	sdelay $0x3  }
0x5a1: {  	v40 =	vld.idx.msk [tilespmem:v40+s11+$0x0], $0xffff  }
0x5a2: {  	s16 =	sadd.s32 $0x1, s5  }
0x5a3: {  	v42 =	vshll.u32 v39, $0x9;
	v61 =	vshll.u32 v39, $0x7;
	v41 =	vmov s16  }
0x5a4: {  	v42 =	vand.u32 $0xFFFFF000, v42;
	v39 =	vand.u32 $0x380, v61  }
0x5a5: {  	v39 =	vor.u32 v42, v39  }
0x5a6: {  	v39 =	vor.u32 v9, v39;
	v62 =	vshll.u32 v40, $0x9;
	v40 =	vshll.u32 v40, $0x7  }
0x5a7: {  	s28 =	sadd.s32 $0x2, s5;
	v38 =	vld.idx.msk [tilespmem:v38+s2+$0x0], $0xffff;
	v42 =	vand.u32 $0xFFFFF000, v62;
	v40 =	vand.u32 $0x380, v40  }
0x5a8: {  	v43 =	vmov s28;
	v41 =	vld.idx.msk [tilespmem:v41+s11+$0x0], $0xffff;
	v40 =	vor.u32 v42, v40  }
0x5a9: {  	v44 =	vand.u32 v36, v2;
	v63 =	vor.u32 v9, v40  }
0x5aa: {  	v2 =	vor.u32 v36, v2;
	vm0 =	veq.s32 v44, $0x0  }
0x5ab: {  	s29 =	sadd.s32 $0x3, s5;
	v49 =	vor.u32 v10, v35;
	v1 =	vadd.s32 v37, v1;
	s30 =	sadd.s32 $0x4, s5;
	v2 =	vsel vm0, v2, v44;
	v39 =	vld.idx.msk [tilespmem:v39+s2+$0x0], $0xffff  }
0x5ac: {  	v48 =	vmov s29;
	v58 =	vmov s30;
	v44 =	vand.u32 v2, v38  }
0x5ad: {  	v2 =	vor.u32 v2, v38;
	v43 =	vld.idx.msk [tilespmem:v43+s11+$0x0], $0xffff;
	v47 =	vshll.u32 v41, $0x9;
	v41 =	vshll.u32 v41, $0x7  }
0x5ae: {  	vm1 =	veq.s32 v44, $0x0;
	v40 =	vand.u32 $0xFFFFF000, v47;
	v41 =	vand.u32 $0x380, v41;
	v36 =	vld.idx.msk [tilespmem:v63+s2+$0x0], $0xffff  }
0x5af: {  	v51 =	vsel vm0, $0x1, v0;
	v2 =	vsel vm1, v2, v44;
	v40 =	vor.u32 v40, v41  }
0x5b0: {  	v1 =	vadd.s32 v51, v1;
	v53 =	vand.u32 v2, v39;
	v50 =	vor.u32 v10, v40  }
0x5b1: {  	v52 =	vsel vm1, $0x1, v0;
	v2 =	vor.u32 v2, v39;
	vm13 =	veq.s32 v53, $0x0  }
0x5b2: {  	v1 =	vadd.s32 v52, v1;
	v55 =	vshll.u32 v43, $0x9;
	v2 =	vsel vm13, v2, v53  }
0x5b3: {  	v54 =	vld.idx.msk [tilespmem:v48+s11+$0x0], $0xffff;
	v56 =	vshll.u32 v43, $0x7;
	v39 =	vand.u32 $0xFFFFF000, v55;
	v2 =	vand.u32 v2, v36  }
0x5b4: {  	v41 =	vld.idx.msk [tilespmem:v49+s2+$0x0], $0xffff;
	v40 =	vand.u32 $0x380, v56;
	v57 =	vsel vm13, $0x1, v0;
	vm14 =	veq.s32 v2, $0x0  }
0x5b5: {  	v39 =	vor.u32 v39, v40;
	v1 =	vadd.s32 v57, v1;
	v38 =	vld.idx.msk [tilespmem:v50+s2+$0x0], $0xffff;
	v59 =	vsel vm14, $0x1, v0  }
0x5b6: {  	v2 =	vor.u32 v10, v39;
	v1 =	vadd.s32 v59, v1  }
0x5b7: {  	[tilespmem:$0x1FC70] =	vst v1;
	v1 =	vld [tilespmem:$0x10860]  }
0x5b8: {  	s31 =	sadd.s32 $0x5, s5;
	v60 =	vshll.u32 v54, $0x9;
	v37 =	vshll.u32 v54, $0x7  }
0x5b9: {  	v61 =	vand.u32 $0xFFFFF000, v60;
	v37 =	vand.u32 $0x380, v37;
	v40 =	vmov s31;
	v39 =	vld.idx.msk [tilespmem:v58+s11+$0x0], $0xffff  }
0x5ba: {  	v37 =	vor.u32 v61, v37;
	v62 =	vand.u32 v41, v38  }
0x5bb: {  	v63 =	vor.u32 v41, v38;
	v2 =	vld.idx.msk [tilespmem:v2+s2+$0x0], $0xffff;
	v38 =	vor.u32 v10, v37;
	vm15 =	veq.s32 v62, $0x0  }
0x5bc: {  	s16 =	simm.s32 $0x6;
	v36 =	vsel vm15, v63, v62;
	v37 =	vsel vm15, $0x1, v0;
	[tilespmem:$0x1FC80] =	vst v1;
	v1 =	vimm.s32 $0x0  }
.LBB2_80:
0x5bd: {  	p0 =	sne.s32 s16, $0x7F;
	v1 =	vadd.s32 v37, v1;
	s17 =	smov.u32 s16;
	s16 =	sadd.s32 $0x1, s16  }
.Ltmp39:
0x5be: {  	v37 =	vshll.u32 v39, $0x9;
	v41 =	vshll.u32 v39, $0x7;
	s17 =	sadd.s32 s17, s5;
	v39 =	vld.idx.msk [tilespmem:v40+s11+$0x0], $0xffff;
	(pc) =	sbr.rel @p0 .LBB2_80-.Ltmp39, $4  }
0x5bf: {  	v37 =	vand.u32 $0xFFFFF000, v37;
	v41 =	vand.u32 $0x380, v41;
	v40 =	vmov s17  }
0x5c0: {  	v37 =	vor.u32 v37, v41;
	v41 =	vand.u32 v36, v2;
	v42 =	vmov v2;
	v2 =	vld.idx.msk [tilespmem:v38+s2+$0x0], $0xffff  }
0x5c1: {  	v38 =	vor.u32 v10, v37;
	vm0 =	veq.s32 v41, $0x0;
	v36 =	vor.u32 v36, v42  }
0x5c2: {  	v36 =	vsel vm0, v36, v41;
	v37 =	vsel vm0, $0x1, v0  }
0x5c3: {  	_ =	sdelay $0x3  }
0x5c4: {  	v40 =	vld.idx.msk [tilespmem:v40+s11+$0x0], $0xffff  }
0x5c5: {  	s16 =	sadd.s32 $0x1, s5  }
0x5c6: {  	v42 =	vshll.u32 v39, $0x9;
	v63 =	vshll.u32 v39, $0x7;
	v41 =	vmov s16  }
0x5c7: {  	v42 =	vand.u32 $0xFFFFF000, v42;
	v39 =	vand.u32 $0x380, v63  }
0x5c8: {  	v39 =	vor.u32 v42, v39  }
0x5c9: {  	v39 =	vor.u32 v10, v39;
	v45 =	vshll.u32 v40, $0x9;
	v40 =	vshll.u32 v40, $0x7  }
0x5ca: {  	s28 =	sadd.s32 $0x2, s5;
	v38 =	vld.idx.msk [tilespmem:v38+s2+$0x0], $0xffff;
	v42 =	vand.u32 $0xFFFFF000, v45;
	v40 =	vand.u32 $0x380, v40  }
0x5cb: {  	v43 =	vmov s28;
	v41 =	vld.idx.msk [tilespmem:v41+s11+$0x0], $0xffff;
	v40 =	vor.u32 v42, v40  }
0x5cc: {  	v46 =	vand.u32 v36, v2;
	v10 =	vor.u32 v10, v40  }
0x5cd: {  	s29 =	sadd.s32 $0x3, s5;
	v51 =	vor.u32 v12, v35;
	v2 =	vor.u32 v36, v2;
	vm0 =	veq.s32 v46, $0x0  }
0x5ce: {  	v1 =	vadd.s32 v37, v1;
	s30 =	sadd.s32 $0x4, s5;
	v50 =	vmov s29;
	v2 =	vsel vm0, v2, v46;
	v47 =	vld.idx.msk [tilespmem:v39+s2+$0x0], $0xffff  }
0x5cf: {  	v61 =	vmov s30;
	v53 =	vsel vm0, $0x1, v0;
	v42 =	vand.u32 v2, v38  }
0x5d0: {  	v43 =	vld.idx.msk [tilespmem:v43+s11+$0x0], $0xffff;
	v2 =	vor.u32 v2, v38;
	v48 =	vshll.u32 v41, $0x9;
	v49 =	vshll.u32 v41, $0x7  }
0x5d1: {  	vm1 =	veq.s32 v42, $0x0;
	v39 =	vand.u32 $0xFFFFF000, v48;
	v40 =	vand.u32 $0x380, v49;
	v10 =	vld.idx.msk [tilespmem:v10+s2+$0x0], $0xffff  }
0x5d2: {  	v1 =	vadd.s32 v53, v1;
	v2 =	vsel vm1, v2, v42;
	v39 =	vor.u32 v40, v39  }
0x5d3: {  	v54 =	vsel vm1, $0x1, v0;
	v55 =	vand.u32 v2, v47;
	v52 =	vor.u32 v12, v39  }
0x5d4: {  	v1 =	vadd.s32 v54, v1;
	v2 =	vor.u32 v2, v47;
	vm13 =	veq.s32 v55, $0x0  }
0x5d5: {  	v56 =	vld.idx.msk [tilespmem:v50+s11+$0x0], $0xffff;
	v58 =	vshll.u32 v43, $0x9;
	v59 =	vshll.u32 v43, $0x7;
	v2 =	vsel vm13, v2, v55  }
0x5d6: {  	v40 =	vand.u32 $0x380, v59;
	v39 =	vand.u32 $0xFFFFF000, v58;
	v2 =	vand.u32 v2, v10  }
0x5d7: {  	v57 =	vld.idx.msk [tilespmem:v51+s2+$0x0], $0xffff;
	v60 =	vsel vm13, $0x1, v0;
	v10 =	vor.u32 v40, v39;
	vm14 =	veq.s32 v2, $0x0  }
0x5d8: {  	v1 =	vadd.s32 v60, v1;
	v38 =	vld.idx.msk [tilespmem:v52+s2+$0x0], $0xffff;
	v2 =	vor.u32 v12, v10;
	v10 =	vsel vm14, $0x1, v0  }
0x5d9: {  	v1 =	vadd.s32 v10, v1  }
0x5da: {  	v62 =	vshll.u32 v56, $0x9;
	v36 =	vshll.u32 v56, $0x7;
	[tilespmem:$0x1FC50] =	vst v1;
	v1 =	vld [tilespmem:$0x10870]  }
0x5db: {  	s31 =	sadd.s32 $0x5, s5;
	v36 =	vand.u32 $0x380, v36;
	v39 =	vand.u32 $0xFFFFF000, v62  }
0x5dc: {  	v40 =	vmov s31;
	v36 =	vor.u32 v36, v39;
	v39 =	vld.idx.msk [tilespmem:v61+s11+$0x0], $0xffff  }
0x5dd: {  	v63 =	vand.u32 v57, v38  }
0x5de: {  	v37 =	vor.u32 v57, v38;
	v2 =	vld.idx.msk [tilespmem:v2+s2+$0x0], $0xffff;
	v38 =	vor.u32 v12, v36;
	vm15 =	veq.s32 v63, $0x0  }
0x5df: {  	s16 =	simm.s32 $0x6;
	v36 =	vsel vm15, v37, v63;
	v37 =	vsel vm15, $0x1, v0;
	[tilespmem:$0x1FC60] =	vst v1;
	v1 =	vimm.s32 $0x0  }
.LBB2_82:
0x5e0: {  	p0 =	sne.s32 s16, $0x7F;
	v1 =	vadd.s32 v37, v1;
	s17 =	smov.u32 s16;
	s16 =	sadd.s32 $0x1, s16  }
.Ltmp40:
0x5e1: {  	v37 =	vshll.u32 v39, $0x9;
	v41 =	vshll.u32 v39, $0x7;
	s17 =	sadd.s32 s17, s5;
	v39 =	vld.idx.msk [tilespmem:v40+s11+$0x0], $0xffff;
	(pc) =	sbr.rel @p0 .LBB2_82-.Ltmp40, $4  }
0x5e2: {  	v37 =	vand.u32 $0xFFFFF000, v37;
	v41 =	vand.u32 $0x380, v41;
	v40 =	vmov s17  }
0x5e3: {  	v37 =	vor.u32 v41, v37;
	v41 =	vand.u32 v36, v2;
	v42 =	vmov v2;
	v2 =	vld.idx.msk [tilespmem:v38+s2+$0x0], $0xffff  }
0x5e4: {  	v38 =	vor.u32 v12, v37;
	vm0 =	veq.s32 v41, $0x0;
	v36 =	vor.u32 v36, v42  }
0x5e5: {  	v36 =	vsel vm0, v36, v41;
	v37 =	vsel vm0, $0x1, v0  }
0x5e6: {  	_ =	sdelay $0x3  }
0x5e7: {  	v40 =	vld.idx.msk [tilespmem:v40+s11+$0x0], $0xffff  }
0x5e8: {  	s16 =	sadd.s32 $0x1, s5  }
0x5e9: {  	v42 =	vshll.u32 v39, $0x9;
	v63 =	vshll.u32 v39, $0x7;
	v41 =	vmov s16  }
0x5ea: {  	v42 =	vand.u32 $0xFFFFF000, v42;
	v39 =	vand.u32 $0x380, v63  }
0x5eb: {  	v39 =	vor.u32 v39, v42  }
0x5ec: {  	v39 =	vor.u32 v12, v39;
	v45 =	vshll.u32 v40, $0x9;
	v40 =	vshll.u32 v40, $0x7  }
0x5ed: {  	s28 =	sadd.s32 $0x2, s5;
	v38 =	vld.idx.msk [tilespmem:v38+s2+$0x0], $0xffff;
	v42 =	vand.u32 $0xFFFFF000, v45;
	v40 =	vand.u32 $0x380, v40  }
0x5ee: {  	v43 =	vmov s28;
	v41 =	vld.idx.msk [tilespmem:v41+s11+$0x0], $0xffff;
	v40 =	vor.u32 v40, v42  }
0x5ef: {  	v46 =	vand.u32 v36, v2;
	v12 =	vor.u32 v12, v40  }
0x5f0: {  	s29 =	sadd.s32 $0x3, s5;
	v51 =	vor.u32 v13, v35;
	v2 =	vor.u32 v36, v2;
	vm0 =	veq.s32 v46, $0x0  }
0x5f1: {  	v1 =	vadd.s32 v37, v1;
	s30 =	sadd.s32 $0x4, s5;
	v50 =	vmov s29;
	v2 =	vsel vm0, v2, v46;
	v47 =	vld.idx.msk [tilespmem:v39+s2+$0x0], $0xffff  }
0x5f2: {  	v61 =	vmov s30;
	v53 =	vsel vm0, $0x1, v0;
	v42 =	vand.u32 v2, v38  }
0x5f3: {  	v43 =	vld.idx.msk [tilespmem:v43+s11+$0x0], $0xffff;
	v2 =	vor.u32 v2, v38;
	v48 =	vshll.u32 v41, $0x9;
	v49 =	vshll.u32 v41, $0x7  }
0x5f4: {  	vm1 =	veq.s32 v42, $0x0;
	v39 =	vand.u32 $0xFFFFF000, v48;
	v40 =	vand.u32 $0x380, v49;
	v12 =	vld.idx.msk [tilespmem:v12+s2+$0x0], $0xffff  }
0x5f5: {  	v1 =	vadd.s32 v53, v1;
	v2 =	vsel vm1, v2, v42;
	v39 =	vor.u32 v40, v39  }
0x5f6: {  	v54 =	vsel vm1, $0x1, v0;
	v55 =	vand.u32 v2, v47;
	v52 =	vor.u32 v13, v39  }
0x5f7: {  	v1 =	vadd.s32 v54, v1;
	v2 =	vor.u32 v2, v47;
	vm13 =	veq.s32 v55, $0x0  }
0x5f8: {  	v56 =	vld.idx.msk [tilespmem:v50+s11+$0x0], $0xffff;
	v58 =	vshll.u32 v43, $0x9;
	v59 =	vshll.u32 v43, $0x7;
	v2 =	vsel vm13, v2, v55  }
0x5f9: {  	v40 =	vand.u32 $0x380, v59;
	v39 =	vand.u32 $0xFFFFF000, v58;
	v2 =	vand.u32 v2, v12  }
0x5fa: {  	v57 =	vld.idx.msk [tilespmem:v51+s2+$0x0], $0xffff;
	v60 =	vsel vm13, $0x1, v0;
	v12 =	vor.u32 v40, v39;
	vm14 =	veq.s32 v2, $0x0  }
0x5fb: {  	v1 =	vadd.s32 v60, v1;
	v38 =	vld.idx.msk [tilespmem:v52+s2+$0x0], $0xffff;
	v2 =	vor.u32 v13, v12;
	v12 =	vsel vm14, $0x1, v0  }
0x5fc: {  	v1 =	vadd.s32 v12, v1  }
0x5fd: {  	v62 =	vshll.u32 v56, $0x9;
	v36 =	vshll.u32 v56, $0x7;
	[tilespmem:$0x1FC30] =	vst v1;
	v1 =	vld [tilespmem:$0x10880]  }
0x5fe: {  	s31 =	sadd.s32 $0x5, s5;
	v36 =	vand.u32 $0x380, v36;
	v39 =	vand.u32 $0xFFFFF000, v62  }
0x5ff: {  	v40 =	vmov s31;
	v36 =	vor.u32 v36, v39;
	v39 =	vld.idx.msk [tilespmem:v61+s11+$0x0], $0xffff  }
0x600: {  	v63 =	vand.u32 v57, v38  }
0x601: {  	v37 =	vor.u32 v57, v38;
	v2 =	vld.idx.msk [tilespmem:v2+s2+$0x0], $0xffff;
	v38 =	vor.u32 v13, v36;
	vm15 =	veq.s32 v63, $0x0  }
0x602: {  	s16 =	simm.s32 $0x6;
	v36 =	vsel vm15, v37, v63;
	v37 =	vsel vm15, $0x1, v0;
	[tilespmem:$0x1FC40] =	vst v1;
	v1 =	vimm.s32 $0x0  }
.LBB2_84:
0x603: {  	p0 =	sne.s32 s16, $0x7F;
	v1 =	vadd.s32 v37, v1;
	s17 =	smov.u32 s16;
	s16 =	sadd.s32 $0x1, s16  }
.Ltmp41:
0x604: {  	v37 =	vshll.u32 v39, $0x9;
	v41 =	vshll.u32 v39, $0x7;
	s17 =	sadd.s32 s17, s5;
	v39 =	vld.idx.msk [tilespmem:v40+s11+$0x0], $0xffff;
	(pc) =	sbr.rel @p0 .LBB2_84-.Ltmp41, $4  }
0x605: {  	v37 =	vand.u32 $0xFFFFF000, v37;
	v41 =	vand.u32 $0x380, v41;
	v40 =	vmov s17  }
0x606: {  	v37 =	vor.u32 v41, v37;
	v41 =	vand.u32 v36, v2;
	v42 =	vmov v2;
	v2 =	vld.idx.msk [tilespmem:v38+s2+$0x0], $0xffff  }
0x607: {  	v38 =	vor.u32 v13, v37;
	vm0 =	veq.s32 v41, $0x0;
	v36 =	vor.u32 v36, v42  }
0x608: {  	v36 =	vsel vm0, v36, v41;
	v37 =	vsel vm0, $0x1, v0  }
0x609: {  	_ =	sdelay $0x2  }
0x60a: {  	s16 =	sadd.s32 $0x1, s5  }
0x60b: {  	v40 =	vld.idx.msk [tilespmem:v40+s11+$0x0], $0xffff;
	v41 =	vmov s16;
	_ =	sdelay $0x1  }
0x60c: {  	v42 =	vshll.u32 v39, $0x9;
	v63 =	vshll.u32 v39, $0x7  }
0x60d: {  	s28 =	sadd.s32 $0x2, s5;
	v42 =	vand.u32 $0xFFFFF000, v42;
	v39 =	vand.u32 $0x380, v63  }
0x60e: {  	v43 =	vmov s28;
	v39 =	vor.u32 v39, v42  }
0x60f: {  	v39 =	vor.u32 v13, v39;
	v45 =	vshll.u32 v40, $0x9;
	v40 =	vshll.u32 v40, $0x7;
	v41 =	vld.idx.msk [tilespmem:v41+s11+$0x0], $0xffff  }
0x610: {  	v42 =	vand.u32 $0xFFFFF000, v45;
	v40 =	vand.u32 $0x380, v40  }
0x611: {  	v38 =	vld.idx.msk [tilespmem:v38+s2+$0x0], $0xffff;
	v40 =	vor.u32 v40, v42  }
0x612: {  	s29 =	sadd.s32 $0x3, s5;
	v51 =	vor.u32 v14, v35;
	v13 =	vor.u32 v13, v40  }
0x613: {  	v50 =	vmov s29;
	v46 =	vand.u32 v36, v2;
	v2 =	vor.u32 v36, v2;
	v43 =	vld.idx.msk [tilespmem:v43+s11+$0x0], $0xffff  }
0x614: {  	vm0 =	veq.s32 v46, $0x0;
	v47 =	vld.idx.msk [tilespmem:v39+s2+$0x0], $0xffff;
	v48 =	vshll.u32 v41, $0x9;
	v49 =	vshll.u32 v41, $0x7  }
0x615: {  	v2 =	vsel vm0, v2, v46;
	v39 =	vand.u32 $0xFFFFF000, v48;
	v40 =	vand.u32 $0x380, v49  }
0x616: {  	v1 =	vadd.s32 v37, v1;
	v42 =	vand.u32 v2, v38;
	v39 =	vor.u32 v40, v39  }
0x617: {  	s30 =	sadd.s32 $0x4, s5;
	v2 =	vor.u32 v2, v38;
	vm1 =	veq.s32 v42, $0x0;
	v13 =	vld.idx.msk [tilespmem:v13+s2+$0x0], $0xffff;
	v52 =	vor.u32 v14, v39  }
0x618: {  	v61 =	vmov s30;
	v53 =	vsel vm0, $0x1, v0;
	v2 =	vsel vm1, v2, v42  }
0x619: {  	v1 =	vadd.s32 v53, v1;
	v56 =	vld.idx.msk [tilespmem:v50+s11+$0x0], $0xffff;
	v58 =	vshll.u32 v43, $0x9;
	v55 =	vand.u32 v2, v47  }
0x61a: {  	v59 =	vshll.u32 v43, $0x7;
	v2 =	vor.u32 v2, v47;
	vm13 =	veq.s32 v55, $0x0  }
0x61b: {  	v57 =	vld.idx.msk [tilespmem:v51+s2+$0x0], $0xffff;
	v40 =	vand.u32 $0x380, v59;
	v39 =	vand.u32 $0xFFFFF000, v58;
	v2 =	vsel vm13, v2, v55  }
0x61c: {  	v54 =	vsel vm1, $0x1, v0;
	v2 =	vand.u32 v2, v13;
	v13 =	vor.u32 v40, v39;
	v38 =	vld.idx.msk [tilespmem:v52+s2+$0x0], $0xffff  }
0x61d: {  	v1 =	vadd.s32 v54, v1;
	vm14 =	veq.s32 v2, $0x0;
	v2 =	vor.u32 v14, v13  }
0x61e: {  	v62 =	vshll.u32 v56, $0x9;
	v36 =	vshll.u32 v56, $0x7;
	v60 =	vsel vm13, $0x1, v0  }
0x61f: {  	s31 =	sadd.s32 $0x5, s5;
	v36 =	vand.u32 $0x380, v36;
	v1 =	vadd.s32 v60, v1;
	v39 =	vand.u32 $0xFFFFF000, v62  }
0x620: {  	v40 =	vmov s31;
	v36 =	vor.u32 v36, v39;
	v39 =	vld.idx.msk [tilespmem:v61+s11+$0x0], $0xffff;
	v13 =	vsel vm14, $0x1, v0  }
0x621: {  	v13 =	vadd.s32 v13, v1;
	v63 =	vand.u32 v57, v38  }
0x622: {  	v37 =	vor.u32 v57, v38;
	v2 =	vld.idx.msk [tilespmem:v2+s2+$0x0], $0xffff;
	v38 =	vor.u32 v14, v36;
	vm15 =	veq.s32 v63, $0x0  }
0x623: {  	s16 =	simm.s32 $0x6;
	v52 =	vld [tilespmem:$0x10890];
	v1 =	vimm.s32 $0x0;
	v36 =	vsel vm15, v37, v63;
	v37 =	vsel vm15, $0x1, v0  }
.LBB2_86:
0x624: {  	p0 =	sne.s32 s16, $0x7F;
	v1 =	vadd.s32 v37, v1;
	s17 =	smov.u32 s16;
	s16 =	sadd.s32 $0x1, s16  }
.Ltmp42:
0x625: {  	v37 =	vshll.u32 v39, $0x9;
	v41 =	vshll.u32 v39, $0x7;
	s17 =	sadd.s32 s17, s5;
	v39 =	vld.idx.msk [tilespmem:v40+s11+$0x0], $0xffff;
	(pc) =	sbr.rel @p0 .LBB2_86-.Ltmp42, $4  }
0x626: {  	v37 =	vand.u32 $0xFFFFF000, v37;
	v41 =	vand.u32 $0x380, v41;
	v40 =	vmov s17  }
0x627: {  	v37 =	vor.u32 v41, v37;
	v41 =	vand.u32 v36, v2;
	v42 =	vmov v2;
	v2 =	vld.idx.msk [tilespmem:v38+s2+$0x0], $0xffff  }
0x628: {  	v38 =	vor.u32 v14, v37;
	vm0 =	veq.s32 v41, $0x0;
	v36 =	vor.u32 v36, v42  }
0x629: {  	v36 =	vsel vm0, v36, v41;
	v37 =	vsel vm0, $0x1, v0  }
0x62a: {  	_ =	sdelay $0x2  }
0x62b: {  	s16 =	sadd.s32 $0x1, s5  }
0x62c: {  	v40 =	vld.idx.msk [tilespmem:v40+s11+$0x0], $0xffff;
	v41 =	vmov s16;
	_ =	sdelay $0x1  }
0x62d: {  	v42 =	vshll.u32 v39, $0x9;
	v62 =	vshll.u32 v39, $0x7  }
0x62e: {  	s28 =	sadd.s32 $0x2, s5;
	v42 =	vand.u32 $0xFFFFF000, v42;
	v39 =	vand.u32 $0x380, v62  }
0x62f: {  	v43 =	vmov s28;
	v39 =	vor.u32 v39, v42  }
0x630: {  	v39 =	vor.u32 v14, v39;
	v63 =	vshll.u32 v40, $0x9;
	v40 =	vshll.u32 v40, $0x7;
	v41 =	vld.idx.msk [tilespmem:v41+s11+$0x0], $0xffff  }
0x631: {  	v42 =	vand.u32 $0xFFFFF000, v63;
	v40 =	vand.u32 $0x380, v40  }
0x632: {  	v38 =	vld.idx.msk [tilespmem:v38+s2+$0x0], $0xffff;
	v40 =	vor.u32 v40, v42  }
0x633: {  	s29 =	sadd.s32 $0x3, s5;
	v50 =	vor.u32 v15, v35;
	v14 =	vor.u32 v14, v40  }
0x634: {  	v49 =	vmov s29;
	v45 =	vand.u32 v36, v2;
	v2 =	vor.u32 v36, v2;
	v43 =	vld.idx.msk [tilespmem:v43+s11+$0x0], $0xffff  }
0x635: {  	vm0 =	veq.s32 v45, $0x0;
	v46 =	vld.idx.msk [tilespmem:v39+s2+$0x0], $0xffff;
	v47 =	vshll.u32 v41, $0x9;
	v48 =	vshll.u32 v41, $0x7  }
0x636: {  	v2 =	vsel vm0, v2, v45;
	v39 =	vand.u32 $0xFFFFF000, v47;
	v40 =	vand.u32 $0x380, v48  }
0x637: {  	v1 =	vadd.s32 v37, v1;
	v42 =	vand.u32 v2, v38;
	v39 =	vor.u32 v40, v39  }
0x638: {  	s30 =	sadd.s32 $0x4, s5;
	v2 =	vor.u32 v2, v38;
	vm1 =	veq.s32 v42, $0x0;
	v14 =	vld.idx.msk [tilespmem:v14+s2+$0x0], $0xffff;
	v51 =	vor.u32 v15, v39  }
0x639: {  	v61 =	vmov s30;
	v53 =	vsel vm0, $0x1, v0;
	v2 =	vsel vm1, v2, v42  }
0x63a: {  	v1 =	vadd.s32 v53, v1;
	v56 =	vld.idx.msk [tilespmem:v49+s11+$0x0], $0xffff;
	v58 =	vshll.u32 v43, $0x9;
	v55 =	vand.u32 v2, v46  }
0x63b: {  	v59 =	vshll.u32 v43, $0x7;
	v2 =	vor.u32 v2, v46;
	vm13 =	veq.s32 v55, $0x0  }
0x63c: {  	v57 =	vld.idx.msk [tilespmem:v50+s2+$0x0], $0xffff;
	v40 =	vand.u32 $0x380, v59;
	v39 =	vand.u32 $0xFFFFF000, v58;
	v2 =	vsel vm13, v2, v55  }
0x63d: {  	v54 =	vsel vm1, $0x1, v0;
	v2 =	vand.u32 v2, v14;
	v14 =	vor.u32 v40, v39;
	v38 =	vld.idx.msk [tilespmem:v51+s2+$0x0], $0xffff  }
0x63e: {  	v1 =	vadd.s32 v54, v1;
	vm14 =	veq.s32 v2, $0x0;
	v2 =	vor.u32 v15, v14  }
0x63f: {  	v62 =	vshll.u32 v56, $0x9;
	v36 =	vshll.u32 v56, $0x7;
	v60 =	vsel vm13, $0x1, v0  }
0x640: {  	s31 =	sadd.s32 $0x5, s5;
	v36 =	vand.u32 $0x380, v36;
	v1 =	vadd.s32 v60, v1;
	v39 =	vand.u32 $0xFFFFF000, v62  }
0x641: {  	v40 =	vmov s31;
	v36 =	vor.u32 v36, v39;
	v39 =	vld.idx.msk [tilespmem:v61+s11+$0x0], $0xffff;
	v14 =	vsel vm14, $0x1, v0  }
0x642: {  	v14 =	vadd.s32 v14, v1;
	v63 =	vand.u32 v57, v38  }
0x643: {  	v37 =	vor.u32 v57, v38;
	v2 =	vld.idx.msk [tilespmem:v2+s2+$0x0], $0xffff;
	v38 =	vor.u32 v15, v36;
	vm15 =	veq.s32 v63, $0x0  }
0x644: {  	s16 =	simm.s32 $0x6;
	v53 =	vld [tilespmem:$0x108A0];
	v1 =	vimm.s32 $0x0;
	v36 =	vsel vm15, v37, v63;
	v37 =	vsel vm15, $0x1, v0  }
.LBB2_88:
0x645: {  	p0 =	sne.s32 s16, $0x7F;
	v1 =	vadd.s32 v37, v1;
	s17 =	smov.u32 s16;
	s16 =	sadd.s32 $0x1, s16  }
.Ltmp43:
0x646: {  	v37 =	vshll.u32 v39, $0x9;
	v41 =	vshll.u32 v39, $0x7;
	s17 =	sadd.s32 s17, s5;
	v39 =	vld.idx.msk [tilespmem:v40+s11+$0x0], $0xffff;
	(pc) =	sbr.rel @p0 .LBB2_88-.Ltmp43, $4  }
0x647: {  	v37 =	vand.u32 $0xFFFFF000, v37;
	v41 =	vand.u32 $0x380, v41;
	v40 =	vmov s17  }
0x648: {  	v37 =	vor.u32 v41, v37;
	v41 =	vand.u32 v36, v2;
	v42 =	vmov v2;
	v2 =	vld.idx.msk [tilespmem:v38+s2+$0x0], $0xffff  }
0x649: {  	v38 =	vor.u32 v15, v37;
	vm0 =	veq.s32 v41, $0x0;
	v36 =	vor.u32 v36, v42  }
0x64a: {  	v36 =	vsel vm0, v36, v41;
	v37 =	vsel vm0, $0x1, v0  }
0x64b: {  	_ =	sdelay $0x2  }
0x64c: {  	s16 =	sadd.s32 $0x1, s5  }
0x64d: {  	v40 =	vld.idx.msk [tilespmem:v40+s11+$0x0], $0xffff;
	v41 =	vmov s16;
	_ =	sdelay $0x1  }
0x64e: {  	v42 =	vshll.u32 v39, $0x9;
	v61 =	vshll.u32 v39, $0x7  }
0x64f: {  	s28 =	sadd.s32 $0x2, s5;
	v42 =	vand.u32 $0xFFFFF000, v42;
	v39 =	vand.u32 $0x380, v61  }
0x650: {  	v43 =	vmov s28;
	v39 =	vor.u32 v39, v42  }
0x651: {  	v39 =	vor.u32 v15, v39;
	v62 =	vshll.u32 v40, $0x9;
	v40 =	vshll.u32 v40, $0x7;
	v41 =	vld.idx.msk [tilespmem:v41+s11+$0x0], $0xffff  }
0x652: {  	v42 =	vand.u32 $0xFFFFF000, v62;
	v40 =	vand.u32 $0x380, v40  }
0x653: {  	v38 =	vld.idx.msk [tilespmem:v38+s2+$0x0], $0xffff;
	v40 =	vor.u32 v40, v42  }
0x654: {  	s29 =	sadd.s32 $0x3, s5;
	v49 =	vor.u32 v16, v35;
	v15 =	vor.u32 v15, v40  }
0x655: {  	v48 =	vmov s29;
	v63 =	vand.u32 v36, v2;
	v2 =	vor.u32 v36, v2;
	v43 =	vld.idx.msk [tilespmem:v43+s11+$0x0], $0xffff  }
0x656: {  	vm0 =	veq.s32 v63, $0x0;
	v45 =	vld.idx.msk [tilespmem:v39+s2+$0x0], $0xffff;
	v46 =	vshll.u32 v41, $0x9;
	v47 =	vshll.u32 v41, $0x7  }
0x657: {  	v2 =	vsel vm0, v2, v63;
	v39 =	vand.u32 $0xFFFFF000, v46;
	v40 =	vand.u32 $0x380, v47  }
0x658: {  	v1 =	vadd.s32 v37, v1;
	v42 =	vand.u32 v2, v38;
	v39 =	vor.u32 v40, v39  }
0x659: {  	s30 =	sadd.s32 $0x4, s5;
	v2 =	vor.u32 v2, v38;
	vm1 =	veq.s32 v42, $0x0;
	v15 =	vld.idx.msk [tilespmem:v15+s2+$0x0], $0xffff;
	v50 =	vor.u32 v16, v39  }
0x65a: {  	v61 =	vmov s30;
	v51 =	vsel vm0, $0x1, v0;
	v2 =	vsel vm1, v2, v42  }
0x65b: {  	v1 =	vadd.s32 v51, v1;
	v56 =	vld.idx.msk [tilespmem:v48+s11+$0x0], $0xffff;
	v58 =	vshll.u32 v43, $0x9;
	v55 =	vand.u32 v2, v45  }
0x65c: {  	v59 =	vshll.u32 v43, $0x7;
	v2 =	vor.u32 v2, v45;
	vm13 =	veq.s32 v55, $0x0  }
0x65d: {  	v57 =	vld.idx.msk [tilespmem:v49+s2+$0x0], $0xffff;
	v40 =	vand.u32 $0x380, v59;
	v39 =	vand.u32 $0xFFFFF000, v58;
	v2 =	vsel vm13, v2, v55  }
0x65e: {  	v54 =	vsel vm1, $0x1, v0;
	v2 =	vand.u32 v2, v15;
	v15 =	vor.u32 v40, v39;
	v38 =	vld.idx.msk [tilespmem:v50+s2+$0x0], $0xffff  }
0x65f: {  	v1 =	vadd.s32 v54, v1;
	vm14 =	veq.s32 v2, $0x0;
	v2 =	vor.u32 v16, v15  }
0x660: {  	v62 =	vshll.u32 v56, $0x9;
	v36 =	vshll.u32 v56, $0x7;
	v60 =	vsel vm13, $0x1, v0  }
0x661: {  	s31 =	sadd.s32 $0x5, s5;
	v36 =	vand.u32 $0x380, v36;
	v1 =	vadd.s32 v60, v1;
	v39 =	vand.u32 $0xFFFFF000, v62  }
0x662: {  	v40 =	vmov s31;
	v36 =	vor.u32 v36, v39;
	v39 =	vld.idx.msk [tilespmem:v61+s11+$0x0], $0xffff;
	v15 =	vsel vm14, $0x1, v0  }
0x663: {  	v15 =	vadd.s32 v15, v1;
	v63 =	vand.u32 v57, v38  }
0x664: {  	v37 =	vor.u32 v57, v38;
	v2 =	vld.idx.msk [tilespmem:v2+s2+$0x0], $0xffff;
	v38 =	vor.u32 v16, v36;
	vm15 =	veq.s32 v63, $0x0  }
0x665: {  	s16 =	simm.s32 $0x6;
	v54 =	vld [tilespmem:$0x108B0];
	v1 =	vimm.s32 $0x0;
	v36 =	vsel vm15, v37, v63;
	v37 =	vsel vm15, $0x1, v0  }
.LBB2_90:
0x666: {  	p0 =	sne.s32 s16, $0x7F;
	v1 =	vadd.s32 v37, v1;
	s17 =	smov.u32 s16;
	s16 =	sadd.s32 $0x1, s16  }
.Ltmp44:
0x667: {  	v37 =	vshll.u32 v39, $0x9;
	v41 =	vshll.u32 v39, $0x7;
	s17 =	sadd.s32 s17, s5;
	v39 =	vld.idx.msk [tilespmem:v40+s11+$0x0], $0xffff;
	(pc) =	sbr.rel @p0 .LBB2_90-.Ltmp44, $4  }
0x668: {  	v37 =	vand.u32 $0xFFFFF000, v37;
	v41 =	vand.u32 $0x380, v41;
	v40 =	vmov s17  }
0x669: {  	v37 =	vor.u32 v41, v37;
	v41 =	vand.u32 v36, v2;
	v42 =	vmov v2;
	v2 =	vld.idx.msk [tilespmem:v38+s2+$0x0], $0xffff  }
0x66a: {  	v38 =	vor.u32 v16, v37;
	vm0 =	veq.s32 v41, $0x0;
	v36 =	vor.u32 v36, v42  }
0x66b: {  	v36 =	vsel vm0, v36, v41;
	v37 =	vsel vm0, $0x1, v0  }
0x66c: {  	_ =	sdelay $0x2  }
0x66d: {  	s16 =	sadd.s32 $0x1, s5  }
0x66e: {  	v40 =	vld.idx.msk [tilespmem:v40+s11+$0x0], $0xffff;
	v41 =	vmov s16;
	_ =	sdelay $0x1  }
0x66f: {  	v42 =	vshll.u32 v39, $0x9;
	v60 =	vshll.u32 v39, $0x7  }
0x670: {  	s28 =	sadd.s32 $0x2, s5;
	v42 =	vand.u32 $0xFFFFF000, v42;
	v39 =	vand.u32 $0x380, v60  }
0x671: {  	v43 =	vmov s28;
	v39 =	vor.u32 v39, v42  }
0x672: {  	v39 =	vor.u32 v16, v39;
	v61 =	vshll.u32 v40, $0x9;
	v40 =	vshll.u32 v40, $0x7;
	v41 =	vld.idx.msk [tilespmem:v41+s11+$0x0], $0xffff  }
0x673: {  	v42 =	vand.u32 $0xFFFFF000, v61;
	v40 =	vand.u32 $0x380, v40  }
0x674: {  	v38 =	vld.idx.msk [tilespmem:v38+s2+$0x0], $0xffff;
	v40 =	vor.u32 v40, v42  }
0x675: {  	s29 =	sadd.s32 $0x3, s5;
	v48 =	vor.u32 v17, v35;
	v1 =	vadd.s32 v37, v1;
	v16 =	vor.u32 v16, v40  }
0x676: {  	v47 =	vmov s29;
	v62 =	vand.u32 v36, v2;
	v2 =	vor.u32 v36, v2;
	v43 =	vld.idx.msk [tilespmem:v43+s11+$0x0], $0xffff  }
0x677: {  	vm0 =	veq.s32 v62, $0x0;
	v63 =	vld.idx.msk [tilespmem:v39+s2+$0x0], $0xffff;
	v45 =	vshll.u32 v41, $0x9;
	v46 =	vshll.u32 v41, $0x7  }
0x678: {  	v2 =	vsel vm0, v2, v62;
	v39 =	vand.u32 $0xFFFFF000, v45;
	v40 =	vand.u32 $0x380, v46  }
0x679: {  	v50 =	vsel vm0, $0x1, v0;
	v42 =	vand.u32 v2, v38;
	v39 =	vor.u32 v40, v39  }
0x67a: {  	v2 =	vor.u32 v2, v38;
	vm1 =	veq.s32 v42, $0x0;
	v16 =	vld.idx.msk [tilespmem:v16+s2+$0x0], $0xffff;
	v49 =	vor.u32 v17, v39  }
0x67b: {  	s30 =	sadd.s32 $0x4, s5;
	v1 =	vadd.s32 v50, v1;
	v2 =	vsel vm1, v2, v42  }
0x67c: {  	v56 =	vld.idx.msk [tilespmem:v47+s11+$0x0], $0xffff;
	v61 =	vmov s30;
	v58 =	vshll.u32 v43, $0x9;
	v55 =	vand.u32 v2, v63  }
0x67d: {  	v59 =	vshll.u32 v43, $0x7;
	v2 =	vor.u32 v2, v63;
	vm13 =	veq.s32 v55, $0x0  }
0x67e: {  	v57 =	vld.idx.msk [tilespmem:v48+s2+$0x0], $0xffff;
	v40 =	vand.u32 $0x380, v59;
	v39 =	vand.u32 $0xFFFFF000, v58;
	v2 =	vsel vm13, v2, v55  }
0x67f: {  	v51 =	vsel vm1, $0x1, v0;
	v2 =	vand.u32 v2, v16;
	v16 =	vor.u32 v40, v39;
	v38 =	vld.idx.msk [tilespmem:v49+s2+$0x0], $0xffff  }
0x680: {  	v1 =	vadd.s32 v51, v1;
	vm14 =	veq.s32 v2, $0x0;
	v2 =	vor.u32 v17, v16  }
0x681: {  	v62 =	vshll.u32 v56, $0x9;
	v36 =	vshll.u32 v56, $0x7;
	v60 =	vsel vm13, $0x1, v0  }
0x682: {  	s31 =	sadd.s32 $0x5, s5;
	v36 =	vand.u32 $0x380, v36;
	v1 =	vadd.s32 v60, v1;
	v39 =	vand.u32 $0xFFFFF000, v62  }
0x683: {  	v40 =	vmov s31;
	v36 =	vor.u32 v36, v39;
	v39 =	vld.idx.msk [tilespmem:v61+s11+$0x0], $0xffff;
	v16 =	vsel vm14, $0x1, v0  }
0x684: {  	v16 =	vadd.s32 v16, v1;
	v63 =	vand.u32 v57, v38  }
0x685: {  	v37 =	vor.u32 v57, v38;
	v2 =	vld.idx.msk [tilespmem:v2+s2+$0x0], $0xffff;
	v38 =	vor.u32 v17, v36;
	vm15 =	veq.s32 v63, $0x0  }
0x686: {  	s16 =	simm.s32 $0x6;
	v55 =	vld [tilespmem:$0x108C0];
	v1 =	vimm.s32 $0x0;
	v36 =	vsel vm15, v37, v63;
	v37 =	vsel vm15, $0x1, v0  }
.LBB2_92:
0x687: {  	p0 =	sne.s32 s16, $0x7F;
	v1 =	vadd.s32 v37, v1;
	s17 =	smov.u32 s16;
	s16 =	sadd.s32 $0x1, s16  }
.Ltmp45:
0x688: {  	v37 =	vshll.u32 v39, $0x9;
	v41 =	vshll.u32 v39, $0x7;
	s17 =	sadd.s32 s17, s5;
	v39 =	vld.idx.msk [tilespmem:v40+s11+$0x0], $0xffff;
	(pc) =	sbr.rel @p0 .LBB2_92-.Ltmp45, $4  }
0x689: {  	v37 =	vand.u32 $0xFFFFF000, v37;
	v41 =	vand.u32 $0x380, v41;
	v40 =	vmov s17  }
0x68a: {  	v37 =	vor.u32 v41, v37;
	v41 =	vand.u32 v36, v2;
	v42 =	vmov v2;
	v2 =	vld.idx.msk [tilespmem:v38+s2+$0x0], $0xffff  }
0x68b: {  	v38 =	vor.u32 v17, v37;
	vm0 =	veq.s32 v41, $0x0;
	v36 =	vor.u32 v36, v42  }
0x68c: {  	v36 =	vsel vm0, v36, v41;
	v37 =	vsel vm0, $0x1, v0  }
0x68d: {  	_ =	sdelay $0x2  }
0x68e: {  	s16 =	sadd.s32 $0x1, s5  }
0x68f: {  	v40 =	vld.idx.msk [tilespmem:v40+s11+$0x0], $0xffff;
	v41 =	vmov s16;
	_ =	sdelay $0x1  }
0x690: {  	v42 =	vshll.u32 v39, $0x9;
	v57 =	vshll.u32 v39, $0x7  }
0x691: {  	s28 =	sadd.s32 $0x2, s5;
	v42 =	vand.u32 $0xFFFFF000, v42;
	v39 =	vand.u32 $0x380, v57  }
0x692: {  	v43 =	vmov s28;
	v39 =	vor.u32 v39, v42  }
0x693: {  	v39 =	vor.u32 v17, v39;
	v58 =	vshll.u32 v40, $0x9;
	v40 =	vshll.u32 v40, $0x7;
	v41 =	vld.idx.msk [tilespmem:v41+s11+$0x0], $0xffff  }
0x694: {  	v42 =	vand.u32 $0xFFFFF000, v58;
	v40 =	vand.u32 $0x380, v40  }
0x695: {  	v38 =	vld.idx.msk [tilespmem:v38+s2+$0x0], $0xffff;
	v40 =	vor.u32 v40, v42  }
0x696: {  	s29 =	sadd.s32 $0x3, s5;
	v45 =	vor.u32 v18, v35;
	v1 =	vadd.s32 v37, v1;
	v17 =	vor.u32 v17, v40  }
0x697: {  	v63 =	vmov s29;
	v59 =	vand.u32 v36, v2;
	v2 =	vor.u32 v36, v2;
	v43 =	vld.idx.msk [tilespmem:v43+s11+$0x0], $0xffff  }
0x698: {  	vm0 =	veq.s32 v59, $0x0;
	v60 =	vld.idx.msk [tilespmem:v39+s2+$0x0], $0xffff;
	v61 =	vshll.u32 v41, $0x9;
	v62 =	vshll.u32 v41, $0x7  }
0x699: {  	v2 =	vsel vm0, v2, v59;
	v39 =	vand.u32 $0xFFFFF000, v61;
	v40 =	vand.u32 $0x380, v62  }
0x69a: {  	v47 =	vsel vm0, $0x1, v0;
	v42 =	vand.u32 v2, v38;
	v39 =	vor.u32 v40, v39  }
0x69b: {  	v2 =	vor.u32 v2, v38;
	vm1 =	veq.s32 v42, $0x0;
	v17 =	vld.idx.msk [tilespmem:v17+s2+$0x0], $0xffff;
	v46 =	vor.u32 v18, v39  }
0x69c: {  	v1 =	vadd.s32 v47, v1;
	v2 =	vsel vm1, v2, v42  }
0x69d: {  	s30 =	sadd.s32 $0x4, s5;
	v50 =	vld.idx.msk [tilespmem:v63+s11+$0x0], $0xffff;
	v58 =	vshll.u32 v43, $0x9;
	v59 =	vshll.u32 v43, $0x7;
	v49 =	vand.u32 v2, v60  }
0x69e: {  	v61 =	vmov s30;
	v2 =	vor.u32 v2, v60;
	vm13 =	veq.s32 v49, $0x0  }
0x69f: {  	v51 =	vld.idx.msk [tilespmem:v45+s2+$0x0], $0xffff;
	v40 =	vand.u32 $0x380, v59;
	v39 =	vand.u32 $0xFFFFF000, v58;
	v2 =	vsel vm13, v2, v49  }
0x6a0: {  	v48 =	vsel vm1, $0x1, v0;
	v2 =	vand.u32 v2, v17;
	v17 =	vor.u32 v40, v39;
	v38 =	vld.idx.msk [tilespmem:v46+s2+$0x0], $0xffff  }
0x6a1: {  	v1 =	vadd.s32 v48, v1;
	vm14 =	veq.s32 v2, $0x0;
	v2 =	vor.u32 v18, v17  }
0x6a2: {  	v36 =	vshll.u32 v50, $0x7;
	v62 =	vshll.u32 v50, $0x9;
	v60 =	vsel vm13, $0x1, v0  }
0x6a3: {  	s31 =	sadd.s32 $0x5, s5;
	v36 =	vand.u32 $0x380, v36;
	v1 =	vadd.s32 v60, v1;
	v39 =	vand.u32 $0xFFFFF000, v62  }
0x6a4: {  	v40 =	vmov s31;
	v36 =	vor.u32 v36, v39;
	v39 =	vld.idx.msk [tilespmem:v61+s11+$0x0], $0xffff;
	v17 =	vsel vm14, $0x1, v0  }
0x6a5: {  	v17 =	vadd.s32 v17, v1;
	v63 =	vand.u32 v51, v38  }
0x6a6: {  	v37 =	vor.u32 v51, v38;
	v2 =	vld.idx.msk [tilespmem:v2+s2+$0x0], $0xffff;
	v38 =	vor.u32 v18, v36;
	vm15 =	veq.s32 v63, $0x0  }
0x6a7: {  	v56 =	vld [tilespmem:$0x108D0];
	s16 =	simm.s32 $0x6;
	v1 =	vimm.s32 $0x0;
	v36 =	vsel vm15, v37, v63;
	v37 =	vsel vm15, $0x1, v0  }
.LBB2_94:
0x6a8: {  	p0 =	sne.s32 s16, $0x7F;
	v1 =	vadd.s32 v37, v1;
	s17 =	smov.u32 s16;
	s16 =	sadd.s32 $0x1, s16  }
.Ltmp46:
0x6a9: {  	v37 =	vshll.u32 v39, $0x9;
	v41 =	vshll.u32 v39, $0x7;
	s17 =	sadd.s32 s17, s5;
	v39 =	vld.idx.msk [tilespmem:v40+s11+$0x0], $0xffff;
	(pc) =	sbr.rel @p0 .LBB2_94-.Ltmp46, $4  }
0x6aa: {  	v37 =	vand.u32 $0xFFFFF000, v37;
	v41 =	vand.u32 $0x380, v41;
	v40 =	vmov s17  }
0x6ab: {  	v37 =	vor.u32 v41, v37;
	v41 =	vand.u32 v36, v2;
	v42 =	vmov v2;
	v2 =	vld.idx.msk [tilespmem:v38+s2+$0x0], $0xffff  }
0x6ac: {  	v38 =	vor.u32 v18, v37;
	vm0 =	veq.s32 v41, $0x0;
	v36 =	vor.u32 v36, v42  }
0x6ad: {  	v36 =	vsel vm0, v36, v41;
	v37 =	vsel vm0, $0x1, v0  }
0x6ae: {  	_ =	sdelay $0x2  }
0x6af: {  	s16 =	sadd.s32 $0x1, s5  }
0x6b0: {  	v40 =	vld.idx.msk [tilespmem:v40+s11+$0x0], $0xffff;
	v41 =	vmov s16;
	_ =	sdelay $0x1  }
0x6b1: {  	v42 =	vshll.u32 v39, $0x9;
	v59 =	vshll.u32 v39, $0x7  }
0x6b2: {  	s28 =	sadd.s32 $0x2, s5;
	v42 =	vand.u32 $0xFFFFF000, v42;
	v39 =	vand.u32 $0x380, v59  }
0x6b3: {  	v43 =	vmov s28;
	v39 =	vor.u32 v39, v42  }
0x6b4: {  	v39 =	vor.u32 v18, v39;
	v60 =	vshll.u32 v40, $0x9;
	v40 =	vshll.u32 v40, $0x7;
	v41 =	vld.idx.msk [tilespmem:v41+s11+$0x0], $0xffff  }
0x6b5: {  	v42 =	vand.u32 $0xFFFFF000, v60;
	v40 =	vand.u32 $0x380, v40  }
0x6b6: {  	v38 =	vld.idx.msk [tilespmem:v38+s2+$0x0], $0xffff;
	v40 =	vor.u32 v40, v42  }
0x6b7: {  	s29 =	sadd.s32 $0x3, s5;
	v18 =	vor.u32 v18, v40  }
0x6b8: {  	v45 =	vmov s29;
	v61 =	vand.u32 v36, v2;
	v2 =	vor.u32 v36, v2;
	v43 =	vld.idx.msk [tilespmem:v43+s11+$0x0], $0xffff  }
0x6b9: {  	vm0 =	veq.s32 v61, $0x0;
	v62 =	vld.idx.msk [tilespmem:v39+s2+$0x0], $0xffff;
	v63 =	vshll.u32 v41, $0x9;
	v44 =	vshll.u32 v41, $0x7  }
0x6ba: {  	v2 =	vsel vm0, v2, v61;
	v39 =	vand.u32 $0xFFFFF000, v63;
	v40 =	vand.u32 $0x380, v44  }
0x6bb: {  	v46 =	vor.u32 v19, v35;
	v42 =	vand.u32 v2, v38;
	v39 =	vor.u32 v40, v39  }
0x6bc: {  	v2 =	vor.u32 v2, v38;
	vm1 =	veq.s32 v42, $0x0;
	v18 =	vld.idx.msk [tilespmem:v18+s2+$0x0], $0xffff;
	v47 =	vor.u32 v19, v39  }
0x6bd: {  	v1 =	vadd.s32 v37, v1;
	s30 =	sadd.s32 $0x4, s5;
	v48 =	vsel vm0, $0x1, v0;
	v51 =	vld.idx.msk [tilespmem:v45+s11+$0x0], $0xffff;
	v2 =	vsel vm1, v2, v42  }
0x6be: {  	v61 =	vmov s30;
	v58 =	vshll.u32 v43, $0x9;
	v50 =	vand.u32 v2, v62  }
0x6bf: {  	v59 =	vshll.u32 v43, $0x7;
	v2 =	vor.u32 v2, v62;
	vm13 =	veq.s32 v50, $0x0  }
0x6c0: {  	v57 =	vld.idx.msk [tilespmem:v46+s2+$0x0], $0xffff;
	v40 =	vand.u32 $0x380, v59;
	v39 =	vand.u32 $0xFFFFF000, v58;
	v2 =	vsel vm13, v2, v50  }
0x6c1: {  	v1 =	vadd.s32 v48, v1;
	v2 =	vand.u32 v2, v18;
	v18 =	vor.u32 v40, v39;
	v38 =	vld.idx.msk [tilespmem:v47+s2+$0x0], $0xffff  }
0x6c2: {  	s31 =	sadd.s32 $0x5, s5;
	v49 =	vsel vm1, $0x1, v0;
	v36 =	vshll.u32 v51, $0x7;
	v39 =	vor.u32 v19, v18  }
0x6c3: {  	v1 =	vadd.s32 v49, v1;
	v41 =	vmov s31;
	v36 =	vand.u32 $0x380, v36  }
0x6c4: {  	v60 =	vsel vm13, $0x1, v0;
	vm14 =	veq.s32 v2, $0x0;
	v18 =	vshll.u32 v51, $0x9  }
0x6c5: {  	v1 =	vadd.s32 v60, v1;
	v40 =	vld.idx.msk [tilespmem:v61+s11+$0x0], $0xffff;
	v2 =	vsel vm14, $0x1, v0;
	v62 =	vand.u32 $0xFFFFF000, v18  }
0x6c6: {  	v18 =	vimm.s32 $0x0;
	v63 =	vor.u32 v36, v62;
	v44 =	vand.u32 v57, v38  }
0x6c7: {  	v37 =	vor.u32 v57, v38;
	v36 =	vld.idx.msk [tilespmem:v39+s2+$0x0], $0xffff;
	v39 =	vor.u32 v19, v63;
	vm15 =	veq.s32 v44, $0x0  }
0x6c8: {  	s16 =	simm.s32 $0x6;
	v1 =	vadd.s32 v2, v1;
	v2 =	vld [tilespmem:$0x108E0];
	v37 =	vsel vm15, v37, v44;
	v38 =	vsel vm15, $0x1, v0  }
.LBB2_96:
0x6c9: {  	p0 =	sne.s32 s16, $0x7F;
	v18 =	vadd.s32 v38, v18;
	s17 =	smov.u32 s16;
	s16 =	sadd.s32 $0x1, s16  }
.Ltmp47:
0x6ca: {  	v38 =	vshll.u32 v40, $0x9;
	v42 =	vshll.u32 v40, $0x7;
	s17 =	sadd.s32 s17, s5;
	v40 =	vld.idx.msk [tilespmem:v41+s11+$0x0], $0xffff;
	(pc) =	sbr.rel @p0 .LBB2_96-.Ltmp47, $4  }
0x6cb: {  	v38 =	vand.u32 $0xFFFFF000, v38;
	v42 =	vand.u32 $0x380, v42;
	v41 =	vmov s17  }
0x6cc: {  	v38 =	vor.u32 v42, v38;
	v42 =	vand.u32 v37, v36;
	v43 =	vmov v36;
	v36 =	vld.idx.msk [tilespmem:v39+s2+$0x0], $0xffff  }
0x6cd: {  	v39 =	vor.u32 v19, v38;
	vm0 =	veq.s32 v42, $0x0;
	v37 =	vor.u32 v37, v43  }
0x6ce: {  	v37 =	vsel vm0, v37, v42;
	v38 =	vsel vm0, $0x1, v0  }
0x6cf: {  	s16 =	sadd.s32 $0x1, s5  }
0x6d0: {  	v42 =	vmov s16;
	_ =	sdelay $0x2  }
0x6d1: {  	v41 =	vld.idx.msk [tilespmem:v41+s11+$0x0], $0xffff;
	v43 =	vshll.u32 v40, $0x9;
	v50 =	vshll.u32 v40, $0x7  }
0x6d2: {  	s28 =	sadd.s32 $0x2, s5;
	v43 =	vand.u32 $0xFFFFF000, v43;
	v40 =	vand.u32 $0x380, v50  }
0x6d3: {  	v44 =	vmov s28;
	v40 =	vor.u32 v40, v43;
	v42 =	vld.idx.msk [tilespmem:v42+s11+$0x0], $0xffff  }
0x6d4: {  	s29 =	sadd.s32 $0x3, s5;
	v40 =	vor.u32 v19, v40  }
0x6d5: {  	v63 =	vor.u32 v20, v35;
	v62 =	vmov s29;
	v57 =	vand.u32 v37, v36  }
0x6d6: {  	v39 =	vld.idx.msk [tilespmem:v39+s2+$0x0], $0xffff;
	v58 =	vor.u32 v37, v36;
	v51 =	vshll.u32 v41, $0x9;
	v41 =	vshll.u32 v41, $0x7  }
0x6d7: {  	vm0 =	veq.s32 v57, $0x0;
	v43 =	vand.u32 $0xFFFFF000, v51;
	v41 =	vand.u32 $0x380, v41  }
0x6d8: {  	v44 =	vld.idx.msk [tilespmem:v44+s11+$0x0], $0xffff;
	v41 =	vor.u32 v41, v43;
	v60 =	vshll.u32 v42, $0x9;
	v61 =	vshll.u32 v42, $0x7  }
0x6d9: {  	v19 =	vor.u32 v19, v41;
	v59 =	vld.idx.msk [tilespmem:v40+s2+$0x0], $0xffff;
	v40 =	vand.u32 $0xFFFFF000, v60;
	v41 =	vand.u32 $0x380, v61  }
0x6da: {  	v18 =	vadd.s32 v38, v18;
	v36 =	vsel vm0, v58, v57;
	v40 =	vor.u32 v41, v40  }
0x6db: {  	v46 =	vsel vm0, $0x1, v0;
	v49 =	vld.idx.msk [tilespmem:v62+s11+$0x0], $0xffff;
	v43 =	vand.u32 v36, v39;
	v45 =	vor.u32 v20, v40  }
0x6dc: {  	v18 =	vadd.s32 v46, v18;
	v36 =	vor.u32 v36, v39;
	vm1 =	veq.s32 v43, $0x0  }
0x6dd: {  	v36 =	vsel vm1, v36, v43;
	v47 =	vsel vm1, $0x1, v0;
	v51 =	vshll.u32 v44, $0x9  }
0x6de: {  	s30 =	sadd.s32 $0x4, s5;
	v57 =	vshll.u32 v44, $0x7;
	v19 =	vld.idx.msk [tilespmem:v19+s2+$0x0], $0xffff;
	v48 =	vand.u32 v36, v59;
	v36 =	vor.u32 v36, v59  }
0x6df: {  	v50 =	vld.idx.msk [tilespmem:v63+s2+$0x0], $0xffff;
	v41 =	vand.u32 $0x380, v57;
	v59 =	vmov s30;
	v40 =	vand.u32 $0xFFFFF000, v51  }
0x6e0: {  	s31 =	sadd.s32 $0x5, s5;
	v18 =	vadd.s32 v47, v18;
	v37 =	vshll.u32 v49, $0x7;
	v60 =	vor.u32 v41, v40;
	v39 =	vld.idx.msk [tilespmem:v45+s2+$0x0], $0xffff  }
0x6e1: {  	v42 =	vmov s31;
	vm13 =	veq.s32 v48, $0x0;
	v40 =	vor.u32 v20, v60  }
0x6e2: {  	v61 =	vshll.u32 v49, $0x9;
	v37 =	vand.u32 $0x380, v37;
	v36 =	vsel vm13, v36, v48  }
0x6e3: {  	v62 =	vand.u32 $0xFFFFF000, v61;
	v58 =	vsel vm13, $0x1, v0;
	v19 =	vand.u32 v36, v19  }
0x6e4: {  	v63 =	vor.u32 v37, v62;
	v18 =	vadd.s32 v58, v18;
	v41 =	vld.idx.msk [tilespmem:v59+s11+$0x0], $0xffff;
	vm14 =	veq.s32 v19, $0x0  }
0x6e5: {  	v36 =	vimm.s32 $0x0;
	v19 =	vsel vm14, $0x1, v0;
	v45 =	vand.u32 v50, v39  }
0x6e6: {  	v37 =	vld.idx.msk [tilespmem:v40+s2+$0x0], $0xffff;
	v40 =	vor.u32 v20, v63;
	v38 =	vor.u32 v50, v39;
	vm15 =	veq.s32 v45, $0x0  }
0x6e7: {  	s16 =	simm.s32 $0x6;
	v18 =	vadd.s32 v19, v18;
	v19 =	vld [tilespmem:$0x108F0];
	v38 =	vsel vm15, v38, v45;
	v39 =	vsel vm15, $0x1, v0  }
.LBB2_98:
0x6e8: {  	p0 =	sne.s32 s16, $0x7F;
	v36 =	vadd.s32 v39, v36;
	s17 =	smov.u32 s16;
	s16 =	sadd.s32 $0x1, s16  }
.Ltmp48:
0x6e9: {  	v39 =	vshll.u32 v41, $0x9;
	v43 =	vshll.u32 v41, $0x7;
	s17 =	sadd.s32 s17, s5;
	v41 =	vld.idx.msk [tilespmem:v42+s11+$0x0], $0xffff;
	(pc) =	sbr.rel @p0 .LBB2_98-.Ltmp48, $4  }
0x6ea: {  	v39 =	vand.u32 $0xFFFFF000, v39;
	v43 =	vand.u32 $0x380, v43;
	v42 =	vmov s17  }
0x6eb: {  	v39 =	vor.u32 v43, v39;
	v43 =	vand.u32 v38, v37;
	v44 =	vmov v37;
	v37 =	vld.idx.msk [tilespmem:v40+s2+$0x0], $0xffff  }
0x6ec: {  	v40 =	vor.u32 v20, v39;
	vm0 =	veq.s32 v43, $0x0;
	v38 =	vor.u32 v38, v44  }
0x6ed: {  	v38 =	vsel vm0, v38, v43;
	v39 =	vsel vm0, $0x1, v0  }
0x6ee: {  	_ = 	snop  }
0x6ef: {  	s16 =	sadd.s32 $0x1, s5  }
0x6f0: {  	v43 =	vmov s16;
	_ =	sdelay $0x1  }
0x6f1: {  	v42 =	vld.idx.msk [tilespmem:v42+s11+$0x0], $0xffff  }
0x6f2: {  	v44 =	vshll.u32 v41, $0x9;
	v50 =	vshll.u32 v41, $0x7;
	s28 =	sadd.s32 $0x2, s5  }
0x6f3: {  	s29 =	sadd.s32 $0x3, s5;
	v44 =	vand.u32 $0xFFFFF000, v44;
	v41 =	vand.u32 $0x380, v50;
	v45 =	vmov s28  }
0x6f4: {  	v62 =	vmov s29;
	v41 =	vor.u32 v41, v44;
	v43 =	vld.idx.msk [tilespmem:v43+s11+$0x0], $0xffff  }
0x6f5: {  	v41 =	vor.u32 v20, v41  }
0x6f6: {  	v40 =	vld.idx.msk [tilespmem:v40+s2+$0x0], $0xffff;
	v63 =	vor.u32 v21, v35;
	v51 =	vshll.u32 v42, $0x9;
	v42 =	vshll.u32 v42, $0x7  }
0x6f7: {  	v57 =	vand.u32 v38, v37;
	v44 =	vand.u32 $0xFFFFF000, v51;
	v42 =	vand.u32 $0x380, v42  }
0x6f8: {  	v58 =	vor.u32 v38, v37;
	vm0 =	veq.s32 v57, $0x0;
	v45 =	vld.idx.msk [tilespmem:v45+s11+$0x0], $0xffff;
	v42 =	vor.u32 v42, v44  }
0x6f9: {  	v50 =	vld.idx.msk [tilespmem:v62+s11+$0x0], $0xffff;
	v20 =	vor.u32 v20, v42;
	v60 =	vshll.u32 v43, $0x9;
	v61 =	vshll.u32 v43, $0x7  }
0x6fa: {  	v37 =	vsel vm0, v58, v57;
	v59 =	vld.idx.msk [tilespmem:v41+s2+$0x0], $0xffff;
	v41 =	vand.u32 $0xFFFFF000, v60;
	v42 =	vand.u32 $0x380, v61  }
0x6fb: {  	v36 =	vadd.s32 v39, v36;
	v44 =	vand.u32 v37, v40;
	v41 =	vor.u32 v42, v41  }
0x6fc: {  	v47 =	vsel vm0, $0x1, v0;
	vm1 =	veq.s32 v44, $0x0;
	v46 =	vor.u32 v21, v41  }
0x6fd: {  	v36 =	vadd.s32 v47, v36;
	v37 =	vor.u32 v37, v40;
	v48 =	vsel vm1, $0x1, v0  }
0x6fe: {  	s30 =	sadd.s32 $0x4, s5;
	v37 =	vsel vm1, v37, v44;
	v36 =	vadd.s32 v48, v36;
	v57 =	vshll.u32 v45, $0x9;
	v20 =	vld.idx.msk [tilespmem:v20+s2+$0x0], $0xffff  }
0x6ff: {  	v58 =	vshll.u32 v45, $0x7;
	v62 =	vshll.u32 v50, $0x9;
	v60 =	vmov s30  }
0x700: {  	v51 =	vld.idx.msk [tilespmem:v63+s2+$0x0], $0xffff;
	v49 =	vand.u32 v37, v59;
	v42 =	vand.u32 $0x380, v58;
	v41 =	vand.u32 $0xFFFFF000, v57  }
0x701: {  	v37 =	vor.u32 v37, v59;
	vm13 =	veq.s32 v49, $0x0;
	v41 =	vor.u32 v42, v41;
	v40 =	vld.idx.msk [tilespmem:v46+s2+$0x0], $0xffff  }
0x702: {  	v38 =	vshll.u32 v50, $0x7;
	v37 =	vsel vm13, v37, v49;
	v61 =	vor.u32 v21, v41  }
0x703: {  	s31 =	sadd.s32 $0x5, s5;
	v38 =	vand.u32 $0x380, v38;
	v59 =	vsel vm13, $0x1, v0;
	v20 =	vand.u32 v37, v20  }
0x704: {  	v42 =	vmov s31;
	v41 =	vand.u32 $0xFFFFF000, v62;
	vm14 =	veq.s32 v20, $0x0  }
0x705: {  	v36 =	vadd.s32 v59, v36;
	v38 =	vor.u32 v38, v41;
	v41 =	vld.idx.msk [tilespmem:v60+s11+$0x0], $0xffff;
	v20 =	vsel vm14, $0x1, v0  }
0x706: {  	v20 =	vadd.s32 v20, v36;
	v63 =	vand.u32 v51, v40  }
0x707: {  	v37 =	vld.idx.msk [tilespmem:v61+s2+$0x0], $0xffff;
	v39 =	vor.u32 v51, v40;
	v40 =	vor.u32 v21, v38;
	vm15 =	veq.s32 v63, $0x0  }
0x708: {  	s16 =	simm.s32 $0x6;
	v57 =	vld [tilespmem:$0x10900];
	v36 =	vimm.s32 $0x0;
	v38 =	vsel vm15, v39, v63;
	v39 =	vsel vm15, $0x1, v0  }
.LBB2_100:
0x709: {  	p0 =	sne.s32 s16, $0x7F;
	v36 =	vadd.s32 v39, v36;
	s17 =	smov.u32 s16;
	s16 =	sadd.s32 $0x1, s16  }
.Ltmp49:
0x70a: {  	v39 =	vshll.u32 v41, $0x9;
	v43 =	vshll.u32 v41, $0x7;
	s17 =	sadd.s32 s17, s5;
	v41 =	vld.idx.msk [tilespmem:v42+s11+$0x0], $0xffff;
	(pc) =	sbr.rel @p0 .LBB2_100-.Ltmp49, $4  }
0x70b: {  	v39 =	vand.u32 $0xFFFFF000, v39;
	v43 =	vand.u32 $0x380, v43;
	v42 =	vmov s17  }
0x70c: {  	v39 =	vor.u32 v43, v39;
	v43 =	vand.u32 v38, v37;
	v44 =	vmov v37;
	v37 =	vld.idx.msk [tilespmem:v40+s2+$0x0], $0xffff  }
0x70d: {  	v40 =	vor.u32 v21, v39;
	vm0 =	veq.s32 v43, $0x0;
	v38 =	vor.u32 v38, v44  }
0x70e: {  	v38 =	vsel vm0, v38, v43;
	v39 =	vsel vm0, $0x1, v0  }
0x70f: {  	_ = 	snop  }
0x710: {  	s16 =	sadd.s32 $0x1, s5  }
0x711: {  	v43 =	vmov s16;
	_ =	sdelay $0x1  }
0x712: {  	v42 =	vld.idx.msk [tilespmem:v42+s11+$0x0], $0xffff  }
0x713: {  	v44 =	vshll.u32 v41, $0x9;
	v48 =	vshll.u32 v41, $0x7  }
0x714: {  	s28 =	sadd.s32 $0x2, s5;
	v44 =	vand.u32 $0xFFFFF000, v44;
	v41 =	vand.u32 $0x380, v48  }
0x715: {  	v45 =	vmov s28;
	v41 =	vor.u32 v41, v44;
	v43 =	vld.idx.msk [tilespmem:v43+s11+$0x0], $0xffff  }
0x716: {  	s29 =	sadd.s32 $0x3, s5;
	v62 =	vor.u32 v22, v35;
	v41 =	vor.u32 v21, v41  }
0x717: {  	v40 =	vld.idx.msk [tilespmem:v40+s2+$0x0], $0xffff;
	v61 =	vmov s29;
	v49 =	vshll.u32 v42, $0x9;
	v42 =	vshll.u32 v42, $0x7  }
0x718: {  	v50 =	vand.u32 v38, v37;
	v44 =	vand.u32 $0xFFFFF000, v49;
	v42 =	vand.u32 $0x380, v42  }
0x719: {  	v51 =	vor.u32 v38, v37;
	vm0 =	veq.s32 v50, $0x0;
	v42 =	vor.u32 v42, v44  }
0x71a: {  	v45 =	vld.idx.msk [tilespmem:v45+s11+$0x0], $0xffff;
	v21 =	vor.u32 v21, v42;
	v59 =	vshll.u32 v43, $0x9;
	v60 =	vshll.u32 v43, $0x7  }
0x71b: {  	v37 =	vsel vm0, v51, v50;
	v58 =	vld.idx.msk [tilespmem:v41+s2+$0x0], $0xffff;
	v41 =	vand.u32 $0xFFFFF000, v59;
	v42 =	vand.u32 $0x380, v60  }
0x71c: {  	v36 =	vadd.s32 v39, v36;
	v44 =	vand.u32 v37, v40;
	v41 =	vor.u32 v42, v41  }
0x71d: {  	v46 =	vsel vm0, $0x1, v0;
	v49 =	vld.idx.msk [tilespmem:v61+s11+$0x0], $0xffff;
	vm1 =	veq.s32 v44, $0x0;
	v63 =	vor.u32 v22, v41  }
0x71e: {  	v36 =	vadd.s32 v46, v36;
	v37 =	vor.u32 v37, v40;
	v47 =	vsel vm1, $0x1, v0  }
0x71f: {  	v37 =	vsel vm1, v37, v44;
	v36 =	vadd.s32 v47, v36;
	v51 =	vshll.u32 v45, $0x9;
	v21 =	vld.idx.msk [tilespmem:v21+s2+$0x0], $0xffff  }
0x720: {  	s30 =	sadd.s32 $0x4, s5;
	v48 =	vand.u32 v37, v58;
	v37 =	vor.u32 v37, v58;
	v58 =	vshll.u32 v45, $0x7  }
0x721: {  	v50 =	vld.idx.msk [tilespmem:v62+s2+$0x0], $0xffff;
	v60 =	vmov s30;
	v41 =	vand.u32 $0xFFFFF000, v51;
	v42 =	vand.u32 $0x380, v58  }
0x722: {  	v62 =	vshll.u32 v49, $0x9;
	vm13 =	veq.s32 v48, $0x0;
	v41 =	vor.u32 v42, v41;
	v40 =	vld.idx.msk [tilespmem:v63+s2+$0x0], $0xffff  }
0x723: {  	v38 =	vshll.u32 v49, $0x7;
	v37 =	vsel vm13, v37, v48;
	v61 =	vor.u32 v22, v41  }
0x724: {  	s31 =	sadd.s32 $0x5, s5;
	v38 =	vand.u32 $0x380, v38;
	v59 =	vsel vm13, $0x1, v0;
	v21 =	vand.u32 v37, v21  }
0x725: {  	v42 =	vmov s31;
	v41 =	vand.u32 $0xFFFFF000, v62;
	vm14 =	veq.s32 v21, $0x0  }
0x726: {  	v36 =	vadd.s32 v59, v36;
	v38 =	vor.u32 v38, v41;
	v41 =	vld.idx.msk [tilespmem:v60+s11+$0x0], $0xffff;
	v21 =	vsel vm14, $0x1, v0  }
0x727: {  	v21 =	vadd.s32 v21, v36;
	v63 =	vand.u32 v50, v40  }
0x728: {  	v37 =	vld.idx.msk [tilespmem:v61+s2+$0x0], $0xffff;
	v39 =	vor.u32 v50, v40;
	v40 =	vor.u32 v22, v38;
	vm15 =	veq.s32 v63, $0x0  }
0x729: {  	s16 =	simm.s32 $0x6;
	v58 =	vld [tilespmem:$0x10910];
	v36 =	vimm.s32 $0x0;
	v38 =	vsel vm15, v39, v63;
	v39 =	vsel vm15, $0x1, v0  }
.LBB2_102:
0x72a: {  	p0 =	sne.s32 s16, $0x7F;
	v36 =	vadd.s32 v39, v36;
	s17 =	smov.u32 s16;
	s16 =	sadd.s32 $0x1, s16  }
.Ltmp50:
0x72b: {  	v39 =	vshll.u32 v41, $0x9;
	v43 =	vshll.u32 v41, $0x7;
	s17 =	sadd.s32 s17, s5;
	v41 =	vld.idx.msk [tilespmem:v42+s11+$0x0], $0xffff;
	(pc) =	sbr.rel @p0 .LBB2_102-.Ltmp50, $4  }
0x72c: {  	v39 =	vand.u32 $0xFFFFF000, v39;
	v43 =	vand.u32 $0x380, v43;
	v42 =	vmov s17  }
0x72d: {  	v39 =	vor.u32 v43, v39;
	v43 =	vand.u32 v38, v37;
	v44 =	vmov v37;
	v37 =	vld.idx.msk [tilespmem:v40+s2+$0x0], $0xffff  }
0x72e: {  	v40 =	vor.u32 v22, v39;
	vm0 =	veq.s32 v43, $0x0;
	v38 =	vor.u32 v38, v44  }
0x72f: {  	v38 =	vsel vm0, v38, v43;
	v39 =	vsel vm0, $0x1, v0  }
0x730: {  	_ = 	snop  }
0x731: {  	s16 =	sadd.s32 $0x1, s5  }
0x732: {  	v43 =	vmov s16;
	_ =	sdelay $0x1  }
0x733: {  	v42 =	vld.idx.msk [tilespmem:v42+s11+$0x0], $0xffff  }
0x734: {  	v44 =	vshll.u32 v41, $0x9;
	v62 =	vshll.u32 v41, $0x7  }
0x735: {  	s28 =	sadd.s32 $0x2, s5;
	v44 =	vand.u32 $0xFFFFF000, v44;
	v41 =	vand.u32 $0x380, v62  }
0x736: {  	v45 =	vmov s28;
	v41 =	vor.u32 v41, v44;
	v43 =	vld.idx.msk [tilespmem:v43+s11+$0x0], $0xffff  }
0x737: {  	v61 =	vor.u32 v23, v35;
	v41 =	vor.u32 v22, v41  }
0x738: {  	s29 =	sadd.s32 $0x3, s5;
	v36 =	vadd.s32 v39, v36;
	v63 =	vshll.u32 v42, $0x9;
	v42 =	vshll.u32 v42, $0x7  }
0x739: {  	v40 =	vld.idx.msk [tilespmem:v40+s2+$0x0], $0xffff;
	v60 =	vmov s29;
	v44 =	vand.u32 $0xFFFFF000, v63;
	v42 =	vand.u32 $0x380, v42  }
0x73a: {  	v48 =	vand.u32 v38, v37;
	v49 =	vor.u32 v38, v37;
	v42 =	vor.u32 v42, v44  }
0x73b: {  	v45 =	vld.idx.msk [tilespmem:v45+s11+$0x0], $0xffff;
	v22 =	vor.u32 v22, v42;
	v51 =	vshll.u32 v43, $0x9;
	v59 =	vshll.u32 v43, $0x7  }
0x73c: {  	vm0 =	veq.s32 v48, $0x0;
	v50 =	vld.idx.msk [tilespmem:v41+s2+$0x0], $0xffff;
	v41 =	vand.u32 $0xFFFFF000, v51;
	v42 =	vand.u32 $0x380, v59  }
0x73d: {  	s30 =	sadd.s32 $0x4, s5;
	v37 =	vsel vm0, v49, v48;
	v63 =	vsel vm0, $0x1, v0;
	v41 =	vor.u32 v42, v41  }
0x73e: {  	v48 =	vld.idx.msk [tilespmem:v60+s11+$0x0], $0xffff;
	v60 =	vmov s30;
	v44 =	vand.u32 v37, v40;
	v62 =	vor.u32 v23, v41  }
0x73f: {  	v37 =	vor.u32 v37, v40;
	v36 =	vadd.s32 v63, v36;
	vm1 =	veq.s32 v44, $0x0  }
0x740: {  	v37 =	vsel vm1, v37, v44;
	v46 =	vsel vm1, $0x1, v0;
	v51 =	vshll.u32 v45, $0x7;
	v22 =	vld.idx.msk [tilespmem:v22+s2+$0x0], $0xffff  }
0x741: {  	v47 =	vand.u32 v37, v50;
	v37 =	vor.u32 v37, v50;
	v50 =	vshll.u32 v45, $0x9  }
0x742: {  	v49 =	vld.idx.msk [tilespmem:v61+s2+$0x0], $0xffff;
	v36 =	vadd.s32 v46, v36;
	v42 =	vand.u32 $0x380, v51;
	v41 =	vand.u32 $0xFFFFF000, v50  }
0x743: {  	v38 =	vshll.u32 v48, $0x7;
	vm13 =	veq.s32 v47, $0x0;
	v41 =	vor.u32 v42, v41;
	v40 =	vld.idx.msk [tilespmem:v62+s2+$0x0], $0xffff  }
0x744: {  	v38 =	vand.u32 $0x380, v38;
	v37 =	vsel vm13, v37, v47;
	v61 =	vor.u32 v23, v41  }
0x745: {  	s31 =	sadd.s32 $0x5, s5;
	v59 =	vsel vm13, $0x1, v0;
	v22 =	vand.u32 v37, v22;
	v62 =	vshll.u32 v48, $0x9  }
0x746: {  	v42 =	vmov s31;
	vm14 =	veq.s32 v22, $0x0;
	v41 =	vand.u32 $0xFFFFF000, v62  }
0x747: {  	v36 =	vadd.s32 v59, v36;
	v22 =	vsel vm14, $0x1, v0;
	v38 =	vor.u32 v38, v41;
	v41 =	vld.idx.msk [tilespmem:v60+s11+$0x0], $0xffff  }
0x748: {  	v22 =	vadd.s32 v22, v36;
	v63 =	vand.u32 v49, v40  }
0x749: {  	v37 =	vld.idx.msk [tilespmem:v61+s2+$0x0], $0xffff;
	v39 =	vor.u32 v49, v40;
	v40 =	vor.u32 v23, v38;
	vm15 =	veq.s32 v63, $0x0  }
0x74a: {  	s16 =	simm.s32 $0x6;
	v59 =	vld [tilespmem:$0x10920];
	v36 =	vimm.s32 $0x0;
	v38 =	vsel vm15, v39, v63;
	v39 =	vsel vm15, $0x1, v0  }
.LBB2_104:
0x74b: {  	p0 =	sne.s32 s16, $0x7F;
	v36 =	vadd.s32 v39, v36;
	s17 =	smov.u32 s16;
	s16 =	sadd.s32 $0x1, s16  }
.Ltmp51:
0x74c: {  	v39 =	vshll.u32 v41, $0x9;
	v43 =	vshll.u32 v41, $0x7;
	s17 =	sadd.s32 s17, s5;
	v41 =	vld.idx.msk [tilespmem:v42+s11+$0x0], $0xffff;
	(pc) =	sbr.rel @p0 .LBB2_104-.Ltmp51, $4  }
0x74d: {  	v39 =	vand.u32 $0xFFFFF000, v39;
	v43 =	vand.u32 $0x380, v43;
	v42 =	vmov s17  }
0x74e: {  	v39 =	vor.u32 v43, v39;
	v43 =	vand.u32 v38, v37;
	v44 =	vmov v37;
	v37 =	vld.idx.msk [tilespmem:v40+s2+$0x0], $0xffff  }
0x74f: {  	v40 =	vor.u32 v23, v39;
	vm0 =	veq.s32 v43, $0x0;
	v38 =	vor.u32 v38, v44  }
0x750: {  	v38 =	vsel vm0, v38, v43;
	v39 =	vsel vm0, $0x1, v0  }
0x751: {  	_ = 	snop  }
0x752: {  	s16 =	sadd.s32 $0x1, s5  }
0x753: {  	v43 =	vmov s16;
	_ =	sdelay $0x1  }
0x754: {  	v42 =	vld.idx.msk [tilespmem:v42+s11+$0x0], $0xffff  }
0x755: {  	v44 =	vshll.u32 v41, $0x9;
	v61 =	vshll.u32 v41, $0x7  }
0x756: {  	s28 =	sadd.s32 $0x2, s5;
	v44 =	vand.u32 $0xFFFFF000, v44;
	v41 =	vand.u32 $0x380, v61  }
0x757: {  	v45 =	vmov s28;
	v41 =	vor.u32 v41, v44;
	v43 =	vld.idx.msk [tilespmem:v43+s11+$0x0], $0xffff  }
0x758: {  	s29 =	sadd.s32 $0x3, s5;
	v60 =	vor.u32 v24, v35;
	v41 =	vor.u32 v23, v41  }
0x759: {  	v40 =	vld.idx.msk [tilespmem:v40+s2+$0x0], $0xffff;
	v51 =	vmov s29;
	v62 =	vshll.u32 v42, $0x9;
	v42 =	vshll.u32 v42, $0x7  }
0x75a: {  	v63 =	vand.u32 v38, v37;
	v44 =	vand.u32 $0xFFFFF000, v62;
	v42 =	vand.u32 $0x380, v42  }
0x75b: {  	v47 =	vor.u32 v38, v37;
	vm0 =	veq.s32 v63, $0x0;
	v42 =	vor.u32 v42, v44  }
0x75c: {  	v45 =	vld.idx.msk [tilespmem:v45+s11+$0x0], $0xffff;
	v23 =	vor.u32 v23, v42;
	v49 =	vshll.u32 v43, $0x9;
	v50 =	vshll.u32 v43, $0x7  }
0x75d: {  	v37 =	vsel vm0, v47, v63;
	v48 =	vld.idx.msk [tilespmem:v41+s2+$0x0], $0xffff;
	v41 =	vand.u32 $0xFFFFF000, v49;
	v42 =	vand.u32 $0x380, v50  }
0x75e: {  	v36 =	vadd.s32 v39, v36;
	v44 =	vand.u32 v37, v40;
	v41 =	vor.u32 v42, v41  }
0x75f: {  	v62 =	vsel vm0, $0x1, v0;
	v46 =	vld.idx.msk [tilespmem:v51+s11+$0x0], $0xffff;
	vm1 =	veq.s32 v44, $0x0;
	v61 =	vor.u32 v24, v41  }
0x760: {  	v37 =	vor.u32 v37, v40;
	v36 =	vadd.s32 v62, v36;
	v63 =	vsel vm1, $0x1, v0  }
0x761: {  	v37 =	vsel vm1, v37, v44;
	v36 =	vadd.s32 v63, v36;
	v47 =	vshll.u32 v45, $0x9;
	v23 =	vld.idx.msk [tilespmem:v23+s2+$0x0], $0xffff  }
0x762: {  	s30 =	sadd.s32 $0x4, s5;
	v44 =	vand.u32 v37, v48;
	v37 =	vor.u32 v37, v48;
	v48 =	vshll.u32 v45, $0x7  }
0x763: {  	v39 =	vld.idx.msk [tilespmem:v60+s2+$0x0], $0xffff;
	v50 =	vmov s30;
	v41 =	vand.u32 $0xFFFFF000, v47;
	v42 =	vand.u32 $0x380, v48  }
0x764: {  	v62 =	vshll.u32 v46, $0x9;
	vm13 =	veq.s32 v44, $0x0;
	v41 =	vor.u32 v42, v41;
	v40 =	vld.idx.msk [tilespmem:v61+s2+$0x0], $0xffff  }
0x765: {  	v38 =	vshll.u32 v46, $0x7;
	v37 =	vsel vm13, v37, v44;
	v51 =	vor.u32 v24, v41  }
0x766: {  	s31 =	sadd.s32 $0x5, s5;
	v38 =	vand.u32 $0x380, v38;
	v49 =	vsel vm13, $0x1, v0;
	v23 =	vand.u32 v37, v23  }
0x767: {  	v42 =	vmov s31;
	v41 =	vand.u32 $0xFFFFF000, v62;
	vm14 =	veq.s32 v23, $0x0  }
0x768: {  	v36 =	vadd.s32 v49, v36;
	v38 =	vor.u32 v38, v41;
	v41 =	vld.idx.msk [tilespmem:v50+s11+$0x0], $0xffff;
	v23 =	vsel vm14, $0x1, v0  }
0x769: {  	v23 =	vadd.s32 v23, v36;
	v63 =	vand.u32 v39, v40  }
0x76a: {  	v37 =	vld.idx.msk [tilespmem:v51+s2+$0x0], $0xffff;
	v39 =	vor.u32 v39, v40;
	v40 =	vor.u32 v24, v38;
	vm15 =	veq.s32 v63, $0x0  }
0x76b: {  	s16 =	simm.s32 $0x6;
	v60 =	vld [tilespmem:$0x10930];
	v36 =	vimm.s32 $0x0;
	v38 =	vsel vm15, v39, v63;
	v39 =	vsel vm15, $0x1, v0  }
.LBB2_106:
0x76c: {  	p0 =	sne.s32 s16, $0x7F;
	v36 =	vadd.s32 v39, v36;
	s17 =	smov.u32 s16;
	s16 =	sadd.s32 $0x1, s16  }
.Ltmp52:
0x76d: {  	v39 =	vshll.u32 v41, $0x9;
	v43 =	vshll.u32 v41, $0x7;
	s17 =	sadd.s32 s17, s5;
	v41 =	vld.idx.msk [tilespmem:v42+s11+$0x0], $0xffff;
	(pc) =	sbr.rel @p0 .LBB2_106-.Ltmp52, $4  }
0x76e: {  	v39 =	vand.u32 $0xFFFFF000, v39;
	v43 =	vand.u32 $0x380, v43;
	v42 =	vmov s17  }
0x76f: {  	v39 =	vor.u32 v43, v39;
	v43 =	vand.u32 v38, v37;
	v44 =	vmov v37;
	v37 =	vld.idx.msk [tilespmem:v40+s2+$0x0], $0xffff  }
0x770: {  	v40 =	vor.u32 v24, v39;
	vm0 =	veq.s32 v43, $0x0;
	v38 =	vor.u32 v38, v44  }
0x771: {  	v38 =	vsel vm0, v38, v43;
	v39 =	vsel vm0, $0x1, v0  }
0x772: {  	_ = 	snop  }
0x773: {  	s16 =	sadd.s32 $0x1, s5  }
0x774: {  	v43 =	vmov s16;
	_ =	sdelay $0x1  }
0x775: {  	v42 =	vld.idx.msk [tilespmem:v42+s11+$0x0], $0xffff  }
0x776: {  	v44 =	vshll.u32 v41, $0x9;
	v61 =	vshll.u32 v41, $0x7;
	s28 =	sadd.s32 $0x2, s5  }
0x777: {  	s29 =	sadd.s32 $0x3, s5;
	v44 =	vand.u32 $0xFFFFF000, v44;
	v41 =	vand.u32 $0x380, v61;
	v45 =	vmov s28  }
0x778: {  	v50 =	vmov s29;
	v41 =	vor.u32 v41, v44;
	v43 =	vld.idx.msk [tilespmem:v43+s11+$0x0], $0xffff  }
0x779: {  	v41 =	vor.u32 v24, v41  }
0x77a: {  	v40 =	vld.idx.msk [tilespmem:v40+s2+$0x0], $0xffff;
	v51 =	vor.u32 v25, v35;
	v62 =	vshll.u32 v42, $0x9;
	v42 =	vshll.u32 v42, $0x7  }
0x77b: {  	v63 =	vand.u32 v38, v37;
	v44 =	vand.u32 $0xFFFFF000, v62;
	v42 =	vand.u32 $0x380, v42  }
0x77c: {  	v47 =	vor.u32 v38, v37;
	vm0 =	veq.s32 v63, $0x0;
	v45 =	vld.idx.msk [tilespmem:v45+s11+$0x0], $0xffff;
	v42 =	vor.u32 v42, v44  }
0x77d: {  	v46 =	vld.idx.msk [tilespmem:v50+s11+$0x0], $0xffff;
	v24 =	vor.u32 v24, v42;
	v48 =	vshll.u32 v43, $0x9;
	v49 =	vshll.u32 v43, $0x7  }
0x77e: {  	v37 =	vsel vm0, v47, v63;
	v38 =	vld.idx.msk [tilespmem:v41+s2+$0x0], $0xffff;
	v41 =	vand.u32 $0xFFFFF000, v48;
	v42 =	vand.u32 $0x380, v49  }
0x77f: {  	v36 =	vadd.s32 v39, v36;
	v44 =	vand.u32 v37, v40;
	v41 =	vor.u32 v42, v41  }
0x780: {  	v62 =	vsel vm0, $0x1, v0;
	vm1 =	veq.s32 v44, $0x0;
	v61 =	vor.u32 v25, v41  }
0x781: {  	s30 =	sadd.s32 $0x4, s5;
	v37 =	vor.u32 v37, v40;
	v36 =	vadd.s32 v62, v36;
	v63 =	vsel vm1, $0x1, v0  }
0x782: {  	v50 =	vmov s30;
	v37 =	vsel vm1, v37, v44;
	v36 =	vadd.s32 v63, v36;
	v24 =	vld.idx.msk [tilespmem:v24+s2+$0x0], $0xffff  }
0x783: {  	v47 =	vshll.u32 v45, $0x9;
	v62 =	vshll.u32 v46, $0x9;
	v48 =	vshll.u32 v45, $0x7  }
0x784: {  	v39 =	vld.idx.msk [tilespmem:v51+s2+$0x0], $0xffff;
	v44 =	vand.u32 v37, v38;
	v42 =	vand.u32 $0x380, v48;
	v41 =	vand.u32 $0xFFFFF000, v47  }
0x785: {  	v37 =	vor.u32 v37, v38;
	vm13 =	veq.s32 v44, $0x0;
	v41 =	vor.u32 v42, v41;
	v40 =	vld.idx.msk [tilespmem:v61+s2+$0x0], $0xffff  }
0x786: {  	v38 =	vshll.u32 v46, $0x7;
	v37 =	vsel vm13, v37, v44;
	v51 =	vor.u32 v25, v41  }
0x787: {  	s31 =	sadd.s32 $0x5, s5;
	v38 =	vand.u32 $0x380, v38;
	v49 =	vsel vm13, $0x1, v0;
	v24 =	vand.u32 v37, v24  }
0x788: {  	v42 =	vmov s31;
	v41 =	vand.u32 $0xFFFFF000, v62;
	vm14 =	veq.s32 v24, $0x0  }
0x789: {  	v36 =	vadd.s32 v49, v36;
	v38 =	vor.u32 v38, v41;
	v41 =	vld.idx.msk [tilespmem:v50+s11+$0x0], $0xffff;
	v24 =	vsel vm14, $0x1, v0  }
0x78a: {  	v24 =	vadd.s32 v24, v36;
	v63 =	vand.u32 v39, v40  }
0x78b: {  	v37 =	vld.idx.msk [tilespmem:v51+s2+$0x0], $0xffff;
	v39 =	vor.u32 v39, v40;
	v40 =	vor.u32 v25, v38;
	vm15 =	veq.s32 v63, $0x0  }
0x78c: {  	s16 =	simm.s32 $0x6;
	v61 =	vld [tilespmem:$0x10940];
	v36 =	vimm.s32 $0x0;
	v38 =	vsel vm15, v39, v63;
	v39 =	vsel vm15, $0x1, v0  }
.LBB2_108:
0x78d: {  	p0 =	sne.s32 s16, $0x7F;
	v36 =	vadd.s32 v39, v36;
	s17 =	smov.u32 s16;
	s16 =	sadd.s32 $0x1, s16  }
.Ltmp53:
0x78e: {  	v39 =	vshll.u32 v41, $0x9;
	v43 =	vshll.u32 v41, $0x7;
	s17 =	sadd.s32 s17, s5;
	v41 =	vld.idx.msk [tilespmem:v42+s11+$0x0], $0xffff;
	(pc) =	sbr.rel @p0 .LBB2_108-.Ltmp53, $4  }
0x78f: {  	v39 =	vand.u32 $0xFFFFF000, v39;
	v43 =	vand.u32 $0x380, v43;
	v42 =	vmov s17  }
0x790: {  	v39 =	vor.u32 v43, v39;
	v43 =	vand.u32 v38, v37;
	v44 =	vmov v37;
	v37 =	vld.idx.msk [tilespmem:v40+s2+$0x0], $0xffff  }
0x791: {  	v40 =	vor.u32 v25, v39;
	vm0 =	veq.s32 v43, $0x0;
	v38 =	vor.u32 v38, v44  }
0x792: {  	v38 =	vsel vm0, v38, v43;
	v39 =	vsel vm0, $0x1, v0  }
0x793: {  	_ = 	snop  }
0x794: {  	s16 =	sadd.s32 $0x1, s5  }
0x795: {  	v43 =	vmov s16;
	_ =	sdelay $0x1  }
0x796: {  	v42 =	vld.idx.msk [tilespmem:v42+s11+$0x0], $0xffff  }
0x797: {  	v44 =	vshll.u32 v41, $0x9;
	v51 =	vshll.u32 v41, $0x7;
	s28 =	sadd.s32 $0x2, s5  }
0x798: {  	s29 =	sadd.s32 $0x3, s5;
	v44 =	vand.u32 $0xFFFFF000, v44;
	v41 =	vand.u32 $0x380, v51;
	v45 =	vmov s28  }
0x799: {  	v49 =	vmov s29;
	v41 =	vor.u32 v41, v44;
	v43 =	vld.idx.msk [tilespmem:v43+s11+$0x0], $0xffff  }
0x79a: {  	v63 =	vand.u32 v38, v37;
	v41 =	vor.u32 v25, v41  }
0x79b: {  	v40 =	vld.idx.msk [tilespmem:v40+s2+$0x0], $0xffff;
	v46 =	vor.u32 v38, v37;
	v62 =	vshll.u32 v42, $0x9;
	v42 =	vshll.u32 v42, $0x7  }
0x79c: {  	vm0 =	veq.s32 v63, $0x0;
	v44 =	vand.u32 $0xFFFFF000, v62;
	v42 =	vand.u32 $0x380, v42  }
0x79d: {  	v50 =	vor.u32 v26, v35;
	v37 =	vsel vm0, v46, v63;
	v45 =	vld.idx.msk [tilespmem:v45+s11+$0x0], $0xffff;
	v42 =	vor.u32 v42, v44  }
0x79e: {  	v46 =	vld.idx.msk [tilespmem:v49+s11+$0x0], $0xffff;
	v25 =	vor.u32 v25, v42;
	v47 =	vshll.u32 v43, $0x9;
	v48 =	vshll.u32 v43, $0x7  }
0x79f: {  	v38 =	vld.idx.msk [tilespmem:v41+s2+$0x0], $0xffff;
	v41 =	vand.u32 $0xFFFFF000, v47;
	v42 =	vand.u32 $0x380, v48  }
0x7a0: {  	v36 =	vadd.s32 v39, v36;
	v44 =	vand.u32 v37, v40;
	v41 =	vor.u32 v42, v41  }
0x7a1: {  	v62 =	vsel vm0, $0x1, v0;
	vm1 =	veq.s32 v44, $0x0;
	v51 =	vor.u32 v26, v41  }
0x7a2: {  	s30 =	sadd.s32 $0x4, s5;
	v39 =	vld.idx.msk [tilespmem:v50+s2+$0x0], $0xffff;
	v37 =	vor.u32 v37, v40;
	v36 =	vadd.s32 v62, v36;
	v63 =	vsel vm1, $0x1, v0  }
0x7a3: {  	v50 =	vmov s30;
	v37 =	vsel vm1, v37, v44;
	v36 =	vadd.s32 v63, v36;
	v25 =	vld.idx.msk [tilespmem:v25+s2+$0x0], $0xffff  }
0x7a4: {  	v62 =	vshll.u32 v46, $0x9;
	v47 =	vshll.u32 v45, $0x9;
	v48 =	vshll.u32 v45, $0x7  }
0x7a5: {  	v44 =	vand.u32 v37, v38;
	v42 =	vand.u32 $0x380, v48;
	v41 =	vand.u32 $0xFFFFF000, v47  }
0x7a6: {  	v37 =	vor.u32 v37, v38;
	vm13 =	veq.s32 v44, $0x0;
	v41 =	vor.u32 v42, v41;
	v40 =	vld.idx.msk [tilespmem:v51+s2+$0x0], $0xffff  }
0x7a7: {  	v38 =	vshll.u32 v46, $0x7;
	v37 =	vsel vm13, v37, v44;
	v51 =	vor.u32 v26, v41  }
0x7a8: {  	s31 =	sadd.s32 $0x5, s5;
	v38 =	vand.u32 $0x380, v38;
	v49 =	vsel vm13, $0x1, v0;
	v25 =	vand.u32 v37, v25  }
0x7a9: {  	v42 =	vmov s31;
	vm14 =	veq.s32 v25, $0x0;
	v41 =	vand.u32 $0xFFFFF000, v62  }
0x7aa: {  	v36 =	vadd.s32 v49, v36;
	v25 =	vsel vm14, $0x1, v0;
	v38 =	vor.u32 v38, v41;
	v41 =	vld.idx.msk [tilespmem:v50+s11+$0x0], $0xffff  }
0x7ab: {  	v25 =	vadd.s32 v25, v36;
	v63 =	vand.u32 v39, v40  }
0x7ac: {  	v39 =	vor.u32 v39, v40;
	v37 =	vld.idx.msk [tilespmem:v51+s2+$0x0], $0xffff;
	v40 =	vor.u32 v26, v38;
	vm15 =	veq.s32 v63, $0x0  }
0x7ad: {  	s16 =	simm.s32 $0x6;
	v62 =	vld [tilespmem:$0x10950];
	v36 =	vimm.s32 $0x0;
	v38 =	vsel vm15, v39, v63;
	v39 =	vsel vm15, $0x1, v0  }
.LBB2_110:
0x7ae: {  	p0 =	sne.s32 s16, $0x7F;
	v36 =	vadd.s32 v39, v36;
	s17 =	smov.u32 s16;
	s16 =	sadd.s32 $0x1, s16  }
.Ltmp54:
0x7af: {  	v39 =	vshll.u32 v41, $0x9;
	v43 =	vshll.u32 v41, $0x7;
	s17 =	sadd.s32 s17, s5;
	v41 =	vld.idx.msk [tilespmem:v42+s11+$0x0], $0xffff;
	(pc) =	sbr.rel @p0 .LBB2_110-.Ltmp54, $4  }
0x7b0: {  	v39 =	vand.u32 $0xFFFFF000, v39;
	v43 =	vand.u32 $0x380, v43;
	v42 =	vmov s17  }
0x7b1: {  	v39 =	vor.u32 v43, v39;
	v43 =	vand.u32 v38, v37;
	v44 =	vmov v37;
	v37 =	vld.idx.msk [tilespmem:v40+s2+$0x0], $0xffff  }
0x7b2: {  	v40 =	vor.u32 v26, v39;
	vm0 =	veq.s32 v43, $0x0;
	v38 =	vor.u32 v38, v44  }
0x7b3: {  	v38 =	vsel vm0, v38, v43;
	v39 =	vsel vm0, $0x1, v0  }
0x7b4: {  	_ = 	snop  }
0x7b5: {  	s16 =	sadd.s32 $0x1, s5  }
0x7b6: {  	v43 =	vmov s16;
	_ =	sdelay $0x1  }
0x7b7: {  	v42 =	vld.idx.msk [tilespmem:v42+s11+$0x0], $0xffff  }
0x7b8: {  	v44 =	vshll.u32 v41, $0x9;
	v50 =	vshll.u32 v41, $0x7  }
0x7b9: {  	s28 =	sadd.s32 $0x2, s5;
	v44 =	vand.u32 $0xFFFFF000, v44;
	v41 =	vand.u32 $0x380, v50  }
0x7ba: {  	v45 =	vmov s28;
	v41 =	vor.u32 v41, v44;
	v63 =	vand.u32 v38, v37;
	v43 =	vld.idx.msk [tilespmem:v43+s11+$0x0], $0xffff  }
0x7bb: {  	v48 =	vor.u32 v38, v37;
	v41 =	vor.u32 v26, v41;
	vm0 =	veq.s32 v63, $0x0  }
0x7bc: {  	v37 =	vsel vm0, v48, v63;
	v51 =	vshll.u32 v42, $0x9;
	v42 =	vshll.u32 v42, $0x7  }
0x7bd: {  	v40 =	vld.idx.msk [tilespmem:v40+s2+$0x0], $0xffff;
	s29 =	sadd.s32 $0x3, s5;
	v63 =	vor.u32 v27, v35;
	v44 =	vand.u32 $0xFFFFF000, v51;
	v42 =	vand.u32 $0x380, v42  }
0x7be: {  	v51 =	vmov s29;
	v42 =	vor.u32 v42, v44  }
0x7bf: {  	v45 =	vld.idx.msk [tilespmem:v45+s11+$0x0], $0xffff;
	v26 =	vor.u32 v26, v42;
	v49 =	vshll.u32 v43, $0x9;
	v50 =	vshll.u32 v43, $0x7  }
0x7c0: {  	v38 =	vld.idx.msk [tilespmem:v41+s2+$0x0], $0xffff;
	v41 =	vand.u32 $0xFFFFF000, v49;
	v42 =	vand.u32 $0x380, v50  }
0x7c1: {  	v36 =	vadd.s32 v39, v36;
	v48 =	vsel vm0, $0x1, v0;
	v41 =	vor.u32 v42, v41  }
0x7c2: {  	s30 =	sadd.s32 $0x4, s5;
	v44 =	vand.u32 v37, v40;
	v37 =	vor.u32 v37, v40;
	v39 =	vld.idx.msk [tilespmem:v63+s2+$0x0], $0xffff;
	v40 =	vor.u32 v27, v41  }
0x7c3: {  	v36 =	vadd.s32 v48, v36;
	v48 =	vmov s30;
	vm1 =	veq.s32 v44, $0x0;
	v51 =	vld.idx.msk [tilespmem:v51+s11+$0x0], $0xffff  }
0x7c4: {  	v37 =	vsel vm1, v37, v44;
	v63 =	vshll.u32 v45, $0x9;
	v46 =	vshll.u32 v45, $0x7;
	v26 =	vld.idx.msk [tilespmem:v26+s2+$0x0], $0xffff  }
0x7c5: {  	v49 =	vsel vm1, $0x1, v0;
	v50 =	vand.u32 v37, v38;
	v37 =	vor.u32 v37, v38  }
0x7c6: {  	v42 =	vand.u32 $0x380, v46;
	vm13 =	veq.s32 v50, $0x0;
	v41 =	vand.u32 $0xFFFFF000, v63  }
0x7c7: {  	s31 =	sadd.s32 $0x5, s5;
	v36 =	vadd.s32 v49, v36;
	v37 =	vsel vm13, v37, v50;
	v41 =	vor.u32 v42, v41;
	v40 =	vld.idx.msk [tilespmem:v40+s2+$0x0], $0xffff  }
0x7c8: {  	v47 =	vsel vm13, $0x1, v0;
	v42 =	vmov s31;
	v49 =	vor.u32 v27, v41  }
0x7c9: {  	v50 =	vshll.u32 v51, $0x9;
	v38 =	vshll.u32 v51, $0x7;
	v26 =	vand.u32 v37, v26  }
0x7ca: {  	v41 =	vand.u32 $0xFFFFF000, v50;
	v38 =	vand.u32 $0x380, v38;
	vm14 =	veq.s32 v26, $0x0  }
0x7cb: {  	v36 =	vadd.s32 v47, v36;
	v38 =	vor.u32 v38, v41;
	v41 =	vld.idx.msk [tilespmem:v48+s11+$0x0], $0xffff;
	v26 =	vsel vm14, $0x1, v0  }
0x7cc: {  	v26 =	vadd.s32 v26, v36;
	v51 =	vand.u32 v39, v40  }
0x7cd: {  	v37 =	vld.idx.msk [tilespmem:v49+s2+$0x0], $0xffff;
	v39 =	vor.u32 v39, v40;
	v40 =	vor.u32 v27, v38;
	vm15 =	veq.s32 v51, $0x0  }
0x7ce: {  	s16 =	simm.s32 $0x6;
	v63 =	vld [tilespmem:$0x10960];
	v36 =	vimm.s32 $0x0;
	v38 =	vsel vm15, v39, v51;
	v39 =	vsel vm15, $0x1, v0  }
.LBB2_112:
0x7cf: {  	p0 =	sne.s32 s16, $0x7F;
	v36 =	vadd.s32 v39, v36;
	s17 =	smov.u32 s16;
	s16 =	sadd.s32 $0x1, s16  }
.Ltmp55:
0x7d0: {  	v39 =	vshll.u32 v41, $0x9;
	v43 =	vshll.u32 v41, $0x7;
	s17 =	sadd.s32 s17, s5;
	v41 =	vld.idx.msk [tilespmem:v42+s11+$0x0], $0xffff;
	(pc) =	sbr.rel @p0 .LBB2_112-.Ltmp55, $4  }
0x7d1: {  	v39 =	vand.u32 $0xFFFFF000, v39;
	v43 =	vand.u32 $0x380, v43;
	v42 =	vmov s17  }
0x7d2: {  	v39 =	vor.u32 v43, v39;
	v43 =	vand.u32 v38, v37;
	v44 =	vmov v37;
	v37 =	vld.idx.msk [tilespmem:v40+s2+$0x0], $0xffff  }
0x7d3: {  	v40 =	vor.u32 v27, v39;
	vm0 =	veq.s32 v43, $0x0;
	v38 =	vor.u32 v38, v44  }
0x7d4: {  	v38 =	vsel vm0, v38, v43;
	v39 =	vsel vm0, $0x1, v0  }
0x7d5: {  	_ = 	snop  }
0x7d6: {  	s16 =	sadd.s32 $0x1, s5  }
0x7d7: {  	v43 =	vmov s16;
	_ =	sdelay $0x1  }
0x7d8: {  	v42 =	vld.idx.msk [tilespmem:v42+s11+$0x0], $0xffff  }
0x7d9: {  	v44 =	vshll.u32 v41, $0x9;
	v49 =	vshll.u32 v41, $0x7  }
0x7da: {  	s28 =	sadd.s32 $0x2, s5;
	v44 =	vand.u32 $0xFFFFF000, v44;
	v41 =	vand.u32 $0x380, v49  }
0x7db: {  	v45 =	vmov s28;
	v41 =	vor.u32 v41, v44;
	v43 =	vld.idx.msk [tilespmem:v43+s11+$0x0], $0xffff  }
0x7dc: {  	v51 =	vand.u32 v38, v37;
	v41 =	vor.u32 v27, v41  }
0x7dd: {  	v47 =	vor.u32 v38, v37;
	v50 =	vshll.u32 v42, $0x9;
	v42 =	vshll.u32 v42, $0x7  }
0x7de: {  	v40 =	vld.idx.msk [tilespmem:v40+s2+$0x0], $0xffff;
	vm0 =	veq.s32 v51, $0x0;
	v44 =	vand.u32 $0xFFFFF000, v50;
	v42 =	vand.u32 $0x380, v42  }
0x7df: {  	v36 =	vadd.s32 v39, v36;
	v37 =	vsel vm0, v47, v51;
	v42 =	vor.u32 v42, v44  }
0x7e0: {  	s29 =	sadd.s32 $0x3, s5;
	v45 =	vld.idx.msk [tilespmem:v45+s11+$0x0], $0xffff;
	v27 =	vor.u32 v27, v42;
	v48 =	vshll.u32 v43, $0x9;
	v49 =	vshll.u32 v43, $0x7  }
0x7e1: {  	v50 =	vmov s29;
	v38 =	vld.idx.msk [tilespmem:v41+s2+$0x0], $0xffff;
	v41 =	vand.u32 $0xFFFFF000, v48;
	v42 =	vand.u32 $0x380, v49  }
0x7e2: {  	v51 =	vor.u32 v28, v35;
	v46 =	vsel vm0, $0x1, v0;
	v41 =	vor.u32 v42, v41  }
0x7e3: {  	v44 =	vand.u32 v37, v40;
	v37 =	vor.u32 v37, v40;
	v40 =	vor.u32 v28, v41  }
0x7e4: {  	s30 =	sadd.s32 $0x4, s5;
	v36 =	vadd.s32 v46, v36;
	vm1 =	veq.s32 v44, $0x0  }
0x7e5: {  	v37 =	vsel vm1, v37, v44;
	v44 =	vmov s30;
	v49 =	vshll.u32 v45, $0x9;
	v27 =	vld.idx.msk [tilespmem:v27+s2+$0x0], $0xffff  }
0x7e6: {  	v48 =	vand.u32 v37, v38;
	v37 =	vor.u32 v37, v38;
	v38 =	vld.idx.msk [tilespmem:v50+s11+$0x0], $0xffff;
	v50 =	vshll.u32 v45, $0x7  }
0x7e7: {  	v39 =	vld.idx.msk [tilespmem:v51+s2+$0x0], $0xffff;
	vm13 =	veq.s32 v48, $0x0;
	v41 =	vand.u32 $0xFFFFF000, v49;
	v42 =	vand.u32 $0x380, v50  }
0x7e8: {  	v47 =	vsel vm1, $0x1, v0;
	v37 =	vsel vm13, v37, v48;
	v48 =	vor.u32 v42, v41;
	v40 =	vld.idx.msk [tilespmem:v40+s2+$0x0], $0xffff  }
0x7e9: {  	s31 =	sadd.s32 $0x5, s5;
	v36 =	vadd.s32 v47, v36;
	v51 =	vsel vm13, $0x1, v0;
	v41 =	vor.u32 v28, v48  }
0x7ea: {  	v43 =	vmov s31;
	v36 =	vadd.s32 v51, v36;
	v27 =	vand.u32 v37, v27  }
0x7eb: {  	v49 =	vshll.u32 v38, $0x9;
	v38 =	vshll.u32 v38, $0x7;
	v37 =	vimm.s32 $0x0  }
0x7ec: {  	v42 =	vld.idx.msk [tilespmem:v44+s11+$0x0], $0xffff;
	vm14 =	veq.s32 v27, $0x0;
	v50 =	vand.u32 $0xFFFFF000, v49;
	v38 =	vand.u32 $0x380, v38  }
0x7ed: {  	v27 =	vsel vm14, $0x1, v0;
	v51 =	vor.u32 v38, v50;
	v46 =	vand.u32 v39, v40  }
0x7ee: {  	v38 =	vld.idx.msk [tilespmem:v41+s2+$0x0], $0xffff;
	v41 =	vor.u32 v28, v51;
	v39 =	vor.u32 v39, v40;
	vm15 =	veq.s32 v46, $0x0  }
0x7ef: {  	s16 =	simm.s32 $0x6;
	v27 =	vadd.s32 v27, v36;
	v36 =	vld [tilespmem:$0x10970];
	v39 =	vsel vm15, v39, v46;
	v40 =	vsel vm15, $0x1, v0  }
.LBB2_114:
0x7f0: {  	p0 =	sne.s32 s16, $0x7F;
	v37 =	vadd.s32 v40, v37;
	s17 =	smov.u32 s16;
	s16 =	sadd.s32 $0x1, s16  }
.Ltmp56:
0x7f1: {  	v40 =	vshll.u32 v42, $0x9;
	v44 =	vshll.u32 v42, $0x7;
	s17 =	sadd.s32 s17, s5;
	v42 =	vld.idx.msk [tilespmem:v43+s11+$0x0], $0xffff;
	(pc) =	sbr.rel @p0 .LBB2_114-.Ltmp56, $4  }
0x7f2: {  	v40 =	vand.u32 $0xFFFFF000, v40;
	v44 =	vand.u32 $0x380, v44;
	v43 =	vmov s17  }
0x7f3: {  	v40 =	vor.u32 v44, v40;
	v44 =	vand.u32 v39, v38;
	v45 =	vmov v38;
	v38 =	vld.idx.msk [tilespmem:v41+s2+$0x0], $0xffff  }
0x7f4: {  	v41 =	vor.u32 v28, v40;
	vm0 =	veq.s32 v44, $0x0;
	v39 =	vor.u32 v39, v45  }
0x7f5: {  	v39 =	vsel vm0, v39, v44;
	v40 =	vsel vm0, $0x1, v0  }
0x7f6: {  	_ = 	snop  }
0x7f7: {  	s16 =	sadd.s32 $0x1, s5  }
0x7f8: {  	v44 =	vmov s16;
	_ =	sdelay $0x1  }
0x7f9: {  	v43 =	vld.idx.msk [tilespmem:v43+s11+$0x0], $0xffff  }
0x7fa: {  	v45 =	vshll.u32 v42, $0x9;
	v51 =	vshll.u32 v42, $0x7  }
0x7fb: {  	s28 =	sadd.s32 $0x2, s5;
	v45 =	vand.u32 $0xFFFFF000, v45;
	v42 =	vand.u32 $0x380, v51  }
0x7fc: {  	v46 =	vmov s28;
	v42 =	vor.u32 v42, v45;
	v44 =	vld.idx.msk [tilespmem:v44+s11+$0x0], $0xffff  }
0x7fd: {  	v49 =	vand.u32 v39, v38;
	v42 =	vor.u32 v28, v42  }
0x7fe: {  	v41 =	vld.idx.msk [tilespmem:v41+s2+$0x0], $0xffff;
	v50 =	vor.u32 v39, v38;
	v48 =	vshll.u32 v43, $0x9;
	v43 =	vshll.u32 v43, $0x7  }
0x7ff: {  	vm0 =	veq.s32 v49, $0x0;
	v45 =	vand.u32 $0xFFFFF000, v48;
	v43 =	vand.u32 $0x380, v43  }
0x800: {  	v38 =	vsel vm0, v50, v49;
	v50 =	vor.u32 v29, v35;
	v43 =	vor.u32 v43, v45  }
0x801: {  	s29 =	sadd.s32 $0x3, s5;
	v46 =	vld.idx.msk [tilespmem:v46+s11+$0x0], $0xffff;
	v28 =	vor.u32 v28, v43;
	v51 =	vshll.u32 v44, $0x9;
	v48 =	vshll.u32 v44, $0x7  }
0x802: {  	v49 =	vmov s29;
	v39 =	vld.idx.msk [tilespmem:v42+s2+$0x0], $0xffff;
	v42 =	vand.u32 $0xFFFFF000, v51;
	v43 =	vand.u32 $0x380, v48  }
0x803: {  	v45 =	vand.u32 v38, v41;
	v42 =	vor.u32 v43, v42  }
0x804: {  	v38 =	vor.u32 v38, v41;
	vm1 =	veq.s32 v45, $0x0;
	v41 =	vor.u32 v29, v42  }
0x805: {  	v37 =	vadd.s32 v40, v37;
	s30 =	sadd.s32 $0x4, s5;
	v38 =	vsel vm1, v38, v45;
	v47 =	vsel vm1, $0x1, v0;
	v40 =	vld.idx.msk [tilespmem:v50+s2+$0x0], $0xffff  }
0x806: {  	v45 =	vmov s30;
	v50 =	vshll.u32 v46, $0x7;
	v51 =	vsel vm0, $0x1, v0;
	v28 =	vld.idx.msk [tilespmem:v28+s2+$0x0], $0xffff  }
0x807: {  	v48 =	vand.u32 v38, v39;
	v38 =	vor.u32 v38, v39;
	v39 =	vld.idx.msk [tilespmem:v49+s11+$0x0], $0xffff;
	v49 =	vshll.u32 v46, $0x9  }
0x808: {  	v43 =	vand.u32 $0x380, v50;
	vm13 =	veq.s32 v48, $0x0;
	v42 =	vand.u32 $0xFFFFF000, v49  }
0x809: {  	v37 =	vadd.s32 v51, v37;
	v38 =	vsel vm13, v38, v48;
	v48 =	vor.u32 v43, v42;
	v41 =	vld.idx.msk [tilespmem:v41+s2+$0x0], $0xffff  }
0x80a: {  	s31 =	sadd.s32 $0x5, s5;
	v37 =	vadd.s32 v47, v37;
	v51 =	vsel vm13, $0x1, v0;
	v42 =	vor.u32 v29, v48  }
0x80b: {  	v44 =	vmov s31;
	v37 =	vadd.s32 v51, v37;
	v28 =	vand.u32 v38, v28  }
0x80c: {  	v49 =	vshll.u32 v39, $0x9;
	v39 =	vshll.u32 v39, $0x7;
	v38 =	vimm.s32 $0x0  }
0x80d: {  	v43 =	vld.idx.msk [tilespmem:v45+s11+$0x0], $0xffff;
	vm14 =	veq.s32 v28, $0x0;
	v50 =	vand.u32 $0xFFFFF000, v49;
	v39 =	vand.u32 $0x380, v39  }
0x80e: {  	v28 =	vsel vm14, $0x1, v0;
	v51 =	vor.u32 v39, v50;
	v47 =	vand.u32 v40, v41  }
0x80f: {  	v39 =	vld.idx.msk [tilespmem:v42+s2+$0x0], $0xffff;
	v42 =	vor.u32 v29, v51;
	v40 =	vor.u32 v40, v41;
	vm15 =	veq.s32 v47, $0x0  }
0x810: {  	s16 =	simm.s32 $0x6;
	v28 =	vadd.s32 v28, v37;
	v37 =	vld [tilespmem:$0x10980];
	v40 =	vsel vm15, v40, v47;
	v41 =	vsel vm15, $0x1, v0  }
.LBB2_116:
0x811: {  	p0 =	sne.s32 s16, $0x7F;
	v38 =	vadd.s32 v41, v38;
	s17 =	smov.u32 s16;
	s16 =	sadd.s32 $0x1, s16  }
.Ltmp57:
0x812: {  	v41 =	vshll.u32 v43, $0x9;
	v45 =	vshll.u32 v43, $0x7;
	s17 =	sadd.s32 s17, s5;
	v43 =	vld.idx.msk [tilespmem:v44+s11+$0x0], $0xffff;
	(pc) =	sbr.rel @p0 .LBB2_116-.Ltmp57, $4  }
0x813: {  	v41 =	vand.u32 $0xFFFFF000, v41;
	v45 =	vand.u32 $0x380, v45;
	v44 =	vmov s17  }
0x814: {  	v41 =	vor.u32 v45, v41;
	v45 =	vand.u32 v40, v39;
	v46 =	vmov v39;
	v39 =	vld.idx.msk [tilespmem:v42+s2+$0x0], $0xffff  }
0x815: {  	v42 =	vor.u32 v29, v41;
	vm0 =	veq.s32 v45, $0x0;
	v40 =	vor.u32 v40, v46  }
0x816: {  	v40 =	vsel vm0, v40, v45;
	v41 =	vsel vm0, $0x1, v0  }
0x817: {  	_ = 	snop  }
0x818: {  	s16 =	sadd.s32 $0x1, s5  }
0x819: {  	v45 =	vmov s16;
	_ =	sdelay $0x1  }
0x81a: {  	v44 =	vld.idx.msk [tilespmem:v44+s11+$0x0], $0xffff  }
0x81b: {  	v46 =	vshll.u32 v43, $0x9;
	v48 =	vshll.u32 v43, $0x7  }
0x81c: {  	s28 =	sadd.s32 $0x2, s5;
	v46 =	vand.u32 $0xFFFFF000, v46;
	v43 =	vand.u32 $0x380, v48  }
0x81d: {  	v47 =	vmov s28;
	v43 =	vor.u32 v43, v46;
	v45 =	vld.idx.msk [tilespmem:v45+s11+$0x0], $0xffff  }
0x81e: {  	v50 =	vand.u32 v40, v39;
	v43 =	vor.u32 v29, v43  }
0x81f: {  	v51 =	vor.u32 v40, v39;
	v49 =	vshll.u32 v44, $0x9;
	v44 =	vshll.u32 v44, $0x7  }
0x820: {  	v42 =	vld.idx.msk [tilespmem:v42+s2+$0x0], $0xffff;
	vm0 =	veq.s32 v50, $0x0;
	v46 =	vand.u32 $0xFFFFF000, v49;
	v44 =	vand.u32 $0x380, v44  }
0x821: {  	v39 =	vsel vm0, v51, v50;
	v50 =	vor.u32 v30, v35;
	v44 =	vor.u32 v44, v46  }
0x822: {  	s29 =	sadd.s32 $0x3, s5;
	v47 =	vld.idx.msk [tilespmem:v47+s11+$0x0], $0xffff;
	v29 =	vor.u32 v29, v44;
	v48 =	vshll.u32 v45, $0x9;
	v49 =	vshll.u32 v45, $0x7  }
0x823: {  	v40 =	vld.idx.msk [tilespmem:v43+s2+$0x0], $0xffff;
	v45 =	vmov s29;
	v43 =	vand.u32 $0xFFFFF000, v48;
	v44 =	vand.u32 $0x380, v49  }
0x824: {  	v38 =	vadd.s32 v41, v38;
	v51 =	vsel vm0, $0x1, v0;
	v43 =	vor.u32 v44, v43  }
0x825: {  	v46 =	vand.u32 v39, v42;
	v39 =	vor.u32 v39, v42;
	v42 =	vor.u32 v30, v43  }
0x826: {  	s30 =	sadd.s32 $0x4, s5;
	v38 =	vadd.s32 v51, v38;
	vm1 =	veq.s32 v46, $0x0;
	v41 =	vld.idx.msk [tilespmem:v50+s2+$0x0], $0xffff  }
0x827: {  	v39 =	vsel vm1, v39, v46;
	v46 =	vmov s30;
	v50 =	vshll.u32 v47, $0x9;
	v29 =	vld.idx.msk [tilespmem:v29+s2+$0x0], $0xffff  }
0x828: {  	v51 =	vshll.u32 v47, $0x7;
	v49 =	vand.u32 v39, v40;
	v39 =	vor.u32 v39, v40;
	v40 =	vld.idx.msk [tilespmem:v45+s11+$0x0], $0xffff  }
0x829: {  	v44 =	vand.u32 $0x380, v51;
	vm13 =	veq.s32 v49, $0x0;
	v43 =	vand.u32 $0xFFFFF000, v50  }
0x82a: {  	v48 =	vsel vm1, $0x1, v0;
	v39 =	vsel vm13, v39, v49;
	v49 =	vor.u32 v44, v43;
	v42 =	vld.idx.msk [tilespmem:v42+s2+$0x0], $0xffff  }
0x82b: {  	s31 =	sadd.s32 $0x5, s5;
	v38 =	vadd.s32 v48, v38;
	v48 =	vsel vm13, $0x1, v0;
	v43 =	vor.u32 v30, v49  }
0x82c: {  	v38 =	vadd.s32 v48, v38;
	v45 =	vmov s31;
	v29 =	vand.u32 v39, v29  }
0x82d: {  	v39 =	vimm.s32 $0x0;
	v50 =	vshll.u32 v40, $0x9;
	v40 =	vshll.u32 v40, $0x7  }
0x82e: {  	v44 =	vld.idx.msk [tilespmem:v46+s11+$0x0], $0xffff;
	vm14 =	veq.s32 v29, $0x0;
	v51 =	vand.u32 $0xFFFFF000, v50;
	v40 =	vand.u32 $0x380, v40  }
0x82f: {  	v29 =	vsel vm14, $0x1, v0;
	v47 =	vor.u32 v40, v51;
	v48 =	vand.u32 v41, v42  }
0x830: {  	v40 =	vld.idx.msk [tilespmem:v43+s2+$0x0], $0xffff;
	v41 =	vor.u32 v41, v42;
	v43 =	vor.u32 v30, v47;
	vm15 =	veq.s32 v48, $0x0  }
0x831: {  	s16 =	simm.s32 $0x6;
	v29 =	vadd.s32 v29, v38;
	v38 =	vld [tilespmem:$0x10990];
	v41 =	vsel vm15, v41, v48;
	v42 =	vsel vm15, $0x1, v0  }
.LBB2_118:
0x832: {  	p0 =	sne.s32 s16, $0x7F;
	v39 =	vadd.s32 v42, v39;
	s17 =	smov.u32 s16;
	s16 =	sadd.s32 $0x1, s16  }
.Ltmp58:
0x833: {  	v42 =	vshll.u32 v44, $0x9;
	v46 =	vshll.u32 v44, $0x7;
	s17 =	sadd.s32 s17, s5;
	v44 =	vld.idx.msk [tilespmem:v45+s11+$0x0], $0xffff;
	(pc) =	sbr.rel @p0 .LBB2_118-.Ltmp58, $4  }
0x834: {  	v42 =	vand.u32 $0xFFFFF000, v42;
	v46 =	vand.u32 $0x380, v46;
	v45 =	vmov s17  }
0x835: {  	v42 =	vor.u32 v46, v42;
	v46 =	vand.u32 v41, v40;
	v47 =	vmov v40;
	v40 =	vld.idx.msk [tilespmem:v43+s2+$0x0], $0xffff  }
0x836: {  	v43 =	vor.u32 v30, v42;
	vm0 =	veq.s32 v46, $0x0;
	v41 =	vor.u32 v41, v47  }
0x837: {  	v41 =	vsel vm0, v41, v46;
	v42 =	vsel vm0, $0x1, v0  }
0x838: {  	_ =	sdelay $0x2  }
0x839: {  	s16 =	sadd.s32 $0x1, s5  }
0x83a: {  	v45 =	vld.idx.msk [tilespmem:v45+s11+$0x0], $0xffff;
	v46 =	vmov s16;
	_ =	sdelay $0x1  }
0x83b: {  	v47 =	vshll.u32 v44, $0x9;
	v51 =	vshll.u32 v44, $0x7  }
0x83c: {  	v47 =	vand.u32 $0xFFFFF000, v47;
	v44 =	vand.u32 $0x380, v51  }
0x83d: {  	v44 =	vor.u32 v44, v47  }
0x83e: {  	s28 =	sadd.s32 $0x2, s5;
	v44 =	vor.u32 v30, v44;
	v48 =	vshll.u32 v45, $0x9;
	v46 =	vld.idx.msk [tilespmem:v46+s11+$0x0], $0xffff  }
0x83f: {  	v47 =	vand.u32 $0xFFFFF000, v48;
	v48 =	vmov s28  }
0x840: {  	v43 =	vld.idx.msk [tilespmem:v43+s2+$0x0], $0xffff;
	v39 =	vadd.s32 v42, v39;
	v49 =	vand.u32 v41, v40;
	v45 =	vshll.u32 v45, $0x7  }
0x841: {  	v50 =	vor.u32 v41, v40;
	vm0 =	veq.s32 v49, $0x0;
	v45 =	vand.u32 $0x380, v45  }
0x842: {  	v40 =	vsel vm0, v50, v49;
	v50 =	vsel vm0, $0x1, v0;
	v45 =	vor.u32 v45, v47  }
0x843: {  	s29 =	sadd.s32 $0x3, s5;
	v30 =	vor.u32 v30, v45;
	v41 =	vld.idx.msk [tilespmem:v44+s2+$0x0], $0xffff;
	v51 =	vshll.u32 v46, $0x9;
	v49 =	vshll.u32 v46, $0x7  }
0x844: {  	v46 =	vmov s29;
	v48 =	vld.idx.msk [tilespmem:v48+s11+$0x0], $0xffff;
	v44 =	vand.u32 $0xFFFFF000, v51;
	v45 =	vand.u32 $0x380, v49  }
0x845: {  	v47 =	vand.u32 v40, v43;
	v44 =	vor.u32 v45, v44;
	v45 =	vor.u32 v31, v35  }
0x846: {  	v40 =	vor.u32 v40, v43;
	vm1 =	veq.s32 v47, $0x0;
	v43 =	vor.u32 v31, v44  }
0x847: {  	s30 =	sadd.s32 $0x4, s5;
	v39 =	vadd.s32 v50, v39;
	v40 =	vsel vm1, v40, v47;
	v51 =	vsel vm1, $0x1, v0  }
0x848: {  	v47 =	vmov s30;
	v30 =	vld.idx.msk [tilespmem:v30+s2+$0x0], $0xffff;
	v49 =	vand.u32 v40, v41;
	v39 =	vadd.s32 v51, v39  }
0x849: {  	v40 =	vor.u32 v40, v41;
	v41 =	vld.idx.msk [tilespmem:v46+s11+$0x0], $0xffff;
	v50 =	vshll.u32 v48, $0x9;
	v51 =	vshll.u32 v48, $0x7  }
0x84a: {  	vm13 =	veq.s32 v49, $0x0;
	v44 =	vand.u32 $0xFFFFF000, v50;
	v42 =	vld.idx.msk [tilespmem:v45+s2+$0x0], $0xffff;
	v45 =	vand.u32 $0x380, v51  }
0x84b: {  	v40 =	vsel vm13, v40, v49;
	v43 =	vld.idx.msk [tilespmem:v43+s2+$0x0], $0xffff;
	v49 =	vor.u32 v45, v44  }
0x84c: {  	s31 =	sadd.s32 $0x5, s5;
	v48 =	vsel vm13, $0x1, v0;
	v44 =	vor.u32 v31, v49  }
0x84d: {  	v46 =	vmov s31;
	v39 =	vadd.s32 v48, v39;
	v30 =	vand.u32 v40, v30  }
0x84e: {  	v40 =	vimm.s32 $0x0;
	v50 =	vshll.u32 v41, $0x9;
	v41 =	vshll.u32 v41, $0x7  }
0x84f: {  	vm14 =	veq.s32 v30, $0x0;
	v45 =	vld.idx.msk [tilespmem:v47+s11+$0x0], $0xffff;
	v51 =	vand.u32 $0xFFFFF000, v50;
	v41 =	vand.u32 $0x380, v41  }
0x850: {  	v30 =	vsel vm14, $0x1, v0;
	v48 =	vor.u32 v41, v51;
	v49 =	vand.u32 v42, v43  }
0x851: {  	v42 =	vor.u32 v42, v43;
	vm15 =	veq.s32 v49, $0x0;
	v41 =	vld.idx.msk [tilespmem:v44+s2+$0x0], $0xffff;
	v44 =	vor.u32 v31, v48  }
0x852: {  	s16 =	simm.s32 $0x6;
	v30 =	vadd.s32 v30, v39;
	v39 =	vld [tilespmem:$0x109A0];
	v42 =	vsel vm15, v42, v49;
	v43 =	vsel vm15, $0x1, v0  }
.LBB2_120:
0x853: {  	p0 =	sne.s32 s16, $0x7F;
	v40 =	vadd.s32 v43, v40;
	s17 =	smov.u32 s16;
	s16 =	sadd.s32 $0x1, s16  }
.Ltmp59:
0x854: {  	v43 =	vshll.u32 v45, $0x9;
	v47 =	vshll.u32 v45, $0x7;
	s17 =	sadd.s32 s17, s5;
	v45 =	vld.idx.msk [tilespmem:v46+s11+$0x0], $0xffff;
	(pc) =	sbr.rel @p0 .LBB2_120-.Ltmp59, $4  }
0x855: {  	v43 =	vand.u32 $0xFFFFF000, v43;
	v47 =	vand.u32 $0x380, v47;
	v46 =	vmov s17  }
0x856: {  	v43 =	vor.u32 v47, v43;
	v47 =	vand.u32 v42, v41;
	v48 =	vmov v41;
	v41 =	vld.idx.msk [tilespmem:v44+s2+$0x0], $0xffff  }
0x857: {  	v44 =	vor.u32 v31, v43;
	vm0 =	veq.s32 v47, $0x0;
	v42 =	vor.u32 v42, v48  }
0x858: {  	v42 =	vsel vm0, v42, v47;
	v43 =	vsel vm0, $0x1, v0  }
0x859: {  	_ =	sdelay $0x2  }
0x85a: {  	s16 =	sadd.s32 $0x1, s5  }
0x85b: {  	v46 =	vld.idx.msk [tilespmem:v46+s11+$0x0], $0xffff;
	v47 =	vmov s16;
	_ =	sdelay $0x1  }
0x85c: {  	v48 =	vshll.u32 v45, $0x9;
	v45 =	vshll.u32 v45, $0x7  }
0x85d: {  	s28 =	sadd.s32 $0x2, s5;
	v48 =	vand.u32 $0xFFFFF000, v48;
	v45 =	vand.u32 $0x380, v45  }
0x85e: {  	v49 =	vmov s28;
	v45 =	vor.u32 v45, v48  }
0x85f: {  	v45 =	vor.u32 v31, v45;
	v48 =	vshll.u32 v46, $0x9;
	v46 =	vshll.u32 v46, $0x7;
	v47 =	vld.idx.msk [tilespmem:v47+s11+$0x0], $0xffff  }
0x860: {  	v48 =	vand.u32 $0xFFFFF000, v48;
	v46 =	vand.u32 $0x380, v46  }
0x861: {  	v44 =	vld.idx.msk [tilespmem:v44+s2+$0x0], $0xffff;
	v46 =	vor.u32 v46, v48;
	v48 =	vand.u32 v42, v41  }
0x862: {  	v51 =	vor.u32 v42, v41;
	vm0 =	veq.s32 v48, $0x0  }
0x863: {  	v40 =	vadd.s32 v43, v40;
	v49 =	vld.idx.msk [tilespmem:v49+s11+$0x0], $0xffff;
	v31 =	vor.u32 v31, v46;
	v41 =	vsel vm0, v51, v48  }
0x864: {  	s29 =	sadd.s32 $0x3, s5;
	v42 =	vld.idx.msk [tilespmem:v45+s2+$0x0], $0xffff;
	v51 =	vsel vm0, $0x1, v0;
	v48 =	vshll.u32 v47, $0x9;
	v50 =	vshll.u32 v47, $0x7  }
0x865: {  	v47 =	vmov s29;
	v45 =	vand.u32 $0xFFFFF000, v48;
	v46 =	vand.u32 $0x380, v50  }
0x866: {  	v48 =	vand.u32 v41, v44;
	v45 =	vor.u32 v46, v45;
	v46 =	vor.u32 v32, v35  }
0x867: {  	v41 =	vor.u32 v41, v44;
	vm1 =	veq.s32 v48, $0x0;
	v44 =	vor.u32 v32, v45  }
0x868: {  	v40 =	vadd.s32 v51, v40;
	v41 =	vsel vm1, v41, v48  }
0x869: {  	v51 =	vshll.u32 v49, $0x9;
	v31 =	vld.idx.msk [tilespmem:v31+s2+$0x0], $0xffff;
	v48 =	vsel vm1, $0x1, v0;
	v50 =	vand.u32 v41, v42  }
0x86a: {  	s30 =	sadd.s32 $0x4, s5;
	v40 =	vadd.s32 v48, v40;
	v41 =	vor.u32 v41, v42;
	v48 =	vshll.u32 v49, $0x7;
	v42 =	vld.idx.msk [tilespmem:v47+s11+$0x0], $0xffff  }
0x86b: {  	v45 =	vand.u32 $0xFFFFF000, v51;
	v43 =	vld.idx.msk [tilespmem:v46+s2+$0x0], $0xffff;
	v46 =	vand.u32 $0x380, v48;
	v48 =	vmov s30  }
0x86c: {  	vm13 =	veq.s32 v50, $0x0;
	v44 =	vld.idx.msk [tilespmem:v44+s2+$0x0], $0xffff;
	v49 =	vor.u32 v46, v45  }
0x86d: {  	v41 =	vsel vm13, v41, v50;
	v47 =	vsel vm13, $0x1, v0;
	v45 =	vor.u32 v32, v49  }
0x86e: {  	s31 =	sadd.s32 $0x5, s5;
	v31 =	vand.u32 v41, v31;
	v40 =	vadd.s32 v47, v40;
	v41 =	vimm.s32 $0x0  }
0x86f: {  	v47 =	vmov s31;
	v50 =	vshll.u32 v42, $0x9;
	v42 =	vshll.u32 v42, $0x7  }
0x870: {  	vm14 =	veq.s32 v31, $0x0;
	v51 =	vand.u32 $0xFFFFF000, v50;
	v42 =	vand.u32 $0x380, v42;
	v46 =	vld.idx.msk [tilespmem:v48+s11+$0x0], $0xffff  }
0x871: {  	v31 =	vsel vm14, $0x1, v0;
	v49 =	vor.u32 v42, v51;
	v10 =	vand.u32 v43, v44  }
0x872: {  	v43 =	vor.u32 v43, v44;
	vm15 =	veq.s32 v10, $0x0;
	v42 =	vld.idx.msk [tilespmem:v45+s2+$0x0], $0xffff;
	v45 =	vor.u32 v32, v49  }
0x873: {  	s16 =	simm.s32 $0x6;
	v31 =	vadd.s32 v31, v40;
	v40 =	vld [tilespmem:$0x109B0];
	v43 =	vsel vm15, v43, v10;
	v44 =	vsel vm15, $0x1, v0  }
.LBB2_122:
0x874: {  	p0 =	sne.s32 s16, $0x7F;
	v41 =	vadd.s32 v44, v41;
	s17 =	smov.u32 s16;
	s16 =	sadd.s32 $0x1, s16  }
.Ltmp60:
0x875: {  	v10 =	vshll.u32 v46, $0x9;
	v44 =	vshll.u32 v46, $0x7;
	s17 =	sadd.s32 s17, s5;
	v46 =	vld.idx.msk [tilespmem:v47+s11+$0x0], $0xffff;
	(pc) =	sbr.rel @p0 .LBB2_122-.Ltmp60, $4  }
0x876: {  	v10 =	vand.u32 $0xFFFFF000, v10;
	v44 =	vand.u32 $0x380, v44;
	v47 =	vmov s17  }
0x877: {  	v10 =	vor.u32 v44, v10;
	v44 =	vand.u32 v43, v42;
	v48 =	vmov v42;
	v42 =	vld.idx.msk [tilespmem:v45+s2+$0x0], $0xffff  }
0x878: {  	v45 =	vor.u32 v32, v10;
	vm0 =	veq.s32 v44, $0x0;
	v10 =	vor.u32 v43, v48  }
0x879: {  	v43 =	vsel vm0, v10, v44;
	v44 =	vsel vm0, $0x1, v0  }
0x87a: {  	_ =	sdelay $0x1  }
0x87b: {  	s16 =	sadd.s32 $0x1, s5  }
0x87c: {  	v10 =	vmov s16  }
0x87d: {  	v47 =	vld.idx.msk [tilespmem:v47+s11+$0x0], $0xffff  }
0x87e: {  	v48 =	vshll.u32 v46, $0x9;
	v46 =	vshll.u32 v46, $0x7  }
0x87f: {  	v48 =	vand.u32 $0xFFFFF000, v48;
	v46 =	vand.u32 $0x380, v46  }
0x880: {  	v46 =	vor.u32 v46, v48  }
0x881: {  	s28 =	sadd.s32 $0x2, s5;
	v46 =	vor.u32 v32, v46;
	v10 =	vld.idx.msk [tilespmem:v10+s11+$0x0], $0xffff  }
0x882: {  	v49 =	vmov s28;
	v48 =	vshll.u32 v47, $0x9;
	v47 =	vshll.u32 v47, $0x7  }
0x883: {  	v45 =	vld.idx.msk [tilespmem:v45+s2+$0x0], $0xffff;
	v41 =	vadd.s32 v44, v41;
	v48 =	vand.u32 $0xFFFFF000, v48;
	v47 =	vand.u32 $0x380, v47  }
0x884: {  	s29 =	sadd.s32 $0x3, s5;
	v51 =	vor.u32 v43, v42;
	v47 =	vor.u32 v47, v48;
	v48 =	vand.u32 v43, v42  }
0x885: {  	vm0 =	veq.s32 v48, $0x0;
	v32 =	vor.u32 v32, v47;
	v47 =	vmov s29  }
0x886: {  	v43 =	vld.idx.msk [tilespmem:v46+s2+$0x0], $0xffff;
	v42 =	vsel vm0, v51, v48;
	v50 =	vshll.u32 v10, $0x9;
	v10 =	vshll.u32 v10, $0x7  }
0x887: {  	v49 =	vld.idx.msk [tilespmem:v49+s11+$0x0], $0xffff;
	v51 =	vsel vm0, $0x1, v0;
	v46 =	vand.u32 $0xFFFFF000, v50;
	v10 =	vand.u32 $0x380, v10  }
0x888: {  	v48 =	vand.u32 v42, v45;
	v10 =	vor.u32 v10, v46;
	v46 =	vor.u32 v33, v35  }
0x889: {  	v42 =	vor.u32 v42, v45;
	vm1 =	veq.s32 v48, $0x0;
	v10 =	vor.u32 v33, v10  }
0x88a: {  	v41 =	vadd.s32 v51, v41;
	v42 =	vsel vm1, v42, v48;
	v32 =	vld.idx.msk [tilespmem:v32+s2+$0x0], $0xffff  }
0x88b: {  	v48 =	vsel vm1, $0x1, v0;
	v50 =	vand.u32 v42, v43;
	v42 =	vor.u32 v42, v43;
	v43 =	vld.idx.msk [tilespmem:v47+s11+$0x0], $0xffff  }
0x88c: {  	s30 =	sadd.s32 $0x4, s5;
	v51 =	vshll.u32 v49, $0x9;
	v41 =	vadd.s32 v48, v41;
	v48 =	vshll.u32 v49, $0x7  }
0x88d: {  	v45 =	vand.u32 $0xFFFFF000, v51;
	v44 =	vld.idx.msk [tilespmem:v46+s2+$0x0], $0xffff;
	v46 =	vand.u32 $0x380, v48;
	v48 =	vmov s30  }
0x88e: {  	vm13 =	veq.s32 v50, $0x0;
	v10 =	vld.idx.msk [tilespmem:v10+s2+$0x0], $0xffff;
	v49 =	vor.u32 v46, v45  }
0x88f: {  	v42 =	vsel vm13, v42, v50;
	v47 =	vsel vm13, $0x1, v0;
	v45 =	vor.u32 v33, v49  }
0x890: {  	v41 =	vadd.s32 v47, v41;
	v32 =	vand.u32 v42, v32;
	v50 =	vshll.u32 v43, $0x9  }
0x891: {  	s31 =	sadd.s32 $0x5, s5;
	v43 =	vshll.u32 v43, $0x7;
	v42 =	vimm.s32 $0x0;
	vm14 =	veq.s32 v32, $0x0  }
0x892: {  	v51 =	vand.u32 $0xFFFFF000, v50;
	v43 =	vand.u32 $0x380, v43;
	v47 =	vld.idx.msk [tilespmem:v48+s11+$0x0], $0xffff;
	v48 =	vmov s31  }
0x893: {  	v32 =	vsel vm14, $0x1, v0;
	v46 =	vor.u32 v43, v51;
	v49 =	vand.u32 v44, v10  }
0x894: {  	v46 =	vor.u32 v33, v46;
	v10 =	vor.u32 v44, v10;
	vm15 =	veq.s32 v49, $0x0;
	v43 =	vld.idx.msk [tilespmem:v45+s2+$0x0], $0xffff  }
0x895: {  	s16 =	simm.s32 $0x6;
	v32 =	vadd.s32 v32, v41;
	v41 =	vld [tilespmem:$0x109C0];
	v44 =	vsel vm15, v10, v49;
	v45 =	vsel vm15, $0x1, v0  }
.LBB2_124:
0x896: {  	p0 =	sne.s32 s16, $0x7F;
	v42 =	vadd.s32 v45, v42;
	s17 =	smov.u32 s16;
	s16 =	sadd.s32 $0x1, s16  }
.Ltmp61:
0x897: {  	v10 =	vshll.u32 v47, $0x9;
	v45 =	vshll.u32 v47, $0x7;
	s17 =	sadd.s32 s17, s5;
	v47 =	vld.idx.msk [tilespmem:v48+s11+$0x0], $0xffff;
	(pc) =	sbr.rel @p0 .LBB2_124-.Ltmp61, $4  }
0x898: {  	v10 =	vand.u32 $0xFFFFF000, v10;
	v45 =	vand.u32 $0x380, v45;
	v48 =	vmov s17  }
0x899: {  	v10 =	vor.u32 v45, v10;
	v45 =	vand.u32 v44, v43;
	v49 =	vmov v43;
	v43 =	vld.idx.msk [tilespmem:v46+s2+$0x0], $0xffff  }
0x89a: {  	v46 =	vor.u32 v33, v10;
	vm0 =	veq.s32 v45, $0x0;
	v10 =	vor.u32 v44, v49  }
0x89b: {  	v44 =	vsel vm0, v10, v45;
	v45 =	vsel vm0, $0x1, v0  }
0x89c: {  	_ =	sdelay $0x1  }
0x89d: {  	s16 =	sadd.s32 $0x1, s5  }
0x89e: {  	v10 =	vmov s16  }
0x89f: {  	v48 =	vld.idx.msk [tilespmem:v48+s11+$0x0], $0xffff  }
0x8a0: {  	v49 =	vshll.u32 v47, $0x9;
	v47 =	vshll.u32 v47, $0x7  }
0x8a1: {  	s28 =	sadd.s32 $0x2, s5;
	v49 =	vand.u32 $0xFFFFF000, v49;
	v47 =	vand.u32 $0x380, v47  }
0x8a2: {  	v50 =	vmov s28;
	v47 =	vor.u32 v47, v49  }
0x8a3: {  	v47 =	vor.u32 v33, v47;
	v10 =	vld.idx.msk [tilespmem:v10+s11+$0x0], $0xffff  }
0x8a4: {  	v49 =	vshll.u32 v48, $0x9;
	v48 =	vshll.u32 v48, $0x7  }
0x8a5: {  	v49 =	vand.u32 $0xFFFFF000, v49;
	v48 =	vand.u32 $0x380, v48  }
0x8a6: {  	v46 =	vld.idx.msk [tilespmem:v46+s2+$0x0], $0xffff;
	v48 =	vor.u32 v48, v49;
	v49 =	vand.u32 v44, v43  }
0x8a7: {  	v51 =	vor.u32 v44, v43;
	v50 =	vld.idx.msk [tilespmem:v50+s11+$0x0], $0xffff;
	vm0 =	veq.s32 v49, $0x0  }
0x8a8: {  	s29 =	sadd.s32 $0x3, s5;
	v33 =	vor.u32 v33, v48;
	v44 =	vld.idx.msk [tilespmem:v47+s2+$0x0], $0xffff;
	v47 =	vshll.u32 v10, $0x9;
	v10 =	vshll.u32 v10, $0x7  }
0x8a9: {  	v48 =	vmov s29;
	v47 =	vand.u32 $0xFFFFF000, v47;
	v10 =	vand.u32 $0x380, v10  }
0x8aa: {  	v43 =	vsel vm0, v51, v49;
	v10 =	vor.u32 v10, v47;
	v47 =	vor.u32 v34, v35  }
0x8ab: {  	v42 =	vadd.s32 v45, v42;
	v51 =	vsel vm0, $0x1, v0;
	v49 =	vand.u32 v43, v46  }
0x8ac: {  	v43 =	vor.u32 v43, v46;
	vm1 =	veq.s32 v49, $0x0;
	v10 =	vor.u32 v34, v10  }
0x8ad: {  	v42 =	vadd.s32 v51, v42;
	v46 =	vshll.u32 v50, $0x9;
	v43 =	vsel vm1, v43, v49;
	v33 =	vld.idx.msk [tilespmem:v33+s2+$0x0], $0xffff  }
0x8ae: {  	s30 =	sadd.s32 $0x4, s5;
	v49 =	vsel vm1, $0x1, v0;
	v51 =	vand.u32 v43, v44;
	v43 =	vor.u32 v43, v44;
	v44 =	vld.idx.msk [tilespmem:v48+s11+$0x0], $0xffff  }
0x8af: {  	v42 =	vadd.s32 v49, v42;
	v49 =	vmov s30;
	v45 =	vld.idx.msk [tilespmem:v47+s2+$0x0], $0xffff;
	v47 =	vshll.u32 v50, $0x7  }
0x8b0: {  	v46 =	vand.u32 $0xFFFFF000, v46;
	v47 =	vand.u32 $0x380, v47  }
0x8b1: {  	vm13 =	veq.s32 v51, $0x0;
	v10 =	vld.idx.msk [tilespmem:v10+s2+$0x0], $0xffff;
	v47 =	vor.u32 v47, v46  }
0x8b2: {  	v43 =	vsel vm13, v43, v51;
	v48 =	vsel vm13, $0x1, v0;
	v46 =	vor.u32 v34, v47  }
0x8b3: {  	s31 =	sadd.s32 $0x5, s5;
	v42 =	vadd.s32 v48, v42;
	v33 =	vand.u32 v43, v33;
	v50 =	vshll.u32 v44, $0x9  }
0x8b4: {  	v44 =	vshll.u32 v44, $0x7;
	v43 =	vimm.s32 $0x0;
	v48 =	vld.idx.msk [tilespmem:v49+s11+$0x0], $0xffff;
	v49 =	vmov s31  }
0x8b5: {  	vm14 =	veq.s32 v33, $0x0;
	v51 =	vand.u32 $0xFFFFF000, v50;
	v44 =	vand.u32 $0x380, v44  }
0x8b6: {  	v33 =	vsel vm14, $0x1, v0;
	v47 =	vor.u32 v44, v51;
	v50 =	vand.u32 v45, v10  }
0x8b7: {  	v47 =	vor.u32 v34, v47;
	v10 =	vor.u32 v45, v10;
	vm15 =	veq.s32 v50, $0x0;
	v44 =	vld.idx.msk [tilespmem:v46+s2+$0x0], $0xffff  }
0x8b8: {  	s16 =	simm.s32 $0x6;
	v33 =	vadd.s32 v33, v42;
	v42 =	vld [tilespmem:$0x109D0];
	v45 =	vsel vm15, v10, v50;
	v46 =	vsel vm15, $0x1, v0  }
.LBB2_126:
0x8b9: {  	p0 =	sne.s32 s16, $0x7F;
	v43 =	vadd.s32 v46, v43;
	s17 =	smov.u32 s16;
	s16 =	sadd.s32 $0x1, s16  }
.Ltmp62:
0x8ba: {  	v10 =	vshll.u32 v48, $0x9;
	v46 =	vshll.u32 v48, $0x7;
	s17 =	sadd.s32 s17, s5;
	v48 =	vld.idx.msk [tilespmem:v49+s11+$0x0], $0xffff;
	(pc) =	sbr.rel @p0 .LBB2_126-.Ltmp62, $4  }
0x8bb: {  	v10 =	vand.u32 $0xFFFFF000, v10;
	v46 =	vand.u32 $0x380, v46;
	v49 =	vmov s17  }
0x8bc: {  	v10 =	vor.u32 v46, v10;
	v46 =	vand.u32 v45, v44;
	v50 =	vmov v44;
	v44 =	vld.idx.msk [tilespmem:v47+s2+$0x0], $0xffff  }
0x8bd: {  	v47 =	vor.u32 v34, v10;
	vm0 =	veq.s32 v46, $0x0;
	v10 =	vor.u32 v45, v50  }
0x8be: {  	v45 =	vsel vm0, v10, v46;
	v46 =	vsel vm0, $0x1, v0  }
0x8bf: {  	_ =	sdelay $0x2  }
0x8c0: {  	s16 =	sadd.s32 $0x1, s5  }
0x8c1: {  	v49 =	vld.idx.msk [tilespmem:v49+s11+$0x0], $0xffff;
	v10 =	vmov s16;
	_ =	sdelay $0x1  }
0x8c2: {  	v50 =	vshll.u32 v48, $0x9;
	v48 =	vshll.u32 v48, $0x7  }
0x8c3: {  	v50 =	vand.u32 $0xFFFFF000, v50;
	v48 =	vand.u32 $0x380, v48  }
0x8c4: {  	v48 =	vor.u32 v48, v50  }
0x8c5: {  	s28 =	sadd.s32 $0x2, s5;
	v48 =	vor.u32 v34, v48;
	v50 =	vshll.u32 v49, $0x9;
	v49 =	vshll.u32 v49, $0x7;
	v10 =	vld.idx.msk [tilespmem:v10+s11+$0x0], $0xffff  }
0x8c6: {  	v12 =	vmov s28;
	v50 =	vand.u32 $0xFFFFF000, v50;
	v49 =	vand.u32 $0x380, v49  }
0x8c7: {  	v47 =	vld.idx.msk [tilespmem:v47+s2+$0x0], $0xffff;
	v49 =	vor.u32 v49, v50  }
0x8c8: {  	v34 =	vor.u32 v34, v49  }
0x8c9: {  	v35 =	vor.u32 v11, v35;
	v51 =	vor.u32 v45, v44;
	v50 =	vand.u32 v45, v44  }
0x8ca: {  	vm0 =	veq.s32 v50, $0x0;
	v45 =	vld.idx.msk [tilespmem:v48+s2+$0x0], $0xffff;
	v48 =	vshll.u32 v10, $0x9;
	v10 =	vshll.u32 v10, $0x7  }
0x8cb: {  	s29 =	sadd.s32 $0x3, s5;
	v12 =	vld.idx.msk [tilespmem:v12+s11+$0x0], $0xffff;
	v44 =	vsel vm0, v51, v50;
	v48 =	vand.u32 $0xFFFFF000, v48;
	v10 =	vand.u32 $0x380, v10  }
0x8cc: {  	v49 =	vmov s29;
	v10 =	vor.u32 v10, v48;
	v48 =	vand.u32 v44, v47  }
0x8cd: {  	v43 =	vadd.s32 v46, v43;
	v44 =	vor.u32 v44, v47;
	v34 =	vld.idx.msk [tilespmem:v34+s2+$0x0], $0xffff;
	vm1 =	veq.s32 v48, $0x0  }
0x8ce: {  	v51 =	vsel vm0, $0x1, v0;
	v10 =	vor.u32 v11, v10;
	v44 =	vsel vm1, v44, v48  }
0x8cf: {  	v43 =	vadd.s32 v51, v43;
	v51 =	vand.u32 v44, v45  }
0x8d0: {  	v46 =	vld.idx.msk [tilespmem:v35+s2+$0x0], $0xffff;
	v48 =	vshll.u32 v12, $0x9;
	v44 =	vor.u32 v44, v45;
	vm13 =	veq.s32 v51, $0x0  }
0x8d1: {  	s30 =	sadd.s32 $0x4, s5;
	v12 =	vshll.u32 v12, $0x7;
	v45 =	vld.idx.msk [tilespmem:v49+s11+$0x0], $0xffff;
	v35 =	vand.u32 $0xFFFFF000, v48;
	v44 =	vsel vm13, v44, v51  }
0x8d2: {  	v12 =	vand.u32 $0x380, v12;
	v34 =	vand.u32 v44, v34;
	v44 =	vmov s30  }
0x8d3: {  	v50 =	vsel vm1, $0x1, v0;
	v12 =	vor.u32 v12, v35;
	v10 =	vld.idx.msk [tilespmem:v10+s2+$0x0], $0xffff  }
0x8d4: {  	v43 =	vadd.s32 v50, v43;
	v49 =	vsel vm13, $0x1, v0;
	v12 =	vor.u32 v11, v12  }
0x8d5: {  	v47 =	vimm.s32 $0x0;
	v50 =	vadd.s32 v49, v43  }
0x8d6: {  	s31 =	sadd.s32 $0x5, s5;
	vm14 =	veq.s32 v34, $0x0;
	v51 =	vshll.u32 v45, $0x9;
	v45 =	vshll.u32 v45, $0x7  }
0x8d7: {  	v43 =	vand.u32 $0xFFFFF000, v51;
	v45 =	vand.u32 $0x380, v45;
	v48 =	vld.idx.msk [tilespmem:v44+s11+$0x0], $0xffff;
	v44 =	vmov s31  }
0x8d8: {  	v34 =	vsel vm14, $0x1, v0;
	v43 =	vor.u32 v45, v43;
	v49 =	vand.u32 v46, v10  }
0x8d9: {  	v45 =	vld.idx.msk [tilespmem:v12+s2+$0x0], $0xffff;
	v10 =	vor.u32 v46, v10;
	v43 =	vor.u32 v11, v43;
	vm15 =	veq.s32 v49, $0x0  }
0x8da: {  	s16 =	simm.s32 $0x6;
	v35 =	vld [tilespmem:$0x109E0];
	v34 =	vadd.s32 v34, v50;
	v46 =	vsel vm15, v10, v49;
	v49 =	vsel vm15, $0x1, v0  }
.LBB2_128:
0x8db: {  	p0 =	sne.s32 s16, $0x7F;
	v47 =	vadd.s32 v49, v47;
	s17 =	smov.u32 s16;
	s16 =	sadd.s32 $0x1, s16  }
.Ltmp63:
0x8dc: {  	v10 =	vshll.u32 v48, $0x9;
	v12 =	vshll.u32 v48, $0x7;
	s17 =	sadd.s32 s17, s5;
	v48 =	vld.idx.msk [tilespmem:v44+s11+$0x0], $0xffff;
	(pc) =	sbr.rel @p0 .LBB2_128-.Ltmp63, $4  }
0x8dd: {  	v10 =	vand.u32 $0xFFFFF000, v10;
	v12 =	vand.u32 $0x380, v12;
	v44 =	vmov s17  }
0x8de: {  	v10 =	vor.u32 v12, v10;
	v12 =	vand.u32 v46, v45;
	v49 =	vmov v45;
	v45 =	vld.idx.msk [tilespmem:v43+s2+$0x0], $0xffff  }
0x8df: {  	v43 =	vor.u32 v11, v10;
	vm0 =	veq.s32 v12, $0x0;
	v10 =	vor.u32 v46, v49  }
0x8e0: {  	v46 =	vsel vm0, v10, v12;
	v49 =	vsel vm0, $0x1, v0  }
0x8e1: {  	v10 =	vld [tilespmem:$0x1FD30]  }
0x8e2: {  	v12 =	vld [tilespmem:$0x1FD40];
	_ =	sdelay $0x3  }
0x8e3: {  	v50 =	vld [tilespmem:$0x1FD20]  }
0x8e4: {  	v10 =	vmul.u32 v10, v12;
	v12 =	vld [tilespmem:$0x1FD10];
	_ =	sdelay $0x3  }
0x8e5: {  	v51 =	vld [tilespmem:$0x1FD00]  }
0x8e6: {  	v12 =	vmul.u32 v12, v50;
	v50 =	vld [tilespmem:$0x1FCF0];
	_ =	sdelay $0x3  }
0x8e7: {  	v10 =	vadd.s32 v10, v12;
	v12 =	vld [tilespmem:$0x1FCD0]  }
0x8e8: {  	v50 =	vmul.u32 v50, v51;
	v51 =	vld [tilespmem:$0x1FCE0];
	_ =	sdelay $0x4  }
0x8e9: {  	v10 =	vadd.s32 v50, v10;
	v50 =	vld [tilespmem:$0x1FCB0];
	v12 =	vmul.u32 v12, v51  }
0x8ea: {  	v51 =	vld [tilespmem:$0x1FCC0]  }
0x8eb: {  	v10 =	vadd.s32 v12, v10;
	v12 =	vadd.s32 v49, v47;
	v47 =	vld [tilespmem:$0x1FC90]  }
0x8ec: {  	v49 =	vld [tilespmem:$0x1FCA0];
	_ =	sdelay $0x3  }
0x8ed: {  	v50 =	vmul.u32 v50, v51  }
0x8ee: {  	v51 =	vld [tilespmem:$0x1FC80];
	v47 =	vmul.u32 v47, v49  }
0x8ef: {  	v10 =	vadd.s32 v50, v10;
	v49 =	vshll.u32 v48, $0x9;
	v48 =	vshll.u32 v48, $0x7;
	v50 =	vld [tilespmem:$0x1FC70]  }
0x8f0: {  	v49 =	vand.u32 $0xFFFFF000, v49;
	v48 =	vand.u32 $0x380, v48;
	v10 =	vadd.s32 v47, v10;
	v47 =	vld [tilespmem:$0x1FC50]  }
0x8f1: {  	v48 =	vor.u32 v48, v49;
	v49 =	vld [tilespmem:$0x1FC60];
	_ =	sdelay $0x3  }
0x8f2: {  	v44 =	vld.idx.msk [tilespmem:v44+s11+$0x0], $0xffff;
	v50 =	vmul.u32 v50, v51  }
0x8f3: {  	v47 =	vmul.u32 v47, v49;
	v49 =	vld [tilespmem:$0x1FC30]  }
0x8f4: {  	v10 =	vadd.s32 v50, v10;
	v50 =	vld [tilespmem:$0x1FC40];
	_ =	sdelay $0x2  }
0x8f5: {  	v13 =	vmul.u32 v13, v52;
	v14 =	vmul.u32 v14, v53  }
0x8f6: {  	v15 =	vmul.u32 v15, v54;
	v16 =	vmul.u32 v16, v55;
	v55 =	vmul.u32 v17, v56  }
0x8f7: {  	v54 =	vshll.u32 v44, $0x9;
	v44 =	vshll.u32 v44, $0x7;
	v49 =	vmul.u32 v49, v50  }
0x8f8: {  	v52 =	vld.idx.msk [tilespmem:v43+s2+$0x0], $0xffff;
	v43 =	vand.u32 $0xFFFFF000, v54;
	v44 =	vand.u32 $0x380, v44;
	v10 =	vadd.s32 v47, v10  }
0x8f9: {  	v1 =	vmul.u32 v1, v2;
	v43 =	vor.u32 v44, v43;
	v10 =	vadd.s32 v49, v10  }
0x8fa: {  	v53 =	vor.u32 v11, v48;
	v50 =	vand.u32 v46, v45;
	v10 =	vadd.s32 v13, v10  }
0x8fb: {  	v51 =	vor.u32 v46, v45;
	vm0 =	veq.s32 v50, $0x0;
	v10 =	vadd.s32 v14, v10  }
0x8fc: {  	v45 =	vsel vm0, v51, v50;
	v51 =	vsel vm0, $0x1, v0;
	v10 =	vadd.s32 v15, v10  }
0x8fd: {  	v11 =	vor.u32 v11, v43;
	v12 =	vadd.s32 v51, v12;
	v10 =	vadd.s32 v16, v10  }
0x8fe: {  	v56 =	vand.u32 v45, v52;
	v2 =	vadd.s32 v55, v10;
	v10 =	vmul.u32 v18, v19  }
0x8ff: {  	v13 =	vor.u32 v45, v52;
	v14 =	vld.idx.msk [tilespmem:v53+s2+$0x0], $0xffff;
	v1 =	vadd.s32 v1, v2;
	v2 =	vmul.u32 v20, v57  }
0x900: {  	vm13 =	veq.s32 v56, $0x0;
	v1 =	vadd.s32 v10, v1;
	v10 =	vmul.u32 v21, v58  }
0x901: {  	v13 =	vsel vm13, v13, v56;
	v1 =	vadd.s32 v2, v1;
	v2 =	vmul.u32 v22, v59  }
0x902: {  	v1 =	vadd.s32 v10, v1;
	v10 =	vmul.u32 v23, v60;
	v60 =	vsel vm13, $0x1, v0  }
0x903: {  	v12 =	vadd.s32 v60, v12;
	v1 =	vadd.s32 v2, v1;
	v2 =	vmul.u32 v24, v61  }
0x904: {  	v61 =	vand.u32 v13, v14;
	v1 =	vadd.s32 v10, v1;
	v10 =	vmul.u32 v25, v62  }
0x905: {  	v11 =	vld.idx.msk [tilespmem:v11+s2+$0x0], $0xffff;
	v13 =	vor.u32 v13, v14;
	v1 =	vadd.s32 v2, v1;
	v2 =	vmul.u32 v26, v63  }
0x906: {  	vm14 =	veq.s32 v61, $0x0;
	v1 =	vadd.s32 v10, v1;
	v10 =	vmul.u32 v27, v36  }
0x907: {  	v13 =	vsel vm14, v13, v61;
	v1 =	vadd.s32 v2, v1;
	v2 =	vmul.u32 v28, v37  }
0x908: {  	v62 =	vsel vm14, $0x1, v0;
	v1 =	vadd.s32 v10, v1;
	v10 =	vmul.u32 v29, v38  }
0x909: {  	v63 =	vld [tilespmem:$0x109F0];
	v12 =	vadd.s32 v62, v12;
	v1 =	vadd.s32 v2, v1;
	v2 =	vmul.u32 v30, v39  }
0x90a: {  	v11 =	vand.u32 v13, v11;
	v1 =	vadd.s32 v10, v1;
	v10 =	vmul.u32 v31, v40  }
0x90b: {  	vm15 =	veq.s32 v11, $0x0;
	v1 =	vadd.s32 v2, v1;
	v2 =	vmul.u32 v32, v41  }
0x90c: {  	v11 =	vsel vm15, $0x1, v0;
	v1 =	vadd.s32 v10, v1;
	v10 =	vmul.u32 v33, v42  }
0x90d: {  	v11 =	vadd.s32 v11, v12;
	v1 =	vadd.s32 v2, v1;
	v2 =	vmul.u32 v34, v35  }
0x90e: {  	v1 =	vadd.s32 v10, v1;
	v10 =	vmul.u32 v11, v63  }
0x90f: {  	s15 =	sadd.s32 $0x1, s15;
	v1 =	vadd.s32 v2, v1  }
0x910: {  	p0 =	sne.s32 s15, s10;
	v1 =	vadd.s32 v10, v1  }
.Ltmp64:
0x911: {  	[tilespmem:$0x10A00] =	vst v1;
	(pc) =	sbr.rel @p0 .LBB2_1-.Ltmp64, $4  }
0x912: {  	[hbm4b:s9+s2] =	stream.linear.scatter [tilespmem:s13], [sflag:$0x1], $0x80, $0x38;
	[tilespmem:$0x10A80] =	vst v63  }
0x913: {  	_ =	swait.ge [sflag:s14], $0x80  }
0x914: {  	[sflag:s14] =	ssyncset.done $0x0  }
0x915: {  	[sflag:s14] =	ssyncadd.s32 $0xFFFFFF80  }
0x916: {  	_ =	sfence.sel $0x180000  }
0x917: {  	[bflag:$0x0] =	sbarrier.arrive $0xFFFF  }
0x918: {  	p0 =	sne.s32 s0, $0x0;
	_ =	strace $0x90000047  }
0x919: {  	s0 =	sadd.s32 @!p0 $0x100000, s1;
	[bflag:$0x2] =	sbarrier.arrive $0xFFFF  }
0x91a: {  	[sflag:s0] =	ssyncadd.tile.s32 @!p0 $0x1;
	_ =	shalt  }
.Lfunc_end2:
_tile_overlayer_lowered:
.L_overlay_start_2:
0x91b: {  	(tag) =	ssettag $0x2  }
0x91c: {  	s0 =	rddreg [dreg:$0x0];
	s2 =	stileid.u32  }
0x91d: {  	s1 =	rddreg [dreg:$0x1];
	p0 =	sne.s32 s2, $0x0  }
0x91e: {  	s3 =	rddreg [dreg:$0x2];
	[bflag:$0x3] =	sbarrier.arrive $0xFFFF;
	s2 =	simm.s32 @!p0 $0x1C01  }
0x91f: {  	[timem:s3], [sflag:s2] =	dma.local @!p0 [hbm:s0], s1  }
0x920: {  	s0 =	simm.s32 @!p0 $0x1  }
0x921: {  	_ =	swait.ge @!p0 [sflag:s0], s1  }
0x922: {  	s1 =	ssub.s32 @!p0 $0x0, s1;
	[sflag:s0] =	ssyncset.done @!p0 $0x0  }
0x923: {  	[sflag:s0] =	ssyncadd.s32 @!p0 s1  }
0x924: {  	[bflag:$0x3] =	sbarrier.arrive $0xFFFF  }
0x925: {  	_ =	shalt  }

</sc_bundles>
